<compile_context>
chip_gen: v7x
topology: tpu7x:2x2x1
jax: 0.10.2.dev20260603
libtpu: 0.0.44.dev20260713+nightly
codegen_flags: <defaults>
</compile_context>

<pallas_src>
import functools

import jax
import jax.numpy as jnp
from jax import lax
from jax.experimental import pallas as pl
from jax.experimental.pallas import tpu as pltpu
from jax.experimental.pallas import tpu_sc as plsc

N, E, H = 10000, 320000, 128
NC, NS = 2, 16
CH = 80
EPW = E // (NC * NS)
CPW = EPW // CH
NPT = 624
NREM = N - NS * NPT
CPS_LIST = (25, 25, 25, 25, 25)
K = len(CPS_LIST)
HP = H // 2

_MESH = plsc.VectorSubcoreMesh(core_axis_name="c", subcore_axis_name="s")


@functools.partial(
    pl.kernel,
    mesh=_MESH,
    out_type=jax.ShapeDtypeStruct((NC, N, H), jnp.float32),
    scratch_types=[
        pltpu.VMEM((CPW, CH), jnp.int32),
        pltpu.VMEM((CH, H), jnp.float32),
        pltpu.VMEM((CH, H), jnp.float32),
        pltpu.VMEM_SHARED((N, H), jnp.float32),
        pltpu.SemaphoreType.DMA,
        pltpu.SemaphoreType.DMA,
    ],
)
def _seg_sum_sc(e_hbm, end_hbm, zeros_hbm, out_hbm, idx_v, rows0_v, rows1_v,
                acc_sh, sem0, sem1):
    c = lax.axis_index("c")
    s = lax.axis_index("s")
    pltpu.sync_copy(zeros_hbm.at[pl.ds(s * NPT, NPT)],
                    acc_sh.at[pl.ds(s * NPT, NPT)])

    @pl.when(s == NS - 1)
    def _zero_tail():
        pltpu.sync_copy(zeros_hbm.at[pl.ds(NS * NPT, NREM)],
                        acc_sh.at[pl.ds(NS * NPT, NREM)])

    pltpu.sync_copy(end_hbm.at[c, s], idx_v)
    plsc.subcore_barrier()
    wbase = (c * NS + s) * EPW

    def _start_in(i, rows, sem):
        pltpu.async_copy(e_hbm.at[pl.ds(wbase + i * CH, CH)], rows, sem)

    def _finish(i, rows, sem):
        pltpu.make_async_copy(e_hbm.at[pl.ds(wbase + i * CH, CH)],
                              rows, sem).wait()
        pltpu.sync_copy(rows, acc_sh.at[idx_v.at[i]], add=True)

    _start_in(0, rows0_v, sem0)

    def body(i, carry):
        b = lax.rem(i, 2)

        @pl.when(i + 1 < CPW)
        def _prefetch():
            @pl.when(b == 0)
            def _():
                _start_in(i + 1, rows1_v, sem1)

            @pl.when(b == 1)
            def _():
                _start_in(i + 1, rows0_v, sem0)

        @pl.when(b == 0)
        def _():
            _finish(i, rows0_v, sem0)

        @pl.when(b == 1)
        def _():
            _finish(i, rows1_v, sem1)

        return carry

    lax.fori_loop(0, CPW, body, 0)
    plsc.subcore_barrier()
    pltpu.sync_copy(acc_sh.at[pl.ds(s * NPT, NPT)],
                    out_hbm.at[c, pl.ds(s * NPT, NPT)])

    @pl.when(s == NS - 1)
    def _write_tail():
        pltpu.sync_copy(acc_sh.at[pl.ds(NS * NPT, NREM)],
                        out_hbm.at[c, pl.ds(NS * NPT, NREM)])


@functools.lru_cache(maxsize=None)
def _make_gather_sc(cps):
    cpt = cps * NC
    slc = cpt * CH * NS
    ept = cpt * CH

    @functools.partial(
        pl.kernel,
        mesh=_MESH,
        out_type=(jax.ShapeDtypeStruct((slc, HP), jnp.uint32),
                  jax.ShapeDtypeStruct((slc, HP), jnp.uint32)),
        scratch_types=[
            pltpu.VMEM((cpt, CH), jnp.int32),
            pltpu.VMEM((CH, HP), jnp.uint32),
            pltpu.VMEM((CH, HP), jnp.uint32),
            pltpu.VMEM_SHARED((N, HP), jnp.uint32),
            pltpu.SemaphoreType.DMA,
            pltpu.SemaphoreType.DMA,
        ],
    )
    def _gather_sc(ga_hbm, gb_hbm, start_hbm, end_hbm, outa_hbm, outb_hbm,
                   idx_v, buf0_v, buf1_v, tbl_sh, s0, s1):
        c = lax.axis_index("c")
        s = lax.axis_index("s")
        @pl.when(c == 0)
        def _stage_a():
            pltpu.sync_copy(ga_hbm.at[pl.ds(s * NPT, NPT)],
                            tbl_sh.at[pl.ds(s * NPT, NPT)])

            @pl.when(s == NS - 1)
            def _tail():
                pltpu.sync_copy(ga_hbm.at[pl.ds(NS * NPT, NREM)],
                                tbl_sh.at[pl.ds(NS * NPT, NREM)])

            pltpu.sync_copy(start_hbm.at[s], idx_v)

        @pl.when(c == 1)
        def _stage_b():
            pltpu.sync_copy(gb_hbm.at[pl.ds(s * NPT, NPT)],
                            tbl_sh.at[pl.ds(s * NPT, NPT)])

            @pl.when(s == NS - 1)
            def _tail():
                pltpu.sync_copy(gb_hbm.at[pl.ds(NS * NPT, NREM)],
                                tbl_sh.at[pl.ds(NS * NPT, NREM)])

            pltpu.sync_copy(end_hbm.at[s], idx_v)

        plsc.subcore_barrier()
        wbase = s * ept

        def _start_in(i, buf, sem):
            pltpu.async_copy(tbl_sh.at[idx_v.at[i]], buf, sem)

        def _finish(i, buf, sem):
            pltpu.make_async_copy(tbl_sh.at[idx_v.at[i]], buf, sem).wait()
            base = wbase + i * CH

            @pl.when(c == 0)
            def _():
                pltpu.sync_copy(buf, outa_hbm.at[pl.ds(base, CH)])

            @pl.when(c == 1)
            def _():
                pltpu.sync_copy(buf, outb_hbm.at[pl.ds(base, CH)])

        _start_in(0, buf0_v, s0)

        def body(i, carry):
            b = lax.rem(i, 2)

            @pl.when(i + 1 < cpt)
            def _prefetch():
                @pl.when(b == 0)
                def _():
                    _start_in(i + 1, buf1_v, s1)

                @pl.when(b == 1)
                def _():
                    _start_in(i + 1, buf0_v, s0)

            @pl.when(b == 0)
            def _():
                _finish(i, buf0_v, s0)

            @pl.when(b == 1)
            def _():
                _finish(i, buf1_v, s1)

            return carry

        lax.fori_loop(0, cpt, body, 0)

    return _gather_sc


def _pack_bf16(v):
    u = lax.bitcast_convert_type(v, jnp.uint32)
    r = (u + jnp.uint32(0x7FFF) + ((u >> 16) & jnp.uint32(1))) >> 16
    return r[:, :HP] | (r[:, HP:] << 16)


def _node_body(x_ref, m_ref, w1a_ref, w1b_ref, b1_ref, w2_ref, b2_ref,
               wa_ref, wb_ref, be_ref, xout_ref, ga_ref, gb_ref):
    xb = x_ref[...]
    m = m_ref[0] + m_ref[1]
    h = jnp.maximum(
        jnp.dot(xb, w1a_ref[...], preferred_element_type=jnp.float32)
        + jnp.dot(m, w1b_ref[...], preferred_element_type=jnp.float32)
        + b1_ref[...], 0.0)
    xo = jnp.dot(h, w2_ref[...], preferred_element_type=jnp.float32) \
        + b2_ref[...] + xb
    xout_ref[...] = xo
    ga_ref[...] = _pack_bf16(
        jnp.dot(xo, wa_ref[...], preferred_element_type=jnp.float32)
        + be_ref[...])
    gb_ref[...] = _pack_bf16(
        jnp.dot(xo, wb_ref[...], preferred_element_type=jnp.float32))


def _node_tc(x, msgs, w1a, w1b, b1n, w2n, b2n, wea, web, b1e):
    BN = 1000
    grid = (N // BN,)
    row_spec = pl.BlockSpec((BN, H), lambda i: (i, 0))
    w_spec = pl.BlockSpec((H, H), lambda i: (0, 0))
    b_spec = pl.BlockSpec((1, H), lambda i: (0, 0))
    return pl.pallas_call(
        _node_body,
        grid=grid,
        in_specs=[
            row_spec,
            pl.BlockSpec((NC, BN, H), lambda i: (0, i, 0)),
            w_spec, w_spec, b_spec, w_spec, b_spec, w_spec, w_spec, b_spec,
        ],
        out_specs=[row_spec,
                   pl.BlockSpec((BN, HP), lambda i: (i, 0)),
                   pl.BlockSpec((BN, HP), lambda i: (i, 0))],
        out_shape=[jax.ShapeDtypeStruct((N, H), jnp.float32),
                   jax.ShapeDtypeStruct((N, HP), jnp.uint32),
                   jax.ShapeDtypeStruct((N, HP), jnp.uint32)],
    )(x, msgs, w1a, w1b, b1n, w2n, b2n, wea, web, b1e)


def _unpack_bf16(p):
    lo = lax.bitcast_convert_type(p << 16, jnp.float32)
    hi = lax.bitcast_convert_type(p & jnp.uint32(0xFFFF0000), jnp.float32)
    return jnp.concatenate([lo, hi], axis=1)


def _edge_body(ga_ref, gb_ref, e_ref, wc_ref, w2_ref, b2_ref, out_ref):
    eb = e_ref[...]
    g = _unpack_bf16(ga_ref[...]) + _unpack_bf16(gb_ref[...])
    h = jnp.maximum(
        g + jnp.dot(eb, wc_ref[...], preferred_element_type=jnp.float32), 0.0)
    out_ref[...] = jnp.dot(h, w2_ref[...],
                           preferred_element_type=jnp.float32) \
        + b2_ref[...] + eb


def _edge_body_acc(ga_ref, gb_ref, e_ref, wc_ref, w2_ref, b2_ref,
                   prev_ref, out_ref):
    del prev_ref
    _edge_body(ga_ref, gb_ref, e_ref, wc_ref, w2_ref, b2_ref, out_ref)


_BE = 2000


def _edge_tc(row0, ga_k, gb_k, e, wec, w2e, b2e, prev):
    blk0 = row0 // _BE
    nblk = ga_k.shape[0] // _BE
    loc_spec = pl.BlockSpec((_BE, HP), lambda i: (i, 0))
    shift_spec = pl.BlockSpec((_BE, H), lambda i: (i + blk0, 0))
    w_spec = pl.BlockSpec((H, H), lambda i: (0, 0))
    b_spec = pl.BlockSpec((1, H), lambda i: (0, 0))
    body = _edge_body if prev is None else _edge_body_acc
    in_specs = [loc_spec, loc_spec, shift_spec, w_spec, w_spec, b_spec]
    args = [ga_k, gb_k, e, wec, w2e, b2e]
    aliases = {}
    if prev is not None:
        in_specs.append(pl.BlockSpec(memory_space=pl.ANY))
        args.append(prev)
        aliases = {6: 0}
    return pl.pallas_call(
        body,
        grid=(nblk,),
        in_specs=in_specs,
        out_specs=shift_spec,
        out_shape=jax.ShapeDtypeStruct((E, H), jnp.float32),
        input_output_aliases=aliases,
    )(*args)


def kernel(x, edge_index, e, W1n, b1n, W2n, b2n, W1e, b1e, W2e, b2e):
    end = edge_index[1].reshape(NC, NS, CPW, CH)
    zeros = jnp.zeros((N, H), jnp.float32)

    msgs = _seg_sum_sc(e, end, zeros)

    x_out, ga_nodes, gb_nodes = _node_tc(
        x, msgs,
        W1n[:H], W1n[H:], b1n.reshape(1, H), W2n, b2n.reshape(1, H),
        W1e[:H], W1e[H:2 * H], b1e.reshape(1, H))

    wec = W1e[2 * H:]
    b2e_r = b2e.reshape(1, H)
    gpairs, row0s = [], []
    row0 = 0
    for cps in CPS_LIST:
        cpt = cps * NC
        slc = cpt * CH * NS
        s_idx = lax.slice_in_dim(edge_index[0], row0, row0 + slc) \
            .reshape(NS, cpt, CH)
        e_idx = lax.slice_in_dim(edge_index[1], row0, row0 + slc) \
            .reshape(NS, cpt, CH)
        gpairs.append(_make_gather_sc(cps)(ga_nodes, gb_nodes, s_idx, e_idx))
        row0s.append(row0)
        row0 += slc
    e_out = None
    for k in range(K):
        ga_k, gb_k = gpairs[k]
        e_out = _edge_tc(row0s[k], ga_k, gb_k, e, wec, W2e, b2e_r, e_out)
    return (x_out, e_out)

# --- scband reference (transcript-rebuilt; emitter-appended) ---
"""Pipeline reference for scband-homo-conv-19490561589642 (READ-ONLY COPY).

The authoritative reference and input builder live on the scoring server;
editing this copy changes nothing except your own understanding.
"""

import jax, jax.numpy as jnp
import numpy as np

N, E, H = 10000, 320000, 128


def setup_inputs(seed: int = 0) -> dict:
    key = jax.random.key(seed)
    ks = jax.random.split(key, 12)
    x = jax.random.normal(ks[0], (N, H), dtype=jnp.float32)
    edge_index = jax.random.randint(ks[1], (2, E), 0, N, dtype=jnp.int32)
    e = jax.random.normal(ks[2], (E, H), dtype=jnp.float32)
    # node_network: MLP(2H -> H -> H), hidden ReLU, no output activation, no norms
    W1n = jax.random.normal(ks[3], (2 * H, H), dtype=jnp.float32) / np.sqrt(2 * H)
    b1n = jnp.zeros((H,), dtype=jnp.float32)
    W2n = jax.random.normal(ks[4], (H, H), dtype=jnp.float32) / np.sqrt(H)
    b2n = jnp.zeros((H,), dtype=jnp.float32)
    # edge_network: MLP(3H -> H -> H)
    W1e = jax.random.normal(ks[5], (3 * H, H), dtype=jnp.float32) / np.sqrt(3 * H)
    b1e = jnp.zeros((H,), dtype=jnp.float32)
    W2e = jax.random.normal(ks[6], (H, H), dtype=jnp.float32) / np.sqrt(H)
    b2e = jnp.zeros((H,), dtype=jnp.float32)
    return {"x": x, "edge_index": edge_index, "e": e,
            "W1n": W1n, "b1n": b1n, "W2n": W2n, "b2n": b2n,
            "W1e": W1e, "b1e": b1e, "W2e": W2e, "b2e": b2e}


def reference(x, edge_index, e, W1n, b1n, W2n, b2n, W1e, b1e, W2e, b2e):
    start = edge_index[0]
    end = edge_index[1]
    # aggregation = 'sum' -> scatter_add of edge feats onto destination nodes
    edge_messages = jax.ops.segment_sum(e, end, num_segments=x.shape[0])
    node_inputs = jnp.concatenate([x, edge_messages], axis=-1)
    h = jax.nn.relu(node_inputs @ W1n + b1n)
    x_out = h @ W2n + b2n
    x_out = x_out + x  # residual (concat_output falsy)
    edge_inputs = jnp.concatenate([x_out[start], x_out[end], e], axis=-1)
    he = jax.nn.relu(edge_inputs @ W1e + b1e)
    e_out = he @ W2e + b2e
    e_out = e_out + e  # residual
    return (x_out, e_out)

if __name__ == "__main__":
    import jax
    _d = setup_inputs()
    print(jax.jit(kernel)(*tuple(_d.values())))

</pallas_src>

<mosaic_0001>
#map = affine_map<(d0, d1) -> (0, 0)>
#map1 = affine_map<(d0, d1) -> (0, 0, 0, 0)>
#map2 = affine_map<(d0, d1) -> (0, 0, 0)>
module attributes {stable_mosaic.version = 14 : i64} {
  func.func @_seg_sum_sc(%arg0: i32, %arg1: i32, %arg2: memref<320000x128xf32, #tpu.memory_space<hbm>>, %arg3: memref<2x16x125x80xi32, #tpu.memory_space<hbm>>, %arg4: memref<10000x128xf32, #tpu.memory_space<hbm>>, %arg5: memref<2x10000x128xf32, #tpu.memory_space<hbm>>, %arg6: memref<125x80xi32, #tpu.memory_space<vmem>>, %arg7: memref<80x128xf32, #tpu.memory_space<vmem>>, %arg8: memref<80x128xf32, #tpu.memory_space<vmem>>, %arg9: memref<10000x128xf32, #tpu.memory_space<vmem_shared>>, %arg10: memref<!tpu.dma_semaphore, #tpu.memory_space<semaphore_mem>>, %arg11: memref<!tpu.dma_semaphore, #tpu.memory_space<semaphore_mem>>) attributes {dimension_semantics = [#tpu.dimension_semantics<core_parallel>, #tpu.dimension_semantics<subcore_parallel>], iteration_bounds = array<i64: 2, 16>, scalar_prefetch = 0 : i64, scratch_operands = 6 : i64, tpu.core_type = #tpu.core_type<sc_vector_subcore>, window_params = [{transform_indices = #map}, {transform_indices = #map1}, {transform_indices = #map}, {transform_indices = #map2}]} {
    %mul3A = arith.constant 624 : i32
    %mul3A_0 = arith.muli %arg1, %mul3A : i32
    %mul3A_1 = arith.constant 624 : i32
    %mul3A_2 = arith.muli %arg1, %mul3A_1 : i32
    "tpu.region"() ({
      %run_scoped3A = tpu.sem_alloc : memref<!tpu.dma_semaphore, #tpu.memory_space<semaphore_mem>>
      %dma_start3A_29 = arith.constant 0 : i32
      %dma_start3A_30 = tpu.memref_slice %arg9[%mul3A_2, %dma_start3A_29] : memref<10000x128xf32, #tpu.memory_space<vmem_shared>> -> memref<624x128xf32, #tpu.memory_space<vmem_shared>>
      %dma_start3A_31 = arith.constant 0 : i32
      %dma_start3A_32 = tpu.memref_slice %arg4[%mul3A_0, %dma_start3A_31] : memref<10000x128xf32, #tpu.memory_space<hbm>> -> memref<624x128xf32, #tpu.memory_space<hbm>>
      tpu.enqueue_dma source(%dma_start3A_32 : memref<624x128xf32, #tpu.memory_space<hbm>>) target(%dma_start3A_30 : memref<624x128xf32, #tpu.memory_space<vmem_shared>>) target_semaphore(%run_scoped3A : memref<!tpu.dma_semaphore, #tpu.memory_space<semaphore_mem>>)
      %dma_wait3A = arith.constant 0 : i32
      %dma_wait3A_33 = tpu.memref_slice %arg9[%mul3A_2, %dma_wait3A] : memref<10000x128xf32, #tpu.memory_space<vmem_shared>> -> memref<624x128xf32, #tpu.memory_space<vmem_shared>>
      %dma_wait3A_34 = arith.constant 0 : i32
      %dma_wait3A_35 = tpu.memref_slice %arg4[%mul3A_0, %dma_wait3A_34] : memref<10000x128xf32, #tpu.memory_space<hbm>> -> memref<624x128xf32, #tpu.memory_space<hbm>>
      tpu.wait_dma2 semaphore(%run_scoped3A : memref<!tpu.dma_semaphore, #tpu.memory_space<semaphore_mem>>) src(%dma_wait3A_35 : memref<624x128xf32, #tpu.memory_space<hbm>>) dst(%dma_wait3A_33 : memref<624x128xf32, #tpu.memory_space<vmem_shared>>)
      tpu.yield
    }) : () -> ()
    %eq3A = arith.constant 15 : i32
    %eq3A_3 = arith.cmpi eq, %arg1, %eq3A : i32
    %convert_element_type3A = arith.extui %eq3A_3 : i1 to i32
    %cond3A = arith.constant 0 : i32
    %cond3A_4 = arith.cmpi ne, %convert_element_type3A, %cond3A : i32
    scf.if %cond3A_4 {
      "tpu.region"() ({
        %run_scoped3A = tpu.sem_alloc : memref<!tpu.dma_semaphore, #tpu.memory_space<semaphore_mem>>
        %dma_start3A_29 = arith.constant 9984 : i32
        %dma_start3A_30 = arith.constant 0 : i32
        %dma_start3A_31 = tpu.memref_slice %arg9[%dma_start3A_29, %dma_start3A_30] : memref<10000x128xf32, #tpu.memory_space<vmem_shared>> -> memref<16x128xf32, #tpu.memory_space<vmem_shared>>
        %dma_start3A_32 = arith.constant 9984 : i32
        %dma_start3A_33 = arith.constant 0 : i32
        %dma_start3A_34 = tpu.memref_slice %arg4[%dma_start3A_32, %dma_start3A_33] : memref<10000x128xf32, #tpu.memory_space<hbm>> -> memref<16x128xf32, #tpu.memory_space<hbm>>
        tpu.enqueue_dma source(%dma_start3A_34 : memref<16x128xf32, #tpu.memory_space<hbm>>) target(%dma_start3A_31 : memref<16x128xf32, #tpu.memory_space<vmem_shared>>) target_semaphore(%run_scoped3A : memref<!tpu.dma_semaphore, #tpu.memory_space<semaphore_mem>>)
        %dma_wait3A = arith.constant 9984 : i32
        %dma_wait3A_35 = arith.constant 0 : i32
        %dma_wait3A_36 = tpu.memref_slice %arg9[%dma_wait3A, %dma_wait3A_35] : memref<10000x128xf32, #tpu.memory_space<vmem_shared>> -> memref<16x128xf32, #tpu.memory_space<vmem_shared>>
        %dma_wait3A_37 = arith.constant 9984 : i32
        %dma_wait3A_38 = arith.constant 0 : i32
        %dma_wait3A_39 = tpu.memref_slice %arg4[%dma_wait3A_37, %dma_wait3A_38] : memref<10000x128xf32, #tpu.memory_space<hbm>> -> memref<16x128xf32, #tpu.memory_space<hbm>>
        tpu.wait_dma2 semaphore(%run_scoped3A : memref<!tpu.dma_semaphore, #tpu.memory_space<semaphore_mem>>) src(%dma_wait3A_39 : memref<16x128xf32, #tpu.memory_space<hbm>>) dst(%dma_wait3A_36 : memref<16x128xf32, #tpu.memory_space<vmem_shared>>)
        tpu.yield
      }) : () -> ()
    } else {
    }
    "tpu.region"() ({
      %run_scoped3A = tpu.sem_alloc : memref<!tpu.dma_semaphore, #tpu.memory_space<semaphore_mem>>
      %dma_start3A_29 = arith.constant 0 : i32
      %dma_start3A_30 = arith.constant 0 : i32
      %dma_start3A_31 = tpu.memref_slice %arg3[%arg0, %arg1, %dma_start3A_29, %dma_start3A_30] : memref<2x16x125x80xi32, #tpu.memory_space<hbm>> -> memref<1x1x125x80xi32, #tpu.memory_space<hbm>>
      %dma_start3A_32 = tpu.memref_squeeze %dma_start3A_31 : memref<1x1x125x80xi32, #tpu.memory_space<hbm>> -> memref<125x80xi32, #tpu.memory_space<hbm>>
      %dma_start3A_33 = arith.constant 0 : i32
      %dma_start3A_34 = arith.constant 0 : i32
      %dma_start3A_35 = tpu.memref_slice %arg3[%arg0, %arg1, %dma_start3A_33, %dma_start3A_34] : memref<2x16x125x80xi32, #tpu.memory_space<hbm>> -> memref<1x1x125x80xi32, #tpu.memory_space<hbm>>
      %dma_start3A_36 = tpu.memref_squeeze %dma_start3A_35 : memref<1x1x125x80xi32, #tpu.memory_space<hbm>> -> memref<125x80xi32, #tpu.memory_space<hbm>>
      tpu.enqueue_dma source(%dma_start3A_36 : memref<125x80xi32, #tpu.memory_space<hbm>>) target(%arg6 : memref<125x80xi32, #tpu.memory_space<vmem>>) target_semaphore(%run_scoped3A : memref<!tpu.dma_semaphore, #tpu.memory_space<semaphore_mem>>)
      %dma_wait3A = arith.constant 0 : i32
      %dma_wait3A_37 = arith.constant 0 : i32
      %dma_wait3A_38 = tpu.memref_slice %arg3[%arg0, %arg1, %dma_wait3A, %dma_wait3A_37] : memref<2x16x125x80xi32, #tpu.memory_space<hbm>> -> memref<1x1x125x80xi32, #tpu.memory_space<hbm>>
      %dma_wait3A_39 = tpu.memref_squeeze %dma_wait3A_38 : memref<1x1x125x80xi32, #tpu.memory_space<hbm>> -> memref<125x80xi32, #tpu.memory_space<hbm>>
      %dma_wait3A_40 = arith.constant 0 : i32
      %dma_wait3A_41 = arith.constant 0 : i32
      %dma_wait3A_42 = tpu.memref_slice %arg3[%arg0, %arg1, %dma_wait3A_40, %dma_wait3A_41] : memref<2x16x125x80xi32, #tpu.memory_space<hbm>> -> memref<1x1x125x80xi32, #tpu.memory_space<hbm>>
      %dma_wait3A_43 = tpu.memref_squeeze %dma_wait3A_42 : memref<1x1x125x80xi32, #tpu.memory_space<hbm>> -> memref<125x80xi32, #tpu.memory_space<hbm>>
      tpu.wait_dma2 semaphore(%run_scoped3A : memref<!tpu.dma_semaphore, #tpu.memory_space<semaphore_mem>>) src(%dma_wait3A_43 : memref<125x80xi32, #tpu.memory_space<hbm>>) dst(%arg6 : memref<125x80xi32, #tpu.memory_space<vmem>>)
      tpu.yield
    }) : () -> ()
    %barrier3A = arith.constant 0 : index
    tpu.barrier barrier_id(%barrier3A)
    %mul3A_5 = arith.constant 16 : i32
    %mul3A_6 = arith.muli %arg0, %mul3A_5 : i32
    %add3A = arith.addi %mul3A_6, %arg1 : i32
    %mul3A_7 = arith.constant 10000 : i32
    %mul3A_8 = arith.muli %add3A, %mul3A_7 : i32
    %add3A_9 = arith.constant 0 : i32
    %add3A_10 = arith.addi %mul3A_8, %add3A_9 : i32
    %dma_start3A = arith.constant 0 : i32
    %dma_start3A_11 = tpu.memref_slice %arg2[%add3A_10, %dma_start3A] : memref<320000x128xf32, #tpu.memory_space<hbm>> -> memref<80x128xf32, #tpu.memory_space<hbm>>
    %dma_start3A_12 = arith.constant 0 : i32
    %dma_start3A_13 = tpu.memref_slice %arg2[%add3A_10, %dma_start3A_12] : memref<320000x128xf32, #tpu.memory_space<hbm>> -> memref<80x128xf32, #tpu.memory_space<hbm>>
    tpu.enqueue_dma source(%dma_start3A_13 : memref<80x128xf32, #tpu.memory_space<hbm>>) target(%arg7 : memref<80x128xf32, #tpu.memory_space<vmem>>) target_semaphore(%arg10 : memref<!tpu.dma_semaphore, #tpu.memory_space<semaphore_mem>>)
    %scan3A = arith.constant 0 : i32
    %scan3A_14 = arith.constant 0 : i32
    %scan3A_15 = arith.constant 125 : i32
    %scan3A_16 = arith.addi %scan3A_14, %scan3A_15 : i32
    %scan3A_17 = arith.constant 1 : i32
    scf.for %scan3A_29 = %scan3A_14 to %scan3A_16 step %scan3A_17  : i32 {
      %rem3A = arith.constant 2 : i32
      %rem3A_30 = arith.remsi %scan3A_29, %rem3A : i32
      %add3A_31 = arith.constant 1 : i32
      %add3A_32 = arith.addi %scan3A_29, %add3A_31 : i32
      %lt3A = arith.constant 125 : i32
      %lt3A_33 = arith.cmpi slt, %add3A_32, %lt3A : i32
      %convert_element_type3A_34 = arith.extui %lt3A_33 : i1 to i32
      %cond3A_35 = arith.constant 0 : i32
      %cond3A_36 = arith.cmpi ne, %convert_element_type3A_34, %cond3A_35 : i32
      scf.if %cond3A_36 {
        %eq3A_47 = arith.constant 0 : i32
        %eq3A_48 = arith.cmpi eq, %rem3A_30, %eq3A_47 : i32
        %convert_element_type3A_49 = arith.extui %eq3A_48 : i1 to i32
        %cond3A_50 = arith.constant 0 : i32
        %cond3A_51 = arith.cmpi ne, %convert_element_type3A_49, %cond3A_50 : i32
        scf.if %cond3A_51 {
          %add3A_57 = arith.constant 1 : i32
          %add3A_58 = arith.addi %scan3A_29, %add3A_57 : i32
          %mul3A_59 = arith.constant 80 : i32
          %mul3A_60 = arith.muli %add3A_58, %mul3A_59 : i32
          %add3A_61 = arith.addi %mul3A_8, %mul3A_60 : i32
          %dma_start3A_62 = arith.constant 0 : i32
          %dma_start3A_63 = tpu.memref_slice %arg2[%add3A_61, %dma_start3A_62] : memref<320000x128xf32, #tpu.memory_space<hbm>> -> memref<80x128xf32, #tpu.memory_space<hbm>>
          %dma_start3A_64 = arith.constant 0 : i32
          %dma_start3A_65 = tpu.memref_slice %arg2[%add3A_61, %dma_start3A_64] : memref<320000x128xf32, #tpu.memory_space<hbm>> -> memref<80x128xf32, #tpu.memory_space<hbm>>
          tpu.enqueue_dma source(%dma_start3A_65 : memref<80x128xf32, #tpu.memory_space<hbm>>) target(%arg8 : memref<80x128xf32, #tpu.memory_space<vmem>>) target_semaphore(%arg11 : memref<!tpu.dma_semaphore, #tpu.memory_space<semaphore_mem>>)
        } else {
        }
        %eq3A_52 = arith.constant 1 : i32
        %eq3A_53 = arith.cmpi eq, %rem3A_30, %eq3A_52 : i32
        %convert_element_type3A_54 = arith.extui %eq3A_53 : i1 to i32
        %cond3A_55 = arith.constant 0 : i32
        %cond3A_56 = arith.cmpi ne, %convert_element_type3A_54, %cond3A_55 : i32
        scf.if %cond3A_56 {
          %add3A_57 = arith.constant 1 : i32
          %add3A_58 = arith.addi %scan3A_29, %add3A_57 : i32
          %mul3A_59 = arith.constant 80 : i32
          %mul3A_60 = arith.muli %add3A_58, %mul3A_59 : i32
          %add3A_61 = arith.addi %mul3A_8, %mul3A_60 : i32
          %dma_start3A_62 = arith.constant 0 : i32
          %dma_start3A_63 = tpu.memref_slice %arg2[%add3A_61, %dma_start3A_62] : memref<320000x128xf32, #tpu.memory_space<hbm>> -> memref<80x128xf32, #tpu.memory_space<hbm>>
          %dma_start3A_64 = arith.constant 0 : i32
          %dma_start3A_65 = tpu.memref_slice %arg2[%add3A_61, %dma_start3A_64] : memref<320000x128xf32, #tpu.memory_space<hbm>> -> memref<80x128xf32, #tpu.memory_space<hbm>>
          tpu.enqueue_dma source(%dma_start3A_65 : memref<80x128xf32, #tpu.memory_space<hbm>>) target(%arg7 : memref<80x128xf32, #tpu.memory_space<vmem>>) target_semaphore(%arg10 : memref<!tpu.dma_semaphore, #tpu.memory_space<semaphore_mem>>)
        } else {
        }
      } else {
      }
      %eq3A_37 = arith.constant 0 : i32
      %eq3A_38 = arith.cmpi eq, %rem3A_30, %eq3A_37 : i32
      %convert_element_type3A_39 = arith.extui %eq3A_38 : i1 to i32
      %cond3A_40 = arith.constant 0 : i32
      %cond3A_41 = arith.cmpi ne, %convert_element_type3A_39, %cond3A_40 : i32
      scf.if %cond3A_41 {
        %mul3A_47 = arith.constant 80 : i32
        %mul3A_48 = arith.muli %scan3A_29, %mul3A_47 : i32
        %add3A_49 = arith.addi %mul3A_8, %mul3A_48 : i32
        %dma_wait3A = arith.constant 0 : i32
        %dma_wait3A_50 = tpu.memref_slice %arg2[%add3A_49, %dma_wait3A] : memref<320000x128xf32, #tpu.memory_space<hbm>> -> memref<80x128xf32, #tpu.memory_space<hbm>>
        %dma_wait3A_51 = arith.constant 0 : i32
        %dma_wait3A_52 = tpu.memref_slice %arg2[%add3A_49, %dma_wait3A_51] : memref<320000x128xf32, #tpu.memory_space<hbm>> -> memref<80x128xf32, #tpu.memory_space<hbm>>
        tpu.wait_dma2 semaphore(%arg10 : memref<!tpu.dma_semaphore, #tpu.memory_space<semaphore_mem>>) src(%dma_wait3A_52 : memref<80x128xf32, #tpu.memory_space<hbm>>) dst(%arg7 : memref<80x128xf32, #tpu.memory_space<vmem>>)
        "tpu.region"() ({
          %run_scoped3A = tpu.sem_alloc : memref<!tpu.dma_semaphore, #tpu.memory_space<semaphore_mem>>
          %dma_start3A_53 = arith.constant 0 : i32
          %dma_start3A_54 = tpu.memref_slice %arg6[%scan3A_29, %dma_start3A_53] : memref<125x80xi32, #tpu.memory_space<vmem>> -> memref<1x80xi32, #tpu.memory_space<vmem>>
          %dma_start3A_55 = tpu.memref_squeeze %dma_start3A_54 : memref<1x80xi32, #tpu.memory_space<vmem>> -> memref<80xi32, #tpu.memory_space<vmem>>
          %dma_start3A_56 = arith.constant 0 : i32
          %dma_start3A_57 = arith.constant 0 : i32
          %dma_start3A_58 = tpu.memref_slice %arg9[%dma_start3A_56, %dma_start3A_57] : memref<10000x128xf32, #tpu.memory_space<vmem_shared>> -> memref<10000x128xf32, #tpu.memory_space<vmem_shared>>
          tpu.enqueue_indirect_dma source(%arg7 : memref<80x128xf32, #tpu.memory_space<vmem>>) target(%dma_start3A_58 : memref<10000x128xf32, #tpu.memory_space<vmem_shared>>) offsets(%dma_start3A_55 : memref<80xi32, #tpu.memory_space<vmem>>) semaphore(%run_scoped3A : memref<!tpu.dma_semaphore, #tpu.memory_space<semaphore_mem>>) {add = true}
          %dma_wait3A_59 = arith.constant 0 : i32
          %dma_wait3A_60 = tpu.memref_slice %arg6[%scan3A_29, %dma_wait3A_59] : memref<125x80xi32, #tpu.memory_space<vmem>> -> memref<1x80xi32, #tpu.memory_space<vmem>>
          %dma_wait3A_61 = tpu.memref_squeeze %dma_wait3A_60 : memref<1x80xi32, #tpu.memory_space<vmem>> -> memref<80xi32, #tpu.memory_space<vmem>>
          %dma_wait3A_62 = arith.constant 0 : i32
          %dma_wait3A_63 = arith.constant 0 : i32
          %dma_wait3A_64 = tpu.memref_slice %arg9[%dma_wait3A_62, %dma_wait3A_63] : memref<10000x128xf32, #tpu.memory_space<vmem_shared>> -> memref<10000x128xf32, #tpu.memory_space<vmem_shared>>
          tpu.wait_indirect_dma semaphore(%run_scoped3A : memref<!tpu.dma_semaphore, #tpu.memory_space<semaphore_mem>>) src(%arg7 : memref<80x128xf32, #tpu.memory_space<vmem>>) dst(%dma_wait3A_64 : memref<10000x128xf32, #tpu.memory_space<vmem_shared>>)
          tpu.yield
        }) : () -> ()
      } else {
      }
      %eq3A_42 = arith.constant 1 : i32
      %eq3A_43 = arith.cmpi eq, %rem3A_30, %eq3A_42 : i32
      %convert_element_type3A_44 = arith.extui %eq3A_43 : i1 to i32
      %cond3A_45 = arith.constant 0 : i32
      %cond3A_46 = arith.cmpi ne, %convert_element_type3A_44, %cond3A_45 : i32
      scf.if %cond3A_46 {
        %mul3A_47 = arith.constant 80 : i32
        %mul3A_48 = arith.muli %scan3A_29, %mul3A_47 : i32
        %add3A_49 = arith.addi %mul3A_8, %mul3A_48 : i32
        %dma_wait3A = arith.constant 0 : i32
        %dma_wait3A_50 = tpu.memref_slice %arg2[%add3A_49, %dma_wait3A] : memref<320000x128xf32, #tpu.memory_space<hbm>> -> memref<80x128xf32, #tpu.memory_space<hbm>>
        %dma_wait3A_51 = arith.constant 0 : i32
        %dma_wait3A_52 = tpu.memref_slice %arg2[%add3A_49, %dma_wait3A_51] : memref<320000x128xf32, #tpu.memory_space<hbm>> -> memref<80x128xf32, #tpu.memory_space<hbm>>
        tpu.wait_dma2 semaphore(%arg11 : memref<!tpu.dma_semaphore, #tpu.memory_space<semaphore_mem>>) src(%dma_wait3A_52 : memref<80x128xf32, #tpu.memory_space<hbm>>) dst(%arg8 : memref<80x128xf32, #tpu.memory_space<vmem>>)
        "tpu.region"() ({
          %run_scoped3A = tpu.sem_alloc : memref<!tpu.dma_semaphore, #tpu.memory_space<semaphore_mem>>
          %dma_start3A_53 = arith.constant 0 : i32
          %dma_start3A_54 = tpu.memref_slice %arg6[%scan3A_29, %dma_start3A_53] : memref<125x80xi32, #tpu.memory_space<vmem>> -> memref<1x80xi32, #tpu.memory_space<vmem>>
          %dma_start3A_55 = tpu.memref_squeeze %dma_start3A_54 : memref<1x80xi32, #tpu.memory_space<vmem>> -> memref<80xi32, #tpu.memory_space<vmem>>
          %dma_start3A_56 = arith.constant 0 : i32
          %dma_start3A_57 = arith.constant 0 : i32
          %dma_start3A_58 = tpu.memref_slice %arg9[%dma_start3A_56, %dma_start3A_57] : memref<10000x128xf32, #tpu.memory_space<vmem_shared>> -> memref<10000x128xf32, #tpu.memory_space<vmem_shared>>
          tpu.enqueue_indirect_dma source(%arg8 : memref<80x128xf32, #tpu.memory_space<vmem>>) target(%dma_start3A_58 : memref<10000x128xf32, #tpu.memory_space<vmem_shared>>) offsets(%dma_start3A_55 : memref<80xi32, #tpu.memory_space<vmem>>) semaphore(%run_scoped3A : memref<!tpu.dma_semaphore, #tpu.memory_space<semaphore_mem>>) {add = true}
          %dma_wait3A_59 = arith.constant 0 : i32
          %dma_wait3A_60 = tpu.memref_slice %arg6[%scan3A_29, %dma_wait3A_59] : memref<125x80xi32, #tpu.memory_space<vmem>> -> memref<1x80xi32, #tpu.memory_space<vmem>>
          %dma_wait3A_61 = tpu.memref_squeeze %dma_wait3A_60 : memref<1x80xi32, #tpu.memory_space<vmem>> -> memref<80xi32, #tpu.memory_space<vmem>>
          %dma_wait3A_62 = arith.constant 0 : i32
          %dma_wait3A_63 = arith.constant 0 : i32
          %dma_wait3A_64 = tpu.memref_slice %arg9[%dma_wait3A_62, %dma_wait3A_63] : memref<10000x128xf32, #tpu.memory_space<vmem_shared>> -> memref<10000x128xf32, #tpu.memory_space<vmem_shared>>
          tpu.wait_indirect_dma semaphore(%run_scoped3A : memref<!tpu.dma_semaphore, #tpu.memory_space<semaphore_mem>>) src(%arg8 : memref<80x128xf32, #tpu.memory_space<vmem>>) dst(%dma_wait3A_64 : memref<10000x128xf32, #tpu.memory_space<vmem_shared>>)
          tpu.yield
        }) : () -> ()
      } else {
      }
    }
    %scan3A_18 = arith.constant 125 : i32
    %barrier3A_19 = arith.constant 0 : index
    tpu.barrier barrier_id(%barrier3A_19)
    %mul3A_20 = arith.constant 624 : i32
    %mul3A_21 = arith.muli %arg1, %mul3A_20 : i32
    %mul3A_22 = arith.constant 624 : i32
    %mul3A_23 = arith.muli %arg1, %mul3A_22 : i32
    "tpu.region"() ({
      %run_scoped3A = tpu.sem_alloc : memref<!tpu.dma_semaphore, #tpu.memory_space<semaphore_mem>>
      %dma_start3A_29 = arith.constant 0 : i32
      %dma_start3A_30 = tpu.memref_slice %arg5[%arg0, %mul3A_23, %dma_start3A_29] : memref<2x10000x128xf32, #tpu.memory_space<hbm>> -> memref<1x624x128xf32, #tpu.memory_space<hbm>>
      %dma_start3A_31 = tpu.memref_squeeze %dma_start3A_30 : memref<1x624x128xf32, #tpu.memory_space<hbm>> -> memref<624x128xf32, #tpu.memory_space<hbm>>
      %dma_start3A_32 = arith.constant 0 : i32
      %dma_start3A_33 = tpu.memref_slice %arg9[%mul3A_21, %dma_start3A_32] : memref<10000x128xf32, #tpu.memory_space<vmem_shared>> -> memref<624x128xf32, #tpu.memory_space<vmem_shared>>
      tpu.enqueue_dma source(%dma_start3A_33 : memref<624x128xf32, #tpu.memory_space<vmem_shared>>) target(%dma_start3A_31 : memref<624x128xf32, #tpu.memory_space<hbm>>) target_semaphore(%run_scoped3A : memref<!tpu.dma_semaphore, #tpu.memory_space<semaphore_mem>>)
      %dma_wait3A = arith.constant 0 : i32
      %dma_wait3A_34 = tpu.memref_slice %arg5[%arg0, %mul3A_23, %dma_wait3A] : memref<2x10000x128xf32, #tpu.memory_space<hbm>> -> memref<1x624x128xf32, #tpu.memory_space<hbm>>
      %dma_wait3A_35 = tpu.memref_squeeze %dma_wait3A_34 : memref<1x624x128xf32, #tpu.memory_space<hbm>> -> memref<624x128xf32, #tpu.memory_space<hbm>>
      %dma_wait3A_36 = arith.constant 0 : i32
      %dma_wait3A_37 = tpu.memref_slice %arg9[%mul3A_21, %dma_wait3A_36] : memref<10000x128xf32, #tpu.memory_space<vmem_shared>> -> memref<624x128xf32, #tpu.memory_space<vmem_shared>>
      tpu.wait_dma2 semaphore(%run_scoped3A : memref<!tpu.dma_semaphore, #tpu.memory_space<semaphore_mem>>) src(%dma_wait3A_37 : memref<624x128xf32, #tpu.memory_space<vmem_shared>>) dst(%dma_wait3A_35 : memref<624x128xf32, #tpu.memory_space<hbm>>)
      tpu.yield
    }) : () -> ()
    %eq3A_24 = arith.constant 15 : i32
    %eq3A_25 = arith.cmpi eq, %arg1, %eq3A_24 : i32
    %convert_element_type3A_26 = arith.extui %eq3A_25 : i1 to i32
    %cond3A_27 = arith.constant 0 : i32
    %cond3A_28 = arith.cmpi ne, %convert_element_type3A_26, %cond3A_27 : i32
    scf.if %cond3A_28 {
      "tpu.region"() ({
        %run_scoped3A = tpu.sem_alloc : memref<!tpu.dma_semaphore, #tpu.memory_space<semaphore_mem>>
        %dma_start3A_29 = arith.constant 9984 : i32
        %dma_start3A_30 = arith.constant 0 : i32
        %dma_start3A_31 = tpu.memref_slice %arg5[%arg0, %dma_start3A_29, %dma_start3A_30] : memref<2x10000x128xf32, #tpu.memory_space<hbm>> -> memref<1x16x128xf32, #tpu.memory_space<hbm>>
        %dma_start3A_32 = tpu.memref_squeeze %dma_start3A_31 : memref<1x16x128xf32, #tpu.memory_space<hbm>> -> memref<16x128xf32, #tpu.memory_space<hbm>>
        %dma_start3A_33 = arith.constant 9984 : i32
        %dma_start3A_34 = arith.constant 0 : i32
        %dma_start3A_35 = tpu.memref_slice %arg9[%dma_start3A_33, %dma_start3A_34] : memref<10000x128xf32, #tpu.memory_space<vmem_shared>> -> memref<16x128xf32, #tpu.memory_space<vmem_shared>>
        tpu.enqueue_dma source(%dma_start3A_35 : memref<16x128xf32, #tpu.memory_space<vmem_shared>>) target(%dma_start3A_32 : memref<16x128xf32, #tpu.memory_space<hbm>>) target_semaphore(%run_scoped3A : memref<!tpu.dma_semaphore, #tpu.memory_space<semaphore_mem>>)
        %dma_wait3A = arith.constant 9984 : i32
        %dma_wait3A_36 = arith.constant 0 : i32
        %dma_wait3A_37 = tpu.memref_slice %arg5[%arg0, %dma_wait3A, %dma_wait3A_36] : memref<2x10000x128xf32, #tpu.memory_space<hbm>> -> memref<1x16x128xf32, #tpu.memory_space<hbm>>
        %dma_wait3A_38 = tpu.memref_squeeze %dma_wait3A_37 : memref<1x16x128xf32, #tpu.memory_space<hbm>> -> memref<16x128xf32, #tpu.memory_space<hbm>>
        %dma_wait3A_39 = arith.constant 9984 : i32
        %dma_wait3A_40 = arith.constant 0 : i32
        %dma_wait3A_41 = tpu.memref_slice %arg9[%dma_wait3A_39, %dma_wait3A_40] : memref<10000x128xf32, #tpu.memory_space<vmem_shared>> -> memref<16x128xf32, #tpu.memory_space<vmem_shared>>
        tpu.wait_dma2 semaphore(%run_scoped3A : memref<!tpu.dma_semaphore, #tpu.memory_space<semaphore_mem>>) src(%dma_wait3A_41 : memref<16x128xf32, #tpu.memory_space<vmem_shared>>) dst(%dma_wait3A_38 : memref<16x128xf32, #tpu.memory_space<hbm>>)
        tpu.yield
      }) : () -> ()
    } else {
    }
    return
  }
}

#map = affine_map<(d0, d1) -> (0, 0)>
#map1 = affine_map<(d0, d1) -> (0, 0, 0)>
module attributes {stable_mosaic.version = 14 : i64} {
  func.func @_gather_sc(%arg0: i32, %arg1: i32, %arg2: memref<10000x64xi32, #tpu.memory_space<hbm>>, %arg3: memref<10000x64xi32, #tpu.memory_space<hbm>>, %arg4: memref<16x50x80xi32, #tpu.memory_space<hbm>>, %arg5: memref<16x50x80xi32, #tpu.memory_space<hbm>>, %arg6: memref<64000x64xi32, #tpu.memory_space<hbm>>, %arg7: memref<64000x64xi32, #tpu.memory_space<hbm>>, %arg8: memref<50x80xi32, #tpu.memory_space<vmem>>, %arg9: memref<80x64xi32, #tpu.memory_space<vmem>>, %arg10: memref<80x64xi32, #tpu.memory_space<vmem>>, %arg11: memref<10000x64xi32, #tpu.memory_space<vmem_shared>>, %arg12: memref<!tpu.dma_semaphore, #tpu.memory_space<semaphore_mem>>, %arg13: memref<!tpu.dma_semaphore, #tpu.memory_space<semaphore_mem>>) attributes {dimension_semantics = [#tpu.dimension_semantics<core_parallel>, #tpu.dimension_semantics<subcore_parallel>], iteration_bounds = array<i64: 2, 16>, scalar_prefetch = 0 : i64, scratch_operands = 6 : i64, tpu.core_type = #tpu.core_type<sc_vector_subcore>, window_params = [{transform_indices = #map}, {transform_indices = #map}, {transform_indices = #map1}, {transform_indices = #map1}, {transform_indices = #map}, {transform_indices = #map}]} {
    %eq3A = arith.constant 0 : i32
    %eq3A_0 = arith.cmpi eq, %arg0, %eq3A : i32
    %convert_element_type3A = arith.extui %eq3A_0 : i1 to i32
    %cond3A = arith.constant 0 : i32
    %cond3A_1 = arith.cmpi ne, %convert_element_type3A, %cond3A : i32
    scf.if %cond3A_1 {
      %mul3A_19 = arith.constant 624 : i32
      %mul3A_20 = arith.muli %arg1, %mul3A_19 : i32
      %mul3A_21 = arith.constant 624 : i32
      %mul3A_22 = arith.muli %arg1, %mul3A_21 : i32
      "tpu.region"() ({
        %run_scoped3A = tpu.sem_alloc : memref<!tpu.dma_semaphore, #tpu.memory_space<semaphore_mem>>
        %dma_start3A_28 = arith.constant 0 : i32
        %dma_start3A_29 = tpu.memref_slice %arg11[%mul3A_22, %dma_start3A_28] : memref<10000x64xi32, #tpu.memory_space<vmem_shared>> -> memref<624x64xi32, #tpu.memory_space<vmem_shared>>
        %dma_start3A_30 = arith.constant 0 : i32
        %dma_start3A_31 = tpu.memref_slice %arg2[%mul3A_20, %dma_start3A_30] : memref<10000x64xi32, #tpu.memory_space<hbm>> -> memref<624x64xi32, #tpu.memory_space<hbm>>
        tpu.enqueue_dma source(%dma_start3A_31 : memref<624x64xi32, #tpu.memory_space<hbm>>) target(%dma_start3A_29 : memref<624x64xi32, #tpu.memory_space<vmem_shared>>) target_semaphore(%run_scoped3A : memref<!tpu.dma_semaphore, #tpu.memory_space<semaphore_mem>>)
        %dma_wait3A = arith.constant 0 : i32
        %dma_wait3A_32 = tpu.memref_slice %arg11[%mul3A_22, %dma_wait3A] : memref<10000x64xi32, #tpu.memory_space<vmem_shared>> -> memref<624x64xi32, #tpu.memory_space<vmem_shared>>
        %dma_wait3A_33 = arith.constant 0 : i32
        %dma_wait3A_34 = tpu.memref_slice %arg2[%mul3A_20, %dma_wait3A_33] : memref<10000x64xi32, #tpu.memory_space<hbm>> -> memref<624x64xi32, #tpu.memory_space<hbm>>
        tpu.wait_dma2 semaphore(%run_scoped3A : memref<!tpu.dma_semaphore, #tpu.memory_space<semaphore_mem>>) src(%dma_wait3A_34 : memref<624x64xi32, #tpu.memory_space<hbm>>) dst(%dma_wait3A_32 : memref<624x64xi32, #tpu.memory_space<vmem_shared>>)
        tpu.yield
      }) : () -> ()
      %eq3A_23 = arith.constant 15 : i32
      %eq3A_24 = arith.cmpi eq, %arg1, %eq3A_23 : i32
      %convert_element_type3A_25 = arith.extui %eq3A_24 : i1 to i32
      %cond3A_26 = arith.constant 0 : i32
      %cond3A_27 = arith.cmpi ne, %convert_element_type3A_25, %cond3A_26 : i32
      scf.if %cond3A_27 {
        "tpu.region"() ({
          %run_scoped3A = tpu.sem_alloc : memref<!tpu.dma_semaphore, #tpu.memory_space<semaphore_mem>>
          %dma_start3A_28 = arith.constant 9984 : i32
          %dma_start3A_29 = arith.constant 0 : i32
          %dma_start3A_30 = tpu.memref_slice %arg11[%dma_start3A_28, %dma_start3A_29] : memref<10000x64xi32, #tpu.memory_space<vmem_shared>> -> memref<16x64xi32, #tpu.memory_space<vmem_shared>>
          %dma_start3A_31 = arith.constant 9984 : i32
          %dma_start3A_32 = arith.constant 0 : i32
          %dma_start3A_33 = tpu.memref_slice %arg2[%dma_start3A_31, %dma_start3A_32] : memref<10000x64xi32, #tpu.memory_space<hbm>> -> memref<16x64xi32, #tpu.memory_space<hbm>>
          tpu.enqueue_dma source(%dma_start3A_33 : memref<16x64xi32, #tpu.memory_space<hbm>>) target(%dma_start3A_30 : memref<16x64xi32, #tpu.memory_space<vmem_shared>>) target_semaphore(%run_scoped3A : memref<!tpu.dma_semaphore, #tpu.memory_space<semaphore_mem>>)
          %dma_wait3A = arith.constant 9984 : i32
          %dma_wait3A_34 = arith.constant 0 : i32
          %dma_wait3A_35 = tpu.memref_slice %arg11[%dma_wait3A, %dma_wait3A_34] : memref<10000x64xi32, #tpu.memory_space<vmem_shared>> -> memref<16x64xi32, #tpu.memory_space<vmem_shared>>
          %dma_wait3A_36 = arith.constant 9984 : i32
          %dma_wait3A_37 = arith.constant 0 : i32
          %dma_wait3A_38 = tpu.memref_slice %arg2[%dma_wait3A_36, %dma_wait3A_37] : memref<10000x64xi32, #tpu.memory_space<hbm>> -> memref<16x64xi32, #tpu.memory_space<hbm>>
          tpu.wait_dma2 semaphore(%run_scoped3A : memref<!tpu.dma_semaphore, #tpu.memory_space<semaphore_mem>>) src(%dma_wait3A_38 : memref<16x64xi32, #tpu.memory_space<hbm>>) dst(%dma_wait3A_35 : memref<16x64xi32, #tpu.memory_space<vmem_shared>>)
          tpu.yield
        }) : () -> ()
      } else {
      }
      "tpu.region"() ({
        %run_scoped3A = tpu.sem_alloc : memref<!tpu.dma_semaphore, #tpu.memory_space<semaphore_mem>>
        %dma_start3A_28 = arith.constant 0 : i32
        %dma_start3A_29 = arith.constant 0 : i32
        %dma_start3A_30 = tpu.memref_slice %arg4[%arg1, %dma_start3A_28, %dma_start3A_29] : memref<16x50x80xi32, #tpu.memory_space<hbm>> -> memref<1x50x80xi32, #tpu.memory_space<hbm>>
        %dma_start3A_31 = tpu.memref_squeeze %dma_start3A_30 : memref<1x50x80xi32, #tpu.memory_space<hbm>> -> memref<50x80xi32, #tpu.memory_space<hbm>>
        %dma_start3A_32 = arith.constant 0 : i32
        %dma_start3A_33 = arith.constant 0 : i32
        %dma_start3A_34 = tpu.memref_slice %arg4[%arg1, %dma_start3A_32, %dma_start3A_33] : memref<16x50x80xi32, #tpu.memory_space<hbm>> -> memref<1x50x80xi32, #tpu.memory_space<hbm>>
        %dma_start3A_35 = tpu.memref_squeeze %dma_start3A_34 : memref<1x50x80xi32, #tpu.memory_space<hbm>> -> memref<50x80xi32, #tpu.memory_space<hbm>>
        tpu.enqueue_dma source(%dma_start3A_35 : memref<50x80xi32, #tpu.memory_space<hbm>>) target(%arg8 : memref<50x80xi32, #tpu.memory_space<vmem>>) target_semaphore(%run_scoped3A : memref<!tpu.dma_semaphore, #tpu.memory_space<semaphore_mem>>)
        %dma_wait3A = arith.constant 0 : i32
        %dma_wait3A_36 = arith.constant 0 : i32
        %dma_wait3A_37 = tpu.memref_slice %arg4[%arg1, %dma_wait3A, %dma_wait3A_36] : memref<16x50x80xi32, #tpu.memory_space<hbm>> -> memref<1x50x80xi32, #tpu.memory_space<hbm>>
        %dma_wait3A_38 = tpu.memref_squeeze %dma_wait3A_37 : memref<1x50x80xi32, #tpu.memory_space<hbm>> -> memref<50x80xi32, #tpu.memory_space<hbm>>
        %dma_wait3A_39 = arith.constant 0 : i32
        %dma_wait3A_40 = arith.constant 0 : i32
        %dma_wait3A_41 = tpu.memref_slice %arg4[%arg1, %dma_wait3A_39, %dma_wait3A_40] : memref<16x50x80xi32, #tpu.memory_space<hbm>> -> memref<1x50x80xi32, #tpu.memory_space<hbm>>
        %dma_wait3A_42 = tpu.memref_squeeze %dma_wait3A_41 : memref<1x50x80xi32, #tpu.memory_space<hbm>> -> memref<50x80xi32, #tpu.memory_space<hbm>>
        tpu.wait_dma2 semaphore(%run_scoped3A : memref<!tpu.dma_semaphore, #tpu.memory_space<semaphore_mem>>) src(%dma_wait3A_42 : memref<50x80xi32, #tpu.memory_space<hbm>>) dst(%arg8 : memref<50x80xi32, #tpu.memory_space<vmem>>)
        tpu.yield
      }) : () -> ()
    } else {
    }
    %eq3A_2 = arith.constant 1 : i32
    %eq3A_3 = arith.cmpi eq, %arg0, %eq3A_2 : i32
    %convert_element_type3A_4 = arith.extui %eq3A_3 : i1 to i32
    %cond3A_5 = arith.constant 0 : i32
    %cond3A_6 = arith.cmpi ne, %convert_element_type3A_4, %cond3A_5 : i32
    scf.if %cond3A_6 {
      %mul3A_19 = arith.constant 624 : i32
      %mul3A_20 = arith.muli %arg1, %mul3A_19 : i32
      %mul3A_21 = arith.constant 624 : i32
      %mul3A_22 = arith.muli %arg1, %mul3A_21 : i32
      "tpu.region"() ({
        %run_scoped3A = tpu.sem_alloc : memref<!tpu.dma_semaphore, #tpu.memory_space<semaphore_mem>>
        %dma_start3A_28 = arith.constant 0 : i32
        %dma_start3A_29 = tpu.memref_slice %arg11[%mul3A_22, %dma_start3A_28] : memref<10000x64xi32, #tpu.memory_space<vmem_shared>> -> memref<624x64xi32, #tpu.memory_space<vmem_shared>>
        %dma_start3A_30 = arith.constant 0 : i32
        %dma_start3A_31 = tpu.memref_slice %arg3[%mul3A_20, %dma_start3A_30] : memref<10000x64xi32, #tpu.memory_space<hbm>> -> memref<624x64xi32, #tpu.memory_space<hbm>>
        tpu.enqueue_dma source(%dma_start3A_31 : memref<624x64xi32, #tpu.memory_space<hbm>>) target(%dma_start3A_29 : memref<624x64xi32, #tpu.memory_space<vmem_shared>>) target_semaphore(%run_scoped3A : memref<!tpu.dma_semaphore, #tpu.memory_space<semaphore_mem>>)
        %dma_wait3A = arith.constant 0 : i32
        %dma_wait3A_32 = tpu.memref_slice %arg11[%mul3A_22, %dma_wait3A] : memref<10000x64xi32, #tpu.memory_space<vmem_shared>> -> memref<624x64xi32, #tpu.memory_space<vmem_shared>>
        %dma_wait3A_33 = arith.constant 0 : i32
        %dma_wait3A_34 = tpu.memref_slice %arg3[%mul3A_20, %dma_wait3A_33] : memref<10000x64xi32, #tpu.memory_space<hbm>> -> memref<624x64xi32, #tpu.memory_space<hbm>>
        tpu.wait_dma2 semaphore(%run_scoped3A : memref<!tpu.dma_semaphore, #tpu.memory_space<semaphore_mem>>) src(%dma_wait3A_34 : memref<624x64xi32, #tpu.memory_space<hbm>>) dst(%dma_wait3A_32 : memref<624x64xi32, #tpu.memory_space<vmem_shared>>)
        tpu.yield
      }) : () -> ()
      %eq3A_23 = arith.constant 15 : i32
      %eq3A_24 = arith.cmpi eq, %arg1, %eq3A_23 : i32
      %convert_element_type3A_25 = arith.extui %eq3A_24 : i1 to i32
      %cond3A_26 = arith.constant 0 : i32
      %cond3A_27 = arith.cmpi ne, %convert_element_type3A_25, %cond3A_26 : i32
      scf.if %cond3A_27 {
        "tpu.region"() ({
          %run_scoped3A = tpu.sem_alloc : memref<!tpu.dma_semaphore, #tpu.memory_space<semaphore_mem>>
          %dma_start3A_28 = arith.constant 9984 : i32
          %dma_start3A_29 = arith.constant 0 : i32
          %dma_start3A_30 = tpu.memref_slice %arg11[%dma_start3A_28, %dma_start3A_29] : memref<10000x64xi32, #tpu.memory_space<vmem_shared>> -> memref<16x64xi32, #tpu.memory_space<vmem_shared>>
          %dma_start3A_31 = arith.constant 9984 : i32
          %dma_start3A_32 = arith.constant 0 : i32
          %dma_start3A_33 = tpu.memref_slice %arg3[%dma_start3A_31, %dma_start3A_32] : memref<10000x64xi32, #tpu.memory_space<hbm>> -> memref<16x64xi32, #tpu.memory_space<hbm>>
          tpu.enqueue_dma source(%dma_start3A_33 : memref<16x64xi32, #tpu.memory_space<hbm>>) target(%dma_start3A_30 : memref<16x64xi32, #tpu.memory_space<vmem_shared>>) target_semaphore(%run_scoped3A : memref<!tpu.dma_semaphore, #tpu.memory_space<semaphore_mem>>)
          %dma_wait3A = arith.constant 9984 : i32
          %dma_wait3A_34 = arith.constant 0 : i32
          %dma_wait3A_35 = tpu.memref_slice %arg11[%dma_wait3A, %dma_wait3A_34] : memref<10000x64xi32, #tpu.memory_space<vmem_shared>> -> memref<16x64xi32, #tpu.memory_space<vmem_shared>>
          %dma_wait3A_36 = arith.constant 9984 : i32
          %dma_wait3A_37 = arith.constant 0 : i32
          %dma_wait3A_38 = tpu.memref_slice %arg3[%dma_wait3A_36, %dma_wait3A_37] : memref<10000x64xi32, #tpu.memory_space<hbm>> -> memref<16x64xi32, #tpu.memory_space<hbm>>
          tpu.wait_dma2 semaphore(%run_scoped3A : memref<!tpu.dma_semaphore, #tpu.memory_space<semaphore_mem>>) src(%dma_wait3A_38 : memref<16x64xi32, #tpu.memory_space<hbm>>) dst(%dma_wait3A_35 : memref<16x64xi32, #tpu.memory_space<vmem_shared>>)
          tpu.yield
        }) : () -> ()
      } else {
      }
      "tpu.region"() ({
        %run_scoped3A = tpu.sem_alloc : memref<!tpu.dma_semaphore, #tpu.memory_space<semaphore_mem>>
        %dma_start3A_28 = arith.constant 0 : i32
        %dma_start3A_29 = arith.constant 0 : i32
        %dma_start3A_30 = tpu.memref_slice %arg5[%arg1, %dma_start3A_28, %dma_start3A_29] : memref<16x50x80xi32, #tpu.memory_space<hbm>> -> memref<1x50x80xi32, #tpu.memory_space<hbm>>
        %dma_start3A_31 = tpu.memref_squeeze %dma_start3A_30 : memref<1x50x80xi32, #tpu.memory_space<hbm>> -> memref<50x80xi32, #tpu.memory_space<hbm>>
        %dma_start3A_32 = arith.constant 0 : i32
        %dma_start3A_33 = arith.constant 0 : i32
        %dma_start3A_34 = tpu.memref_slice %arg5[%arg1, %dma_start3A_32, %dma_start3A_33] : memref<16x50x80xi32, #tpu.memory_space<hbm>> -> memref<1x50x80xi32, #tpu.memory_space<hbm>>
        %dma_start3A_35 = tpu.memref_squeeze %dma_start3A_34 : memref<1x50x80xi32, #tpu.memory_space<hbm>> -> memref<50x80xi32, #tpu.memory_space<hbm>>
        tpu.enqueue_dma source(%dma_start3A_35 : memref<50x80xi32, #tpu.memory_space<hbm>>) target(%arg8 : memref<50x80xi32, #tpu.memory_space<vmem>>) target_semaphore(%run_scoped3A : memref<!tpu.dma_semaphore, #tpu.memory_space<semaphore_mem>>)
        %dma_wait3A = arith.constant 0 : i32
        %dma_wait3A_36 = arith.constant 0 : i32
        %dma_wait3A_37 = tpu.memref_slice %arg5[%arg1, %dma_wait3A, %dma_wait3A_36] : memref<16x50x80xi32, #tpu.memory_space<hbm>> -> memref<1x50x80xi32, #tpu.memory_space<hbm>>
        %dma_wait3A_38 = tpu.memref_squeeze %dma_wait3A_37 : memref<1x50x80xi32, #tpu.memory_space<hbm>> -> memref<50x80xi32, #tpu.memory_space<hbm>>
        %dma_wait3A_39 = arith.constant 0 : i32
        %dma_wait3A_40 = arith.constant 0 : i32
        %dma_wait3A_41 = tpu.memref_slice %arg5[%arg1, %dma_wait3A_39, %dma_wait3A_40] : memref<16x50x80xi32, #tpu.memory_space<hbm>> -> memref<1x50x80xi32, #tpu.memory_space<hbm>>
        %dma_wait3A_42 = tpu.memref_squeeze %dma_wait3A_41 : memref<1x50x80xi32, #tpu.memory_space<hbm>> -> memref<50x80xi32, #tpu.memory_space<hbm>>
        tpu.wait_dma2 semaphore(%run_scoped3A : memref<!tpu.dma_semaphore, #tpu.memory_space<semaphore_mem>>) src(%dma_wait3A_42 : memref<50x80xi32, #tpu.memory_space<hbm>>) dst(%arg8 : memref<50x80xi32, #tpu.memory_space<vmem>>)
        tpu.yield
      }) : () -> ()
    } else {
    }
    %barrier3A = arith.constant 0 : index
    tpu.barrier barrier_id(%barrier3A)
    %mul3A = arith.constant 4000 : i32
    %mul3A_7 = arith.muli %arg1, %mul3A : i32
    %dma_start3A = arith.constant 0 : i32
    %dma_start3A_8 = arith.constant 0 : i32
    %dma_start3A_9 = tpu.memref_slice %arg8[%dma_start3A, %dma_start3A_8] : memref<50x80xi32, #tpu.memory_space<vmem>> -> memref<1x80xi32, #tpu.memory_space<vmem>>
    %dma_start3A_10 = tpu.memref_squeeze %dma_start3A_9 : memref<1x80xi32, #tpu.memory_space<vmem>> -> memref<80xi32, #tpu.memory_space<vmem>>
    %dma_start3A_11 = arith.constant 0 : i32
    %dma_start3A_12 = arith.constant 0 : i32
    %dma_start3A_13 = tpu.memref_slice %arg11[%dma_start3A_11, %dma_start3A_12] : memref<10000x64xi32, #tpu.memory_space<vmem_shared>> -> memref<10000x64xi32, #tpu.memory_space<vmem_shared>>
    tpu.enqueue_indirect_dma source(%dma_start3A_13 : memref<10000x64xi32, #tpu.memory_space<vmem_shared>>) target(%arg9 : memref<80x64xi32, #tpu.memory_space<vmem>>) offsets(%dma_start3A_10 : memref<80xi32, #tpu.memory_space<vmem>>) semaphore(%arg12 : memref<!tpu.dma_semaphore, #tpu.memory_space<semaphore_mem>>)
    %scan3A = arith.constant 0 : i32
    %scan3A_14 = arith.constant 0 : i32
    %scan3A_15 = arith.constant 50 : i32
    %scan3A_16 = arith.addi %scan3A_14, %scan3A_15 : i32
    %scan3A_17 = arith.constant 1 : i32
    scf.for %scan3A_19 = %scan3A_14 to %scan3A_16 step %scan3A_17  : i32 {
      %rem3A = arith.constant 2 : i32
      %rem3A_20 = arith.remsi %scan3A_19, %rem3A : i32
      %add3A = arith.constant 1 : i32
      %add3A_21 = arith.addi %scan3A_19, %add3A : i32
      %lt3A = arith.constant 50 : i32
      %lt3A_22 = arith.cmpi slt, %add3A_21, %lt3A : i32
      %convert_element_type3A_23 = arith.extui %lt3A_22 : i1 to i32
      %cond3A_24 = arith.constant 0 : i32
      %cond3A_25 = arith.cmpi ne, %convert_element_type3A_23, %cond3A_24 : i32
      scf.if %cond3A_25 {
        %eq3A_36 = arith.constant 0 : i32
        %eq3A_37 = arith.cmpi eq, %rem3A_20, %eq3A_36 : i32
        %convert_element_type3A_38 = arith.extui %eq3A_37 : i1 to i32
        %cond3A_39 = arith.constant 0 : i32
        %cond3A_40 = arith.cmpi ne, %convert_element_type3A_38, %cond3A_39 : i32
        scf.if %cond3A_40 {
          %add3A_46 = arith.constant 1 : i32
          %add3A_47 = arith.addi %scan3A_19, %add3A_46 : i32
          %dma_start3A_48 = arith.constant 0 : i32
          %dma_start3A_49 = tpu.memref_slice %arg8[%add3A_47, %dma_start3A_48] : memref<50x80xi32, #tpu.memory_space<vmem>> -> memref<1x80xi32, #tpu.memory_space<vmem>>
          %dma_start3A_50 = tpu.memref_squeeze %dma_start3A_49 : memref<1x80xi32, #tpu.memory_space<vmem>> -> memref<80xi32, #tpu.memory_space<vmem>>
          %dma_start3A_51 = arith.constant 0 : i32
          %dma_start3A_52 = arith.constant 0 : i32
          %dma_start3A_53 = tpu.memref_slice %arg11[%dma_start3A_51, %dma_start3A_52] : memref<10000x64xi32, #tpu.memory_space<vmem_shared>> -> memref<10000x64xi32, #tpu.memory_space<vmem_shared>>
          tpu.enqueue_indirect_dma source(%dma_start3A_53 : memref<10000x64xi32, #tpu.memory_space<vmem_shared>>) target(%arg10 : memref<80x64xi32, #tpu.memory_space<vmem>>) offsets(%dma_start3A_50 : memref<80xi32, #tpu.memory_space<vmem>>) semaphore(%arg13 : memref<!tpu.dma_semaphore, #tpu.memory_space<semaphore_mem>>)
        } else {
        }
        %eq3A_41 = arith.constant 1 : i32
        %eq3A_42 = arith.cmpi eq, %rem3A_20, %eq3A_41 : i32
        %convert_element_type3A_43 = arith.extui %eq3A_42 : i1 to i32
        %cond3A_44 = arith.constant 0 : i32
        %cond3A_45 = arith.cmpi ne, %convert_element_type3A_43, %cond3A_44 : i32
        scf.if %cond3A_45 {
          %add3A_46 = arith.constant 1 : i32
          %add3A_47 = arith.addi %scan3A_19, %add3A_46 : i32
          %dma_start3A_48 = arith.constant 0 : i32
          %dma_start3A_49 = tpu.memref_slice %arg8[%add3A_47, %dma_start3A_48] : memref<50x80xi32, #tpu.memory_space<vmem>> -> memref<1x80xi32, #tpu.memory_space<vmem>>
          %dma_start3A_50 = tpu.memref_squeeze %dma_start3A_49 : memref<1x80xi32, #tpu.memory_space<vmem>> -> memref<80xi32, #tpu.memory_space<vmem>>
          %dma_start3A_51 = arith.constant 0 : i32
          %dma_start3A_52 = arith.constant 0 : i32
          %dma_start3A_53 = tpu.memref_slice %arg11[%dma_start3A_51, %dma_start3A_52] : memref<10000x64xi32, #tpu.memory_space<vmem_shared>> -> memref<10000x64xi32, #tpu.memory_space<vmem_shared>>
          tpu.enqueue_indirect_dma source(%dma_start3A_53 : memref<10000x64xi32, #tpu.memory_space<vmem_shared>>) target(%arg9 : memref<80x64xi32, #tpu.memory_space<vmem>>) offsets(%dma_start3A_50 : memref<80xi32, #tpu.memory_space<vmem>>) semaphore(%arg12 : memref<!tpu.dma_semaphore, #tpu.memory_space<semaphore_mem>>)
        } else {
        }
      } else {
      }
      %eq3A_26 = arith.constant 0 : i32
      %eq3A_27 = arith.cmpi eq, %rem3A_20, %eq3A_26 : i32
      %convert_element_type3A_28 = arith.extui %eq3A_27 : i1 to i32
      %cond3A_29 = arith.constant 0 : i32
      %cond3A_30 = arith.cmpi ne, %convert_element_type3A_28, %cond3A_29 : i32
      scf.if %cond3A_30 {
        %dma_wait3A = arith.constant 0 : i32
        %dma_wait3A_36 = tpu.memref_slice %arg8[%scan3A_19, %dma_wait3A] : memref<50x80xi32, #tpu.memory_space<vmem>> -> memref<1x80xi32, #tpu.memory_space<vmem>>
        %dma_wait3A_37 = tpu.memref_squeeze %dma_wait3A_36 : memref<1x80xi32, #tpu.memory_space<vmem>> -> memref<80xi32, #tpu.memory_space<vmem>>
        %dma_wait3A_38 = arith.constant 0 : i32
        %dma_wait3A_39 = arith.constant 0 : i32
        %dma_wait3A_40 = tpu.memref_slice %arg11[%dma_wait3A_38, %dma_wait3A_39] : memref<10000x64xi32, #tpu.memory_space<vmem_shared>> -> memref<10000x64xi32, #tpu.memory_space<vmem_shared>>
        tpu.wait_indirect_dma semaphore(%arg12 : memref<!tpu.dma_semaphore, #tpu.memory_space<semaphore_mem>>) src(%dma_wait3A_40 : memref<10000x64xi32, #tpu.memory_space<vmem_shared>>) dst(%arg9 : memref<80x64xi32, #tpu.memory_space<vmem>>)
        %mul3A_41 = arith.constant 80 : i32
        %mul3A_42 = arith.muli %scan3A_19, %mul3A_41 : i32
        %add3A_43 = arith.addi %mul3A_7, %mul3A_42 : i32
        %eq3A_44 = arith.constant 0 : i32
        %eq3A_45 = arith.cmpi eq, %arg0, %eq3A_44 : i32
        %convert_element_type3A_46 = arith.extui %eq3A_45 : i1 to i32
        %cond3A_47 = arith.constant 0 : i32
        %cond3A_48 = arith.cmpi ne, %convert_element_type3A_46, %cond3A_47 : i32
        scf.if %cond3A_48 {
          "tpu.region"() ({
            %run_scoped3A = tpu.sem_alloc : memref<!tpu.dma_semaphore, #tpu.memory_space<semaphore_mem>>
            %dma_start3A_54 = arith.constant 0 : i32
            %dma_start3A_55 = tpu.memref_slice %arg6[%add3A_43, %dma_start3A_54] : memref<64000x64xi32, #tpu.memory_space<hbm>> -> memref<80x64xi32, #tpu.memory_space<hbm>>
            %dma_start3A_56 = arith.constant 0 : i32
            %dma_start3A_57 = tpu.memref_slice %arg6[%add3A_43, %dma_start3A_56] : memref<64000x64xi32, #tpu.memory_space<hbm>> -> memref<80x64xi32, #tpu.memory_space<hbm>>
            tpu.enqueue_dma source(%arg9 : memref<80x64xi32, #tpu.memory_space<vmem>>) target(%dma_start3A_57 : memref<80x64xi32, #tpu.memory_space<hbm>>) target_semaphore(%run_scoped3A : memref<!tpu.dma_semaphore, #tpu.memory_space<semaphore_mem>>)
            %dma_wait3A_58 = arith.constant 0 : i32
            %dma_wait3A_59 = tpu.memref_slice %arg6[%add3A_43, %dma_wait3A_58] : memref<64000x64xi32, #tpu.memory_space<hbm>> -> memref<80x64xi32, #tpu.memory_space<hbm>>
            %dma_wait3A_60 = arith.constant 0 : i32
            %dma_wait3A_61 = tpu.memref_slice %arg6[%add3A_43, %dma_wait3A_60] : memref<64000x64xi32, #tpu.memory_space<hbm>> -> memref<80x64xi32, #tpu.memory_space<hbm>>
            tpu.wait_dma2 semaphore(%run_scoped3A : memref<!tpu.dma_semaphore, #tpu.memory_space<semaphore_mem>>) src(%arg9 : memref<80x64xi32, #tpu.memory_space<vmem>>) dst(%dma_wait3A_61 : memref<80x64xi32, #tpu.memory_space<hbm>>)
            tpu.yield
          }) : () -> ()
        } else {
        }
        %eq3A_49 = arith.constant 1 : i32
        %eq3A_50 = arith.cmpi eq, %arg0, %eq3A_49 : i32
        %convert_element_type3A_51 = arith.extui %eq3A_50 : i1 to i32
        %cond3A_52 = arith.constant 0 : i32
        %cond3A_53 = arith.cmpi ne, %convert_element_type3A_51, %cond3A_52 : i32
        scf.if %cond3A_53 {
          "tpu.region"() ({
            %run_scoped3A = tpu.sem_alloc : memref<!tpu.dma_semaphore, #tpu.memory_space<semaphore_mem>>
            %dma_start3A_54 = arith.constant 0 : i32
            %dma_start3A_55 = tpu.memref_slice %arg7[%add3A_43, %dma_start3A_54] : memref<64000x64xi32, #tpu.memory_space<hbm>> -> memref<80x64xi32, #tpu.memory_space<hbm>>
            %dma_start3A_56 = arith.constant 0 : i32
            %dma_start3A_57 = tpu.memref_slice %arg7[%add3A_43, %dma_start3A_56] : memref<64000x64xi32, #tpu.memory_space<hbm>> -> memref<80x64xi32, #tpu.memory_space<hbm>>
            tpu.enqueue_dma source(%arg9 : memref<80x64xi32, #tpu.memory_space<vmem>>) target(%dma_start3A_57 : memref<80x64xi32, #tpu.memory_space<hbm>>) target_semaphore(%run_scoped3A : memref<!tpu.dma_semaphore, #tpu.memory_space<semaphore_mem>>)
            %dma_wait3A_58 = arith.constant 0 : i32
            %dma_wait3A_59 = tpu.memref_slice %arg7[%add3A_43, %dma_wait3A_58] : memref<64000x64xi32, #tpu.memory_space<hbm>> -> memref<80x64xi32, #tpu.memory_space<hbm>>
            %dma_wait3A_60 = arith.constant 0 : i32
            %dma_wait3A_61 = tpu.memref_slice %arg7[%add3A_43, %dma_wait3A_60] : memref<64000x64xi32, #tpu.memory_space<hbm>> -> memref<80x64xi32, #tpu.memory_space<hbm>>
            tpu.wait_dma2 semaphore(%run_scoped3A : memref<!tpu.dma_semaphore, #tpu.memory_space<semaphore_mem>>) src(%arg9 : memref<80x64xi32, #tpu.memory_space<vmem>>) dst(%dma_wait3A_61 : memref<80x64xi32, #tpu.memory_space<hbm>>)
            tpu.yield
          }) : () -> ()
        } else {
        }
      } else {
      }
      %eq3A_31 = arith.constant 1 : i32
      %eq3A_32 = arith.cmpi eq, %rem3A_20, %eq3A_31 : i32
      %convert_element_type3A_33 = arith.extui %eq3A_32 : i1 to i32
      %cond3A_34 = arith.constant 0 : i32
      %cond3A_35 = arith.cmpi ne, %convert_element_type3A_33, %cond3A_34 : i32
      scf.if %cond3A_35 {
        %dma_wait3A = arith.constant 0 : i32
        %dma_wait3A_36 = tpu.memref_slice %arg8[%scan3A_19, %dma_wait3A] : memref<50x80xi32, #tpu.memory_space<vmem>> -> memref<1x80xi32, #tpu.memory_space<vmem>>
        %dma_wait3A_37 = tpu.memref_squeeze %dma_wait3A_36 : memref<1x80xi32, #tpu.memory_space<vmem>> -> memref<80xi32, #tpu.memory_space<vmem>>
        %dma_wait3A_38 = arith.constant 0 : i32
        %dma_wait3A_39 = arith.constant 0 : i32
        %dma_wait3A_40 = tpu.memref_slice %arg11[%dma_wait3A_38, %dma_wait3A_39] : memref<10000x64xi32, #tpu.memory_space<vmem_shared>> -> memref<10000x64xi32, #tpu.memory_space<vmem_shared>>
        tpu.wait_indirect_dma semaphore(%arg13 : memref<!tpu.dma_semaphore, #tpu.memory_space<semaphore_mem>>) src(%dma_wait3A_40 : memref<10000x64xi32, #tpu.memory_space<vmem_shared>>) dst(%arg10 : memref<80x64xi32, #tpu.memory_space<vmem>>)
        %mul3A_41 = arith.constant 80 : i32
        %mul3A_42 = arith.muli %scan3A_19, %mul3A_41 : i32
        %add3A_43 = arith.addi %mul3A_7, %mul3A_42 : i32
        %eq3A_44 = arith.constant 0 : i32
        %eq3A_45 = arith.cmpi eq, %arg0, %eq3A_44 : i32
        %convert_element_type3A_46 = arith.extui %eq3A_45 : i1 to i32
        %cond3A_47 = arith.constant 0 : i32
        %cond3A_48 = arith.cmpi ne, %convert_element_type3A_46, %cond3A_47 : i32
        scf.if %cond3A_48 {
          "tpu.region"() ({
            %run_scoped3A = tpu.sem_alloc : memref<!tpu.dma_semaphore, #tpu.memory_space<semaphore_mem>>
            %dma_start3A_54 = arith.constant 0 : i32
            %dma_start3A_55 = tpu.memref_slice %arg6[%add3A_43, %dma_start3A_54] : memref<64000x64xi32, #tpu.memory_space<hbm>> -> memref<80x64xi32, #tpu.memory_space<hbm>>
            %dma_start3A_56 = arith.constant 0 : i32
            %dma_start3A_57 = tpu.memref_slice %arg6[%add3A_43, %dma_start3A_56] : memref<64000x64xi32, #tpu.memory_space<hbm>> -> memref<80x64xi32, #tpu.memory_space<hbm>>
            tpu.enqueue_dma source(%arg10 : memref<80x64xi32, #tpu.memory_space<vmem>>) target(%dma_start3A_57 : memref<80x64xi32, #tpu.memory_space<hbm>>) target_semaphore(%run_scoped3A : memref<!tpu.dma_semaphore, #tpu.memory_space<semaphore_mem>>)
            %dma_wait3A_58 = arith.constant 0 : i32
            %dma_wait3A_59 = tpu.memref_slice %arg6[%add3A_43, %dma_wait3A_58] : memref<64000x64xi32, #tpu.memory_space<hbm>> -> memref<80x64xi32, #tpu.memory_space<hbm>>
            %dma_wait3A_60 = arith.constant 0 : i32
            %dma_wait3A_61 = tpu.memref_slice %arg6[%add3A_43, %dma_wait3A_60] : memref<64000x64xi32, #tpu.memory_space<hbm>> -> memref<80x64xi32, #tpu.memory_space<hbm>>
            tpu.wait_dma2 semaphore(%run_scoped3A : memref<!tpu.dma_semaphore, #tpu.memory_space<semaphore_mem>>) src(%arg10 : memref<80x64xi32, #tpu.memory_space<vmem>>) dst(%dma_wait3A_61 : memref<80x64xi32, #tpu.memory_space<hbm>>)
            tpu.yield
          }) : () -> ()
        } else {
        }
        %eq3A_49 = arith.constant 1 : i32
        %eq3A_50 = arith.cmpi eq, %arg0, %eq3A_49 : i32
        %convert_element_type3A_51 = arith.extui %eq3A_50 : i1 to i32
        %cond3A_52 = arith.constant 0 : i32
        %cond3A_53 = arith.cmpi ne, %convert_element_type3A_51, %cond3A_52 : i32
        scf.if %cond3A_53 {
          "tpu.region"() ({
            %run_scoped3A = tpu.sem_alloc : memref<!tpu.dma_semaphore, #tpu.memory_space<semaphore_mem>>
            %dma_start3A_54 = arith.constant 0 : i32
            %dma_start3A_55 = tpu.memref_slice %arg7[%add3A_43, %dma_start3A_54] : memref<64000x64xi32, #tpu.memory_space<hbm>> -> memref<80x64xi32, #tpu.memory_space<hbm>>
            %dma_start3A_56 = arith.constant 0 : i32
            %dma_start3A_57 = tpu.memref_slice %arg7[%add3A_43, %dma_start3A_56] : memref<64000x64xi32, #tpu.memory_space<hbm>> -> memref<80x64xi32, #tpu.memory_space<hbm>>
            tpu.enqueue_dma source(%arg10 : memref<80x64xi32, #tpu.memory_space<vmem>>) target(%dma_start3A_57 : memref<80x64xi32, #tpu.memory_space<hbm>>) target_semaphore(%run_scoped3A : memref<!tpu.dma_semaphore, #tpu.memory_space<semaphore_mem>>)
            %dma_wait3A_58 = arith.constant 0 : i32
            %dma_wait3A_59 = tpu.memref_slice %arg7[%add3A_43, %dma_wait3A_58] : memref<64000x64xi32, #tpu.memory_space<hbm>> -> memref<80x64xi32, #tpu.memory_space<hbm>>
            %dma_wait3A_60 = arith.constant 0 : i32
            %dma_wait3A_61 = tpu.memref_slice %arg7[%add3A_43, %dma_wait3A_60] : memref<64000x64xi32, #tpu.memory_space<hbm>> -> memref<80x64xi32, #tpu.memory_space<hbm>>
            tpu.wait_dma2 semaphore(%run_scoped3A : memref<!tpu.dma_semaphore, #tpu.memory_space<semaphore_mem>>) src(%arg10 : memref<80x64xi32, #tpu.memory_space<vmem>>) dst(%dma_wait3A_61 : memref<80x64xi32, #tpu.memory_space<hbm>>)
            tpu.yield
          }) : () -> ()
        } else {
        }
      } else {
      }
    }
    %scan3A_18 = arith.constant 50 : i32
    return
  }
}

#map = affine_map<(d0, d1) -> (0, 0)>
#map1 = affine_map<(d0, d1) -> (0, 0, 0)>
module attributes {stable_mosaic.version = 14 : i64} {
  func.func @_gather_sc(%arg0: i32, %arg1: i32, %arg2: memref<10000x64xi32, #tpu.memory_space<hbm>>, %arg3: memref<10000x64xi32, #tpu.memory_space<hbm>>, %arg4: memref<16x50x80xi32, #tpu.memory_space<hbm>>, %arg5: memref<16x50x80xi32, #tpu.memory_space<hbm>>, %arg6: memref<64000x64xi32, #tpu.memory_space<hbm>>, %arg7: memref<64000x64xi32, #tpu.memory_space<hbm>>, %arg8: memref<50x80xi32, #tpu.memory_space<vmem>>, %arg9: memref<80x64xi32, #tpu.memory_space<vmem>>, %arg10: memref<80x64xi32, #tpu.memory_space<vmem>>, %arg11: memref<10000x64xi32, #tpu.memory_space<vmem_shared>>, %arg12: memref<!tpu.dma_semaphore, #tpu.memory_space<semaphore_mem>>, %arg13: memref<!tpu.dma_semaphore, #tpu.memory_space<semaphore_mem>>) attributes {dimension_semantics = [#tpu.dimension_semantics<core_parallel>, #tpu.dimension_semantics<subcore_parallel>], iteration_bounds = array<i64: 2, 16>, scalar_prefetch = 0 : i64, scratch_operands = 6 : i64, tpu.core_type = #tpu.core_type<sc_vector_subcore>, window_params = [{transform_indices = #map}, {transform_indices = #map}, {transform_indices = #map1}, {transform_indices = #map1}, {transform_indices = #map}, {transform_indices = #map}]} {
    %eq3A = arith.constant 0 : i32
    %eq3A_0 = arith.cmpi eq, %arg0, %eq3A : i32
    %convert_element_type3A = arith.extui %eq3A_0 : i1 to i32
    %cond3A = arith.constant 0 : i32
    %cond3A_1 = arith.cmpi ne, %convert_element_type3A, %cond3A : i32
    scf.if %cond3A_1 {
      %mul3A_19 = arith.constant 624 : i32
      %mul3A_20 = arith.muli %arg1, %mul3A_19 : i32
      %mul3A_21 = arith.constant 624 : i32
      %mul3A_22 = arith.muli %arg1, %mul3A_21 : i32
      "tpu.region"() ({
        %run_scoped3A = tpu.sem_alloc : memref<!tpu.dma_semaphore, #tpu.memory_space<semaphore_mem>>
        %dma_start3A_28 = arith.constant 0 : i32
        %dma_start3A_29 = tpu.memref_slice %arg11[%mul3A_22, %dma_start3A_28] : memref<10000x64xi32, #tpu.memory_space<vmem_shared>> -> memref<624x64xi32, #tpu.memory_space<vmem_shared>>
        %dma_start3A_30 = arith.constant 0 : i32
        %dma_start3A_31 = tpu.memref_slice %arg2[%mul3A_20, %dma_start3A_30] : memref<10000x64xi32, #tpu.memory_space<hbm>> -> memref<624x64xi32, #tpu.memory_space<hbm>>
        tpu.enqueue_dma source(%dma_start3A_31 : memref<624x64xi32, #tpu.memory_space<hbm>>) target(%dma_start3A_29 : memref<624x64xi32, #tpu.memory_space<vmem_shared>>) target_semaphore(%run_scoped3A : memref<!tpu.dma_semaphore, #tpu.memory_space<semaphore_mem>>)
        %dma_wait3A = arith.constant 0 : i32
        %dma_wait3A_32 = tpu.memref_slice %arg11[%mul3A_22, %dma_wait3A] : memref<10000x64xi32, #tpu.memory_space<vmem_shared>> -> memref<624x64xi32, #tpu.memory_space<vmem_shared>>
        %dma_wait3A_33 = arith.constant 0 : i32
        %dma_wait3A_34 = tpu.memref_slice %arg2[%mul3A_20, %dma_wait3A_33] : memref<10000x64xi32, #tpu.memory_space<hbm>> -> memref<624x64xi32, #tpu.memory_space<hbm>>
        tpu.wait_dma2 semaphore(%run_scoped3A : memref<!tpu.dma_semaphore, #tpu.memory_space<semaphore_mem>>) src(%dma_wait3A_34 : memref<624x64xi32, #tpu.memory_space<hbm>>) dst(%dma_wait3A_32 : memref<624x64xi32, #tpu.memory_space<vmem_shared>>)
        tpu.yield
      }) : () -> ()
      %eq3A_23 = arith.constant 15 : i32
      %eq3A_24 = arith.cmpi eq, %arg1, %eq3A_23 : i32
      %convert_element_type3A_25 = arith.extui %eq3A_24 : i1 to i32
      %cond3A_26 = arith.constant 0 : i32
      %cond3A_27 = arith.cmpi ne, %convert_element_type3A_25, %cond3A_26 : i32
      scf.if %cond3A_27 {
        "tpu.region"() ({
          %run_scoped3A = tpu.sem_alloc : memref<!tpu.dma_semaphore, #tpu.memory_space<semaphore_mem>>
          %dma_start3A_28 = arith.constant 9984 : i32
          %dma_start3A_29 = arith.constant 0 : i32
          %dma_start3A_30 = tpu.memref_slice %arg11[%dma_start3A_28, %dma_start3A_29] : memref<10000x64xi32, #tpu.memory_space<vmem_shared>> -> memref<16x64xi32, #tpu.memory_space<vmem_shared>>
          %dma_start3A_31 = arith.constant 9984 : i32
          %dma_start3A_32 = arith.constant 0 : i32
          %dma_start3A_33 = tpu.memref_slice %arg2[%dma_start3A_31, %dma_start3A_32] : memref<10000x64xi32, #tpu.memory_space<hbm>> -> memref<16x64xi32, #tpu.memory_space<hbm>>
          tpu.enqueue_dma source(%dma_start3A_33 : memref<16x64xi32, #tpu.memory_space<hbm>>) target(%dma_start3A_30 : memref<16x64xi32, #tpu.memory_space<vmem_shared>>) target_semaphore(%run_scoped3A : memref<!tpu.dma_semaphore, #tpu.memory_space<semaphore_mem>>)
          %dma_wait3A = arith.constant 9984 : i32
          %dma_wait3A_34 = arith.constant 0 : i32
          %dma_wait3A_35 = tpu.memref_slice %arg11[%dma_wait3A, %dma_wait3A_34] : memref<10000x64xi32, #tpu.memory_space<vmem_shared>> -> memref<16x64xi32, #tpu.memory_space<vmem_shared>>
          %dma_wait3A_36 = arith.constant 9984 : i32
          %dma_wait3A_37 = arith.constant 0 : i32
          %dma_wait3A_38 = tpu.memref_slice %arg2[%dma_wait3A_36, %dma_wait3A_37] : memref<10000x64xi32, #tpu.memory_space<hbm>> -> memref<16x64xi32, #tpu.memory_space<hbm>>
          tpu.wait_dma2 semaphore(%run_scoped3A : memref<!tpu.dma_semaphore, #tpu.memory_space<semaphore_mem>>) src(%dma_wait3A_38 : memref<16x64xi32, #tpu.memory_space<hbm>>) dst(%dma_wait3A_35 : memref<16x64xi32, #tpu.memory_space<vmem_shared>>)
          tpu.yield
        }) : () -> ()
      } else {
      }
      "tpu.region"() ({
        %run_scoped3A = tpu.sem_alloc : memref<!tpu.dma_semaphore, #tpu.memory_space<semaphore_mem>>
        %dma_start3A_28 = arith.constant 0 : i32
        %dma_start3A_29 = arith.constant 0 : i32
        %dma_start3A_30 = tpu.memref_slice %arg4[%arg1, %dma_start3A_28, %dma_start3A_29] : memref<16x50x80xi32, #tpu.memory_space<hbm>> -> memref<1x50x80xi32, #tpu.memory_space<hbm>>
        %dma_start3A_31 = tpu.memref_squeeze %dma_start3A_30 : memref<1x50x80xi32, #tpu.memory_space<hbm>> -> memref<50x80xi32, #tpu.memory_space<hbm>>
        %dma_start3A_32 = arith.constant 0 : i32
        %dma_start3A_33 = arith.constant 0 : i32
        %dma_start3A_34 = tpu.memref_slice %arg4[%arg1, %dma_start3A_32, %dma_start3A_33] : memref<16x50x80xi32, #tpu.memory_space<hbm>> -> memref<1x50x80xi32, #tpu.memory_space<hbm>>
        %dma_start3A_35 = tpu.memref_squeeze %dma_start3A_34 : memref<1x50x80xi32, #tpu.memory_space<hbm>> -> memref<50x80xi32, #tpu.memory_space<hbm>>
        tpu.enqueue_dma source(%dma_start3A_35 : memref<50x80xi32, #tpu.memory_space<hbm>>) target(%arg8 : memref<50x80xi32, #tpu.memory_space<vmem>>) target_semaphore(%run_scoped3A : memref<!tpu.dma_semaphore, #tpu.memory_space<semaphore_mem>>)
        %dma_wait3A = arith.constant 0 : i32
        %dma_wait3A_36 = arith.constant 0 : i32
        %dma_wait3A_37 = tpu.memref_slice %arg4[%arg1, %dma_wait3A, %dma_wait3A_36] : memref<16x50x80xi32, #tpu.memory_space<hbm>> -> memref<1x50x80xi32, #tpu.memory_space<hbm>>
        %dma_wait3A_38 = tpu.memref_squeeze %dma_wait3A_37 : memref<1x50x80xi32, #tpu.memory_space<hbm>> -> memref<50x80xi32, #tpu.memory_space<hbm>>
        %dma_wait3A_39 = arith.constant 0 : i32
        %dma_wait3A_40 = arith.constant 0 : i32
        %dma_wait3A_41 = tpu.memref_slice %arg4[%arg1, %dma_wait3A_39, %dma_wait3A_40] : memref<16x50x80xi32, #tpu.memory_space<hbm>> -> memref<1x50x80xi32, #tpu.memory_space<hbm>>
        %dma_wait3A_42 = tpu.memref_squeeze %dma_wait3A_41 : memref<1x50x80xi32, #tpu.memory_space<hbm>> -> memref<50x80xi32, #tpu.memory_space<hbm>>
        tpu.wait_dma2 semaphore(%run_scoped3A : memref<!tpu.dma_semaphore, #tpu.memory_space<semaphore_mem>>) src(%dma_wait3A_42 : memref<50x80xi32, #tpu.memory_space<hbm>>) dst(%arg8 : memref<50x80xi32, #tpu.memory_space<vmem>>)
        tpu.yield
      }) : () -> ()
    } else {
    }
    %eq3A_2 = arith.constant 1 : i32
    %eq3A_3 = arith.cmpi eq, %arg0, %eq3A_2 : i32
    %convert_element_type3A_4 = arith.extui %eq3A_3 : i1 to i32
    %cond3A_5 = arith.constant 0 : i32
    %cond3A_6 = arith.cmpi ne, %convert_element_type3A_4, %cond3A_5 : i32
    scf.if %cond3A_6 {
      %mul3A_19 = arith.constant 624 : i32
      %mul3A_20 = arith.muli %arg1, %mul3A_19 : i32
      %mul3A_21 = arith.constant 624 : i32
      %mul3A_22 = arith.muli %arg1, %mul3A_21 : i32
      "tpu.region"() ({
        %run_scoped3A = tpu.sem_alloc : memref<!tpu.dma_semaphore, #tpu.memory_space<semaphore_mem>>
        %dma_start3A_28 = arith.constant 0 : i32
        %dma_start3A_29 = tpu.memref_slice %arg11[%mul3A_22, %dma_start3A_28] : memref<10000x64xi32, #tpu.memory_space<vmem_shared>> -> memref<624x64xi32, #tpu.memory_space<vmem_shared>>
        %dma_start3A_30 = arith.constant 0 : i32
        %dma_start3A_31 = tpu.memref_slice %arg3[%mul3A_20, %dma_start3A_30] : memref<10000x64xi32, #tpu.memory_space<hbm>> -> memref<624x64xi32, #tpu.memory_space<hbm>>
        tpu.enqueue_dma source(%dma_start3A_31 : memref<624x64xi32, #tpu.memory_space<hbm>>) target(%dma_start3A_29 : memref<624x64xi32, #tpu.memory_space<vmem_shared>>) target_semaphore(%run_scoped3A : memref<!tpu.dma_semaphore, #tpu.memory_space<semaphore_mem>>)
        %dma_wait3A = arith.constant 0 : i32
        %dma_wait3A_32 = tpu.memref_slice %arg11[%mul3A_22, %dma_wait3A] : memref<10000x64xi32, #tpu.memory_space<vmem_shared>> -> memref<624x64xi32, #tpu.memory_space<vmem_shared>>
        %dma_wait3A_33 = arith.constant 0 : i32
        %dma_wait3A_34 = tpu.memref_slice %arg3[%mul3A_20, %dma_wait3A_33] : memref<10000x64xi32, #tpu.memory_space<hbm>> -> memref<624x64xi32, #tpu.memory_space<hbm>>
        tpu.wait_dma2 semaphore(%run_scoped3A : memref<!tpu.dma_semaphore, #tpu.memory_space<semaphore_mem>>) src(%dma_wait3A_34 : memref<624x64xi32, #tpu.memory_space<hbm>>) dst(%dma_wait3A_32 : memref<624x64xi32, #tpu.memory_space<vmem_shared>>)
        tpu.yield
      }) : () -> ()
      %eq3A_23 = arith.constant 15 : i32
      %eq3A_24 = arith.cmpi eq, %arg1, %eq3A_23 : i32
      %convert_element_type3A_25 = arith.extui %eq3A_24 : i1 to i32
      %cond3A_26 = arith.constant 0 : i32
      %cond3A_27 = arith.cmpi ne, %convert_element_type3A_25, %cond3A_26 : i32
      scf.if %cond3A_27 {
        "tpu.region"() ({
          %run_scoped3A = tpu.sem_alloc : memref<!tpu.dma_semaphore, #tpu.memory_space<semaphore_mem>>
          %dma_start3A_28 = arith.constant 9984 : i32
          %dma_start3A_29 = arith.constant 0 : i32
          %dma_start3A_30 = tpu.memref_slice %arg11[%dma_start3A_28, %dma_start3A_29] : memref<10000x64xi32, #tpu.memory_space<vmem_shared>> -> memref<16x64xi32, #tpu.memory_space<vmem_shared>>
          %dma_start3A_31 = arith.constant 9984 : i32
          %dma_start3A_32 = arith.constant 0 : i32
          %dma_start3A_33 = tpu.memref_slice %arg3[%dma_start3A_31, %dma_start3A_32] : memref<10000x64xi32, #tpu.memory_space<hbm>> -> memref<16x64xi32, #tpu.memory_space<hbm>>
          tpu.enqueue_dma source(%dma_start3A_33 : memref<16x64xi32, #tpu.memory_space<hbm>>) target(%dma_start3A_30 : memref<16x64xi32, #tpu.memory_space<vmem_shared>>) target_semaphore(%run_scoped3A : memref<!tpu.dma_semaphore, #tpu.memory_space<semaphore_mem>>)
          %dma_wait3A = arith.constant 9984 : i32
          %dma_wait3A_34 = arith.constant 0 : i32
          %dma_wait3A_35 = tpu.memref_slice %arg11[%dma_wait3A, %dma_wait3A_34] : memref<10000x64xi32, #tpu.memory_space<vmem_shared>> -> memref<16x64xi32, #tpu.memory_space<vmem_shared>>
          %dma_wait3A_36 = arith.constant 9984 : i32
          %dma_wait3A_37 = arith.constant 0 : i32
          %dma_wait3A_38 = tpu.memref_slice %arg3[%dma_wait3A_36, %dma_wait3A_37] : memref<10000x64xi32, #tpu.memory_space<hbm>> -> memref<16x64xi32, #tpu.memory_space<hbm>>
          tpu.wait_dma2 semaphore(%run_scoped3A : memref<!tpu.dma_semaphore, #tpu.memory_space<semaphore_mem>>) src(%dma_wait3A_38 : memref<16x64xi32, #tpu.memory_space<hbm>>) dst(%dma_wait3A_35 : memref<16x64xi32, #tpu.memory_space<vmem_shared>>)
          tpu.yield
        }) : () -> ()
      } else {
      }
      "tpu.region"() ({
        %run_scoped3A = tpu.sem_alloc : memref<!tpu.dma_semaphore, #tpu.memory_space<semaphore_mem>>
        %dma_start3A_28 = arith.constant 0 : i32
        %dma_start3A_29 = arith.constant 0 : i32
        %dma_start3A_30 = tpu.memref_slice %arg5[%arg1, %dma_start3A_28, %dma_start3A_29] : memref<16x50x80xi32, #tpu.memory_space<hbm>> -> memref<1x50x80xi32, #tpu.memory_space<hbm>>
        %dma_start3A_31 = tpu.memref_squeeze %dma_start3A_30 : memref<1x50x80xi32, #tpu.memory_space<hbm>> -> memref<50x80xi32, #tpu.memory_space<hbm>>
        %dma_start3A_32 = arith.constant 0 : i32
        %dma_start3A_33 = arith.constant 0 : i32
        %dma_start3A_34 = tpu.memref_slice %arg5[%arg1, %dma_start3A_32, %dma_start3A_33] : memref<16x50x80xi32, #tpu.memory_space<hbm>> -> memref<1x50x80xi32, #tpu.memory_space<hbm>>
        %dma_start3A_35 = tpu.memref_squeeze %dma_start3A_34 : memref<1x50x80xi32, #tpu.memory_space<hbm>> -> memref<50x80xi32, #tpu.memory_space<hbm>>
        tpu.enqueue_dma source(%dma_start3A_35 : memref<50x80xi32, #tpu.memory_space<hbm>>) target(%arg8 : memref<50x80xi32, #tpu.memory_space<vmem>>) target_semaphore(%run_scoped3A : memref<!tpu.dma_semaphore, #tpu.memory_space<semaphore_mem>>)
        %dma_wait3A = arith.constant 0 : i32
        %dma_wait3A_36 = arith.constant 0 : i32
        %dma_wait3A_37 = tpu.memref_slice %arg5[%arg1, %dma_wait3A, %dma_wait3A_36] : memref<16x50x80xi32, #tpu.memory_space<hbm>> -> memref<1x50x80xi32, #tpu.memory_space<hbm>>
        %dma_wait3A_38 = tpu.memref_squeeze %dma_wait3A_37 : memref<1x50x80xi32, #tpu.memory_space<hbm>> -> memref<50x80xi32, #tpu.memory_space<hbm>>
        %dma_wait3A_39 = arith.constant 0 : i32
        %dma_wait3A_40 = arith.constant 0 : i32
        %dma_wait3A_41 = tpu.memref_slice %arg5[%arg1, %dma_wait3A_39, %dma_wait3A_40] : memref<16x50x80xi32, #tpu.memory_space<hbm>> -> memref<1x50x80xi32, #tpu.memory_space<hbm>>
        %dma_wait3A_42 = tpu.memref_squeeze %dma_wait3A_41 : memref<1x50x80xi32, #tpu.memory_space<hbm>> -> memref<50x80xi32, #tpu.memory_space<hbm>>
        tpu.wait_dma2 semaphore(%run_scoped3A : memref<!tpu.dma_semaphore, #tpu.memory_space<semaphore_mem>>) src(%dma_wait3A_42 : memref<50x80xi32, #tpu.memory_space<hbm>>) dst(%arg8 : memref<50x80xi32, #tpu.memory_space<vmem>>)
        tpu.yield
      }) : () -> ()
    } else {
    }
    %barrier3A = arith.constant 0 : index
    tpu.barrier barrier_id(%barrier3A)
    %mul3A = arith.constant 4000 : i32
    %mul3A_7 = arith.muli %arg1, %mul3A : i32
    %dma_start3A = arith.constant 0 : i32
    %dma_start3A_8 = arith.constant 0 : i32
    %dma_start3A_9 = tpu.memref_slice %arg8[%dma_start3A, %dma_start3A_8] : memref<50x80xi32, #tpu.memory_space<vmem>> -> memref<1x80xi32, #tpu.memory_space<vmem>>
    %dma_start3A_10 = tpu.memref_squeeze %dma_start3A_9 : memref<1x80xi32, #tpu.memory_space<vmem>> -> memref<80xi32, #tpu.memory_space<vmem>>
    %dma_start3A_11 = arith.constant 0 : i32
    %dma_start3A_12 = arith.constant 0 : i32
    %dma_start3A_13 = tpu.memref_slice %arg11[%dma_start3A_11, %dma_start3A_12] : memref<10000x64xi32, #tpu.memory_space<vmem_shared>> -> memref<10000x64xi32, #tpu.memory_space<vmem_shared>>
    tpu.enqueue_indirect_dma source(%dma_start3A_13 : memref<10000x64xi32, #tpu.memory_space<vmem_shared>>) target(%arg9 : memref<80x64xi32, #tpu.memory_space<vmem>>) offsets(%dma_start3A_10 : memref<80xi32, #tpu.memory_space<vmem>>) semaphore(%arg12 : memref<!tpu.dma_semaphore, #tpu.memory_space<semaphore_mem>>)
    %scan3A = arith.constant 0 : i32
    %scan3A_14 = arith.constant 0 : i32
    %scan3A_15 = arith.constant 50 : i32
    %scan3A_16 = arith.addi %scan3A_14, %scan3A_15 : i32
    %scan3A_17 = arith.constant 1 : i32
    scf.for %scan3A_19 = %scan3A_14 to %scan3A_16 step %scan3A_17  : i32 {
      %rem3A = arith.constant 2 : i32
      %rem3A_20 = arith.remsi %scan3A_19, %rem3A : i32
      %add3A = arith.constant 1 : i32
      %add3A_21 = arith.addi %scan3A_19, %add3A : i32
      %lt3A = arith.constant 50 : i32
      %lt3A_22 = arith.cmpi slt, %add3A_21, %lt3A : i32
      %convert_element_type3A_23 = arith.extui %lt3A_22 : i1 to i32
      %cond3A_24 = arith.constant 0 : i32
      %cond3A_25 = arith.cmpi ne, %convert_element_type3A_23, %cond3A_24 : i32
      scf.if %cond3A_25 {
        %eq3A_36 = arith.constant 0 : i32
        %eq3A_37 = arith.cmpi eq, %rem3A_20, %eq3A_36 : i32
        %convert_element_type3A_38 = arith.extui %eq3A_37 : i1 to i32
        %cond3A_39 = arith.constant 0 : i32
        %cond3A_40 = arith.cmpi ne, %convert_element_type3A_38, %cond3A_39 : i32
        scf.if %cond3A_40 {
          %add3A_46 = arith.constant 1 : i32
          %add3A_47 = arith.addi %scan3A_19, %add3A_46 : i32
          %dma_start3A_48 = arith.constant 0 : i32
          %dma_start3A_49 = tpu.memref_slice %arg8[%add3A_47, %dma_start3A_48] : memref<50x80xi32, #tpu.memory_space<vmem>> -> memref<1x80xi32, #tpu.memory_space<vmem>>
          %dma_start3A_50 = tpu.memref_squeeze %dma_start3A_49 : memref<1x80xi32, #tpu.memory_space<vmem>> -> memref<80xi32, #tpu.memory_space<vmem>>
          %dma_start3A_51 = arith.constant 0 : i32
          %dma_start3A_52 = arith.constant 0 : i32
          %dma_start3A_53 = tpu.memref_slice %arg11[%dma_start3A_51, %dma_start3A_52] : memref<10000x64xi32, #tpu.memory_space<vmem_shared>> -> memref<10000x64xi32, #tpu.memory_space<vmem_shared>>
          tpu.enqueue_indirect_dma source(%dma_start3A_53 : memref<10000x64xi32, #tpu.memory_space<vmem_shared>>) target(%arg10 : memref<80x64xi32, #tpu.memory_space<vmem>>) offsets(%dma_start3A_50 : memref<80xi32, #tpu.memory_space<vmem>>) semaphore(%arg13 : memref<!tpu.dma_semaphore, #tpu.memory_space<semaphore_mem>>)
        } else {
        }
        %eq3A_41 = arith.constant 1 : i32
        %eq3A_42 = arith.cmpi eq, %rem3A_20, %eq3A_41 : i32
        %convert_element_type3A_43 = arith.extui %eq3A_42 : i1 to i32
        %cond3A_44 = arith.constant 0 : i32
        %cond3A_45 = arith.cmpi ne, %convert_element_type3A_43, %cond3A_44 : i32
        scf.if %cond3A_45 {
          %add3A_46 = arith.constant 1 : i32
          %add3A_47 = arith.addi %scan3A_19, %add3A_46 : i32
          %dma_start3A_48 = arith.constant 0 : i32
          %dma_start3A_49 = tpu.memref_slice %arg8[%add3A_47, %dma_start3A_48] : memref<50x80xi32, #tpu.memory_space<vmem>> -> memref<1x80xi32, #tpu.memory_space<vmem>>
          %dma_start3A_50 = tpu.memref_squeeze %dma_start3A_49 : memref<1x80xi32, #tpu.memory_space<vmem>> -> memref<80xi32, #tpu.memory_space<vmem>>
          %dma_start3A_51 = arith.constant 0 : i32
          %dma_start3A_52 = arith.constant 0 : i32
          %dma_start3A_53 = tpu.memref_slice %arg11[%dma_start3A_51, %dma_start3A_52] : memref<10000x64xi32, #tpu.memory_space<vmem_shared>> -> memref<10000x64xi32, #tpu.memory_space<vmem_shared>>
          tpu.enqueue_indirect_dma source(%dma_start3A_53 : memref<10000x64xi32, #tpu.memory_space<vmem_shared>>) target(%arg9 : memref<80x64xi32, #tpu.memory_space<vmem>>) offsets(%dma_start3A_50 : memref<80xi32, #tpu.memory_space<vmem>>) semaphore(%arg12 : memref<!tpu.dma_semaphore, #tpu.memory_space<semaphore_mem>>)
        } else {
        }
      } else {
      }
      %eq3A_26 = arith.constant 0 : i32
      %eq3A_27 = arith.cmpi eq, %rem3A_20, %eq3A_26 : i32
      %convert_element_type3A_28 = arith.extui %eq3A_27 : i1 to i32
      %cond3A_29 = arith.constant 0 : i32
      %cond3A_30 = arith.cmpi ne, %convert_element_type3A_28, %cond3A_29 : i32
      scf.if %cond3A_30 {
        %dma_wait3A = arith.constant 0 : i32
        %dma_wait3A_36 = tpu.memref_slice %arg8[%scan3A_19, %dma_wait3A] : memref<50x80xi32, #tpu.memory_space<vmem>> -> memref<1x80xi32, #tpu.memory_space<vmem>>
        %dma_wait3A_37 = tpu.memref_squeeze %dma_wait3A_36 : memref<1x80xi32, #tpu.memory_space<vmem>> -> memref<80xi32, #tpu.memory_space<vmem>>
        %dma_wait3A_38 = arith.constant 0 : i32
        %dma_wait3A_39 = arith.constant 0 : i32
        %dma_wait3A_40 = tpu.memref_slice %arg11[%dma_wait3A_38, %dma_wait3A_39] : memref<10000x64xi32, #tpu.memory_space<vmem_shared>> -> memref<10000x64xi32, #tpu.memory_space<vmem_shared>>
        tpu.wait_indirect_dma semaphore(%arg12 : memref<!tpu.dma_semaphore, #tpu.memory_space<semaphore_mem>>) src(%dma_wait3A_40 : memref<10000x64xi32, #tpu.memory_space<vmem_shared>>) dst(%arg9 : memref<80x64xi32, #tpu.memory_space<vmem>>)
        %mul3A_41 = arith.constant 80 : i32
        %mul3A_42 = arith.muli %scan3A_19, %mul3A_41 : i32
        %add3A_43 = arith.addi %mul3A_7, %mul3A_42 : i32
        %eq3A_44 = arith.constant 0 : i32
        %eq3A_45 = arith.cmpi eq, %arg0, %eq3A_44 : i32
        %convert_element_type3A_46 = arith.extui %eq3A_45 : i1 to i32
        %cond3A_47 = arith.constant 0 : i32
        %cond3A_48 = arith.cmpi ne, %convert_element_type3A_46, %cond3A_47 : i32
        scf.if %cond3A_48 {
          "tpu.region"() ({
            %run_scoped3A = tpu.sem_alloc : memref<!tpu.dma_semaphore, #tpu.memory_space<semaphore_mem>>
            %dma_start3A_54 = arith.constant 0 : i32
            %dma_start3A_55 = tpu.memref_slice %arg6[%add3A_43, %dma_start3A_54] : memref<64000x64xi32, #tpu.memory_space<hbm>> -> memref<80x64xi32, #tpu.memory_space<hbm>>
            %dma_start3A_56 = arith.constant 0 : i32
            %dma_start3A_57 = tpu.memref_slice %arg6[%add3A_43, %dma_start3A_56] : memref<64000x64xi32, #tpu.memory_space<hbm>> -> memref<80x64xi32, #tpu.memory_space<hbm>>
            tpu.enqueue_dma source(%arg9 : memref<80x64xi32, #tpu.memory_space<vmem>>) target(%dma_start3A_57 : memref<80x64xi32, #tpu.memory_space<hbm>>) target_semaphore(%run_scoped3A : memref<!tpu.dma_semaphore, #tpu.memory_space<semaphore_mem>>)
            %dma_wait3A_58 = arith.constant 0 : i32
            %dma_wait3A_59 = tpu.memref_slice %arg6[%add3A_43, %dma_wait3A_58] : memref<64000x64xi32, #tpu.memory_space<hbm>> -> memref<80x64xi32, #tpu.memory_space<hbm>>
            %dma_wait3A_60 = arith.constant 0 : i32
            %dma_wait3A_61 = tpu.memref_slice %arg6[%add3A_43, %dma_wait3A_60] : memref<64000x64xi32, #tpu.memory_space<hbm>> -> memref<80x64xi32, #tpu.memory_space<hbm>>
            tpu.wait_dma2 semaphore(%run_scoped3A : memref<!tpu.dma_semaphore, #tpu.memory_space<semaphore_mem>>) src(%arg9 : memref<80x64xi32, #tpu.memory_space<vmem>>) dst(%dma_wait3A_61 : memref<80x64xi32, #tpu.memory_space<hbm>>)
            tpu.yield
          }) : () -> ()
        } else {
        }
        %eq3A_49 = arith.constant 1 : i32
        %eq3A_50 = arith.cmpi eq, %arg0, %eq3A_49 : i32
        %convert_element_type3A_51 = arith.extui %eq3A_50 : i1 to i32
        %cond3A_52 = arith.constant 0 : i32
        %cond3A_53 = arith.cmpi ne, %convert_element_type3A_51, %cond3A_52 : i32
        scf.if %cond3A_53 {
          "tpu.region"() ({
            %run_scoped3A = tpu.sem_alloc : memref<!tpu.dma_semaphore, #tpu.memory_space<semaphore_mem>>
            %dma_start3A_54 = arith.constant 0 : i32
            %dma_start3A_55 = tpu.memref_slice %arg7[%add3A_43, %dma_start3A_54] : memref<64000x64xi32, #tpu.memory_space<hbm>> -> memref<80x64xi32, #tpu.memory_space<hbm>>
            %dma_start3A_56 = arith.constant 0 : i32
            %dma_start3A_57 = tpu.memref_slice %arg7[%add3A_43, %dma_start3A_56] : memref<64000x64xi32, #tpu.memory_space<hbm>> -> memref<80x64xi32, #tpu.memory_space<hbm>>
            tpu.enqueue_dma source(%arg9 : memref<80x64xi32, #tpu.memory_space<vmem>>) target(%dma_start3A_57 : memref<80x64xi32, #tpu.memory_space<hbm>>) target_semaphore(%run_scoped3A : memref<!tpu.dma_semaphore, #tpu.memory_space<semaphore_mem>>)
            %dma_wait3A_58 = arith.constant 0 : i32
            %dma_wait3A_59 = tpu.memref_slice %arg7[%add3A_43, %dma_wait3A_58] : memref<64000x64xi32, #tpu.memory_space<hbm>> -> memref<80x64xi32, #tpu.memory_space<hbm>>
            %dma_wait3A_60 = arith.constant 0 : i32
            %dma_wait3A_61 = tpu.memref_slice %arg7[%add3A_43, %dma_wait3A_60] : memref<64000x64xi32, #tpu.memory_space<hbm>> -> memref<80x64xi32, #tpu.memory_space<hbm>>
            tpu.wait_dma2 semaphore(%run_scoped3A : memref<!tpu.dma_semaphore, #tpu.memory_space<semaphore_mem>>) src(%arg9 : memref<80x64xi32, #tpu.memory_space<vmem>>) dst(%dma_wait3A_61 : memref<80x64xi32, #tpu.memory_space<hbm>>)
            tpu.yield
          }) : () -> ()
        } else {
        }
      } else {
      }
      %eq3A_31 = arith.constant 1 : i32
      %eq3A_32 = arith.cmpi eq, %rem3A_20, %eq3A_31 : i32
      %convert_element_type3A_33 = arith.extui %eq3A_32 : i1 to i32
      %cond3A_34 = arith.constant 0 : i32
      %cond3A_35 = arith.cmpi ne, %convert_element_type3A_33, %cond3A_34 : i32
      scf.if %cond3A_35 {
        %dma_wait3A = arith.constant 0 : i32
        %dma_wait3A_36 = tpu.memref_slice %arg8[%scan3A_19, %dma_wait3A] : memref<50x80xi32, #tpu.memory_space<vmem>> -> memref<1x80xi32, #tpu.memory_space<vmem>>
        %dma_wait3A_37 = tpu.memref_squeeze %dma_wait3A_36 : memref<1x80xi32, #tpu.memory_space<vmem>> -> memref<80xi32, #tpu.memory_space<vmem>>
        %dma_wait3A_38 = arith.constant 0 : i32
        %dma_wait3A_39 = arith.constant 0 : i32
        %dma_wait3A_40 = tpu.memref_slice %arg11[%dma_wait3A_38, %dma_wait3A_39] : memref<10000x64xi32, #tpu.memory_space<vmem_shared>> -> memref<10000x64xi32, #tpu.memory_space<vmem_shared>>
        tpu.wait_indirect_dma semaphore(%arg13 : memref<!tpu.dma_semaphore, #tpu.memory_space<semaphore_mem>>) src(%dma_wait3A_40 : memref<10000x64xi32, #tpu.memory_space<vmem_shared>>) dst(%arg10 : memref<80x64xi32, #tpu.memory_space<vmem>>)
        %mul3A_41 = arith.constant 80 : i32
        %mul3A_42 = arith.muli %scan3A_19, %mul3A_41 : i32
        %add3A_43 = arith.addi %mul3A_7, %mul3A_42 : i32
        %eq3A_44 = arith.constant 0 : i32
        %eq3A_45 = arith.cmpi eq, %arg0, %eq3A_44 : i32
        %convert_element_type3A_46 = arith.extui %eq3A_45 : i1 to i32
        %cond3A_47 = arith.constant 0 : i32
        %cond3A_48 = arith.cmpi ne, %convert_element_type3A_46, %cond3A_47 : i32
        scf.if %cond3A_48 {
          "tpu.region"() ({
            %run_scoped3A = tpu.sem_alloc : memref<!tpu.dma_semaphore, #tpu.memory_space<semaphore_mem>>
            %dma_start3A_54 = arith.constant 0 : i32
            %dma_start3A_55 = tpu.memref_slice %arg6[%add3A_43, %dma_start3A_54] : memref<64000x64xi32, #tpu.memory_space<hbm>> -> memref<80x64xi32, #tpu.memory_space<hbm>>
            %dma_start3A_56 = arith.constant 0 : i32
            %dma_start3A_57 = tpu.memref_slice %arg6[%add3A_43, %dma_start3A_56] : memref<64000x64xi32, #tpu.memory_space<hbm>> -> memref<80x64xi32, #tpu.memory_space<hbm>>
            tpu.enqueue_dma source(%arg10 : memref<80x64xi32, #tpu.memory_space<vmem>>) target(%dma_start3A_57 : memref<80x64xi32, #tpu.memory_space<hbm>>) target_semaphore(%run_scoped3A : memref<!tpu.dma_semaphore, #tpu.memory_space<semaphore_mem>>)
            %dma_wait3A_58 = arith.constant 0 : i32
            %dma_wait3A_59 = tpu.memref_slice %arg6[%add3A_43, %dma_wait3A_58] : memref<64000x64xi32, #tpu.memory_space<hbm>> -> memref<80x64xi32, #tpu.memory_space<hbm>>
            %dma_wait3A_60 = arith.constant 0 : i32
            %dma_wait3A_61 = tpu.memref_slice %arg6[%add3A_43, %dma_wait3A_60] : memref<64000x64xi32, #tpu.memory_space<hbm>> -> memref<80x64xi32, #tpu.memory_space<hbm>>
            tpu.wait_dma2 semaphore(%run_scoped3A : memref<!tpu.dma_semaphore, #tpu.memory_space<semaphore_mem>>) src(%arg10 : memref<80x64xi32, #tpu.memory_space<vmem>>) dst(%dma_wait3A_61 : memref<80x64xi32, #tpu.memory_space<hbm>>)
            tpu.yield
          }) : () -> ()
        } else {
        }
        %eq3A_49 = arith.constant 1 : i32
        %eq3A_50 = arith.cmpi eq, %arg0, %eq3A_49 : i32
        %convert_element_type3A_51 = arith.extui %eq3A_50 : i1 to i32
        %cond3A_52 = arith.constant 0 : i32
        %cond3A_53 = arith.cmpi ne, %convert_element_type3A_51, %cond3A_52 : i32
        scf.if %cond3A_53 {
          "tpu.region"() ({
            %run_scoped3A = tpu.sem_alloc : memref<!tpu.dma_semaphore, #tpu.memory_space<semaphore_mem>>
            %dma_start3A_54 = arith.constant 0 : i32
            %dma_start3A_55 = tpu.memref_slice %arg7[%add3A_43, %dma_start3A_54] : memref<64000x64xi32, #tpu.memory_space<hbm>> -> memref<80x64xi32, #tpu.memory_space<hbm>>
            %dma_start3A_56 = arith.constant 0 : i32
            %dma_start3A_57 = tpu.memref_slice %arg7[%add3A_43, %dma_start3A_56] : memref<64000x64xi32, #tpu.memory_space<hbm>> -> memref<80x64xi32, #tpu.memory_space<hbm>>
            tpu.enqueue_dma source(%arg10 : memref<80x64xi32, #tpu.memory_space<vmem>>) target(%dma_start3A_57 : memref<80x64xi32, #tpu.memory_space<hbm>>) target_semaphore(%run_scoped3A : memref<!tpu.dma_semaphore, #tpu.memory_space<semaphore_mem>>)
            %dma_wait3A_58 = arith.constant 0 : i32
            %dma_wait3A_59 = tpu.memref_slice %arg7[%add3A_43, %dma_wait3A_58] : memref<64000x64xi32, #tpu.memory_space<hbm>> -> memref<80x64xi32, #tpu.memory_space<hbm>>
            %dma_wait3A_60 = arith.constant 0 : i32
            %dma_wait3A_61 = tpu.memref_slice %arg7[%add3A_43, %dma_wait3A_60] : memref<64000x64xi32, #tpu.memory_space<hbm>> -> memref<80x64xi32, #tpu.memory_space<hbm>>
            tpu.wait_dma2 semaphore(%run_scoped3A : memref<!tpu.dma_semaphore, #tpu.memory_space<semaphore_mem>>) src(%arg10 : memref<80x64xi32, #tpu.memory_space<vmem>>) dst(%dma_wait3A_61 : memref<80x64xi32, #tpu.memory_space<hbm>>)
            tpu.yield
          }) : () -> ()
        } else {
        }
      } else {
      }
    }
    %scan3A_18 = arith.constant 50 : i32
    return
  }
}

#map = affine_map<(d0, d1) -> (0, 0)>
#map1 = affine_map<(d0, d1) -> (0, 0, 0)>
module attributes {stable_mosaic.version = 14 : i64} {
  func.func @_gather_sc(%arg0: i32, %arg1: i32, %arg2: memref<10000x64xi32, #tpu.memory_space<hbm>>, %arg3: memref<10000x64xi32, #tpu.memory_space<hbm>>, %arg4: memref<16x50x80xi32, #tpu.memory_space<hbm>>, %arg5: memref<16x50x80xi32, #tpu.memory_space<hbm>>, %arg6: memref<64000x64xi32, #tpu.memory_space<hbm>>, %arg7: memref<64000x64xi32, #tpu.memory_space<hbm>>, %arg8: memref<50x80xi32, #tpu.memory_space<vmem>>, %arg9: memref<80x64xi32, #tpu.memory_space<vmem>>, %arg10: memref<80x64xi32, #tpu.memory_space<vmem>>, %arg11: memref<10000x64xi32, #tpu.memory_space<vmem_shared>>, %arg12: memref<!tpu.dma_semaphore, #tpu.memory_space<semaphore_mem>>, %arg13: memref<!tpu.dma_semaphore, #tpu.memory_space<semaphore_mem>>) attributes {dimension_semantics = [#tpu.dimension_semantics<core_parallel>, #tpu.dimension_semantics<subcore_parallel>], iteration_bounds = array<i64: 2, 16>, scalar_prefetch = 0 : i64, scratch_operands = 6 : i64, tpu.core_type = #tpu.core_type<sc_vector_subcore>, window_params = [{transform_indices = #map}, {transform_indices = #map}, {transform_indices = #map1}, {transform_indices = #map1}, {transform_indices = #map}, {transform_indices = #map}]} {
    %eq3A = arith.constant 0 : i32
    %eq3A_0 = arith.cmpi eq, %arg0, %eq3A : i32
    %convert_element_type3A = arith.extui %eq3A_0 : i1 to i32
    %cond3A = arith.constant 0 : i32
    %cond3A_1 = arith.cmpi ne, %convert_element_type3A, %cond3A : i32
    scf.if %cond3A_1 {
      %mul3A_19 = arith.constant 624 : i32
      %mul3A_20 = arith.muli %arg1, %mul3A_19 : i32
      %mul3A_21 = arith.constant 624 : i32
      %mul3A_22 = arith.muli %arg1, %mul3A_21 : i32
      "tpu.region"() ({
        %run_scoped3A = tpu.sem_alloc : memref<!tpu.dma_semaphore, #tpu.memory_space<semaphore_mem>>
        %dma_start3A_28 = arith.constant 0 : i32
        %dma_start3A_29 = tpu.memref_slice %arg11[%mul3A_22, %dma_start3A_28] : memref<10000x64xi32, #tpu.memory_space<vmem_shared>> -> memref<624x64xi32, #tpu.memory_space<vmem_shared>>
        %dma_start3A_30 = arith.constant 0 : i32
        %dma_start3A_31 = tpu.memref_slice %arg2[%mul3A_20, %dma_start3A_30] : memref<10000x64xi32, #tpu.memory_space<hbm>> -> memref<624x64xi32, #tpu.memory_space<hbm>>
        tpu.enqueue_dma source(%dma_start3A_31 : memref<624x64xi32, #tpu.memory_space<hbm>>) target(%dma_start3A_29 : memref<624x64xi32, #tpu.memory_space<vmem_shared>>) target_semaphore(%run_scoped3A : memref<!tpu.dma_semaphore, #tpu.memory_space<semaphore_mem>>)
        %dma_wait3A = arith.constant 0 : i32
        %dma_wait3A_32 = tpu.memref_slice %arg11[%mul3A_22, %dma_wait3A] : memref<10000x64xi32, #tpu.memory_space<vmem_shared>> -> memref<624x64xi32, #tpu.memory_space<vmem_shared>>
        %dma_wait3A_33 = arith.constant 0 : i32
        %dma_wait3A_34 = tpu.memref_slice %arg2[%mul3A_20, %dma_wait3A_33] : memref<10000x64xi32, #tpu.memory_space<hbm>> -> memref<624x64xi32, #tpu.memory_space<hbm>>
        tpu.wait_dma2 semaphore(%run_scoped3A : memref<!tpu.dma_semaphore, #tpu.memory_space<semaphore_mem>>) src(%dma_wait3A_34 : memref<624x64xi32, #tpu.memory_space<hbm>>) dst(%dma_wait3A_32 : memref<624x64xi32, #tpu.memory_space<vmem_shared>>)
        tpu.yield
      }) : () -> ()
      %eq3A_23 = arith.constant 15 : i32
      %eq3A_24 = arith.cmpi eq, %arg1, %eq3A_23 : i32
      %convert_element_type3A_25 = arith.extui %eq3A_24 : i1 to i32
      %cond3A_26 = arith.constant 0 : i32
      %cond3A_27 = arith.cmpi ne, %convert_element_type3A_25, %cond3A_26 : i32
      scf.if %cond3A_27 {
        "tpu.region"() ({
          %run_scoped3A = tpu.sem_alloc : memref<!tpu.dma_semaphore, #tpu.memory_space<semaphore_mem>>
          %dma_start3A_28 = arith.constant 9984 : i32
          %dma_start3A_29 = arith.constant 0 : i32
          %dma_start3A_30 = tpu.memref_slice %arg11[%dma_start3A_28, %dma_start3A_29] : memref<10000x64xi32, #tpu.memory_space<vmem_shared>> -> memref<16x64xi32, #tpu.memory_space<vmem_shared>>
          %dma_start3A_31 = arith.constant 9984 : i32
          %dma_start3A_32 = arith.constant 0 : i32
          %dma_start3A_33 = tpu.memref_slice %arg2[%dma_start3A_31, %dma_start3A_32] : memref<10000x64xi32, #tpu.memory_space<hbm>> -> memref<16x64xi32, #tpu.memory_space<hbm>>
          tpu.enqueue_dma source(%dma_start3A_33 : memref<16x64xi32, #tpu.memory_space<hbm>>) target(%dma_start3A_30 : memref<16x64xi32, #tpu.memory_space<vmem_shared>>) target_semaphore(%run_scoped3A : memref<!tpu.dma_semaphore, #tpu.memory_space<semaphore_mem>>)
          %dma_wait3A = arith.constant 9984 : i32
          %dma_wait3A_34 = arith.constant 0 : i32
          %dma_wait3A_35 = tpu.memref_slice %arg11[%dma_wait3A, %dma_wait3A_34] : memref<10000x64xi32, #tpu.memory_space<vmem_shared>> -> memref<16x64xi32, #tpu.memory_space<vmem_shared>>
          %dma_wait3A_36 = arith.constant 9984 : i32
          %dma_wait3A_37 = arith.constant 0 : i32
          %dma_wait3A_38 = tpu.memref_slice %arg2[%dma_wait3A_36, %dma_wait3A_37] : memref<10000x64xi32, #tpu.memory_space<hbm>> -> memref<16x64xi32, #tpu.memory_space<hbm>>
          tpu.wait_dma2 semaphore(%run_scoped3A : memref<!tpu.dma_semaphore, #tpu.memory_space<semaphore_mem>>) src(%dma_wait3A_38 : memref<16x64xi32, #tpu.memory_space<hbm>>) dst(%dma_wait3A_35 : memref<16x64xi32, #tpu.memory_space<vmem_shared>>)
          tpu.yield
        }) : () -> ()
      } else {
      }
      "tpu.region"() ({
        %run_scoped3A = tpu.sem_alloc : memref<!tpu.dma_semaphore, #tpu.memory_space<semaphore_mem>>
        %dma_start3A_28 = arith.constant 0 : i32
        %dma_start3A_29 = arith.constant 0 : i32
        %dma_start3A_30 = tpu.memref_slice %arg4[%arg1, %dma_start3A_28, %dma_start3A_29] : memref<16x50x80xi32, #tpu.memory_space<hbm>> -> memref<1x50x80xi32, #tpu.memory_space<hbm>>
        %dma_start3A_31 = tpu.memref_squeeze %dma_start3A_30 : memref<1x50x80xi32, #tpu.memory_space<hbm>> -> memref<50x80xi32, #tpu.memory_space<hbm>>
        %dma_start3A_32 = arith.constant 0 : i32
        %dma_start3A_33 = arith.constant 0 : i32
        %dma_start3A_34 = tpu.memref_slice %arg4[%arg1, %dma_start3A_32, %dma_start3A_33] : memref<16x50x80xi32, #tpu.memory_space<hbm>> -> memref<1x50x80xi32, #tpu.memory_space<hbm>>
        %dma_start3A_35 = tpu.memref_squeeze %dma_start3A_34 : memref<1x50x80xi32, #tpu.memory_space<hbm>> -> memref<50x80xi32, #tpu.memory_space<hbm>>
        tpu.enqueue_dma source(%dma_start3A_35 : memref<50x80xi32, #tpu.memory_space<hbm>>) target(%arg8 : memref<50x80xi32, #tpu.memory_space<vmem>>) target_semaphore(%run_scoped3A : memref<!tpu.dma_semaphore, #tpu.memory_space<semaphore_mem>>)
        %dma_wait3A = arith.constant 0 : i32
        %dma_wait3A_36 = arith.constant 0 : i32
        %dma_wait3A_37 = tpu.memref_slice %arg4[%arg1, %dma_wait3A, %dma_wait3A_36] : memref<16x50x80xi32, #tpu.memory_space<hbm>> -> memref<1x50x80xi32, #tpu.memory_space<hbm>>
        %dma_wait3A_38 = tpu.memref_squeeze %dma_wait3A_37 : memref<1x50x80xi32, #tpu.memory_space<hbm>> -> memref<50x80xi32, #tpu.memory_space<hbm>>
        %dma_wait3A_39 = arith.constant 0 : i32
        %dma_wait3A_40 = arith.constant 0 : i32
        %dma_wait3A_41 = tpu.memref_slice %arg4[%arg1, %dma_wait3A_39, %dma_wait3A_40] : memref<16x50x80xi32, #tpu.memory_space<hbm>> -> memref<1x50x80xi32, #tpu.memory_space<hbm>>
        %dma_wait3A_42 = tpu.memref_squeeze %dma_wait3A_41 : memref<1x50x80xi32, #tpu.memory_space<hbm>> -> memref<50x80xi32, #tpu.memory_space<hbm>>
        tpu.wait_dma2 semaphore(%run_scoped3A : memref<!tpu.dma_semaphore, #tpu.memory_space<semaphore_mem>>) src(%dma_wait3A_42 : memref<50x80xi32, #tpu.memory_space<hbm>>) dst(%arg8 : memref<50x80xi32, #tpu.memory_space<vmem>>)
        tpu.yield
      }) : () -> ()
    } else {
    }
    %eq3A_2 = arith.constant 1 : i32
    %eq3A_3 = arith.cmpi eq, %arg0, %eq3A_2 : i32
    %convert_element_type3A_4 = arith.extui %eq3A_3 : i1 to i32
    %cond3A_5 = arith.constant 0 : i32
    %cond3A_6 = arith.cmpi ne, %convert_element_type3A_4, %cond3A_5 : i32
    scf.if %cond3A_6 {
      %mul3A_19 = arith.constant 624 : i32
      %mul3A_20 = arith.muli %arg1, %mul3A_19 : i32
      %mul3A_21 = arith.constant 624 : i32
      %mul3A_22 = arith.muli %arg1, %mul3A_21 : i32
      "tpu.region"() ({
        %run_scoped3A = tpu.sem_alloc : memref<!tpu.dma_semaphore, #tpu.memory_space<semaphore_mem>>
        %dma_start3A_28 = arith.constant 0 : i32
        %dma_start3A_29 = tpu.memref_slice %arg11[%mul3A_22, %dma_start3A_28] : memref<10000x64xi32, #tpu.memory_space<vmem_shared>> -> memref<624x64xi32, #tpu.memory_space<vmem_shared>>
        %dma_start3A_30 = arith.constant 0 : i32
        %dma_start3A_31 = tpu.memref_slice %arg3[%mul3A_20, %dma_start3A_30] : memref<10000x64xi32, #tpu.memory_space<hbm>> -> memref<624x64xi32, #tpu.memory_space<hbm>>
        tpu.enqueue_dma source(%dma_start3A_31 : memref<624x64xi32, #tpu.memory_space<hbm>>) target(%dma_start3A_29 : memref<624x64xi32, #tpu.memory_space<vmem_shared>>) target_semaphore(%run_scoped3A : memref<!tpu.dma_semaphore, #tpu.memory_space<semaphore_mem>>)
        %dma_wait3A = arith.constant 0 : i32
        %dma_wait3A_32 = tpu.memref_slice %arg11[%mul3A_22, %dma_wait3A] : memref<10000x64xi32, #tpu.memory_space<vmem_shared>> -> memref<624x64xi32, #tpu.memory_space<vmem_shared>>
        %dma_wait3A_33 = arith.constant 0 : i32
        %dma_wait3A_34 = tpu.memref_slice %arg3[%mul3A_20, %dma_wait3A_33] : memref<10000x64xi32, #tpu.memory_space<hbm>> -> memref<624x64xi32, #tpu.memory_space<hbm>>
        tpu.wait_dma2 semaphore(%run_scoped3A : memref<!tpu.dma_semaphore, #tpu.memory_space<semaphore_mem>>) src(%dma_wait3A_34 : memref<624x64xi32, #tpu.memory_space<hbm>>) dst(%dma_wait3A_32 : memref<624x64xi32, #tpu.memory_space<vmem_shared>>)
        tpu.yield
      }) : () -> ()
      %eq3A_23 = arith.constant 15 : i32
      %eq3A_24 = arith.cmpi eq, %arg1, %eq3A_23 : i32
      %convert_element_type3A_25 = arith.extui %eq3A_24 : i1 to i32
      %cond3A_26 = arith.constant 0 : i32
      %cond3A_27 = arith.cmpi ne, %convert_element_type3A_25, %cond3A_26 : i32
      scf.if %cond3A_27 {
        "tpu.region"() ({
          %run_scoped3A = tpu.sem_alloc : memref<!tpu.dma_semaphore, #tpu.memory_space<semaphore_mem>>
          %dma_start3A_28 = arith.constant 9984 : i32
          %dma_start3A_29 = arith.constant 0 : i32
          %dma_start3A_30 = tpu.memref_slice %arg11[%dma_start3A_28, %dma_start3A_29] : memref<10000x64xi32, #tpu.memory_space<vmem_shared>> -> memref<16x64xi32, #tpu.memory_space<vmem_shared>>
          %dma_start3A_31 = arith.constant 9984 : i32
          %dma_start3A_32 = arith.constant 0 : i32
          %dma_start3A_33 = tpu.memref_slice %arg3[%dma_start3A_31, %dma_start3A_32] : memref<10000x64xi32, #tpu.memory_space<hbm>> -> memref<16x64xi32, #tpu.memory_space<hbm>>
          tpu.enqueue_dma source(%dma_start3A_33 : memref<16x64xi32, #tpu.memory_space<hbm>>) target(%dma_start3A_30 : memref<16x64xi32, #tpu.memory_space<vmem_shared>>) target_semaphore(%run_scoped3A : memref<!tpu.dma_semaphore, #tpu.memory_space<semaphore_mem>>)
          %dma_wait3A = arith.constant 9984 : i32
          %dma_wait3A_34 = arith.constant 0 : i32
          %dma_wait3A_35 = tpu.memref_slice %arg11[%dma_wait3A, %dma_wait3A_34] : memref<10000x64xi32, #tpu.memory_space<vmem_shared>> -> memref<16x64xi32, #tpu.memory_space<vmem_shared>>
          %dma_wait3A_36 = arith.constant 9984 : i32
          %dma_wait3A_37 = arith.constant 0 : i32
          %dma_wait3A_38 = tpu.memref_slice %arg3[%dma_wait3A_36, %dma_wait3A_37] : memref<10000x64xi32, #tpu.memory_space<hbm>> -> memref<16x64xi32, #tpu.memory_space<hbm>>
          tpu.wait_dma2 semaphore(%run_scoped3A : memref<!tpu.dma_semaphore, #tpu.memory_space<semaphore_mem>>) src(%dma_wait3A_38 : memref<16x64xi32, #tpu.memory_space<hbm>>) dst(%dma_wait3A_35 : memref<16x64xi32, #tpu.memory_space<vmem_shared>>)
          tpu.yield
        }) : () -> ()
      } else {
      }
      "tpu.region"() ({
        %run_scoped3A = tpu.sem_alloc : memref<!tpu.dma_semaphore, #tpu.memory_space<semaphore_mem>>
        %dma_start3A_28 = arith.constant 0 : i32
        %dma_start3A_29 = arith.constant 0 : i32
        %dma_start3A_30 = tpu.memref_slice %arg5[%arg1, %dma_start3A_28, %dma_start3A_29] : memref<16x50x80xi32, #tpu.memory_space<hbm>> -> memref<1x50x80xi32, #tpu.memory_space<hbm>>
        %dma_start3A_31 = tpu.memref_squeeze %dma_start3A_30 : memref<1x50x80xi32, #tpu.memory_space<hbm>> -> memref<50x80xi32, #tpu.memory_space<hbm>>
        %dma_start3A_32 = arith.constant 0 : i32
        %dma_start3A_33 = arith.constant 0 : i32
        %dma_start3A_34 = tpu.memref_slice %arg5[%arg1, %dma_start3A_32, %dma_start3A_33] : memref<16x50x80xi32, #tpu.memory_space<hbm>> -> memref<1x50x80xi32, #tpu.memory_space<hbm>>
        %dma_start3A_35 = tpu.memref_squeeze %dma_start3A_34 : memref<1x50x80xi32, #tpu.memory_space<hbm>> -> memref<50x80xi32, #tpu.memory_space<hbm>>
        tpu.enqueue_dma source(%dma_start3A_35 : memref<50x80xi32, #tpu.memory_space<hbm>>) target(%arg8 : memref<50x80xi32, #tpu.memory_space<vmem>>) target_semaphore(%run_scoped3A : memref<!tpu.dma_semaphore, #tpu.memory_space<semaphore_mem>>)
        %dma_wait3A = arith.constant 0 : i32
        %dma_wait3A_36 = arith.constant 0 : i32
        %dma_wait3A_37 = tpu.memref_slice %arg5[%arg1, %dma_wait3A, %dma_wait3A_36] : memref<16x50x80xi32, #tpu.memory_space<hbm>> -> memref<1x50x80xi32, #tpu.memory_space<hbm>>
        %dma_wait3A_38 = tpu.memref_squeeze %dma_wait3A_37 : memref<1x50x80xi32, #tpu.memory_space<hbm>> -> memref<50x80xi32, #tpu.memory_space<hbm>>
        %dma_wait3A_39 = arith.constant 0 : i32
        %dma_wait3A_40 = arith.constant 0 : i32
        %dma_wait3A_41 = tpu.memref_slice %arg5[%arg1, %dma_wait3A_39, %dma_wait3A_40] : memref<16x50x80xi32, #tpu.memory_space<hbm>> -> memref<1x50x80xi32, #tpu.memory_space<hbm>>
        %dma_wait3A_42 = tpu.memref_squeeze %dma_wait3A_41 : memref<1x50x80xi32, #tpu.memory_space<hbm>> -> memref<50x80xi32, #tpu.memory_space<hbm>>
        tpu.wait_dma2 semaphore(%run_scoped3A : memref<!tpu.dma_semaphore, #tpu.memory_space<semaphore_mem>>) src(%dma_wait3A_42 : memref<50x80xi32, #tpu.memory_space<hbm>>) dst(%arg8 : memref<50x80xi32, #tpu.memory_space<vmem>>)
        tpu.yield
      }) : () -> ()
    } else {
    }
    %barrier3A = arith.constant 0 : index
    tpu.barrier barrier_id(%barrier3A)
    %mul3A = arith.constant 4000 : i32
    %mul3A_7 = arith.muli %arg1, %mul3A : i32
    %dma_start3A = arith.constant 0 : i32
    %dma_start3A_8 = arith.constant 0 : i32
    %dma_start3A_9 = tpu.memref_slice %arg8[%dma_start3A, %dma_start3A_8] : memref<50x80xi32, #tpu.memory_space<vmem>> -> memref<1x80xi32, #tpu.memory_space<vmem>>
    %dma_start3A_10 = tpu.memref_squeeze %dma_start3A_9 : memref<1x80xi32, #tpu.memory_space<vmem>> -> memref<80xi32, #tpu.memory_space<vmem>>
    %dma_start3A_11 = arith.constant 0 : i32
    %dma_start3A_12 = arith.constant 0 : i32
    %dma_start3A_13 = tpu.memref_slice %arg11[%dma_start3A_11, %dma_start3A_12] : memref<10000x64xi32, #tpu.memory_space<vmem_shared>> -> memref<10000x64xi32, #tpu.memory_space<vmem_shared>>
    tpu.enqueue_indirect_dma source(%dma_start3A_13 : memref<10000x64xi32, #tpu.memory_space<vmem_shared>>) target(%arg9 : memref<80x64xi32, #tpu.memory_space<vmem>>) offsets(%dma_start3A_10 : memref<80xi32, #tpu.memory_space<vmem>>) semaphore(%arg12 : memref<!tpu.dma_semaphore, #tpu.memory_space<semaphore_mem>>)
    %scan3A = arith.constant 0 : i32
    %scan3A_14 = arith.constant 0 : i32
    %scan3A_15 = arith.constant 50 : i32
    %scan3A_16 = arith.addi %scan3A_14, %scan3A_15 : i32
    %scan3A_17 = arith.constant 1 : i32
    scf.for %scan3A_19 = %scan3A_14 to %scan3A_16 step %scan3A_17  : i32 {
      %rem3A = arith.constant 2 : i32
      %rem3A_20 = arith.remsi %scan3A_19, %rem3A : i32
      %add3A = arith.constant 1 : i32
      %add3A_21 = arith.addi %scan3A_19, %add3A : i32
      %lt3A = arith.constant 50 : i32
      %lt3A_22 = arith.cmpi slt, %add3A_21, %lt3A : i32
      %convert_element_type3A_23 = arith.extui %lt3A_22 : i1 to i32
      %cond3A_24 = arith.constant 0 : i32
      %cond3A_25 = arith.cmpi ne, %convert_element_type3A_23, %cond3A_24 : i32
      scf.if %cond3A_25 {
        %eq3A_36 = arith.constant 0 : i32
        %eq3A_37 = arith.cmpi eq, %rem3A_20, %eq3A_36 : i32
        %convert_element_type3A_38 = arith.extui %eq3A_37 : i1 to i32
        %cond3A_39 = arith.constant 0 : i32
        %cond3A_40 = arith.cmpi ne, %convert_element_type3A_38, %cond3A_39 : i32
        scf.if %cond3A_40 {
          %add3A_46 = arith.constant 1 : i32
          %add3A_47 = arith.addi %scan3A_19, %add3A_46 : i32
          %dma_start3A_48 = arith.constant 0 : i32
          %dma_start3A_49 = tpu.memref_slice %arg8[%add3A_47, %dma_start3A_48] : memref<50x80xi32, #tpu.memory_space<vmem>> -> memref<1x80xi32, #tpu.memory_space<vmem>>
          %dma_start3A_50 = tpu.memref_squeeze %dma_start3A_49 : memref<1x80xi32, #tpu.memory_space<vmem>> -> memref<80xi32, #tpu.memory_space<vmem>>
          %dma_start3A_51 = arith.constant 0 : i32
          %dma_start3A_52 = arith.constant 0 : i32
          %dma_start3A_53 = tpu.memref_slice %arg11[%dma_start3A_51, %dma_start3A_52] : memref<10000x64xi32, #tpu.memory_space<vmem_shared>> -> memref<10000x64xi32, #tpu.memory_space<vmem_shared>>
          tpu.enqueue_indirect_dma source(%dma_start3A_53 : memref<10000x64xi32, #tpu.memory_space<vmem_shared>>) target(%arg10 : memref<80x64xi32, #tpu.memory_space<vmem>>) offsets(%dma_start3A_50 : memref<80xi32, #tpu.memory_space<vmem>>) semaphore(%arg13 : memref<!tpu.dma_semaphore, #tpu.memory_space<semaphore_mem>>)
        } else {
        }
        %eq3A_41 = arith.constant 1 : i32
        %eq3A_42 = arith.cmpi eq, %rem3A_20, %eq3A_41 : i32
        %convert_element_type3A_43 = arith.extui %eq3A_42 : i1 to i32
        %cond3A_44 = arith.constant 0 : i32
        %cond3A_45 = arith.cmpi ne, %convert_element_type3A_43, %cond3A_44 : i32
        scf.if %cond3A_45 {
          %add3A_46 = arith.constant 1 : i32
          %add3A_47 = arith.addi %scan3A_19, %add3A_46 : i32
          %dma_start3A_48 = arith.constant 0 : i32
          %dma_start3A_49 = tpu.memref_slice %arg8[%add3A_47, %dma_start3A_48] : memref<50x80xi32, #tpu.memory_space<vmem>> -> memref<1x80xi32, #tpu.memory_space<vmem>>
          %dma_start3A_50 = tpu.memref_squeeze %dma_start3A_49 : memref<1x80xi32, #tpu.memory_space<vmem>> -> memref<80xi32, #tpu.memory_space<vmem>>
          %dma_start3A_51 = arith.constant 0 : i32
          %dma_start3A_52 = arith.constant 0 : i32
          %dma_start3A_53 = tpu.memref_slice %arg11[%dma_start3A_51, %dma_start3A_52] : memref<10000x64xi32, #tpu.memory_space<vmem_shared>> -> memref<10000x64xi32, #tpu.memory_space<vmem_shared>>
          tpu.enqueue_indirect_dma source(%dma_start3A_53 : memref<10000x64xi32, #tpu.memory_space<vmem_shared>>) target(%arg9 : memref<80x64xi32, #tpu.memory_space<vmem>>) offsets(%dma_start3A_50 : memref<80xi32, #tpu.memory_space<vmem>>) semaphore(%arg12 : memref<!tpu.dma_semaphore, #tpu.memory_space<semaphore_mem>>)
        } else {
        }
      } else {
      }
      %eq3A_26 = arith.constant 0 : i32
      %eq3A_27 = arith.cmpi eq, %rem3A_20, %eq3A_26 : i32
      %convert_element_type3A_28 = arith.extui %eq3A_27 : i1 to i32
      %cond3A_29 = arith.constant 0 : i32
      %cond3A_30 = arith.cmpi ne, %convert_element_type3A_28, %cond3A_29 : i32
      scf.if %cond3A_30 {
        %dma_wait3A = arith.constant 0 : i32
        %dma_wait3A_36 = tpu.memref_slice %arg8[%scan3A_19, %dma_wait3A] : memref<50x80xi32, #tpu.memory_space<vmem>> -> memref<1x80xi32, #tpu.memory_space<vmem>>
        %dma_wait3A_37 = tpu.memref_squeeze %dma_wait3A_36 : memref<1x80xi32, #tpu.memory_space<vmem>> -> memref<80xi32, #tpu.memory_space<vmem>>
        %dma_wait3A_38 = arith.constant 0 : i32
        %dma_wait3A_39 = arith.constant 0 : i32
        %dma_wait3A_40 = tpu.memref_slice %arg11[%dma_wait3A_38, %dma_wait3A_39] : memref<10000x64xi32, #tpu.memory_space<vmem_shared>> -> memref<10000x64xi32, #tpu.memory_space<vmem_shared>>
        tpu.wait_indirect_dma semaphore(%arg12 : memref<!tpu.dma_semaphore, #tpu.memory_space<semaphore_mem>>) src(%dma_wait3A_40 : memref<10000x64xi32, #tpu.memory_space<vmem_shared>>) dst(%arg9 : memref<80x64xi32, #tpu.memory_space<vmem>>)
        %mul3A_41 = arith.constant 80 : i32
        %mul3A_42 = arith.muli %scan3A_19, %mul3A_41 : i32
        %add3A_43 = arith.addi %mul3A_7, %mul3A_42 : i32
        %eq3A_44 = arith.constant 0 : i32
        %eq3A_45 = arith.cmpi eq, %arg0, %eq3A_44 : i32
        %convert_element_type3A_46 = arith.extui %eq3A_45 : i1 to i32
        %cond3A_47 = arith.constant 0 : i32
        %cond3A_48 = arith.cmpi ne, %convert_element_type3A_46, %cond3A_47 : i32
        scf.if %cond3A_48 {
          "tpu.region"() ({
            %run_scoped3A = tpu.sem_alloc : memref<!tpu.dma_semaphore, #tpu.memory_space<semaphore_mem>>
            %dma_start3A_54 = arith.constant 0 : i32
            %dma_start3A_55 = tpu.memref_slice %arg6[%add3A_43, %dma_start3A_54] : memref<64000x64xi32, #tpu.memory_space<hbm>> -> memref<80x64xi32, #tpu.memory_space<hbm>>
            %dma_start3A_56 = arith.constant 0 : i32
            %dma_start3A_57 = tpu.memref_slice %arg6[%add3A_43, %dma_start3A_56] : memref<64000x64xi32, #tpu.memory_space<hbm>> -> memref<80x64xi32, #tpu.memory_space<hbm>>
            tpu.enqueue_dma source(%arg9 : memref<80x64xi32, #tpu.memory_space<vmem>>) target(%dma_start3A_57 : memref<80x64xi32, #tpu.memory_space<hbm>>) target_semaphore(%run_scoped3A : memref<!tpu.dma_semaphore, #tpu.memory_space<semaphore_mem>>)
            %dma_wait3A_58 = arith.constant 0 : i32
            %dma_wait3A_59 = tpu.memref_slice %arg6[%add3A_43, %dma_wait3A_58] : memref<64000x64xi32, #tpu.memory_space<hbm>> -> memref<80x64xi32, #tpu.memory_space<hbm>>
            %dma_wait3A_60 = arith.constant 0 : i32
            %dma_wait3A_61 = tpu.memref_slice %arg6[%add3A_43, %dma_wait3A_60] : memref<64000x64xi32, #tpu.memory_space<hbm>> -> memref<80x64xi32, #tpu.memory_space<hbm>>
            tpu.wait_dma2 semaphore(%run_scoped3A : memref<!tpu.dma_semaphore, #tpu.memory_space<semaphore_mem>>) src(%arg9 : memref<80x64xi32, #tpu.memory_space<vmem>>) dst(%dma_wait3A_61 : memref<80x64xi32, #tpu.memory_space<hbm>>)
            tpu.yield
          }) : () -> ()
        } else {
        }
        %eq3A_49 = arith.constant 1 : i32
        %eq3A_50 = arith.cmpi eq, %arg0, %eq3A_49 : i32
        %convert_element_type3A_51 = arith.extui %eq3A_50 : i1 to i32
        %cond3A_52 = arith.constant 0 : i32
        %cond3A_53 = arith.cmpi ne, %convert_element_type3A_51, %cond3A_52 : i32
        scf.if %cond3A_53 {
          "tpu.region"() ({
            %run_scoped3A = tpu.sem_alloc : memref<!tpu.dma_semaphore, #tpu.memory_space<semaphore_mem>>
            %dma_start3A_54 = arith.constant 0 : i32
            %dma_start3A_55 = tpu.memref_slice %arg7[%add3A_43, %dma_start3A_54] : memref<64000x64xi32, #tpu.memory_space<hbm>> -> memref<80x64xi32, #tpu.memory_space<hbm>>
            %dma_start3A_56 = arith.constant 0 : i32
            %dma_start3A_57 = tpu.memref_slice %arg7[%add3A_43, %dma_start3A_56] : memref<64000x64xi32, #tpu.memory_space<hbm>> -> memref<80x64xi32, #tpu.memory_space<hbm>>
            tpu.enqueue_dma source(%arg9 : memref<80x64xi32, #tpu.memory_space<vmem>>) target(%dma_start3A_57 : memref<80x64xi32, #tpu.memory_space<hbm>>) target_semaphore(%run_scoped3A : memref<!tpu.dma_semaphore, #tpu.memory_space<semaphore_mem>>)
            %dma_wait3A_58 = arith.constant 0 : i32
            %dma_wait3A_59 = tpu.memref_slice %arg7[%add3A_43, %dma_wait3A_58] : memref<64000x64xi32, #tpu.memory_space<hbm>> -> memref<80x64xi32, #tpu.memory_space<hbm>>
            %dma_wait3A_60 = arith.constant 0 : i32
            %dma_wait3A_61 = tpu.memref_slice %arg7[%add3A_43, %dma_wait3A_60] : memref<64000x64xi32, #tpu.memory_space<hbm>> -> memref<80x64xi32, #tpu.memory_space<hbm>>
            tpu.wait_dma2 semaphore(%run_scoped3A : memref<!tpu.dma_semaphore, #tpu.memory_space<semaphore_mem>>) src(%arg9 : memref<80x64xi32, #tpu.memory_space<vmem>>) dst(%dma_wait3A_61 : memref<80x64xi32, #tpu.memory_space<hbm>>)
            tpu.yield
          }) : () -> ()
        } else {
        }
      } else {
      }
      %eq3A_31 = arith.constant 1 : i32
      %eq3A_32 = arith.cmpi eq, %rem3A_20, %eq3A_31 : i32
      %convert_element_type3A_33 = arith.extui %eq3A_32 : i1 to i32
      %cond3A_34 = arith.constant 0 : i32
      %cond3A_35 = arith.cmpi ne, %convert_element_type3A_33, %cond3A_34 : i32
      scf.if %cond3A_35 {
        %dma_wait3A = arith.constant 0 : i32
        %dma_wait3A_36 = tpu.memref_slice %arg8[%scan3A_19, %dma_wait3A] : memref<50x80xi32, #tpu.memory_space<vmem>> -> memref<1x80xi32, #tpu.memory_space<vmem>>
        %dma_wait3A_37 = tpu.memref_squeeze %dma_wait3A_36 : memref<1x80xi32, #tpu.memory_space<vmem>> -> memref<80xi32, #tpu.memory_space<vmem>>
        %dma_wait3A_38 = arith.constant 0 : i32
        %dma_wait3A_39 = arith.constant 0 : i32
        %dma_wait3A_40 = tpu.memref_slice %arg11[%dma_wait3A_38, %dma_wait3A_39] : memref<10000x64xi32, #tpu.memory_space<vmem_shared>> -> memref<10000x64xi32, #tpu.memory_space<vmem_shared>>
        tpu.wait_indirect_dma semaphore(%arg13 : memref<!tpu.dma_semaphore, #tpu.memory_space<semaphore_mem>>) src(%dma_wait3A_40 : memref<10000x64xi32, #tpu.memory_space<vmem_shared>>) dst(%arg10 : memref<80x64xi32, #tpu.memory_space<vmem>>)
        %mul3A_41 = arith.constant 80 : i32
        %mul3A_42 = arith.muli %scan3A_19, %mul3A_41 : i32
        %add3A_43 = arith.addi %mul3A_7, %mul3A_42 : i32
        %eq3A_44 = arith.constant 0 : i32
        %eq3A_45 = arith.cmpi eq, %arg0, %eq3A_44 : i32
        %convert_element_type3A_46 = arith.extui %eq3A_45 : i1 to i32
        %cond3A_47 = arith.constant 0 : i32
        %cond3A_48 = arith.cmpi ne, %convert_element_type3A_46, %cond3A_47 : i32
        scf.if %cond3A_48 {
          "tpu.region"() ({
            %run_scoped3A = tpu.sem_alloc : memref<!tpu.dma_semaphore, #tpu.memory_space<semaphore_mem>>
            %dma_start3A_54 = arith.constant 0 : i32
            %dma_start3A_55 = tpu.memref_slice %arg6[%add3A_43, %dma_start3A_54] : memref<64000x64xi32, #tpu.memory_space<hbm>> -> memref<80x64xi32, #tpu.memory_space<hbm>>
            %dma_start3A_56 = arith.constant 0 : i32
            %dma_start3A_57 = tpu.memref_slice %arg6[%add3A_43, %dma_start3A_56] : memref<64000x64xi32, #tpu.memory_space<hbm>> -> memref<80x64xi32, #tpu.memory_space<hbm>>
            tpu.enqueue_dma source(%arg10 : memref<80x64xi32, #tpu.memory_space<vmem>>) target(%dma_start3A_57 : memref<80x64xi32, #tpu.memory_space<hbm>>) target_semaphore(%run_scoped3A : memref<!tpu.dma_semaphore, #tpu.memory_space<semaphore_mem>>)
            %dma_wait3A_58 = arith.constant 0 : i32
            %dma_wait3A_59 = tpu.memref_slice %arg6[%add3A_43, %dma_wait3A_58] : memref<64000x64xi32, #tpu.memory_space<hbm>> -> memref<80x64xi32, #tpu.memory_space<hbm>>
            %dma_wait3A_60 = arith.constant 0 : i32
            %dma_wait3A_61 = tpu.memref_slice %arg6[%add3A_43, %dma_wait3A_60] : memref<64000x64xi32, #tpu.memory_space<hbm>> -> memref<80x64xi32, #tpu.memory_space<hbm>>
            tpu.wait_dma2 semaphore(%run_scoped3A : memref<!tpu.dma_semaphore, #tpu.memory_space<semaphore_mem>>) src(%arg10 : memref<80x64xi32, #tpu.memory_space<vmem>>) dst(%dma_wait3A_61 : memref<80x64xi32, #tpu.memory_space<hbm>>)
            tpu.yield
          }) : () -> ()
        } else {
        }
        %eq3A_49 = arith.constant 1 : i32
        %eq3A_50 = arith.cmpi eq, %arg0, %eq3A_49 : i32
        %convert_element_type3A_51 = arith.extui %eq3A_50 : i1 to i32
        %cond3A_52 = arith.constant 0 : i32
        %cond3A_53 = arith.cmpi ne, %convert_element_type3A_51, %cond3A_52 : i32
        scf.if %cond3A_53 {
          "tpu.region"() ({
            %run_scoped3A = tpu.sem_alloc : memref<!tpu.dma_semaphore, #tpu.memory_space<semaphore_mem>>
            %dma_start3A_54 = arith.constant 0 : i32
            %dma_start3A_55 = tpu.memref_slice %arg7[%add3A_43, %dma_start3A_54] : memref<64000x64xi32, #tpu.memory_space<hbm>> -> memref<80x64xi32, #tpu.memory_space<hbm>>
            %dma_start3A_56 = arith.constant 0 : i32
            %dma_start3A_57 = tpu.memref_slice %arg7[%add3A_43, %dma_start3A_56] : memref<64000x64xi32, #tpu.memory_space<hbm>> -> memref<80x64xi32, #tpu.memory_space<hbm>>
            tpu.enqueue_dma source(%arg10 : memref<80x64xi32, #tpu.memory_space<vmem>>) target(%dma_start3A_57 : memref<80x64xi32, #tpu.memory_space<hbm>>) target_semaphore(%run_scoped3A : memref<!tpu.dma_semaphore, #tpu.memory_space<semaphore_mem>>)
            %dma_wait3A_58 = arith.constant 0 : i32
            %dma_wait3A_59 = tpu.memref_slice %arg7[%add3A_43, %dma_wait3A_58] : memref<64000x64xi32, #tpu.memory_space<hbm>> -> memref<80x64xi32, #tpu.memory_space<hbm>>
            %dma_wait3A_60 = arith.constant 0 : i32
            %dma_wait3A_61 = tpu.memref_slice %arg7[%add3A_43, %dma_wait3A_60] : memref<64000x64xi32, #tpu.memory_space<hbm>> -> memref<80x64xi32, #tpu.memory_space<hbm>>
            tpu.wait_dma2 semaphore(%run_scoped3A : memref<!tpu.dma_semaphore, #tpu.memory_space<semaphore_mem>>) src(%arg10 : memref<80x64xi32, #tpu.memory_space<vmem>>) dst(%dma_wait3A_61 : memref<80x64xi32, #tpu.memory_space<hbm>>)
            tpu.yield
          }) : () -> ()
        } else {
        }
      } else {
      }
    }
    %scan3A_18 = arith.constant 50 : i32
    return
  }
}

#map = affine_map<(d0, d1) -> (0, 0)>
#map1 = affine_map<(d0, d1) -> (0, 0, 0)>
module attributes {stable_mosaic.version = 14 : i64} {
  func.func @_gather_sc(%arg0: i32, %arg1: i32, %arg2: memref<10000x64xi32, #tpu.memory_space<hbm>>, %arg3: memref<10000x64xi32, #tpu.memory_space<hbm>>, %arg4: memref<16x50x80xi32, #tpu.memory_space<hbm>>, %arg5: memref<16x50x80xi32, #tpu.memory_space<hbm>>, %arg6: memref<64000x64xi32, #tpu.memory_space<hbm>>, %arg7: memref<64000x64xi32, #tpu.memory_space<hbm>>, %arg8: memref<50x80xi32, #tpu.memory_space<vmem>>, %arg9: memref<80x64xi32, #tpu.memory_space<vmem>>, %arg10: memref<80x64xi32, #tpu.memory_space<vmem>>, %arg11: memref<10000x64xi32, #tpu.memory_space<vmem_shared>>, %arg12: memref<!tpu.dma_semaphore, #tpu.memory_space<semaphore_mem>>, %arg13: memref<!tpu.dma_semaphore, #tpu.memory_space<semaphore_mem>>) attributes {dimension_semantics = [#tpu.dimension_semantics<core_parallel>, #tpu.dimension_semantics<subcore_parallel>], iteration_bounds = array<i64: 2, 16>, scalar_prefetch = 0 : i64, scratch_operands = 6 : i64, tpu.core_type = #tpu.core_type<sc_vector_subcore>, window_params = [{transform_indices = #map}, {transform_indices = #map}, {transform_indices = #map1}, {transform_indices = #map1}, {transform_indices = #map}, {transform_indices = #map}]} {
    %eq3A = arith.constant 0 : i32
    %eq3A_0 = arith.cmpi eq, %arg0, %eq3A : i32
    %convert_element_type3A = arith.extui %eq3A_0 : i1 to i32
    %cond3A = arith.constant 0 : i32
    %cond3A_1 = arith.cmpi ne, %convert_element_type3A, %cond3A : i32
    scf.if %cond3A_1 {
      %mul3A_19 = arith.constant 624 : i32
      %mul3A_20 = arith.muli %arg1, %mul3A_19 : i32
      %mul3A_21 = arith.constant 624 : i32
      %mul3A_22 = arith.muli %arg1, %mul3A_21 : i32
      "tpu.region"() ({
        %run_scoped3A = tpu.sem_alloc : memref<!tpu.dma_semaphore, #tpu.memory_space<semaphore_mem>>
        %dma_start3A_28 = arith.constant 0 : i32
        %dma_start3A_29 = tpu.memref_slice %arg11[%mul3A_22, %dma_start3A_28] : memref<10000x64xi32, #tpu.memory_space<vmem_shared>> -> memref<624x64xi32, #tpu.memory_space<vmem_shared>>
        %dma_start3A_30 = arith.constant 0 : i32
        %dma_start3A_31 = tpu.memref_slice %arg2[%mul3A_20, %dma_start3A_30] : memref<10000x64xi32, #tpu.memory_space<hbm>> -> memref<624x64xi32, #tpu.memory_space<hbm>>
        tpu.enqueue_dma source(%dma_start3A_31 : memref<624x64xi32, #tpu.memory_space<hbm>>) target(%dma_start3A_29 : memref<624x64xi32, #tpu.memory_space<vmem_shared>>) target_semaphore(%run_scoped3A : memref<!tpu.dma_semaphore, #tpu.memory_space<semaphore_mem>>)
        %dma_wait3A = arith.constant 0 : i32
        %dma_wait3A_32 = tpu.memref_slice %arg11[%mul3A_22, %dma_wait3A] : memref<10000x64xi32, #tpu.memory_space<vmem_shared>> -> memref<624x64xi32, #tpu.memory_space<vmem_shared>>
        %dma_wait3A_33 = arith.constant 0 : i32
        %dma_wait3A_34 = tpu.memref_slice %arg2[%mul3A_20, %dma_wait3A_33] : memref<10000x64xi32, #tpu.memory_space<hbm>> -> memref<624x64xi32, #tpu.memory_space<hbm>>
        tpu.wait_dma2 semaphore(%run_scoped3A : memref<!tpu.dma_semaphore, #tpu.memory_space<semaphore_mem>>) src(%dma_wait3A_34 : memref<624x64xi32, #tpu.memory_space<hbm>>) dst(%dma_wait3A_32 : memref<624x64xi32, #tpu.memory_space<vmem_shared>>)
        tpu.yield
      }) : () -> ()
      %eq3A_23 = arith.constant 15 : i32
      %eq3A_24 = arith.cmpi eq, %arg1, %eq3A_23 : i32
      %convert_element_type3A_25 = arith.extui %eq3A_24 : i1 to i32
      %cond3A_26 = arith.constant 0 : i32
      %cond3A_27 = arith.cmpi ne, %convert_element_type3A_25, %cond3A_26 : i32
      scf.if %cond3A_27 {
        "tpu.region"() ({
          %run_scoped3A = tpu.sem_alloc : memref<!tpu.dma_semaphore, #tpu.memory_space<semaphore_mem>>
          %dma_start3A_28 = arith.constant 9984 : i32
          %dma_start3A_29 = arith.constant 0 : i32
          %dma_start3A_30 = tpu.memref_slice %arg11[%dma_start3A_28, %dma_start3A_29] : memref<10000x64xi32, #tpu.memory_space<vmem_shared>> -> memref<16x64xi32, #tpu.memory_space<vmem_shared>>
          %dma_start3A_31 = arith.constant 9984 : i32
          %dma_start3A_32 = arith.constant 0 : i32
          %dma_start3A_33 = tpu.memref_slice %arg2[%dma_start3A_31, %dma_start3A_32] : memref<10000x64xi32, #tpu.memory_space<hbm>> -> memref<16x64xi32, #tpu.memory_space<hbm>>
          tpu.enqueue_dma source(%dma_start3A_33 : memref<16x64xi32, #tpu.memory_space<hbm>>) target(%dma_start3A_30 : memref<16x64xi32, #tpu.memory_space<vmem_shared>>) target_semaphore(%run_scoped3A : memref<!tpu.dma_semaphore, #tpu.memory_space<semaphore_mem>>)
          %dma_wait3A = arith.constant 9984 : i32
          %dma_wait3A_34 = arith.constant 0 : i32
          %dma_wait3A_35 = tpu.memref_slice %arg11[%dma_wait3A, %dma_wait3A_34] : memref<10000x64xi32, #tpu.memory_space<vmem_shared>> -> memref<16x64xi32, #tpu.memory_space<vmem_shared>>
          %dma_wait3A_36 = arith.constant 9984 : i32
          %dma_wait3A_37 = arith.constant 0 : i32
          %dma_wait3A_38 = tpu.memref_slice %arg2[%dma_wait3A_36, %dma_wait3A_37] : memref<10000x64xi32, #tpu.memory_space<hbm>> -> memref<16x64xi32, #tpu.memory_space<hbm>>
          tpu.wait_dma2 semaphore(%run_scoped3A : memref<!tpu.dma_semaphore, #tpu.memory_space<semaphore_mem>>) src(%dma_wait3A_38 : memref<16x64xi32, #tpu.memory_space<hbm>>) dst(%dma_wait3A_35 : memref<16x64xi32, #tpu.memory_space<vmem_shared>>)
          tpu.yield
        }) : () -> ()
      } else {
      }
      "tpu.region"() ({
        %run_scoped3A = tpu.sem_alloc : memref<!tpu.dma_semaphore, #tpu.memory_space<semaphore_mem>>
        %dma_start3A_28 = arith.constant 0 : i32
        %dma_start3A_29 = arith.constant 0 : i32
        %dma_start3A_30 = tpu.memref_slice %arg4[%arg1, %dma_start3A_28, %dma_start3A_29] : memref<16x50x80xi32, #tpu.memory_space<hbm>> -> memref<1x50x80xi32, #tpu.memory_space<hbm>>
        %dma_start3A_31 = tpu.memref_squeeze %dma_start3A_30 : memref<1x50x80xi32, #tpu.memory_space<hbm>> -> memref<50x80xi32, #tpu.memory_space<hbm>>
        %dma_start3A_32 = arith.constant 0 : i32
        %dma_start3A_33 = arith.constant 0 : i32
        %dma_start3A_34 = tpu.memref_slice %arg4[%arg1, %dma_start3A_32, %dma_start3A_33] : memref<16x50x80xi32, #tpu.memory_space<hbm>> -> memref<1x50x80xi32, #tpu.memory_space<hbm>>
        %dma_start3A_35 = tpu.memref_squeeze %dma_start3A_34 : memref<1x50x80xi32, #tpu.memory_space<hbm>> -> memref<50x80xi32, #tpu.memory_space<hbm>>
        tpu.enqueue_dma source(%dma_start3A_35 : memref<50x80xi32, #tpu.memory_space<hbm>>) target(%arg8 : memref<50x80xi32, #tpu.memory_space<vmem>>) target_semaphore(%run_scoped3A : memref<!tpu.dma_semaphore, #tpu.memory_space<semaphore_mem>>)
        %dma_wait3A = arith.constant 0 : i32
        %dma_wait3A_36 = arith.constant 0 : i32
        %dma_wait3A_37 = tpu.memref_slice %arg4[%arg1, %dma_wait3A, %dma_wait3A_36] : memref<16x50x80xi32, #tpu.memory_space<hbm>> -> memref<1x50x80xi32, #tpu.memory_space<hbm>>
        %dma_wait3A_38 = tpu.memref_squeeze %dma_wait3A_37 : memref<1x50x80xi32, #tpu.memory_space<hbm>> -> memref<50x80xi32, #tpu.memory_space<hbm>>
        %dma_wait3A_39 = arith.constant 0 : i32
        %dma_wait3A_40 = arith.constant 0 : i32
        %dma_wait3A_41 = tpu.memref_slice %arg4[%arg1, %dma_wait3A_39, %dma_wait3A_40] : memref<16x50x80xi32, #tpu.memory_space<hbm>> -> memref<1x50x80xi32, #tpu.memory_space<hbm>>
        %dma_wait3A_42 = tpu.memref_squeeze %dma_wait3A_41 : memref<1x50x80xi32, #tpu.memory_space<hbm>> -> memref<50x80xi32, #tpu.memory_space<hbm>>
        tpu.wait_dma2 semaphore(%run_scoped3A : memref<!tpu.dma_semaphore, #tpu.memory_space<semaphore_mem>>) src(%dma_wait3A_42 : memref<50x80xi32, #tpu.memory_space<hbm>>) dst(%arg8 : memref<50x80xi32, #tpu.memory_space<vmem>>)
        tpu.yield
      }) : () -> ()
    } else {
    }
    %eq3A_2 = arith.constant 1 : i32
    %eq3A_3 = arith.cmpi eq, %arg0, %eq3A_2 : i32
    %convert_element_type3A_4 = arith.extui %eq3A_3 : i1 to i32
    %cond3A_5 = arith.constant 0 : i32
    %cond3A_6 = arith.cmpi ne, %convert_element_type3A_4, %cond3A_5 : i32
    scf.if %cond3A_6 {
      %mul3A_19 = arith.constant 624 : i32
      %mul3A_20 = arith.muli %arg1, %mul3A_19 : i32
      %mul3A_21 = arith.constant 624 : i32
      %mul3A_22 = arith.muli %arg1, %mul3A_21 : i32
      "tpu.region"() ({
        %run_scoped3A = tpu.sem_alloc : memref<!tpu.dma_semaphore, #tpu.memory_space<semaphore_mem>>
        %dma_start3A_28 = arith.constant 0 : i32
        %dma_start3A_29 = tpu.memref_slice %arg11[%mul3A_22, %dma_start3A_28] : memref<10000x64xi32, #tpu.memory_space<vmem_shared>> -> memref<624x64xi32, #tpu.memory_space<vmem_shared>>
        %dma_start3A_30 = arith.constant 0 : i32
        %dma_start3A_31 = tpu.memref_slice %arg3[%mul3A_20, %dma_start3A_30] : memref<10000x64xi32, #tpu.memory_space<hbm>> -> memref<624x64xi32, #tpu.memory_space<hbm>>
        tpu.enqueue_dma source(%dma_start3A_31 : memref<624x64xi32, #tpu.memory_space<hbm>>) target(%dma_start3A_29 : memref<624x64xi32, #tpu.memory_space<vmem_shared>>) target_semaphore(%run_scoped3A : memref<!tpu.dma_semaphore, #tpu.memory_space<semaphore_mem>>)
        %dma_wait3A = arith.constant 0 : i32
        %dma_wait3A_32 = tpu.memref_slice %arg11[%mul3A_22, %dma_wait3A] : memref<10000x64xi32, #tpu.memory_space<vmem_shared>> -> memref<624x64xi32, #tpu.memory_space<vmem_shared>>
        %dma_wait3A_33 = arith.constant 0 : i32
        %dma_wait3A_34 = tpu.memref_slice %arg3[%mul3A_20, %dma_wait3A_33] : memref<10000x64xi32, #tpu.memory_space<hbm>> -> memref<624x64xi32, #tpu.memory_space<hbm>>
        tpu.wait_dma2 semaphore(%run_scoped3A : memref<!tpu.dma_semaphore, #tpu.memory_space<semaphore_mem>>) src(%dma_wait3A_34 : memref<624x64xi32, #tpu.memory_space<hbm>>) dst(%dma_wait3A_32 : memref<624x64xi32, #tpu.memory_space<vmem_shared>>)
        tpu.yield
      }) : () -> ()
      %eq3A_23 = arith.constant 15 : i32
      %eq3A_24 = arith.cmpi eq, %arg1, %eq3A_23 : i32
      %convert_element_type3A_25 = arith.extui %eq3A_24 : i1 to i32
      %cond3A_26 = arith.constant 0 : i32
      %cond3A_27 = arith.cmpi ne, %convert_element_type3A_25, %cond3A_26 : i32
      scf.if %cond3A_27 {
        "tpu.region"() ({
          %run_scoped3A = tpu.sem_alloc : memref<!tpu.dma_semaphore, #tpu.memory_space<semaphore_mem>>
          %dma_start3A_28 = arith.constant 9984 : i32
          %dma_start3A_29 = arith.constant 0 : i32
          %dma_start3A_30 = tpu.memref_slice %arg11[%dma_start3A_28, %dma_start3A_29] : memref<10000x64xi32, #tpu.memory_space<vmem_shared>> -> memref<16x64xi32, #tpu.memory_space<vmem_shared>>
          %dma_start3A_31 = arith.constant 9984 : i32
          %dma_start3A_32 = arith.constant 0 : i32
          %dma_start3A_33 = tpu.memref_slice %arg3[%dma_start3A_31, %dma_start3A_32] : memref<10000x64xi32, #tpu.memory_space<hbm>> -> memref<16x64xi32, #tpu.memory_space<hbm>>
          tpu.enqueue_dma source(%dma_start3A_33 : memref<16x64xi32, #tpu.memory_space<hbm>>) target(%dma_start3A_30 : memref<16x64xi32, #tpu.memory_space<vmem_shared>>) target_semaphore(%run_scoped3A : memref<!tpu.dma_semaphore, #tpu.memory_space<semaphore_mem>>)
          %dma_wait3A = arith.constant 9984 : i32
          %dma_wait3A_34 = arith.constant 0 : i32
          %dma_wait3A_35 = tpu.memref_slice %arg11[%dma_wait3A, %dma_wait3A_34] : memref<10000x64xi32, #tpu.memory_space<vmem_shared>> -> memref<16x64xi32, #tpu.memory_space<vmem_shared>>
          %dma_wait3A_36 = arith.constant 9984 : i32
          %dma_wait3A_37 = arith.constant 0 : i32
          %dma_wait3A_38 = tpu.memref_slice %arg3[%dma_wait3A_36, %dma_wait3A_37] : memref<10000x64xi32, #tpu.memory_space<hbm>> -> memref<16x64xi32, #tpu.memory_space<hbm>>
          tpu.wait_dma2 semaphore(%run_scoped3A : memref<!tpu.dma_semaphore, #tpu.memory_space<semaphore_mem>>) src(%dma_wait3A_38 : memref<16x64xi32, #tpu.memory_space<hbm>>) dst(%dma_wait3A_35 : memref<16x64xi32, #tpu.memory_space<vmem_shared>>)
          tpu.yield
        }) : () -> ()
      } else {
      }
      "tpu.region"() ({
        %run_scoped3A = tpu.sem_alloc : memref<!tpu.dma_semaphore, #tpu.memory_space<semaphore_mem>>
        %dma_start3A_28 = arith.constant 0 : i32
        %dma_start3A_29 = arith.constant 0 : i32
        %dma_start3A_30 = tpu.memref_slice %arg5[%arg1, %dma_start3A_28, %dma_start3A_29] : memref<16x50x80xi32, #tpu.memory_space<hbm>> -> memref<1x50x80xi32, #tpu.memory_space<hbm>>
        %dma_start3A_31 = tpu.memref_squeeze %dma_start3A_30 : memref<1x50x80xi32, #tpu.memory_space<hbm>> -> memref<50x80xi32, #tpu.memory_space<hbm>>
        %dma_start3A_32 = arith.constant 0 : i32
        %dma_start3A_33 = arith.constant 0 : i32
        %dma_start3A_34 = tpu.memref_slice %arg5[%arg1, %dma_start3A_32, %dma_start3A_33] : memref<16x50x80xi32, #tpu.memory_space<hbm>> -> memref<1x50x80xi32, #tpu.memory_space<hbm>>
        %dma_start3A_35 = tpu.memref_squeeze %dma_start3A_34 : memref<1x50x80xi32, #tpu.memory_space<hbm>> -> memref<50x80xi32, #tpu.memory_space<hbm>>
        tpu.enqueue_dma source(%dma_start3A_35 : memref<50x80xi32, #tpu.memory_space<hbm>>) target(%arg8 : memref<50x80xi32, #tpu.memory_space<vmem>>) target_semaphore(%run_scoped3A : memref<!tpu.dma_semaphore, #tpu.memory_space<semaphore_mem>>)
        %dma_wait3A = arith.constant 0 : i32
        %dma_wait3A_36 = arith.constant 0 : i32
        %dma_wait3A_37 = tpu.memref_slice %arg5[%arg1, %dma_wait3A, %dma_wait3A_36] : memref<16x50x80xi32, #tpu.memory_space<hbm>> -> memref<1x50x80xi32, #tpu.memory_space<hbm>>
        %dma_wait3A_38 = tpu.memref_squeeze %dma_wait3A_37 : memref<1x50x80xi32, #tpu.memory_space<hbm>> -> memref<50x80xi32, #tpu.memory_space<hbm>>
        %dma_wait3A_39 = arith.constant 0 : i32
        %dma_wait3A_40 = arith.constant 0 : i32
        %dma_wait3A_41 = tpu.memref_slice %arg5[%arg1, %dma_wait3A_39, %dma_wait3A_40] : memref<16x50x80xi32, #tpu.memory_space<hbm>> -> memref<1x50x80xi32, #tpu.memory_space<hbm>>
        %dma_wait3A_42 = tpu.memref_squeeze %dma_wait3A_41 : memref<1x50x80xi32, #tpu.memory_space<hbm>> -> memref<50x80xi32, #tpu.memory_space<hbm>>
        tpu.wait_dma2 semaphore(%run_scoped3A : memref<!tpu.dma_semaphore, #tpu.memory_space<semaphore_mem>>) src(%dma_wait3A_42 : memref<50x80xi32, #tpu.memory_space<hbm>>) dst(%arg8 : memref<50x80xi32, #tpu.memory_space<vmem>>)
        tpu.yield
      }) : () -> ()
    } else {
    }
    %barrier3A = arith.constant 0 : index
    tpu.barrier barrier_id(%barrier3A)
    %mul3A = arith.constant 4000 : i32
    %mul3A_7 = arith.muli %arg1, %mul3A : i32
    %dma_start3A = arith.constant 0 : i32
    %dma_start3A_8 = arith.constant 0 : i32
    %dma_start3A_9 = tpu.memref_slice %arg8[%dma_start3A, %dma_start3A_8] : memref<50x80xi32, #tpu.memory_space<vmem>> -> memref<1x80xi32, #tpu.memory_space<vmem>>
    %dma_start3A_10 = tpu.memref_squeeze %dma_start3A_9 : memref<1x80xi32, #tpu.memory_space<vmem>> -> memref<80xi32, #tpu.memory_space<vmem>>
    %dma_start3A_11 = arith.constant 0 : i32
    %dma_start3A_12 = arith.constant 0 : i32
    %dma_start3A_13 = tpu.memref_slice %arg11[%dma_start3A_11, %dma_start3A_12] : memref<10000x64xi32, #tpu.memory_space<vmem_shared>> -> memref<10000x64xi32, #tpu.memory_space<vmem_shared>>
    tpu.enqueue_indirect_dma source(%dma_start3A_13 : memref<10000x64xi32, #tpu.memory_space<vmem_shared>>) target(%arg9 : memref<80x64xi32, #tpu.memory_space<vmem>>) offsets(%dma_start3A_10 : memref<80xi32, #tpu.memory_space<vmem>>) semaphore(%arg12 : memref<!tpu.dma_semaphore, #tpu.memory_space<semaphore_mem>>)
    %scan3A = arith.constant 0 : i32
    %scan3A_14 = arith.constant 0 : i32
    %scan3A_15 = arith.constant 50 : i32
    %scan3A_16 = arith.addi %scan3A_14, %scan3A_15 : i32
    %scan3A_17 = arith.constant 1 : i32
    scf.for %scan3A_19 = %scan3A_14 to %scan3A_16 step %scan3A_17  : i32 {
      %rem3A = arith.constant 2 : i32
      %rem3A_20 = arith.remsi %scan3A_19, %rem3A : i32
      %add3A = arith.constant 1 : i32
      %add3A_21 = arith.addi %scan3A_19, %add3A : i32
      %lt3A = arith.constant 50 : i32
      %lt3A_22 = arith.cmpi slt, %add3A_21, %lt3A : i32
      %convert_element_type3A_23 = arith.extui %lt3A_22 : i1 to i32
      %cond3A_24 = arith.constant 0 : i32
      %cond3A_25 = arith.cmpi ne, %convert_element_type3A_23, %cond3A_24 : i32
      scf.if %cond3A_25 {
        %eq3A_36 = arith.constant 0 : i32
        %eq3A_37 = arith.cmpi eq, %rem3A_20, %eq3A_36 : i32
        %convert_element_type3A_38 = arith.extui %eq3A_37 : i1 to i32
        %cond3A_39 = arith.constant 0 : i32
        %cond3A_40 = arith.cmpi ne, %convert_element_type3A_38, %cond3A_39 : i32
        scf.if %cond3A_40 {
          %add3A_46 = arith.constant 1 : i32
          %add3A_47 = arith.addi %scan3A_19, %add3A_46 : i32
          %dma_start3A_48 = arith.constant 0 : i32
          %dma_start3A_49 = tpu.memref_slice %arg8[%add3A_47, %dma_start3A_48] : memref<50x80xi32, #tpu.memory_space<vmem>> -> memref<1x80xi32, #tpu.memory_space<vmem>>
          %dma_start3A_50 = tpu.memref_squeeze %dma_start3A_49 : memref<1x80xi32, #tpu.memory_space<vmem>> -> memref<80xi32, #tpu.memory_space<vmem>>
          %dma_start3A_51 = arith.constant 0 : i32
          %dma_start3A_52 = arith.constant 0 : i32
          %dma_start3A_53 = tpu.memref_slice %arg11[%dma_start3A_51, %dma_start3A_52] : memref<10000x64xi32, #tpu.memory_space<vmem_shared>> -> memref<10000x64xi32, #tpu.memory_space<vmem_shared>>
          tpu.enqueue_indirect_dma source(%dma_start3A_53 : memref<10000x64xi32, #tpu.memory_space<vmem_shared>>) target(%arg10 : memref<80x64xi32, #tpu.memory_space<vmem>>) offsets(%dma_start3A_50 : memref<80xi32, #tpu.memory_space<vmem>>) semaphore(%arg13 : memref<!tpu.dma_semaphore, #tpu.memory_space<semaphore_mem>>)
        } else {
        }
        %eq3A_41 = arith.constant 1 : i32
        %eq3A_42 = arith.cmpi eq, %rem3A_20, %eq3A_41 : i32
        %convert_element_type3A_43 = arith.extui %eq3A_42 : i1 to i32
        %cond3A_44 = arith.constant 0 : i32
        %cond3A_45 = arith.cmpi ne, %convert_element_type3A_43, %cond3A_44 : i32
        scf.if %cond3A_45 {
          %add3A_46 = arith.constant 1 : i32
          %add3A_47 = arith.addi %scan3A_19, %add3A_46 : i32
          %dma_start3A_48 = arith.constant 0 : i32
          %dma_start3A_49 = tpu.memref_slice %arg8[%add3A_47, %dma_start3A_48] : memref<50x80xi32, #tpu.memory_space<vmem>> -> memref<1x80xi32, #tpu.memory_space<vmem>>
          %dma_start3A_50 = tpu.memref_squeeze %dma_start3A_49 : memref<1x80xi32, #tpu.memory_space<vmem>> -> memref<80xi32, #tpu.memory_space<vmem>>
          %dma_start3A_51 = arith.constant 0 : i32
          %dma_start3A_52 = arith.constant 0 : i32
          %dma_start3A_53 = tpu.memref_slice %arg11[%dma_start3A_51, %dma_start3A_52] : memref<10000x64xi32, #tpu.memory_space<vmem_shared>> -> memref<10000x64xi32, #tpu.memory_space<vmem_shared>>
          tpu.enqueue_indirect_dma source(%dma_start3A_53 : memref<10000x64xi32, #tpu.memory_space<vmem_shared>>) target(%arg9 : memref<80x64xi32, #tpu.memory_space<vmem>>) offsets(%dma_start3A_50 : memref<80xi32, #tpu.memory_space<vmem>>) semaphore(%arg12 : memref<!tpu.dma_semaphore, #tpu.memory_space<semaphore_mem>>)
        } else {
        }
      } else {
      }
      %eq3A_26 = arith.constant 0 : i32
      %eq3A_27 = arith.cmpi eq, %rem3A_20, %eq3A_26 : i32
      %convert_element_type3A_28 = arith.extui %eq3A_27 : i1 to i32
      %cond3A_29 = arith.constant 0 : i32
      %cond3A_30 = arith.cmpi ne, %convert_element_type3A_28, %cond3A_29 : i32
      scf.if %cond3A_30 {
        %dma_wait3A = arith.constant 0 : i32
        %dma_wait3A_36 = tpu.memref_slice %arg8[%scan3A_19, %dma_wait3A] : memref<50x80xi32, #tpu.memory_space<vmem>> -> memref<1x80xi32, #tpu.memory_space<vmem>>
        %dma_wait3A_37 = tpu.memref_squeeze %dma_wait3A_36 : memref<1x80xi32, #tpu.memory_space<vmem>> -> memref<80xi32, #tpu.memory_space<vmem>>
        %dma_wait3A_38 = arith.constant 0 : i32
        %dma_wait3A_39 = arith.constant 0 : i32
        %dma_wait3A_40 = tpu.memref_slice %arg11[%dma_wait3A_38, %dma_wait3A_39] : memref<10000x64xi32, #tpu.memory_space<vmem_shared>> -> memref<10000x64xi32, #tpu.memory_space<vmem_shared>>
        tpu.wait_indirect_dma semaphore(%arg12 : memref<!tpu.dma_semaphore, #tpu.memory_space<semaphore_mem>>) src(%dma_wait3A_40 : memref<10000x64xi32, #tpu.memory_space<vmem_shared>>) dst(%arg9 : memref<80x64xi32, #tpu.memory_space<vmem>>)
        %mul3A_41 = arith.constant 80 : i32
        %mul3A_42 = arith.muli %scan3A_19, %mul3A_41 : i32
        %add3A_43 = arith.addi %mul3A_7, %mul3A_42 : i32
        %eq3A_44 = arith.constant 0 : i32
        %eq3A_45 = arith.cmpi eq, %arg0, %eq3A_44 : i32
        %convert_element_type3A_46 = arith.extui %eq3A_45 : i1 to i32
        %cond3A_47 = arith.constant 0 : i32
        %cond3A_48 = arith.cmpi ne, %convert_element_type3A_46, %cond3A_47 : i32
        scf.if %cond3A_48 {
          "tpu.region"() ({
            %run_scoped3A = tpu.sem_alloc : memref<!tpu.dma_semaphore, #tpu.memory_space<semaphore_mem>>
            %dma_start3A_54 = arith.constant 0 : i32
            %dma_start3A_55 = tpu.memref_slice %arg6[%add3A_43, %dma_start3A_54] : memref<64000x64xi32, #tpu.memory_space<hbm>> -> memref<80x64xi32, #tpu.memory_space<hbm>>
            %dma_start3A_56 = arith.constant 0 : i32
            %dma_start3A_57 = tpu.memref_slice %arg6[%add3A_43, %dma_start3A_56] : memref<64000x64xi32, #tpu.memory_space<hbm>> -> memref<80x64xi32, #tpu.memory_space<hbm>>
            tpu.enqueue_dma source(%arg9 : memref<80x64xi32, #tpu.memory_space<vmem>>) target(%dma_start3A_57 : memref<80x64xi32, #tpu.memory_space<hbm>>) target_semaphore(%run_scoped3A : memref<!tpu.dma_semaphore, #tpu.memory_space<semaphore_mem>>)
            %dma_wait3A_58 = arith.constant 0 : i32
            %dma_wait3A_59 = tpu.memref_slice %arg6[%add3A_43, %dma_wait3A_58] : memref<64000x64xi32, #tpu.memory_space<hbm>> -> memref<80x64xi32, #tpu.memory_space<hbm>>
            %dma_wait3A_60 = arith.constant 0 : i32
            %dma_wait3A_61 = tpu.memref_slice %arg6[%add3A_43, %dma_wait3A_60] : memref<64000x64xi32, #tpu.memory_space<hbm>> -> memref<80x64xi32, #tpu.memory_space<hbm>>
            tpu.wait_dma2 semaphore(%run_scoped3A : memref<!tpu.dma_semaphore, #tpu.memory_space<semaphore_mem>>) src(%arg9 : memref<80x64xi32, #tpu.memory_space<vmem>>) dst(%dma_wait3A_61 : memref<80x64xi32, #tpu.memory_space<hbm>>)
            tpu.yield
          }) : () -> ()
        } else {
        }
        %eq3A_49 = arith.constant 1 : i32
        %eq3A_50 = arith.cmpi eq, %arg0, %eq3A_49 : i32
        %convert_element_type3A_51 = arith.extui %eq3A_50 : i1 to i32
        %cond3A_52 = arith.constant 0 : i32
        %cond3A_53 = arith.cmpi ne, %convert_element_type3A_51, %cond3A_52 : i32
        scf.if %cond3A_53 {
          "tpu.region"() ({
            %run_scoped3A = tpu.sem_alloc : memref<!tpu.dma_semaphore, #tpu.memory_space<semaphore_mem>>
            %dma_start3A_54 = arith.constant 0 : i32
            %dma_start3A_55 = tpu.memref_slice %arg7[%add3A_43, %dma_start3A_54] : memref<64000x64xi32, #tpu.memory_space<hbm>> -> memref<80x64xi32, #tpu.memory_space<hbm>>
            %dma_start3A_56 = arith.constant 0 : i32
            %dma_start3A_57 = tpu.memref_slice %arg7[%add3A_43, %dma_start3A_56] : memref<64000x64xi32, #tpu.memory_space<hbm>> -> memref<80x64xi32, #tpu.memory_space<hbm>>
            tpu.enqueue_dma source(%arg9 : memref<80x64xi32, #tpu.memory_space<vmem>>) target(%dma_start3A_57 : memref<80x64xi32, #tpu.memory_space<hbm>>) target_semaphore(%run_scoped3A : memref<!tpu.dma_semaphore, #tpu.memory_space<semaphore_mem>>)
            %dma_wait3A_58 = arith.constant 0 : i32
            %dma_wait3A_59 = tpu.memref_slice %arg7[%add3A_43, %dma_wait3A_58] : memref<64000x64xi32, #tpu.memory_space<hbm>> -> memref<80x64xi32, #tpu.memory_space<hbm>>
            %dma_wait3A_60 = arith.constant 0 : i32
            %dma_wait3A_61 = tpu.memref_slice %arg7[%add3A_43, %dma_wait3A_60] : memref<64000x64xi32, #tpu.memory_space<hbm>> -> memref<80x64xi32, #tpu.memory_space<hbm>>
            tpu.wait_dma2 semaphore(%run_scoped3A : memref<!tpu.dma_semaphore, #tpu.memory_space<semaphore_mem>>) src(%arg9 : memref<80x64xi32, #tpu.memory_space<vmem>>) dst(%dma_wait3A_61 : memref<80x64xi32, #tpu.memory_space<hbm>>)
            tpu.yield
          }) : () -> ()
        } else {
        }
      } else {
      }
      %eq3A_31 = arith.constant 1 : i32
      %eq3A_32 = arith.cmpi eq, %rem3A_20, %eq3A_31 : i32
      %convert_element_type3A_33 = arith.extui %eq3A_32 : i1 to i32
      %cond3A_34 = arith.constant 0 : i32
      %cond3A_35 = arith.cmpi ne, %convert_element_type3A_33, %cond3A_34 : i32
      scf.if %cond3A_35 {
        %dma_wait3A = arith.constant 0 : i32
        %dma_wait3A_36 = tpu.memref_slice %arg8[%scan3A_19, %dma_wait3A] : memref<50x80xi32, #tpu.memory_space<vmem>> -> memref<1x80xi32, #tpu.memory_space<vmem>>
        %dma_wait3A_37 = tpu.memref_squeeze %dma_wait3A_36 : memref<1x80xi32, #tpu.memory_space<vmem>> -> memref<80xi32, #tpu.memory_space<vmem>>
        %dma_wait3A_38 = arith.constant 0 : i32
        %dma_wait3A_39 = arith.constant 0 : i32
        %dma_wait3A_40 = tpu.memref_slice %arg11[%dma_wait3A_38, %dma_wait3A_39] : memref<10000x64xi32, #tpu.memory_space<vmem_shared>> -> memref<10000x64xi32, #tpu.memory_space<vmem_shared>>
        tpu.wait_indirect_dma semaphore(%arg13 : memref<!tpu.dma_semaphore, #tpu.memory_space<semaphore_mem>>) src(%dma_wait3A_40 : memref<10000x64xi32, #tpu.memory_space<vmem_shared>>) dst(%arg10 : memref<80x64xi32, #tpu.memory_space<vmem>>)
        %mul3A_41 = arith.constant 80 : i32
        %mul3A_42 = arith.muli %scan3A_19, %mul3A_41 : i32
        %add3A_43 = arith.addi %mul3A_7, %mul3A_42 : i32
        %eq3A_44 = arith.constant 0 : i32
        %eq3A_45 = arith.cmpi eq, %arg0, %eq3A_44 : i32
        %convert_element_type3A_46 = arith.extui %eq3A_45 : i1 to i32
        %cond3A_47 = arith.constant 0 : i32
        %cond3A_48 = arith.cmpi ne, %convert_element_type3A_46, %cond3A_47 : i32
        scf.if %cond3A_48 {
          "tpu.region"() ({
            %run_scoped3A = tpu.sem_alloc : memref<!tpu.dma_semaphore, #tpu.memory_space<semaphore_mem>>
            %dma_start3A_54 = arith.constant 0 : i32
            %dma_start3A_55 = tpu.memref_slice %arg6[%add3A_43, %dma_start3A_54] : memref<64000x64xi32, #tpu.memory_space<hbm>> -> memref<80x64xi32, #tpu.memory_space<hbm>>
            %dma_start3A_56 = arith.constant 0 : i32
            %dma_start3A_57 = tpu.memref_slice %arg6[%add3A_43, %dma_start3A_56] : memref<64000x64xi32, #tpu.memory_space<hbm>> -> memref<80x64xi32, #tpu.memory_space<hbm>>
            tpu.enqueue_dma source(%arg10 : memref<80x64xi32, #tpu.memory_space<vmem>>) target(%dma_start3A_57 : memref<80x64xi32, #tpu.memory_space<hbm>>) target_semaphore(%run_scoped3A : memref<!tpu.dma_semaphore, #tpu.memory_space<semaphore_mem>>)
            %dma_wait3A_58 = arith.constant 0 : i32
            %dma_wait3A_59 = tpu.memref_slice %arg6[%add3A_43, %dma_wait3A_58] : memref<64000x64xi32, #tpu.memory_space<hbm>> -> memref<80x64xi32, #tpu.memory_space<hbm>>
            %dma_wait3A_60 = arith.constant 0 : i32
            %dma_wait3A_61 = tpu.memref_slice %arg6[%add3A_43, %dma_wait3A_60] : memref<64000x64xi32, #tpu.memory_space<hbm>> -> memref<80x64xi32, #tpu.memory_space<hbm>>
            tpu.wait_dma2 semaphore(%run_scoped3A : memref<!tpu.dma_semaphore, #tpu.memory_space<semaphore_mem>>) src(%arg10 : memref<80x64xi32, #tpu.memory_space<vmem>>) dst(%dma_wait3A_61 : memref<80x64xi32, #tpu.memory_space<hbm>>)
            tpu.yield
          }) : () -> ()
        } else {
        }
        %eq3A_49 = arith.constant 1 : i32
        %eq3A_50 = arith.cmpi eq, %arg0, %eq3A_49 : i32
        %convert_element_type3A_51 = arith.extui %eq3A_50 : i1 to i32
        %cond3A_52 = arith.constant 0 : i32
        %cond3A_53 = arith.cmpi ne, %convert_element_type3A_51, %cond3A_52 : i32
        scf.if %cond3A_53 {
          "tpu.region"() ({
            %run_scoped3A = tpu.sem_alloc : memref<!tpu.dma_semaphore, #tpu.memory_space<semaphore_mem>>
            %dma_start3A_54 = arith.constant 0 : i32
            %dma_start3A_55 = tpu.memref_slice %arg7[%add3A_43, %dma_start3A_54] : memref<64000x64xi32, #tpu.memory_space<hbm>> -> memref<80x64xi32, #tpu.memory_space<hbm>>
            %dma_start3A_56 = arith.constant 0 : i32
            %dma_start3A_57 = tpu.memref_slice %arg7[%add3A_43, %dma_start3A_56] : memref<64000x64xi32, #tpu.memory_space<hbm>> -> memref<80x64xi32, #tpu.memory_space<hbm>>
            tpu.enqueue_dma source(%arg10 : memref<80x64xi32, #tpu.memory_space<vmem>>) target(%dma_start3A_57 : memref<80x64xi32, #tpu.memory_space<hbm>>) target_semaphore(%run_scoped3A : memref<!tpu.dma_semaphore, #tpu.memory_space<semaphore_mem>>)
            %dma_wait3A_58 = arith.constant 0 : i32
            %dma_wait3A_59 = tpu.memref_slice %arg7[%add3A_43, %dma_wait3A_58] : memref<64000x64xi32, #tpu.memory_space<hbm>> -> memref<80x64xi32, #tpu.memory_space<hbm>>
            %dma_wait3A_60 = arith.constant 0 : i32
            %dma_wait3A_61 = tpu.memref_slice %arg7[%add3A_43, %dma_wait3A_60] : memref<64000x64xi32, #tpu.memory_space<hbm>> -> memref<80x64xi32, #tpu.memory_space<hbm>>
            tpu.wait_dma2 semaphore(%run_scoped3A : memref<!tpu.dma_semaphore, #tpu.memory_space<semaphore_mem>>) src(%arg10 : memref<80x64xi32, #tpu.memory_space<vmem>>) dst(%dma_wait3A_61 : memref<80x64xi32, #tpu.memory_space<hbm>>)
            tpu.yield
          }) : () -> ()
        } else {
        }
      } else {
      }
    }
    %scan3A_18 = arith.constant 50 : i32
    return
  }
}

#map = affine_map<(d0, d1) -> (0, 0)>
#map1 = affine_map<(d0, d1) -> (0, 0, 0)>
module attributes {stable_mosaic.version = 14 : i64} {
  func.func @_gather_sc(%arg0: i32, %arg1: i32, %arg2: memref<10000x64xi32, #tpu.memory_space<hbm>>, %arg3: memref<10000x64xi32, #tpu.memory_space<hbm>>, %arg4: memref<16x50x80xi32, #tpu.memory_space<hbm>>, %arg5: memref<16x50x80xi32, #tpu.memory_space<hbm>>, %arg6: memref<64000x64xi32, #tpu.memory_space<hbm>>, %arg7: memref<64000x64xi32, #tpu.memory_space<hbm>>, %arg8: memref<50x80xi32, #tpu.memory_space<vmem>>, %arg9: memref<80x64xi32, #tpu.memory_space<vmem>>, %arg10: memref<80x64xi32, #tpu.memory_space<vmem>>, %arg11: memref<10000x64xi32, #tpu.memory_space<vmem_shared>>, %arg12: memref<!tpu.dma_semaphore, #tpu.memory_space<semaphore_mem>>, %arg13: memref<!tpu.dma_semaphore, #tpu.memory_space<semaphore_mem>>) attributes {dimension_semantics = [#tpu.dimension_semantics<core_parallel>, #tpu.dimension_semantics<subcore_parallel>], iteration_bounds = array<i64: 2, 16>, scalar_prefetch = 0 : i64, scratch_operands = 6 : i64, tpu.core_type = #tpu.core_type<sc_vector_subcore>, window_params = [{transform_indices = #map}, {transform_indices = #map}, {transform_indices = #map1}, {transform_indices = #map1}, {transform_indices = #map}, {transform_indices = #map}]} {
    %eq3A = arith.constant 0 : i32
    %eq3A_0 = arith.cmpi eq, %arg0, %eq3A : i32
    %convert_element_type3A = arith.extui %eq3A_0 : i1 to i32
    %cond3A = arith.constant 0 : i32
    %cond3A_1 = arith.cmpi ne, %convert_element_type3A, %cond3A : i32
    scf.if %cond3A_1 {
      %mul3A_19 = arith.constant 624 : i32
      %mul3A_20 = arith.muli %arg1, %mul3A_19 : i32
      %mul3A_21 = arith.constant 624 : i32
      %mul3A_22 = arith.muli %arg1, %mul3A_21 : i32
      "tpu.region"() ({
        %run_scoped3A = tpu.sem_alloc : memref<!tpu.dma_semaphore, #tpu.memory_space<semaphore_mem>>
        %dma_start3A_28 = arith.constant 0 : i32
        %dma_start3A_29 = tpu.memref_slice %arg11[%mul3A_22, %dma_start3A_28] : memref<10000x64xi32, #tpu.memory_space<vmem_shared>> -> memref<624x64xi32, #tpu.memory_space<vmem_shared>>
        %dma_start3A_30 = arith.constant 0 : i32
        %dma_start3A_31 = tpu.memref_slice %arg2[%mul3A_20, %dma_start3A_30] : memref<10000x64xi32, #tpu.memory_space<hbm>> -> memref<624x64xi32, #tpu.memory_space<hbm>>
        tpu.enqueue_dma source(%dma_start3A_31 : memref<624x64xi32, #tpu.memory_space<hbm>>) target(%dma_start3A_29 : memref<624x64xi32, #tpu.memory_space<vmem_shared>>) target_semaphore(%run_scoped3A : memref<!tpu.dma_semaphore, #tpu.memory_space<semaphore_mem>>)
        %dma_wait3A = arith.constant 0 : i32
        %dma_wait3A_32 = tpu.memref_slice %arg11[%mul3A_22, %dma_wait3A] : memref<10000x64xi32, #tpu.memory_space<vmem_shared>> -> memref<624x64xi32, #tpu.memory_space<vmem_shared>>
        %dma_wait3A_33 = arith.constant 0 : i32
        %dma_wait3A_34 = tpu.memref_slice %arg2[%mul3A_20, %dma_wait3A_33] : memref<10000x64xi32, #tpu.memory_space<hbm>> -> memref<624x64xi32, #tpu.memory_space<hbm>>
        tpu.wait_dma2 semaphore(%run_scoped3A : memref<!tpu.dma_semaphore, #tpu.memory_space<semaphore_mem>>) src(%dma_wait3A_34 : memref<624x64xi32, #tpu.memory_space<hbm>>) dst(%dma_wait3A_32 : memref<624x64xi32, #tpu.memory_space<vmem_shared>>)
        tpu.yield
      }) : () -> ()
      %eq3A_23 = arith.constant 15 : i32
      %eq3A_24 = arith.cmpi eq, %arg1, %eq3A_23 : i32
      %convert_element_type3A_25 = arith.extui %eq3A_24 : i1 to i32
      %cond3A_26 = arith.constant 0 : i32
      %cond3A_27 = arith.cmpi ne, %convert_element_type3A_25, %cond3A_26 : i32
      scf.if %cond3A_27 {
        "tpu.region"() ({
          %run_scoped3A = tpu.sem_alloc : memref<!tpu.dma_semaphore, #tpu.memory_space<semaphore_mem>>
          %dma_start3A_28 = arith.constant 9984 : i32
          %dma_start3A_29 = arith.constant 0 : i32
          %dma_start3A_30 = tpu.memref_slice %arg11[%dma_start3A_28, %dma_start3A_29] : memref<10000x64xi32, #tpu.memory_space<vmem_shared>> -> memref<16x64xi32, #tpu.memory_space<vmem_shared>>
          %dma_start3A_31 = arith.constant 9984 : i32
          %dma_start3A_32 = arith.constant 0 : i32
          %dma_start3A_33 = tpu.memref_slice %arg2[%dma_start3A_31, %dma_start3A_32] : memref<10000x64xi32, #tpu.memory_space<hbm>> -> memref<16x64xi32, #tpu.memory_space<hbm>>
          tpu.enqueue_dma source(%dma_start3A_33 : memref<16x64xi32, #tpu.memory_space<hbm>>) target(%dma_start3A_30 : memref<16x64xi32, #tpu.memory_space<vmem_shared>>) target_semaphore(%run_scoped3A : memref<!tpu.dma_semaphore, #tpu.memory_space<semaphore_mem>>)
          %dma_wait3A = arith.constant 9984 : i32
          %dma_wait3A_34 = arith.constant 0 : i32
          %dma_wait3A_35 = tpu.memref_slice %arg11[%dma_wait3A, %dma_wait3A_34] : memref<10000x64xi32, #tpu.memory_space<vmem_shared>> -> memref<16x64xi32, #tpu.memory_space<vmem_shared>>
          %dma_wait3A_36 = arith.constant 9984 : i32
          %dma_wait3A_37 = arith.constant 0 : i32
          %dma_wait3A_38 = tpu.memref_slice %arg2[%dma_wait3A_36, %dma_wait3A_37] : memref<10000x64xi32, #tpu.memory_space<hbm>> -> memref<16x64xi32, #tpu.memory_space<hbm>>
          tpu.wait_dma2 semaphore(%run_scoped3A : memref<!tpu.dma_semaphore, #tpu.memory_space<semaphore_mem>>) src(%dma_wait3A_38 : memref<16x64xi32, #tpu.memory_space<hbm>>) dst(%dma_wait3A_35 : memref<16x64xi32, #tpu.memory_space<vmem_shared>>)
          tpu.yield
        }) : () -> ()
      } else {
      }
      "tpu.region"() ({
        %run_scoped3A = tpu.sem_alloc : memref<!tpu.dma_semaphore, #tpu.memory_space<semaphore_mem>>
        %dma_start3A_28 = arith.constant 0 : i32
        %dma_start3A_29 = arith.constant 0 : i32
        %dma_start3A_30 = tpu.memref_slice %arg4[%arg1, %dma_start3A_28, %dma_start3A_29] : memref<16x50x80xi32, #tpu.memory_space<hbm>> -> memref<1x50x80xi32, #tpu.memory_space<hbm>>
        %dma_start3A_31 = tpu.memref_squeeze %dma_start3A_30 : memref<1x50x80xi32, #tpu.memory_space<hbm>> -> memref<50x80xi32, #tpu.memory_space<hbm>>
        %dma_start3A_32 = arith.constant 0 : i32
        %dma_start3A_33 = arith.constant 0 : i32
        %dma_start3A_34 = tpu.memref_slice %arg4[%arg1, %dma_start3A_32, %dma_start3A_33] : memref<16x50x80xi32, #tpu.memory_space<hbm>> -> memref<1x50x80xi32, #tpu.memory_space<hbm>>
        %dma_start3A_35 = tpu.memref_squeeze %dma_start3A_34 : memref<1x50x80xi32, #tpu.memory_space<hbm>> -> memref<50x80xi32, #tpu.memory_space<hbm>>
        tpu.enqueue_dma source(%dma_start3A_35 : memref<50x80xi32, #tpu.memory_space<hbm>>) target(%arg8 : memref<50x80xi32, #tpu.memory_space<vmem>>) target_semaphore(%run_scoped3A : memref<!tpu.dma_semaphore, #tpu.memory_space<semaphore_mem>>)
        %dma_wait3A = arith.constant 0 : i32
        %dma_wait3A_36 = arith.constant 0 : i32
        %dma_wait3A_37 = tpu.memref_slice %arg4[%arg1, %dma_wait3A, %dma_wait3A_36] : memref<16x50x80xi32, #tpu.memory_space<hbm>> -> memref<1x50x80xi32, #tpu.memory_space<hbm>>
        %dma_wait3A_38 = tpu.memref_squeeze %dma_wait3A_37 : memref<1x50x80xi32, #tpu.memory_space<hbm>> -> memref<50x80xi32, #tpu.memory_space<hbm>>
        %dma_wait3A_39 = arith.constant 0 : i32
        %dma_wait3A_40 = arith.constant 0 : i32
        %dma_wait3A_41 = tpu.memref_slice %arg4[%arg1, %dma_wait3A_39, %dma_wait3A_40] : memref<16x50x80xi32, #tpu.memory_space<hbm>> -> memref<1x50x80xi32, #tpu.memory_space<hbm>>
        %dma_wait3A_42 = tpu.memref_squeeze %dma_wait3A_41 : memref<1x50x80xi32, #tpu.memory_space<hbm>> -> memref<50x80xi32, #tpu.memory_space<hbm>>
        tpu.wait_dma2 semaphore(%run_scoped3A : memref<!tpu.dma_semaphore, #tpu.memory_space<semaphore_mem>>) src(%dma_wait3A_42 : memref<50x80xi32, #tpu.memory_space<hbm>>) dst(%arg8 : memref<50x80xi32, #tpu.memory_space<vmem>>)
        tpu.yield
      }) : () -> ()
    } else {
    }
    %eq3A_2 = arith.constant 1 : i32
    %eq3A_3 = arith.cmpi eq, %arg0, %eq3A_2 : i32
    %convert_element_type3A_4 = arith.extui %eq3A_3 : i1 to i32
    %cond3A_5 = arith.constant 0 : i32
    %cond3A_6 = arith.cmpi ne, %convert_element_type3A_4, %cond3A_5 : i32
    scf.if %cond3A_6 {
      %mul3A_19 = arith.constant 624 : i32
      %mul3A_20 = arith.muli %arg1, %mul3A_19 : i32
      %mul3A_21 = arith.constant 624 : i32
      %mul3A_22 = arith.muli %arg1, %mul3A_21 : i32
      "tpu.region"() ({
        %run_scoped3A = tpu.sem_alloc : memref<!tpu.dma_semaphore, #tpu.memory_space<semaphore_mem>>
        %dma_start3A_28 = arith.constant 0 : i32
        %dma_start3A_29 = tpu.memref_slice %arg11[%mul3A_22, %dma_start3A_28] : memref<10000x64xi32, #tpu.memory_space<vmem_shared>> -> memref<624x64xi32, #tpu.memory_space<vmem_shared>>
        %dma_start3A_30 = arith.constant 0 : i32
        %dma_start3A_31 = tpu.memref_slice %arg3[%mul3A_20, %dma_start3A_30] : memref<10000x64xi32, #tpu.memory_space<hbm>> -> memref<624x64xi32, #tpu.memory_space<hbm>>
        tpu.enqueue_dma source(%dma_start3A_31 : memref<624x64xi32, #tpu.memory_space<hbm>>) target(%dma_start3A_29 : memref<624x64xi32, #tpu.memory_space<vmem_shared>>) target_semaphore(%run_scoped3A : memref<!tpu.dma_semaphore, #tpu.memory_space<semaphore_mem>>)
        %dma_wait3A = arith.constant 0 : i32
        %dma_wait3A_32 = tpu.memref_slice %arg11[%mul3A_22, %dma_wait3A] : memref<10000x64xi32, #tpu.memory_space<vmem_shared>> -> memref<624x64xi32, #tpu.memory_space<vmem_shared>>
        %dma_wait3A_33 = arith.constant 0 : i32
        %dma_wait3A_34 = tpu.memref_slice %arg3[%mul3A_20, %dma_wait3A_33] : memref<10000x64xi32, #tpu.memory_space<hbm>> -> memref<624x64xi32, #tpu.memory_space<hbm>>
        tpu.wait_dma2 semaphore(%run_scoped3A : memref<!tpu.dma_semaphore, #tpu.memory_space<semaphore_mem>>) src(%dma_wait3A_34 : memref<624x64xi32, #tpu.memory_space<hbm>>) dst(%dma_wait3A_32 : memref<624x64xi32, #tpu.memory_space<vmem_shared>>)
        tpu.yield
      }) : () -> ()
      %eq3A_23 = arith.constant 15 : i32
      %eq3A_24 = arith.cmpi eq, %arg1, %eq3A_23 : i32
      %convert_element_type3A_25 = arith.extui %eq3A_24 : i1 to i32
      %cond3A_26 = arith.constant 0 : i32
      %cond3A_27 = arith.cmpi ne, %convert_element_type3A_25, %cond3A_26 : i32
      scf.if %cond3A_27 {
        "tpu.region"() ({
          %run_scoped3A = tpu.sem_alloc : memref<!tpu.dma_semaphore, #tpu.memory_space<semaphore_mem>>
          %dma_start3A_28 = arith.constant 9984 : i32
          %dma_start3A_29 = arith.constant 0 : i32
          %dma_start3A_30 = tpu.memref_slice %arg11[%dma_start3A_28, %dma_start3A_29] : memref<10000x64xi32, #tpu.memory_space<vmem_shared>> -> memref<16x64xi32, #tpu.memory_space<vmem_shared>>
          %dma_start3A_31 = arith.constant 9984 : i32
          %dma_start3A_32 = arith.constant 0 : i32
          %dma_start3A_33 = tpu.memref_slice %arg3[%dma_start3A_31, %dma_start3A_32] : memref<10000x64xi32, #tpu.memory_space<hbm>> -> memref<16x64xi32, #tpu.memory_space<hbm>>
          tpu.enqueue_dma source(%dma_start3A_33 : memref<16x64xi32, #tpu.memory_space<hbm>>) target(%dma_start3A_30 : memref<16x64xi32, #tpu.memory_space<vmem_shared>>) target_semaphore(%run_scoped3A : memref<!tpu.dma_semaphore, #tpu.memory_space<semaphore_mem>>)
          %dma_wait3A = arith.constant 9984 : i32
          %dma_wait3A_34 = arith.constant 0 : i32
          %dma_wait3A_35 = tpu.memref_slice %arg11[%dma_wait3A, %dma_wait3A_34] : memref<10000x64xi32, #tpu.memory_space<vmem_shared>> -> memref<16x64xi32, #tpu.memory_space<vmem_shared>>
          %dma_wait3A_36 = arith.constant 9984 : i32
          %dma_wait3A_37 = arith.constant 0 : i32
          %dma_wait3A_38 = tpu.memref_slice %arg3[%dma_wait3A_36, %dma_wait3A_37] : memref<10000x64xi32, #tpu.memory_space<hbm>> -> memref<16x64xi32, #tpu.memory_space<hbm>>
          tpu.wait_dma2 semaphore(%run_scoped3A : memref<!tpu.dma_semaphore, #tpu.memory_space<semaphore_mem>>) src(%dma_wait3A_38 : memref<16x64xi32, #tpu.memory_space<hbm>>) dst(%dma_wait3A_35 : memref<16x64xi32, #tpu.memory_space<vmem_shared>>)
          tpu.yield
        }) : () -> ()
      } else {
      }
      "tpu.region"() ({
        %run_scoped3A = tpu.sem_alloc : memref<!tpu.dma_semaphore, #tpu.memory_space<semaphore_mem>>
        %dma_start3A_28 = arith.constant 0 : i32
        %dma_start3A_29 = arith.constant 0 : i32
        %dma_start3A_30 = tpu.memref_slice %arg5[%arg1, %dma_start3A_28, %dma_start3A_29] : memref<16x50x80xi32, #tpu.memory_space<hbm>> -> memref<1x50x80xi32, #tpu.memory_space<hbm>>
        %dma_start3A_31 = tpu.memref_squeeze %dma_start3A_30 : memref<1x50x80xi32, #tpu.memory_space<hbm>> -> memref<50x80xi32, #tpu.memory_space<hbm>>
        %dma_start3A_32 = arith.constant 0 : i32
        %dma_start3A_33 = arith.constant 0 : i32
        %dma_start3A_34 = tpu.memref_slice %arg5[%arg1, %dma_start3A_32, %dma_start3A_33] : memref<16x50x80xi32, #tpu.memory_space<hbm>> -> memref<1x50x80xi32, #tpu.memory_space<hbm>>
        %dma_start3A_35 = tpu.memref_squeeze %dma_start3A_34 : memref<1x50x80xi32, #tpu.memory_space<hbm>> -> memref<50x80xi32, #tpu.memory_space<hbm>>
        tpu.enqueue_dma source(%dma_start3A_35 : memref<50x80xi32, #tpu.memory_space<hbm>>) target(%arg8 : memref<50x80xi32, #tpu.memory_space<vmem>>) target_semaphore(%run_scoped3A : memref<!tpu.dma_semaphore, #tpu.memory_space<semaphore_mem>>)
        %dma_wait3A = arith.constant 0 : i32
        %dma_wait3A_36 = arith.constant 0 : i32
        %dma_wait3A_37 = tpu.memref_slice %arg5[%arg1, %dma_wait3A, %dma_wait3A_36] : memref<16x50x80xi32, #tpu.memory_space<hbm>> -> memref<1x50x80xi32, #tpu.memory_space<hbm>>
        %dma_wait3A_38 = tpu.memref_squeeze %dma_wait3A_37 : memref<1x50x80xi32, #tpu.memory_space<hbm>> -> memref<50x80xi32, #tpu.memory_space<hbm>>
        %dma_wait3A_39 = arith.constant 0 : i32
        %dma_wait3A_40 = arith.constant 0 : i32
        %dma_wait3A_41 = tpu.memref_slice %arg5[%arg1, %dma_wait3A_39, %dma_wait3A_40] : memref<16x50x80xi32, #tpu.memory_space<hbm>> -> memref<1x50x80xi32, #tpu.memory_space<hbm>>
        %dma_wait3A_42 = tpu.memref_squeeze %dma_wait3A_41 : memref<1x50x80xi32, #tpu.memory_space<hbm>> -> memref<50x80xi32, #tpu.memory_space<hbm>>
        tpu.wait_dma2 semaphore(%run_scoped3A : memref<!tpu.dma_semaphore, #tpu.memory_space<semaphore_mem>>) src(%dma_wait3A_42 : memref<50x80xi32, #tpu.memory_space<hbm>>) dst(%arg8 : memref<50x80xi32, #tpu.memory_space<vmem>>)
        tpu.yield
      }) : () -> ()
    } else {
    }
    %barrier3A = arith.constant 0 : index
    tpu.barrier barrier_id(%barrier3A)
    %mul3A = arith.constant 4000 : i32
    %mul3A_7 = arith.muli %arg1, %mul3A : i32
    %dma_start3A = arith.constant 0 : i32
    %dma_start3A_8 = arith.constant 0 : i32
    %dma_start3A_9 = tpu.memref_slice %arg8[%dma_start3A, %dma_start3A_8] : memref<50x80xi32, #tpu.memory_space<vmem>> -> memref<1x80xi32, #tpu.memory_space<vmem>>
    %dma_start3A_10 = tpu.memref_squeeze %dma_start3A_9 : memref<1x80xi32, #tpu.memory_space<vmem>> -> memref<80xi32, #tpu.memory_space<vmem>>
    %dma_start3A_11 = arith.constant 0 : i32
    %dma_start3A_12 = arith.constant 0 : i32
    %dma_start3A_13 = tpu.memref_slice %arg11[%dma_start3A_11, %dma_start3A_12] : memref<10000x64xi32, #tpu.memory_space<vmem_shared>> -> memref<10000x64xi32, #tpu.memory_space<vmem_shared>>
    tpu.enqueue_indirect_dma source(%dma_start3A_13 : memref<10000x64xi32, #tpu.memory_space<vmem_shared>>) target(%arg9 : memref<80x64xi32, #tpu.memory_space<vmem>>) offsets(%dma_start3A_10 : memref<80xi32, #tpu.memory_space<vmem>>) semaphore(%arg12 : memref<!tpu.dma_semaphore, #tpu.memory_space<semaphore_mem>>)
    %scan3A = arith.constant 0 : i32
    %scan3A_14 = arith.constant 0 : i32
    %scan3A_15 = arith.constant 50 : i32
    %scan3A_16 = arith.addi %scan3A_14, %scan3A_15 : i32
    %scan3A_17 = arith.constant 1 : i32
    scf.for %scan3A_19 = %scan3A_14 to %scan3A_16 step %scan3A_17  : i32 {
      %rem3A = arith.constant 2 : i32
      %rem3A_20 = arith.remsi %scan3A_19, %rem3A : i32
      %add3A = arith.constant 1 : i32
      %add3A_21 = arith.addi %scan3A_19, %add3A : i32
      %lt3A = arith.constant 50 : i32
      %lt3A_22 = arith.cmpi slt, %add3A_21, %lt3A : i32
      %convert_element_type3A_23 = arith.extui %lt3A_22 : i1 to i32
      %cond3A_24 = arith.constant 0 : i32
      %cond3A_25 = arith.cmpi ne, %convert_element_type3A_23, %cond3A_24 : i32
      scf.if %cond3A_25 {
        %eq3A_36 = arith.constant 0 : i32
        %eq3A_37 = arith.cmpi eq, %rem3A_20, %eq3A_36 : i32
        %convert_element_type3A_38 = arith.extui %eq3A_37 : i1 to i32
        %cond3A_39 = arith.constant 0 : i32
        %cond3A_40 = arith.cmpi ne, %convert_element_type3A_38, %cond3A_39 : i32
        scf.if %cond3A_40 {
          %add3A_46 = arith.constant 1 : i32
          %add3A_47 = arith.addi %scan3A_19, %add3A_46 : i32
          %dma_start3A_48 = arith.constant 0 : i32
          %dma_start3A_49 = tpu.memref_slice %arg8[%add3A_47, %dma_start3A_48] : memref<50x80xi32, #tpu.memory_space<vmem>> -> memref<1x80xi32, #tpu.memory_space<vmem>>
          %dma_start3A_50 = tpu.memref_squeeze %dma_start3A_49 : memref<1x80xi32, #tpu.memory_space<vmem>> -> memref<80xi32, #tpu.memory_space<vmem>>
          %dma_start3A_51 = arith.constant 0 : i32
          %dma_start3A_52 = arith.constant 0 : i32
          %dma_start3A_53 = tpu.memref_slice %arg11[%dma_start3A_51, %dma_start3A_52] : memref<10000x64xi32, #tpu.memory_space<vmem_shared>> -> memref<10000x64xi32, #tpu.memory_space<vmem_shared>>
          tpu.enqueue_indirect_dma source(%dma_start3A_53 : memref<10000x64xi32, #tpu.memory_space<vmem_shared>>) target(%arg10 : memref<80x64xi32, #tpu.memory_space<vmem>>) offsets(%dma_start3A_50 : memref<80xi32, #tpu.memory_space<vmem>>) semaphore(%arg13 : memref<!tpu.dma_semaphore, #tpu.memory_space<semaphore_mem>>)
        } else {
        }
        %eq3A_41 = arith.constant 1 : i32
        %eq3A_42 = arith.cmpi eq, %rem3A_20, %eq3A_41 : i32
        %convert_element_type3A_43 = arith.extui %eq3A_42 : i1 to i32
        %cond3A_44 = arith.constant 0 : i32
        %cond3A_45 = arith.cmpi ne, %convert_element_type3A_43, %cond3A_44 : i32
        scf.if %cond3A_45 {
          %add3A_46 = arith.constant 1 : i32
          %add3A_47 = arith.addi %scan3A_19, %add3A_46 : i32
          %dma_start3A_48 = arith.constant 0 : i32
          %dma_start3A_49 = tpu.memref_slice %arg8[%add3A_47, %dma_start3A_48] : memref<50x80xi32, #tpu.memory_space<vmem>> -> memref<1x80xi32, #tpu.memory_space<vmem>>
          %dma_start3A_50 = tpu.memref_squeeze %dma_start3A_49 : memref<1x80xi32, #tpu.memory_space<vmem>> -> memref<80xi32, #tpu.memory_space<vmem>>
          %dma_start3A_51 = arith.constant 0 : i32
          %dma_start3A_52 = arith.constant 0 : i32
          %dma_start3A_53 = tpu.memref_slice %arg11[%dma_start3A_51, %dma_start3A_52] : memref<10000x64xi32, #tpu.memory_space<vmem_shared>> -> memref<10000x64xi32, #tpu.memory_space<vmem_shared>>
          tpu.enqueue_indirect_dma source(%dma_start3A_53 : memref<10000x64xi32, #tpu.memory_space<vmem_shared>>) target(%arg9 : memref<80x64xi32, #tpu.memory_space<vmem>>) offsets(%dma_start3A_50 : memref<80xi32, #tpu.memory_space<vmem>>) semaphore(%arg12 : memref<!tpu.dma_semaphore, #tpu.memory_space<semaphore_mem>>)
        } else {
        }
      } else {
      }
      %eq3A_26 = arith.constant 0 : i32
      %eq3A_27 = arith.cmpi eq, %rem3A_20, %eq3A_26 : i32
      %convert_element_type3A_28 = arith.extui %eq3A_27 : i1 to i32
      %cond3A_29 = arith.constant 0 : i32
      %cond3A_30 = arith.cmpi ne, %convert_element_type3A_28, %cond3A_29 : i32
      scf.if %cond3A_30 {
        %dma_wait3A = arith.constant 0 : i32
        %dma_wait3A_36 = tpu.memref_slice %arg8[%scan3A_19, %dma_wait3A] : memref<50x80xi32, #tpu.memory_space<vmem>> -> memref<1x80xi32, #tpu.memory_space<vmem>>
        %dma_wait3A_37 = tpu.memref_squeeze %dma_wait3A_36 : memref<1x80xi32, #tpu.memory_space<vmem>> -> memref<80xi32, #tpu.memory_space<vmem>>
        %dma_wait3A_38 = arith.constant 0 : i32
        %dma_wait3A_39 = arith.constant 0 : i32
        %dma_wait3A_40 = tpu.memref_slice %arg11[%dma_wait3A_38, %dma_wait3A_39] : memref<10000x64xi32, #tpu.memory_space<vmem_shared>> -> memref<10000x64xi32, #tpu.memory_space<vmem_shared>>
        tpu.wait_indirect_dma semaphore(%arg12 : memref<!tpu.dma_semaphore, #tpu.memory_space<semaphore_mem>>) src(%dma_wait3A_40 : memref<10000x64xi32, #tpu.memory_space<vmem_shared>>) dst(%arg9 : memref<80x64xi32, #tpu.memory_space<vmem>>)
        %mul3A_41 = arith.constant 80 : i32
        %mul3A_42 = arith.muli %scan3A_19, %mul3A_41 : i32
        %add3A_43 = arith.addi %mul3A_7, %mul3A_42 : i32
        %eq3A_44 = arith.constant 0 : i32
        %eq3A_45 = arith.cmpi eq, %arg0, %eq3A_44 : i32
        %convert_element_type3A_46 = arith.extui %eq3A_45 : i1 to i32
        %cond3A_47 = arith.constant 0 : i32
        %cond3A_48 = arith.cmpi ne, %convert_element_type3A_46, %cond3A_47 : i32
        scf.if %cond3A_48 {
          "tpu.region"() ({
            %run_scoped3A = tpu.sem_alloc : memref<!tpu.dma_semaphore, #tpu.memory_space<semaphore_mem>>
            %dma_start3A_54 = arith.constant 0 : i32
            %dma_start3A_55 = tpu.memref_slice %arg6[%add3A_43, %dma_start3A_54] : memref<64000x64xi32, #tpu.memory_space<hbm>> -> memref<80x64xi32, #tpu.memory_space<hbm>>
            %dma_start3A_56 = arith.constant 0 : i32
            %dma_start3A_57 = tpu.memref_slice %arg6[%add3A_43, %dma_start3A_56] : memref<64000x64xi32, #tpu.memory_space<hbm>> -> memref<80x64xi32, #tpu.memory_space<hbm>>
            tpu.enqueue_dma source(%arg9 : memref<80x64xi32, #tpu.memory_space<vmem>>) target(%dma_start3A_57 : memref<80x64xi32, #tpu.memory_space<hbm>>) target_semaphore(%run_scoped3A : memref<!tpu.dma_semaphore, #tpu.memory_space<semaphore_mem>>)
            %dma_wait3A_58 = arith.constant 0 : i32
            %dma_wait3A_59 = tpu.memref_slice %arg6[%add3A_43, %dma_wait3A_58] : memref<64000x64xi32, #tpu.memory_space<hbm>> -> memref<80x64xi32, #tpu.memory_space<hbm>>
            %dma_wait3A_60 = arith.constant 0 : i32
            %dma_wait3A_61 = tpu.memref_slice %arg6[%add3A_43, %dma_wait3A_60] : memref<64000x64xi32, #tpu.memory_space<hbm>> -> memref<80x64xi32, #tpu.memory_space<hbm>>
            tpu.wait_dma2 semaphore(%run_scoped3A : memref<!tpu.dma_semaphore, #tpu.memory_space<semaphore_mem>>) src(%arg9 : memref<80x64xi32, #tpu.memory_space<vmem>>) dst(%dma_wait3A_61 : memref<80x64xi32, #tpu.memory_space<hbm>>)
            tpu.yield
          }) : () -> ()
        } else {
        }
        %eq3A_49 = arith.constant 1 : i32
        %eq3A_50 = arith.cmpi eq, %arg0, %eq3A_49 : i32
        %convert_element_type3A_51 = arith.extui %eq3A_50 : i1 to i32
        %cond3A_52 = arith.constant 0 : i32
        %cond3A_53 = arith.cmpi ne, %convert_element_type3A_51, %cond3A_52 : i32
        scf.if %cond3A_53 {
          "tpu.region"() ({
            %run_scoped3A = tpu.sem_alloc : memref<!tpu.dma_semaphore, #tpu.memory_space<semaphore_mem>>
            %dma_start3A_54 = arith.constant 0 : i32
            %dma_start3A_55 = tpu.memref_slice %arg7[%add3A_43, %dma_start3A_54] : memref<64000x64xi32, #tpu.memory_space<hbm>> -> memref<80x64xi32, #tpu.memory_space<hbm>>
            %dma_start3A_56 = arith.constant 0 : i32
            %dma_start3A_57 = tpu.memref_slice %arg7[%add3A_43, %dma_start3A_56] : memref<64000x64xi32, #tpu.memory_space<hbm>> -> memref<80x64xi32, #tpu.memory_space<hbm>>
            tpu.enqueue_dma source(%arg9 : memref<80x64xi32, #tpu.memory_space<vmem>>) target(%dma_start3A_57 : memref<80x64xi32, #tpu.memory_space<hbm>>) target_semaphore(%run_scoped3A : memref<!tpu.dma_semaphore, #tpu.memory_space<semaphore_mem>>)
            %dma_wait3A_58 = arith.constant 0 : i32
            %dma_wait3A_59 = tpu.memref_slice %arg7[%add3A_43, %dma_wait3A_58] : memref<64000x64xi32, #tpu.memory_space<hbm>> -> memref<80x64xi32, #tpu.memory_space<hbm>>
            %dma_wait3A_60 = arith.constant 0 : i32
            %dma_wait3A_61 = tpu.memref_slice %arg7[%add3A_43, %dma_wait3A_60] : memref<64000x64xi32, #tpu.memory_space<hbm>> -> memref<80x64xi32, #tpu.memory_space<hbm>>
            tpu.wait_dma2 semaphore(%run_scoped3A : memref<!tpu.dma_semaphore, #tpu.memory_space<semaphore_mem>>) src(%arg9 : memref<80x64xi32, #tpu.memory_space<vmem>>) dst(%dma_wait3A_61 : memref<80x64xi32, #tpu.memory_space<hbm>>)
            tpu.yield
          }) : () -> ()
        } else {
        }
      } else {
      }
      %eq3A_31 = arith.constant 1 : i32
      %eq3A_32 = arith.cmpi eq, %rem3A_20, %eq3A_31 : i32
      %convert_element_type3A_33 = arith.extui %eq3A_32 : i1 to i32
      %cond3A_34 = arith.constant 0 : i32
      %cond3A_35 = arith.cmpi ne, %convert_element_type3A_33, %cond3A_34 : i32
      scf.if %cond3A_35 {
        %dma_wait3A = arith.constant 0 : i32
        %dma_wait3A_36 = tpu.memref_slice %arg8[%scan3A_19, %dma_wait3A] : memref<50x80xi32, #tpu.memory_space<vmem>> -> memref<1x80xi32, #tpu.memory_space<vmem>>
        %dma_wait3A_37 = tpu.memref_squeeze %dma_wait3A_36 : memref<1x80xi32, #tpu.memory_space<vmem>> -> memref<80xi32, #tpu.memory_space<vmem>>
        %dma_wait3A_38 = arith.constant 0 : i32
        %dma_wait3A_39 = arith.constant 0 : i32
        %dma_wait3A_40 = tpu.memref_slice %arg11[%dma_wait3A_38, %dma_wait3A_39] : memref<10000x64xi32, #tpu.memory_space<vmem_shared>> -> memref<10000x64xi32, #tpu.memory_space<vmem_shared>>
        tpu.wait_indirect_dma semaphore(%arg13 : memref<!tpu.dma_semaphore, #tpu.memory_space<semaphore_mem>>) src(%dma_wait3A_40 : memref<10000x64xi32, #tpu.memory_space<vmem_shared>>) dst(%arg10 : memref<80x64xi32, #tpu.memory_space<vmem>>)
        %mul3A_41 = arith.constant 80 : i32
        %mul3A_42 = arith.muli %scan3A_19, %mul3A_41 : i32
        %add3A_43 = arith.addi %mul3A_7, %mul3A_42 : i32
        %eq3A_44 = arith.constant 0 : i32
        %eq3A_45 = arith.cmpi eq, %arg0, %eq3A_44 : i32
        %convert_element_type3A_46 = arith.extui %eq3A_45 : i1 to i32
        %cond3A_47 = arith.constant 0 : i32
        %cond3A_48 = arith.cmpi ne, %convert_element_type3A_46, %cond3A_47 : i32
        scf.if %cond3A_48 {
          "tpu.region"() ({
            %run_scoped3A = tpu.sem_alloc : memref<!tpu.dma_semaphore, #tpu.memory_space<semaphore_mem>>
            %dma_start3A_54 = arith.constant 0 : i32
            %dma_start3A_55 = tpu.memref_slice %arg6[%add3A_43, %dma_start3A_54] : memref<64000x64xi32, #tpu.memory_space<hbm>> -> memref<80x64xi32, #tpu.memory_space<hbm>>
            %dma_start3A_56 = arith.constant 0 : i32
            %dma_start3A_57 = tpu.memref_slice %arg6[%add3A_43, %dma_start3A_56] : memref<64000x64xi32, #tpu.memory_space<hbm>> -> memref<80x64xi32, #tpu.memory_space<hbm>>
            tpu.enqueue_dma source(%arg10 : memref<80x64xi32, #tpu.memory_space<vmem>>) target(%dma_start3A_57 : memref<80x64xi32, #tpu.memory_space<hbm>>) target_semaphore(%run_scoped3A : memref<!tpu.dma_semaphore, #tpu.memory_space<semaphore_mem>>)
            %dma_wait3A_58 = arith.constant 0 : i32
            %dma_wait3A_59 = tpu.memref_slice %arg6[%add3A_43, %dma_wait3A_58] : memref<64000x64xi32, #tpu.memory_space<hbm>> -> memref<80x64xi32, #tpu.memory_space<hbm>>
            %dma_wait3A_60 = arith.constant 0 : i32
            %dma_wait3A_61 = tpu.memref_slice %arg6[%add3A_43, %dma_wait3A_60] : memref<64000x64xi32, #tpu.memory_space<hbm>> -> memref<80x64xi32, #tpu.memory_space<hbm>>
            tpu.wait_dma2 semaphore(%run_scoped3A : memref<!tpu.dma_semaphore, #tpu.memory_space<semaphore_mem>>) src(%arg10 : memref<80x64xi32, #tpu.memory_space<vmem>>) dst(%dma_wait3A_61 : memref<80x64xi32, #tpu.memory_space<hbm>>)
            tpu.yield
          }) : () -> ()
        } else {
        }
        %eq3A_49 = arith.constant 1 : i32
        %eq3A_50 = arith.cmpi eq, %arg0, %eq3A_49 : i32
        %convert_element_type3A_51 = arith.extui %eq3A_50 : i1 to i32
        %cond3A_52 = arith.constant 0 : i32
        %cond3A_53 = arith.cmpi ne, %convert_element_type3A_51, %cond3A_52 : i32
        scf.if %cond3A_53 {
          "tpu.region"() ({
            %run_scoped3A = tpu.sem_alloc : memref<!tpu.dma_semaphore, #tpu.memory_space<semaphore_mem>>
            %dma_start3A_54 = arith.constant 0 : i32
            %dma_start3A_55 = tpu.memref_slice %arg7[%add3A_43, %dma_start3A_54] : memref<64000x64xi32, #tpu.memory_space<hbm>> -> memref<80x64xi32, #tpu.memory_space<hbm>>
            %dma_start3A_56 = arith.constant 0 : i32
            %dma_start3A_57 = tpu.memref_slice %arg7[%add3A_43, %dma_start3A_56] : memref<64000x64xi32, #tpu.memory_space<hbm>> -> memref<80x64xi32, #tpu.memory_space<hbm>>
            tpu.enqueue_dma source(%arg10 : memref<80x64xi32, #tpu.memory_space<vmem>>) target(%dma_start3A_57 : memref<80x64xi32, #tpu.memory_space<hbm>>) target_semaphore(%run_scoped3A : memref<!tpu.dma_semaphore, #tpu.memory_space<semaphore_mem>>)
            %dma_wait3A_58 = arith.constant 0 : i32
            %dma_wait3A_59 = tpu.memref_slice %arg7[%add3A_43, %dma_wait3A_58] : memref<64000x64xi32, #tpu.memory_space<hbm>> -> memref<80x64xi32, #tpu.memory_space<hbm>>
            %dma_wait3A_60 = arith.constant 0 : i32
            %dma_wait3A_61 = tpu.memref_slice %arg7[%add3A_43, %dma_wait3A_60] : memref<64000x64xi32, #tpu.memory_space<hbm>> -> memref<80x64xi32, #tpu.memory_space<hbm>>
            tpu.wait_dma2 semaphore(%run_scoped3A : memref<!tpu.dma_semaphore, #tpu.memory_space<semaphore_mem>>) src(%arg10 : memref<80x64xi32, #tpu.memory_space<vmem>>) dst(%dma_wait3A_61 : memref<80x64xi32, #tpu.memory_space<hbm>>)
            tpu.yield
          }) : () -> ()
        } else {
        }
      } else {
      }
    }
    %scan3A_18 = arith.constant 50 : i32
    return
  }
}

module attributes {stable_mosaic.version = 14 : i64} {
  func.func @_node_body(%arg0: i32, %arg1: memref<1000x128xf32, #tpu.memory_space<vmem>>, %arg2: memref<2x1000x128xf32, #tpu.memory_space<vmem>>, %arg3: memref<128x128xf32, #tpu.memory_space<vmem>>, %arg4: memref<128x128xf32, #tpu.memory_space<vmem>>, %arg5: memref<1x128xf32, #tpu.memory_space<vmem>>, %arg6: memref<128x128xf32, #tpu.memory_space<vmem>>, %arg7: memref<1x128xf32, #tpu.memory_space<vmem>>, %arg8: memref<128x128xf32, #tpu.memory_space<vmem>>, %arg9: memref<128x128xf32, #tpu.memory_space<vmem>>, %arg10: memref<1x128xf32, #tpu.memory_space<vmem>>, %arg11: memref<1000x128xf32, #tpu.memory_space<vmem>>, %arg12: memref<1000x64xi32, #tpu.memory_space<vmem>>, %arg13: memref<1000x64xi32, #tpu.memory_space<vmem>>) attributes {dimension_semantics = [#tpu.dimension_semantics<arbitrary>], iteration_bounds = array<i64: 10>, scalar_prefetch = 0 : i64, scratch_operands = 0 : i64, tpu.core_type = #tpu.core_type<tc>, window_params = [{transform_indices = @transform_0, window_bounds = array<i64: 1000, 128>}, {transform_indices = @transform_1, window_bounds = array<i64: 2, 1000, 128>}, {pipeline_mode = #tpu.pipeline_mode<synchronous>, transform_indices = @transform_2, window_bounds = array<i64: 128, 128>}, {pipeline_mode = #tpu.pipeline_mode<synchronous>, transform_indices = @transform_3, window_bounds = array<i64: 128, 128>}, {pipeline_mode = #tpu.pipeline_mode<synchronous>, transform_indices = @transform_4, window_bounds = array<i64: 1, 128>}, {pipeline_mode = #tpu.pipeline_mode<synchronous>, transform_indices = @transform_5, window_bounds = array<i64: 128, 128>}, {pipeline_mode = #tpu.pipeline_mode<synchronous>, transform_indices = @transform_6, window_bounds = array<i64: 1, 128>}, {pipeline_mode = #tpu.pipeline_mode<synchronous>, transform_indices = @transform_7, window_bounds = array<i64: 128, 128>}, {pipeline_mode = #tpu.pipeline_mode<synchronous>, transform_indices = @transform_8, window_bounds = array<i64: 128, 128>}, {pipeline_mode = #tpu.pipeline_mode<synchronous>, transform_indices = @transform_9, window_bounds = array<i64: 1, 128>}, {transform_indices = @transform_10, window_bounds = array<i64: 1000, 128>}, {transform_indices = @transform_11, window_bounds = array<i64: 1000, 64>}, {transform_indices = @transform_12, window_bounds = array<i64: 1000, 64>}]} {
    %get3A = arith.constant 0 : index
    %get3A_0 = arith.constant 0 : index
    %get3A_1 = vector.load %arg1[%get3A, %get3A_0] : memref<1000x128xf32, #tpu.memory_space<vmem>>, vector<1000x128xf32>
    %get3A_2 = arith.constant 0 : index
    %get3A_3 = arith.constant 0 : index
    %get3A_4 = arith.constant 0 : index
    %get3A_5 = vector.load %arg2[%get3A_2, %get3A_3, %get3A_4] : memref<2x1000x128xf32, #tpu.memory_space<vmem>>, vector<1x1000x128xf32>
    %get3A_6 = vector.shape_cast %get3A_5 : vector<1x1000x128xf32> to vector<1000x128xf32>
    %get3A_7 = arith.constant 1 : index
    %get3A_8 = arith.constant 0 : index
    %get3A_9 = arith.constant 0 : index
    %get3A_10 = vector.load %arg2[%get3A_7, %get3A_8, %get3A_9] : memref<2x1000x128xf32, #tpu.memory_space<vmem>>, vector<1x1000x128xf32>
    %get3A_11 = vector.shape_cast %get3A_10 : vector<1x1000x128xf32> to vector<1000x128xf32>
    %add3A = arith.addf %get3A_6, %get3A_11 : vector<1000x128xf32>
    %get3A_12 = arith.constant 0 : index
    %get3A_13 = arith.constant 0 : index
    %get3A_14 = vector.load %arg3[%get3A_12, %get3A_13] : memref<128x128xf32, #tpu.memory_space<vmem>>, vector<128x128xf32>
    %dot_general3A = arith.constant dense<0.000000e+00> : vector<1000x128xf32>
    %dot_general3A_15 = tpu.matmul %get3A_1, %get3A_14, %dot_general3A {dimension_numbers = #tpu.dot_dimension_numbers<[1], [0], [0], [1], [0, 0, 1, 1], [], []>, transpose_lhs_hint = false} : vector<1000x128xf32>, vector<128x128xf32>, vector<1000x128xf32> -> vector<1000x128xf32>
    %get3A_16 = arith.constant 0 : index
    %get3A_17 = arith.constant 0 : index
    %get3A_18 = vector.load %arg4[%get3A_16, %get3A_17] : memref<128x128xf32, #tpu.memory_space<vmem>>, vector<128x128xf32>
    %dot_general3A_19 = arith.constant dense<0.000000e+00> : vector<1000x128xf32>
    %dot_general3A_20 = tpu.matmul %add3A, %get3A_18, %dot_general3A_19 {dimension_numbers = #tpu.dot_dimension_numbers<[1], [0], [0], [1], [0, 0, 1, 1], [], []>, transpose_lhs_hint = false} : vector<1000x128xf32>, vector<128x128xf32>, vector<1000x128xf32> -> vector<1000x128xf32>
    %add3A_21 = arith.addf %dot_general3A_15, %dot_general3A_20 : vector<1000x128xf32>
    %get3A_22 = arith.constant 0 : index
    %get3A_23 = arith.constant 0 : index
    %get3A_24 = vector.load %arg5[%get3A_22, %get3A_23] : memref<1x128xf32, #tpu.memory_space<vmem>>, vector<1x128xf32>
    %add3A_25 = vector.broadcast %get3A_24 : vector<1x128xf32> to vector<1000x128xf32>
    %add3A_26 = arith.addf %add3A_21, %add3A_25 : vector<1000x128xf32>
    %max3A = arith.constant 0.000000e+00 : f32
    %max3A_27 = vector.broadcast %max3A : f32 to vector<1000x128xf32>
    %max3A_28 = arith.maximumf %add3A_26, %max3A_27 : vector<1000x128xf32>
    %get3A_29 = arith.constant 0 : index
    %get3A_30 = arith.constant 0 : index
    %get3A_31 = vector.load %arg6[%get3A_29, %get3A_30] : memref<128x128xf32, #tpu.memory_space<vmem>>, vector<128x128xf32>
    %dot_general3A_32 = arith.constant dense<0.000000e+00> : vector<1000x128xf32>
    %dot_general3A_33 = tpu.matmul %max3A_28, %get3A_31, %dot_general3A_32 {dimension_numbers = #tpu.dot_dimension_numbers<[1], [0], [0], [1], [0, 0, 1, 1], [], []>, transpose_lhs_hint = false} : vector<1000x128xf32>, vector<128x128xf32>, vector<1000x128xf32> -> vector<1000x128xf32>
    %get3A_34 = arith.constant 0 : index
    %get3A_35 = arith.constant 0 : index
    %get3A_36 = vector.load %arg7[%get3A_34, %get3A_35] : memref<1x128xf32, #tpu.memory_space<vmem>>, vector<1x128xf32>
    %add3A_37 = vector.broadcast %get3A_36 : vector<1x128xf32> to vector<1000x128xf32>
    %add3A_38 = arith.addf %dot_general3A_33, %add3A_37 : vector<1000x128xf32>
    %add3A_39 = arith.addf %add3A_38, %get3A_1 : vector<1000x128xf32>
    %swap3A = arith.constant 0 : index
    %swap3A_40 = arith.constant 0 : index
    %swap3A_41 = vector.load %arg11[%swap3A, %swap3A_40] : memref<1000x128xf32, #tpu.memory_space<vmem>>, vector<1000x128xf32>
    tpu.vector_store %arg11[%swap3A, %swap3A_40], %add3A_39 {strides = array<i32>} : memref<1000x128xf32, #tpu.memory_space<vmem>>, vector<1000x128xf32>,
    %get3A_42 = arith.constant 0 : index
    %get3A_43 = arith.constant 0 : index
    %get3A_44 = vector.load %arg8[%get3A_42, %get3A_43] : memref<128x128xf32, #tpu.memory_space<vmem>>, vector<128x128xf32>
    %dot_general3A_45 = arith.constant dense<0.000000e+00> : vector<1000x128xf32>
    %dot_general3A_46 = tpu.matmul %add3A_39, %get3A_44, %dot_general3A_45 {dimension_numbers = #tpu.dot_dimension_numbers<[1], [0], [0], [1], [0, 0, 1, 1], [], []>, transpose_lhs_hint = false} : vector<1000x128xf32>, vector<128x128xf32>, vector<1000x128xf32> -> vector<1000x128xf32>
    %get3A_47 = arith.constant 0 : index
    %get3A_48 = arith.constant 0 : index
    %get3A_49 = vector.load %arg10[%get3A_47, %get3A_48] : memref<1x128xf32, #tpu.memory_space<vmem>>, vector<1x128xf32>
    %add3A_50 = vector.broadcast %get3A_49 : vector<1x128xf32> to vector<1000x128xf32>
    %add3A_51 = arith.addf %dot_general3A_46, %add3A_50 : vector<1000x128xf32>
    %bitcast_convert_type3A = tpu.bitcast %add3A_51 : vector<1000x128xf32> -> vector<1000x128xi32>
    %add3A_52 = arith.constant 32767 : i32
    %add3A_53 = vector.broadcast %add3A_52 : i32 to vector<1000x128xi32>
    %add3A_54 = arith.addi %bitcast_convert_type3A, %add3A_53 : vector<1000x128xi32>
    %shift_right_logical3A = arith.constant 16 : i32
    %shift_right_logical3A_55 = vector.broadcast %shift_right_logical3A : i32 to vector<1000x128xi32>
    %shift_right_logical3A_56 = arith.shrui %bitcast_convert_type3A, %shift_right_logical3A_55 : vector<1000x128xi32>
    %and3A = arith.constant 1 : i32
    %and3A_57 = vector.broadcast %and3A : i32 to vector<1000x128xi32>
    %and3A_58 = arith.andi %shift_right_logical3A_56, %and3A_57 : vector<1000x128xi32>
    %add3A_59 = arith.addi %add3A_54, %and3A_58 : vector<1000x128xi32>
    %shift_right_logical3A_60 = arith.constant 16 : i32
    %shift_right_logical3A_61 = vector.broadcast %shift_right_logical3A_60 : i32 to vector<1000x128xi32>
    %shift_right_logical3A_62 = arith.shrui %add3A_59, %shift_right_logical3A_61 : vector<1000x128xi32>
    %slice3A = vector.extract_strided_slice %shift_right_logical3A_62 {offsets = [0, 0], sizes = [1000, 64], strides = [1, 1]} : vector<1000x128xi32> to vector<1000x64xi32>
    %slice3A_63 = vector.extract_strided_slice %shift_right_logical3A_62 {offsets = [0, 64], sizes = [1000, 64], strides = [1, 1]} : vector<1000x128xi32> to vector<1000x64xi32>
    %shift_left3A = arith.constant 16 : i32
    %shift_left3A_64 = vector.broadcast %shift_left3A : i32 to vector<1000x64xi32>
    %shift_left3A_65 = arith.shli %slice3A_63, %shift_left3A_64 : vector<1000x64xi32>
    %or3A = arith.ori %slice3A, %shift_left3A_65 : vector<1000x64xi32>
    %swap3A_66 = arith.constant 0 : index
    %swap3A_67 = arith.constant 0 : index
    %swap3A_68 = vector.load %arg12[%swap3A_66, %swap3A_67] : memref<1000x64xi32, #tpu.memory_space<vmem>>, vector<1000x64xi32>
    tpu.vector_store %arg12[%swap3A_66, %swap3A_67], %or3A {strides = array<i32>} : memref<1000x64xi32, #tpu.memory_space<vmem>>, vector<1000x64xi32>,
    %get3A_69 = arith.constant 0 : index
    %get3A_70 = arith.constant 0 : index
    %get3A_71 = vector.load %arg9[%get3A_69, %get3A_70] : memref<128x128xf32, #tpu.memory_space<vmem>>, vector<128x128xf32>
    %dot_general3A_72 = arith.constant dense<0.000000e+00> : vector<1000x128xf32>
    %dot_general3A_73 = tpu.matmul %add3A_39, %get3A_71, %dot_general3A_72 {dimension_numbers = #tpu.dot_dimension_numbers<[1], [0], [0], [1], [0, 0, 1, 1], [], []>, transpose_lhs_hint = false} : vector<1000x128xf32>, vector<128x128xf32>, vector<1000x128xf32> -> vector<1000x128xf32>
    %bitcast_convert_type3A_74 = tpu.bitcast %dot_general3A_73 : vector<1000x128xf32> -> vector<1000x128xi32>
    %add3A_75 = arith.constant 32767 : i32
    %add3A_76 = vector.broadcast %add3A_75 : i32 to vector<1000x128xi32>
    %add3A_77 = arith.addi %bitcast_convert_type3A_74, %add3A_76 : vector<1000x128xi32>
    %shift_right_logical3A_78 = arith.constant 16 : i32
    %shift_right_logical3A_79 = vector.broadcast %shift_right_logical3A_78 : i32 to vector<1000x128xi32>
    %shift_right_logical3A_80 = arith.shrui %bitcast_convert_type3A_74, %shift_right_logical3A_79 : vector<1000x128xi32>
    %and3A_81 = arith.constant 1 : i32
    %and3A_82 = vector.broadcast %and3A_81 : i32 to vector<1000x128xi32>
    %and3A_83 = arith.andi %shift_right_logical3A_80, %and3A_82 : vector<1000x128xi32>
    %add3A_84 = arith.addi %add3A_77, %and3A_83 : vector<1000x128xi32>
    %shift_right_logical3A_85 = arith.constant 16 : i32
    %shift_right_logical3A_86 = vector.broadcast %shift_right_logical3A_85 : i32 to vector<1000x128xi32>
    %shift_right_logical3A_87 = arith.shrui %add3A_84, %shift_right_logical3A_86 : vector<1000x128xi32>
    %slice3A_88 = vector.extract_strided_slice %shift_right_logical3A_87 {offsets = [0, 0], sizes = [1000, 64], strides = [1, 1]} : vector<1000x128xi32> to vector<1000x64xi32>
    %slice3A_89 = vector.extract_strided_slice %shift_right_logical3A_87 {offsets = [0, 64], sizes = [1000, 64], strides = [1, 1]} : vector<1000x128xi32> to vector<1000x64xi32>
    %shift_left3A_90 = arith.constant 16 : i32
    %shift_left3A_91 = vector.broadcast %shift_left3A_90 : i32 to vector<1000x64xi32>
    %shift_left3A_92 = arith.shli %slice3A_89, %shift_left3A_91 : vector<1000x64xi32>
    %or3A_93 = arith.ori %slice3A_88, %shift_left3A_92 : vector<1000x64xi32>
    %swap3A_94 = arith.constant 0 : index
    %swap3A_95 = arith.constant 0 : index
    %swap3A_96 = vector.load %arg13[%swap3A_94, %swap3A_95] : memref<1000x64xi32, #tpu.memory_space<vmem>>, vector<1000x64xi32>
    tpu.vector_store %arg13[%swap3A_94, %swap3A_95], %or3A_93 {strides = array<i32>} : memref<1000x64xi32, #tpu.memory_space<vmem>>, vector<1000x64xi32>,
    return
  }
  func.func @transform_0(%arg0: i32) -> (i32, i32) {
    %c0_i32 = arith.constant 0 : i32
    %c0_i32_0 = arith.constant 0 : i32
    return %arg0, %c0_i32 : i32, i32
  }
  func.func @transform_1(%arg0: i32) -> (i32, i32, i32) {
    %c0_i32 = arith.constant 0 : i32
    %c0_i32_0 = arith.constant 0 : i32
    %c0_i32_1 = arith.constant 0 : i32
    return %c0_i32, %arg0, %c0_i32_0 : i32, i32, i32
  }
  func.func @transform_2(%arg0: i32) -> (i32, i32) {
    %c0_i32 = arith.constant 0 : i32
    %c0_i32_0 = arith.constant 0 : i32
    %c0_i32_1 = arith.constant 0 : i32
    return %c0_i32, %c0_i32_0 : i32, i32
  }
  func.func @transform_3(%arg0: i32) -> (i32, i32) {
    %c0_i32 = arith.constant 0 : i32
    %c0_i32_0 = arith.constant 0 : i32
    %c0_i32_1 = arith.constant 0 : i32
    return %c0_i32, %c0_i32_0 : i32, i32
  }
  func.func @transform_4(%arg0: i32) -> (i32, i32) {
    %c0_i32 = arith.constant 0 : i32
    %c0_i32_0 = arith.constant 0 : i32
    %c0_i32_1 = arith.constant 0 : i32
    return %c0_i32, %c0_i32_0 : i32, i32
  }
  func.func @transform_5(%arg0: i32) -> (i32, i32) {
    %c0_i32 = arith.constant 0 : i32
    %c0_i32_0 = arith.constant 0 : i32
    %c0_i32_1 = arith.constant 0 : i32
    return %c0_i32, %c0_i32_0 : i32, i32
  }
  func.func @transform_6(%arg0: i32) -> (i32, i32) {
    %c0_i32 = arith.constant 0 : i32
    %c0_i32_0 = arith.constant 0 : i32
    %c0_i32_1 = arith.constant 0 : i32
    return %c0_i32, %c0_i32_0 : i32, i32
  }
  func.func @transform_7(%arg0: i32) -> (i32, i32) {
    %c0_i32 = arith.constant 0 : i32
    %c0_i32_0 = arith.constant 0 : i32
    %c0_i32_1 = arith.constant 0 : i32
    return %c0_i32, %c0_i32_0 : i32, i32
  }
  func.func @transform_8(%arg0: i32) -> (i32, i32) {
    %c0_i32 = arith.constant 0 : i32
    %c0_i32_0 = arith.constant 0 : i32
    %c0_i32_1 = arith.constant 0 : i32
    return %c0_i32, %c0_i32_0 : i32, i32
  }
  func.func @transform_9(%arg0: i32) -> (i32, i32) {
    %c0_i32 = arith.constant 0 : i32
    %c0_i32_0 = arith.constant 0 : i32
    %c0_i32_1 = arith.constant 0 : i32
    return %c0_i32, %c0_i32_0 : i32, i32
  }
  func.func @transform_10(%arg0: i32) -> (i32, i32) {
    %c0_i32 = arith.constant 0 : i32
    %c0_i32_0 = arith.constant 0 : i32
    return %arg0, %c0_i32 : i32, i32
  }
  func.func @transform_11(%arg0: i32) -> (i32, i32) {
    %c0_i32 = arith.constant 0 : i32
    %c0_i32_0 = arith.constant 0 : i32
    return %arg0, %c0_i32 : i32, i32
  }
  func.func @transform_12(%arg0: i32) -> (i32, i32) {
    %c0_i32 = arith.constant 0 : i32
    %c0_i32_0 = arith.constant 0 : i32
    return %arg0, %c0_i32 : i32, i32
  }
}

module attributes {stable_mosaic.version = 14 : i64} {
  func.func @_edge_body(%arg0: i32, %arg1: memref<2000x64xi32, #tpu.memory_space<vmem>>, %arg2: memref<2000x64xi32, #tpu.memory_space<vmem>>, %arg3: memref<2000x128xf32, #tpu.memory_space<vmem>>, %arg4: memref<128x128xf32, #tpu.memory_space<vmem>>, %arg5: memref<128x128xf32, #tpu.memory_space<vmem>>, %arg6: memref<1x128xf32, #tpu.memory_space<vmem>>, %arg7: memref<2000x128xf32, #tpu.memory_space<vmem>>) attributes {dimension_semantics = [#tpu.dimension_semantics<arbitrary>], iteration_bounds = array<i64: 32>, scalar_prefetch = 0 : i64, scratch_operands = 0 : i64, tpu.core_type = #tpu.core_type<tc>, window_params = [{transform_indices = @transform_0, window_bounds = array<i64: 2000, 64>}, {transform_indices = @transform_1, window_bounds = array<i64: 2000, 64>}, {transform_indices = @transform_2, window_bounds = array<i64: 2000, 128>}, {pipeline_mode = #tpu.pipeline_mode<synchronous>, transform_indices = @transform_3, window_bounds = array<i64: 128, 128>}, {pipeline_mode = #tpu.pipeline_mode<synchronous>, transform_indices = @transform_4, window_bounds = array<i64: 128, 128>}, {pipeline_mode = #tpu.pipeline_mode<synchronous>, transform_indices = @transform_5, window_bounds = array<i64: 1, 128>}, {transform_indices = @transform_6, window_bounds = array<i64: 2000, 128>}]} {
    %get3A = arith.constant 0 : index
    %get3A_0 = arith.constant 0 : index
    %get3A_1 = vector.load %arg3[%get3A, %get3A_0] : memref<2000x128xf32, #tpu.memory_space<vmem>>, vector<2000x128xf32>
    %get3A_2 = arith.constant 0 : index
    %get3A_3 = arith.constant 0 : index
    %get3A_4 = vector.load %arg1[%get3A_2, %get3A_3] : memref<2000x64xi32, #tpu.memory_space<vmem>>, vector<2000x64xi32>
    %shift_left3A = arith.constant 16 : i32
    %shift_left3A_5 = vector.broadcast %shift_left3A : i32 to vector<2000x64xi32>
    %shift_left3A_6 = arith.shli %get3A_4, %shift_left3A_5 : vector<2000x64xi32>
    %bitcast_convert_type3A = tpu.bitcast %shift_left3A_6 : vector<2000x64xi32> -> vector<2000x64xf32>
    %and3A = arith.constant -65536 : i32
    %and3A_7 = vector.broadcast %and3A : i32 to vector<2000x64xi32>
    %and3A_8 = arith.andi %get3A_4, %and3A_7 : vector<2000x64xi32>
    %bitcast_convert_type3A_9 = tpu.bitcast %and3A_8 : vector<2000x64xi32> -> vector<2000x64xf32>
    %concatenate3A = tpu.concatenate %bitcast_convert_type3A, %bitcast_convert_type3A_9 in 1 : vector<2000x64xf32>, vector<2000x64xf32> -> vector<2000x128xf32>
    %get3A_10 = arith.constant 0 : index
    %get3A_11 = arith.constant 0 : index
    %get3A_12 = vector.load %arg2[%get3A_10, %get3A_11] : memref<2000x64xi32, #tpu.memory_space<vmem>>, vector<2000x64xi32>
    %shift_left3A_13 = arith.constant 16 : i32
    %shift_left3A_14 = vector.broadcast %shift_left3A_13 : i32 to vector<2000x64xi32>
    %shift_left3A_15 = arith.shli %get3A_12, %shift_left3A_14 : vector<2000x64xi32>
    %bitcast_convert_type3A_16 = tpu.bitcast %shift_left3A_15 : vector<2000x64xi32> -> vector<2000x64xf32>
    %and3A_17 = arith.constant -65536 : i32
    %and3A_18 = vector.broadcast %and3A_17 : i32 to vector<2000x64xi32>
    %and3A_19 = arith.andi %get3A_12, %and3A_18 : vector<2000x64xi32>
    %bitcast_convert_type3A_20 = tpu.bitcast %and3A_19 : vector<2000x64xi32> -> vector<2000x64xf32>
    %concatenate3A_21 = tpu.concatenate %bitcast_convert_type3A_16, %bitcast_convert_type3A_20 in 1 : vector<2000x64xf32>, vector<2000x64xf32> -> vector<2000x128xf32>
    %add3A = arith.addf %concatenate3A, %concatenate3A_21 : vector<2000x128xf32>
    %get3A_22 = arith.constant 0 : index
    %get3A_23 = arith.constant 0 : index
    %get3A_24 = vector.load %arg4[%get3A_22, %get3A_23] : memref<128x128xf32, #tpu.memory_space<vmem>>, vector<128x128xf32>
    %dot_general3A = arith.constant dense<0.000000e+00> : vector<2000x128xf32>
    %dot_general3A_25 = tpu.matmul %get3A_1, %get3A_24, %dot_general3A {dimension_numbers = #tpu.dot_dimension_numbers<[1], [0], [0], [1], [0, 0, 1, 1], [], []>, transpose_lhs_hint = false} : vector<2000x128xf32>, vector<128x128xf32>, vector<2000x128xf32> -> vector<2000x128xf32>
    %add3A_26 = arith.addf %add3A, %dot_general3A_25 : vector<2000x128xf32>
    %max3A = arith.constant 0.000000e+00 : f32
    %max3A_27 = vector.broadcast %max3A : f32 to vector<2000x128xf32>
    %max3A_28 = arith.maximumf %add3A_26, %max3A_27 : vector<2000x128xf32>
    %get3A_29 = arith.constant 0 : index
    %get3A_30 = arith.constant 0 : index
    %get3A_31 = vector.load %arg5[%get3A_29, %get3A_30] : memref<128x128xf32, #tpu.memory_space<vmem>>, vector<128x128xf32>
    %dot_general3A_32 = arith.constant dense<0.000000e+00> : vector<2000x128xf32>
    %dot_general3A_33 = tpu.matmul %max3A_28, %get3A_31, %dot_general3A_32 {dimension_numbers = #tpu.dot_dimension_numbers<[1], [0], [0], [1], [0, 0, 1, 1], [], []>, transpose_lhs_hint = false} : vector<2000x128xf32>, vector<128x128xf32>, vector<2000x128xf32> -> vector<2000x128xf32>
    %get3A_34 = arith.constant 0 : index
    %get3A_35 = arith.constant 0 : index
    %get3A_36 = vector.load %arg6[%get3A_34, %get3A_35] : memref<1x128xf32, #tpu.memory_space<vmem>>, vector<1x128xf32>
    %add3A_37 = vector.broadcast %get3A_36 : vector<1x128xf32> to vector<2000x128xf32>
    %add3A_38 = arith.addf %dot_general3A_33, %add3A_37 : vector<2000x128xf32>
    %add3A_39 = arith.addf %add3A_38, %get3A_1 : vector<2000x128xf32>
    %swap3A = arith.constant 0 : index
    %swap3A_40 = arith.constant 0 : index
    %swap3A_41 = vector.load %arg7[%swap3A, %swap3A_40] : memref<2000x128xf32, #tpu.memory_space<vmem>>, vector<2000x128xf32>
    tpu.vector_store %arg7[%swap3A, %swap3A_40], %add3A_39 {strides = array<i32>} : memref<2000x128xf32, #tpu.memory_space<vmem>>, vector<2000x128xf32>,
    return
  }
  func.func @transform_0(%arg0: i32) -> (i32, i32) {
    %c0_i32 = arith.constant 0 : i32
    %c0_i32_0 = arith.constant 0 : i32
    return %arg0, %c0_i32 : i32, i32
  }
  func.func @transform_1(%arg0: i32) -> (i32, i32) {
    %c0_i32 = arith.constant 0 : i32
    %c0_i32_0 = arith.constant 0 : i32
    return %arg0, %c0_i32 : i32, i32
  }
  func.func @transform_2(%arg0: i32) -> (i32, i32) {
    %add3A = arith.constant 0 : i32
    %add3A_0 = arith.addi %arg0, %add3A : i32
    %c0_i32 = arith.constant 0 : i32
    %c0_i32_1 = arith.constant 0 : i32
    return %add3A_0, %c0_i32 : i32, i32
  }
  func.func @transform_3(%arg0: i32) -> (i32, i32) {
    %c0_i32 = arith.constant 0 : i32
    %c0_i32_0 = arith.constant 0 : i32
    %c0_i32_1 = arith.constant 0 : i32
    return %c0_i32, %c0_i32_0 : i32, i32
  }
  func.func @transform_4(%arg0: i32) -> (i32, i32) {
    %c0_i32 = arith.constant 0 : i32
    %c0_i32_0 = arith.constant 0 : i32
    %c0_i32_1 = arith.constant 0 : i32
    return %c0_i32, %c0_i32_0 : i32, i32
  }
  func.func @transform_5(%arg0: i32) -> (i32, i32) {
    %c0_i32 = arith.constant 0 : i32
    %c0_i32_0 = arith.constant 0 : i32
    %c0_i32_1 = arith.constant 0 : i32
    return %c0_i32, %c0_i32_0 : i32, i32
  }
  func.func @transform_6(%arg0: i32) -> (i32, i32) {
    %add3A = arith.constant 0 : i32
    %add3A_0 = arith.addi %arg0, %add3A : i32
    %c0_i32 = arith.constant 0 : i32
    %c0_i32_1 = arith.constant 0 : i32
    return %add3A_0, %c0_i32 : i32, i32
  }
}

module attributes {stable_mosaic.version = 14 : i64} {
  func.func @_edge_body_acc(%arg0: i32, %arg1: memref<2000x64xi32, #tpu.memory_space<vmem>>, %arg2: memref<2000x64xi32, #tpu.memory_space<vmem>>, %arg3: memref<2000x128xf32, #tpu.memory_space<vmem>>, %arg4: memref<128x128xf32, #tpu.memory_space<vmem>>, %arg5: memref<128x128xf32, #tpu.memory_space<vmem>>, %arg6: memref<1x128xf32, #tpu.memory_space<vmem>>, %arg7: memref<320000x128xf32, #tpu.memory_space<any>>, %arg8: memref<2000x128xf32, #tpu.memory_space<vmem>>) attributes {dimension_semantics = [#tpu.dimension_semantics<arbitrary>], iteration_bounds = array<i64: 32>, scalar_prefetch = 0 : i64, scratch_operands = 0 : i64, tpu.core_type = #tpu.core_type<tc>, window_params = [{transform_indices = @transform_0, window_bounds = array<i64: 2000, 64>}, {transform_indices = @transform_1, window_bounds = array<i64: 2000, 64>}, {transform_indices = @transform_2, window_bounds = array<i64: 2000, 128>}, {pipeline_mode = #tpu.pipeline_mode<synchronous>, transform_indices = @transform_3, window_bounds = array<i64: 128, 128>}, {pipeline_mode = #tpu.pipeline_mode<synchronous>, transform_indices = @transform_4, window_bounds = array<i64: 128, 128>}, {pipeline_mode = #tpu.pipeline_mode<synchronous>, transform_indices = @transform_5, window_bounds = array<i64: 1, 128>}, {}, {transform_indices = @transform_7, window_bounds = array<i64: 2000, 128>}]} {
    %get3A = arith.constant 0 : index
    %get3A_0 = arith.constant 0 : index
    %get3A_1 = vector.load %arg3[%get3A, %get3A_0] : memref<2000x128xf32, #tpu.memory_space<vmem>>, vector<2000x128xf32>
    %get3A_2 = arith.constant 0 : index
    %get3A_3 = arith.constant 0 : index
    %get3A_4 = vector.load %arg1[%get3A_2, %get3A_3] : memref<2000x64xi32, #tpu.memory_space<vmem>>, vector<2000x64xi32>
    %shift_left3A = arith.constant 16 : i32
    %shift_left3A_5 = vector.broadcast %shift_left3A : i32 to vector<2000x64xi32>
    %shift_left3A_6 = arith.shli %get3A_4, %shift_left3A_5 : vector<2000x64xi32>
    %bitcast_convert_type3A = tpu.bitcast %shift_left3A_6 : vector<2000x64xi32> -> vector<2000x64xf32>
    %and3A = arith.constant -65536 : i32
    %and3A_7 = vector.broadcast %and3A : i32 to vector<2000x64xi32>
    %and3A_8 = arith.andi %get3A_4, %and3A_7 : vector<2000x64xi32>
    %bitcast_convert_type3A_9 = tpu.bitcast %and3A_8 : vector<2000x64xi32> -> vector<2000x64xf32>
    %concatenate3A = tpu.concatenate %bitcast_convert_type3A, %bitcast_convert_type3A_9 in 1 : vector<2000x64xf32>, vector<2000x64xf32> -> vector<2000x128xf32>
    %get3A_10 = arith.constant 0 : index
    %get3A_11 = arith.constant 0 : index
    %get3A_12 = vector.load %arg2[%get3A_10, %get3A_11] : memref<2000x64xi32, #tpu.memory_space<vmem>>, vector<2000x64xi32>
    %shift_left3A_13 = arith.constant 16 : i32
    %shift_left3A_14 = vector.broadcast %shift_left3A_13 : i32 to vector<2000x64xi32>
    %shift_left3A_15 = arith.shli %get3A_12, %shift_left3A_14 : vector<2000x64xi32>
    %bitcast_convert_type3A_16 = tpu.bitcast %shift_left3A_15 : vector<2000x64xi32> -> vector<2000x64xf32>
    %and3A_17 = arith.constant -65536 : i32
    %and3A_18 = vector.broadcast %and3A_17 : i32 to vector<2000x64xi32>
    %and3A_19 = arith.andi %get3A_12, %and3A_18 : vector<2000x64xi32>
    %bitcast_convert_type3A_20 = tpu.bitcast %and3A_19 : vector<2000x64xi32> -> vector<2000x64xf32>
    %concatenate3A_21 = tpu.concatenate %bitcast_convert_type3A_16, %bitcast_convert_type3A_20 in 1 : vector<2000x64xf32>, vector<2000x64xf32> -> vector<2000x128xf32>
    %add3A = arith.addf %concatenate3A, %concatenate3A_21 : vector<2000x128xf32>
    %get3A_22 = arith.constant 0 : index
    %get3A_23 = arith.constant 0 : index
    %get3A_24 = vector.load %arg4[%get3A_22, %get3A_23] : memref<128x128xf32, #tpu.memory_space<vmem>>, vector<128x128xf32>
    %dot_general3A = arith.constant dense<0.000000e+00> : vector<2000x128xf32>
    %dot_general3A_25 = tpu.matmul %get3A_1, %get3A_24, %dot_general3A {dimension_numbers = #tpu.dot_dimension_numbers<[1], [0], [0], [1], [0, 0, 1, 1], [], []>, transpose_lhs_hint = false} : vector<2000x128xf32>, vector<128x128xf32>, vector<2000x128xf32> -> vector<2000x128xf32>
    %add3A_26 = arith.addf %add3A, %dot_general3A_25 : vector<2000x128xf32>
    %max3A = arith.constant 0.000000e+00 : f32
    %max3A_27 = vector.broadcast %max3A : f32 to vector<2000x128xf32>
    %max3A_28 = arith.maximumf %add3A_26, %max3A_27 : vector<2000x128xf32>
    %get3A_29 = arith.constant 0 : index
    %get3A_30 = arith.constant 0 : index
    %get3A_31 = vector.load %arg5[%get3A_29, %get3A_30] : memref<128x128xf32, #tpu.memory_space<vmem>>, vector<128x128xf32>
    %dot_general3A_32 = arith.constant dense<0.000000e+00> : vector<2000x128xf32>
    %dot_general3A_33 = tpu.matmul %max3A_28, %get3A_31, %dot_general3A_32 {dimension_numbers = #tpu.dot_dimension_numbers<[1], [0], [0], [1], [0, 0, 1, 1], [], []>, transpose_lhs_hint = false} : vector<2000x128xf32>, vector<128x128xf32>, vector<2000x128xf32> -> vector<2000x128xf32>
    %get3A_34 = arith.constant 0 : index
    %get3A_35 = arith.constant 0 : index
    %get3A_36 = vector.load %arg6[%get3A_34, %get3A_35] : memref<1x128xf32, #tpu.memory_space<vmem>>, vector<1x128xf32>
    %add3A_37 = vector.broadcast %get3A_36 : vector<1x128xf32> to vector<2000x128xf32>
    %add3A_38 = arith.addf %dot_general3A_33, %add3A_37 : vector<2000x128xf32>
    %add3A_39 = arith.addf %add3A_38, %get3A_1 : vector<2000x128xf32>
    %swap3A = arith.constant 0 : index
    %swap3A_40 = arith.constant 0 : index
    %swap3A_41 = vector.load %arg8[%swap3A, %swap3A_40] : memref<2000x128xf32, #tpu.memory_space<vmem>>, vector<2000x128xf32>
    tpu.vector_store %arg8[%swap3A, %swap3A_40], %add3A_39 {strides = array<i32>} : memref<2000x128xf32, #tpu.memory_space<vmem>>, vector<2000x128xf32>,
    return
  }
  func.func @transform_0(%arg0: i32) -> (i32, i32) {
    %c0_i32 = arith.constant 0 : i32
    %c0_i32_0 = arith.constant 0 : i32
    return %arg0, %c0_i32 : i32, i32
  }
  func.func @transform_1(%arg0: i32) -> (i32, i32) {
    %c0_i32 = arith.constant 0 : i32
    %c0_i32_0 = arith.constant 0 : i32
    return %arg0, %c0_i32 : i32, i32
  }
  func.func @transform_2(%arg0: i32) -> (i32, i32) {
    %add3A = arith.constant 32 : i32
    %add3A_0 = arith.addi %arg0, %add3A : i32
    %c0_i32 = arith.constant 0 : i32
    %c0_i32_1 = arith.constant 0 : i32
    return %add3A_0, %c0_i32 : i32, i32
  }
  func.func @transform_3(%arg0: i32) -> (i32, i32) {
    %c0_i32 = arith.constant 0 : i32
    %c0_i32_0 = arith.constant 0 : i32
    %c0_i32_1 = arith.constant 0 : i32
    return %c0_i32, %c0_i32_0 : i32, i32
  }
  func.func @transform_4(%arg0: i32) -> (i32, i32) {
    %c0_i32 = arith.constant 0 : i32
    %c0_i32_0 = arith.constant 0 : i32
    %c0_i32_1 = arith.constant 0 : i32
    return %c0_i32, %c0_i32_0 : i32, i32
  }
  func.func @transform_5(%arg0: i32) -> (i32, i32) {
    %c0_i32 = arith.constant 0 : i32
    %c0_i32_0 = arith.constant 0 : i32
    %c0_i32_1 = arith.constant 0 : i32
    return %c0_i32, %c0_i32_0 : i32, i32
  }
  func.func @transform_7(%arg0: i32) -> (i32, i32) {
    %add3A = arith.constant 32 : i32
    %add3A_0 = arith.addi %arg0, %add3A : i32
    %c0_i32 = arith.constant 0 : i32
    %c0_i32_1 = arith.constant 0 : i32
    return %add3A_0, %c0_i32 : i32, i32
  }
}

module attributes {stable_mosaic.version = 14 : i64} {
  func.func @_edge_body_acc(%arg0: i32, %arg1: memref<2000x64xi32, #tpu.memory_space<vmem>>, %arg2: memref<2000x64xi32, #tpu.memory_space<vmem>>, %arg3: memref<2000x128xf32, #tpu.memory_space<vmem>>, %arg4: memref<128x128xf32, #tpu.memory_space<vmem>>, %arg5: memref<128x128xf32, #tpu.memory_space<vmem>>, %arg6: memref<1x128xf32, #tpu.memory_space<vmem>>, %arg7: memref<320000x128xf32, #tpu.memory_space<any>>, %arg8: memref<2000x128xf32, #tpu.memory_space<vmem>>) attributes {dimension_semantics = [#tpu.dimension_semantics<arbitrary>], iteration_bounds = array<i64: 32>, scalar_prefetch = 0 : i64, scratch_operands = 0 : i64, tpu.core_type = #tpu.core_type<tc>, window_params = [{transform_indices = @transform_0, window_bounds = array<i64: 2000, 64>}, {transform_indices = @transform_1, window_bounds = array<i64: 2000, 64>}, {transform_indices = @transform_2, window_bounds = array<i64: 2000, 128>}, {pipeline_mode = #tpu.pipeline_mode<synchronous>, transform_indices = @transform_3, window_bounds = array<i64: 128, 128>}, {pipeline_mode = #tpu.pipeline_mode<synchronous>, transform_indices = @transform_4, window_bounds = array<i64: 128, 128>}, {pipeline_mode = #tpu.pipeline_mode<synchronous>, transform_indices = @transform_5, window_bounds = array<i64: 1, 128>}, {}, {transform_indices = @transform_7, window_bounds = array<i64: 2000, 128>}]} {
    %get3A = arith.constant 0 : index
    %get3A_0 = arith.constant 0 : index
    %get3A_1 = vector.load %arg3[%get3A, %get3A_0] : memref<2000x128xf32, #tpu.memory_space<vmem>>, vector<2000x128xf32>
    %get3A_2 = arith.constant 0 : index
    %get3A_3 = arith.constant 0 : index
    %get3A_4 = vector.load %arg1[%get3A_2, %get3A_3] : memref<2000x64xi32, #tpu.memory_space<vmem>>, vector<2000x64xi32>
    %shift_left3A = arith.constant 16 : i32
    %shift_left3A_5 = vector.broadcast %shift_left3A : i32 to vector<2000x64xi32>
    %shift_left3A_6 = arith.shli %get3A_4, %shift_left3A_5 : vector<2000x64xi32>
    %bitcast_convert_type3A = tpu.bitcast %shift_left3A_6 : vector<2000x64xi32> -> vector<2000x64xf32>
    %and3A = arith.constant -65536 : i32
    %and3A_7 = vector.broadcast %and3A : i32 to vector<2000x64xi32>
    %and3A_8 = arith.andi %get3A_4, %and3A_7 : vector<2000x64xi32>
    %bitcast_convert_type3A_9 = tpu.bitcast %and3A_8 : vector<2000x64xi32> -> vector<2000x64xf32>
    %concatenate3A = tpu.concatenate %bitcast_convert_type3A, %bitcast_convert_type3A_9 in 1 : vector<2000x64xf32>, vector<2000x64xf32> -> vector<2000x128xf32>
    %get3A_10 = arith.constant 0 : index
    %get3A_11 = arith.constant 0 : index
    %get3A_12 = vector.load %arg2[%get3A_10, %get3A_11] : memref<2000x64xi32, #tpu.memory_space<vmem>>, vector<2000x64xi32>
    %shift_left3A_13 = arith.constant 16 : i32
    %shift_left3A_14 = vector.broadcast %shift_left3A_13 : i32 to vector<2000x64xi32>
    %shift_left3A_15 = arith.shli %get3A_12, %shift_left3A_14 : vector<2000x64xi32>
    %bitcast_convert_type3A_16 = tpu.bitcast %shift_left3A_15 : vector<2000x64xi32> -> vector<2000x64xf32>
    %and3A_17 = arith.constant -65536 : i32
    %and3A_18 = vector.broadcast %and3A_17 : i32 to vector<2000x64xi32>
    %and3A_19 = arith.andi %get3A_12, %and3A_18 : vector<2000x64xi32>
    %bitcast_convert_type3A_20 = tpu.bitcast %and3A_19 : vector<2000x64xi32> -> vector<2000x64xf32>
    %concatenate3A_21 = tpu.concatenate %bitcast_convert_type3A_16, %bitcast_convert_type3A_20 in 1 : vector<2000x64xf32>, vector<2000x64xf32> -> vector<2000x128xf32>
    %add3A = arith.addf %concatenate3A, %concatenate3A_21 : vector<2000x128xf32>
    %get3A_22 = arith.constant 0 : index
    %get3A_23 = arith.constant 0 : index
    %get3A_24 = vector.load %arg4[%get3A_22, %get3A_23] : memref<128x128xf32, #tpu.memory_space<vmem>>, vector<128x128xf32>
    %dot_general3A = arith.constant dense<0.000000e+00> : vector<2000x128xf32>
    %dot_general3A_25 = tpu.matmul %get3A_1, %get3A_24, %dot_general3A {dimension_numbers = #tpu.dot_dimension_numbers<[1], [0], [0], [1], [0, 0, 1, 1], [], []>, transpose_lhs_hint = false} : vector<2000x128xf32>, vector<128x128xf32>, vector<2000x128xf32> -> vector<2000x128xf32>
    %add3A_26 = arith.addf %add3A, %dot_general3A_25 : vector<2000x128xf32>
    %max3A = arith.constant 0.000000e+00 : f32
    %max3A_27 = vector.broadcast %max3A : f32 to vector<2000x128xf32>
    %max3A_28 = arith.maximumf %add3A_26, %max3A_27 : vector<2000x128xf32>
    %get3A_29 = arith.constant 0 : index
    %get3A_30 = arith.constant 0 : index
    %get3A_31 = vector.load %arg5[%get3A_29, %get3A_30] : memref<128x128xf32, #tpu.memory_space<vmem>>, vector<128x128xf32>
    %dot_general3A_32 = arith.constant dense<0.000000e+00> : vector<2000x128xf32>
    %dot_general3A_33 = tpu.matmul %max3A_28, %get3A_31, %dot_general3A_32 {dimension_numbers = #tpu.dot_dimension_numbers<[1], [0], [0], [1], [0, 0, 1, 1], [], []>, transpose_lhs_hint = false} : vector<2000x128xf32>, vector<128x128xf32>, vector<2000x128xf32> -> vector<2000x128xf32>
    %get3A_34 = arith.constant 0 : index
    %get3A_35 = arith.constant 0 : index
    %get3A_36 = vector.load %arg6[%get3A_34, %get3A_35] : memref<1x128xf32, #tpu.memory_space<vmem>>, vector<1x128xf32>
    %add3A_37 = vector.broadcast %get3A_36 : vector<1x128xf32> to vector<2000x128xf32>
    %add3A_38 = arith.addf %dot_general3A_33, %add3A_37 : vector<2000x128xf32>
    %add3A_39 = arith.addf %add3A_38, %get3A_1 : vector<2000x128xf32>
    %swap3A = arith.constant 0 : index
    %swap3A_40 = arith.constant 0 : index
    %swap3A_41 = vector.load %arg8[%swap3A, %swap3A_40] : memref<2000x128xf32, #tpu.memory_space<vmem>>, vector<2000x128xf32>
    tpu.vector_store %arg8[%swap3A, %swap3A_40], %add3A_39 {strides = array<i32>} : memref<2000x128xf32, #tpu.memory_space<vmem>>, vector<2000x128xf32>,
    return
  }
  func.func @transform_0(%arg0: i32) -> (i32, i32) {
    %c0_i32 = arith.constant 0 : i32
    %c0_i32_0 = arith.constant 0 : i32
    return %arg0, %c0_i32 : i32, i32
  }
  func.func @transform_1(%arg0: i32) -> (i32, i32) {
    %c0_i32 = arith.constant 0 : i32
    %c0_i32_0 = arith.constant 0 : i32
    return %arg0, %c0_i32 : i32, i32
  }
  func.func @transform_2(%arg0: i32) -> (i32, i32) {
    %add3A = arith.constant 64 : i32
    %add3A_0 = arith.addi %arg0, %add3A : i32
    %c0_i32 = arith.constant 0 : i32
    %c0_i32_1 = arith.constant 0 : i32
    return %add3A_0, %c0_i32 : i32, i32
  }
  func.func @transform_3(%arg0: i32) -> (i32, i32) {
    %c0_i32 = arith.constant 0 : i32
    %c0_i32_0 = arith.constant 0 : i32
    %c0_i32_1 = arith.constant 0 : i32
    return %c0_i32, %c0_i32_0 : i32, i32
  }
  func.func @transform_4(%arg0: i32) -> (i32, i32) {
    %c0_i32 = arith.constant 0 : i32
    %c0_i32_0 = arith.constant 0 : i32
    %c0_i32_1 = arith.constant 0 : i32
    return %c0_i32, %c0_i32_0 : i32, i32
  }
  func.func @transform_5(%arg0: i32) -> (i32, i32) {
    %c0_i32 = arith.constant 0 : i32
    %c0_i32_0 = arith.constant 0 : i32
    %c0_i32_1 = arith.constant 0 : i32
    return %c0_i32, %c0_i32_0 : i32, i32
  }
  func.func @transform_7(%arg0: i32) -> (i32, i32) {
    %add3A = arith.constant 64 : i32
    %add3A_0 = arith.addi %arg0, %add3A : i32
    %c0_i32 = arith.constant 0 : i32
    %c0_i32_1 = arith.constant 0 : i32
    return %add3A_0, %c0_i32 : i32, i32
  }
}

module attributes {stable_mosaic.version = 14 : i64} {
  func.func @_edge_body_acc(%arg0: i32, %arg1: memref<2000x64xi32, #tpu.memory_space<vmem>>, %arg2: memref<2000x64xi32, #tpu.memory_space<vmem>>, %arg3: memref<2000x128xf32, #tpu.memory_space<vmem>>, %arg4: memref<128x128xf32, #tpu.memory_space<vmem>>, %arg5: memref<128x128xf32, #tpu.memory_space<vmem>>, %arg6: memref<1x128xf32, #tpu.memory_space<vmem>>, %arg7: memref<320000x128xf32, #tpu.memory_space<any>>, %arg8: memref<2000x128xf32, #tpu.memory_space<vmem>>) attributes {dimension_semantics = [#tpu.dimension_semantics<arbitrary>], iteration_bounds = array<i64: 32>, scalar_prefetch = 0 : i64, scratch_operands = 0 : i64, tpu.core_type = #tpu.core_type<tc>, window_params = [{transform_indices = @transform_0, window_bounds = array<i64: 2000, 64>}, {transform_indices = @transform_1, window_bounds = array<i64: 2000, 64>}, {transform_indices = @transform_2, window_bounds = array<i64: 2000, 128>}, {pipeline_mode = #tpu.pipeline_mode<synchronous>, transform_indices = @transform_3, window_bounds = array<i64: 128, 128>}, {pipeline_mode = #tpu.pipeline_mode<synchronous>, transform_indices = @transform_4, window_bounds = array<i64: 128, 128>}, {pipeline_mode = #tpu.pipeline_mode<synchronous>, transform_indices = @transform_5, window_bounds = array<i64: 1, 128>}, {}, {transform_indices = @transform_7, window_bounds = array<i64: 2000, 128>}]} {
    %get3A = arith.constant 0 : index
    %get3A_0 = arith.constant 0 : index
    %get3A_1 = vector.load %arg3[%get3A, %get3A_0] : memref<2000x128xf32, #tpu.memory_space<vmem>>, vector<2000x128xf32>
    %get3A_2 = arith.constant 0 : index
    %get3A_3 = arith.constant 0 : index
    %get3A_4 = vector.load %arg1[%get3A_2, %get3A_3] : memref<2000x64xi32, #tpu.memory_space<vmem>>, vector<2000x64xi32>
    %shift_left3A = arith.constant 16 : i32
    %shift_left3A_5 = vector.broadcast %shift_left3A : i32 to vector<2000x64xi32>
    %shift_left3A_6 = arith.shli %get3A_4, %shift_left3A_5 : vector<2000x64xi32>
    %bitcast_convert_type3A = tpu.bitcast %shift_left3A_6 : vector<2000x64xi32> -> vector<2000x64xf32>
    %and3A = arith.constant -65536 : i32
    %and3A_7 = vector.broadcast %and3A : i32 to vector<2000x64xi32>
    %and3A_8 = arith.andi %get3A_4, %and3A_7 : vector<2000x64xi32>
    %bitcast_convert_type3A_9 = tpu.bitcast %and3A_8 : vector<2000x64xi32> -> vector<2000x64xf32>
    %concatenate3A = tpu.concatenate %bitcast_convert_type3A, %bitcast_convert_type3A_9 in 1 : vector<2000x64xf32>, vector<2000x64xf32> -> vector<2000x128xf32>
    %get3A_10 = arith.constant 0 : index
    %get3A_11 = arith.constant 0 : index
    %get3A_12 = vector.load %arg2[%get3A_10, %get3A_11] : memref<2000x64xi32, #tpu.memory_space<vmem>>, vector<2000x64xi32>
    %shift_left3A_13 = arith.constant 16 : i32
    %shift_left3A_14 = vector.broadcast %shift_left3A_13 : i32 to vector<2000x64xi32>
    %shift_left3A_15 = arith.shli %get3A_12, %shift_left3A_14 : vector<2000x64xi32>
    %bitcast_convert_type3A_16 = tpu.bitcast %shift_left3A_15 : vector<2000x64xi32> -> vector<2000x64xf32>
    %and3A_17 = arith.constant -65536 : i32
    %and3A_18 = vector.broadcast %and3A_17 : i32 to vector<2000x64xi32>
    %and3A_19 = arith.andi %get3A_12, %and3A_18 : vector<2000x64xi32>
    %bitcast_convert_type3A_20 = tpu.bitcast %and3A_19 : vector<2000x64xi32> -> vector<2000x64xf32>
    %concatenate3A_21 = tpu.concatenate %bitcast_convert_type3A_16, %bitcast_convert_type3A_20 in 1 : vector<2000x64xf32>, vector<2000x64xf32> -> vector<2000x128xf32>
    %add3A = arith.addf %concatenate3A, %concatenate3A_21 : vector<2000x128xf32>
    %get3A_22 = arith.constant 0 : index
    %get3A_23 = arith.constant 0 : index
    %get3A_24 = vector.load %arg4[%get3A_22, %get3A_23] : memref<128x128xf32, #tpu.memory_space<vmem>>, vector<128x128xf32>
    %dot_general3A = arith.constant dense<0.000000e+00> : vector<2000x128xf32>
    %dot_general3A_25 = tpu.matmul %get3A_1, %get3A_24, %dot_general3A {dimension_numbers = #tpu.dot_dimension_numbers<[1], [0], [0], [1], [0, 0, 1, 1], [], []>, transpose_lhs_hint = false} : vector<2000x128xf32>, vector<128x128xf32>, vector<2000x128xf32> -> vector<2000x128xf32>
    %add3A_26 = arith.addf %add3A, %dot_general3A_25 : vector<2000x128xf32>
    %max3A = arith.constant 0.000000e+00 : f32
    %max3A_27 = vector.broadcast %max3A : f32 to vector<2000x128xf32>
    %max3A_28 = arith.maximumf %add3A_26, %max3A_27 : vector<2000x128xf32>
    %get3A_29 = arith.constant 0 : index
    %get3A_30 = arith.constant 0 : index
    %get3A_31 = vector.load %arg5[%get3A_29, %get3A_30] : memref<128x128xf32, #tpu.memory_space<vmem>>, vector<128x128xf32>
    %dot_general3A_32 = arith.constant dense<0.000000e+00> : vector<2000x128xf32>
    %dot_general3A_33 = tpu.matmul %max3A_28, %get3A_31, %dot_general3A_32 {dimension_numbers = #tpu.dot_dimension_numbers<[1], [0], [0], [1], [0, 0, 1, 1], [], []>, transpose_lhs_hint = false} : vector<2000x128xf32>, vector<128x128xf32>, vector<2000x128xf32> -> vector<2000x128xf32>
    %get3A_34 = arith.constant 0 : index
    %get3A_35 = arith.constant 0 : index
    %get3A_36 = vector.load %arg6[%get3A_34, %get3A_35] : memref<1x128xf32, #tpu.memory_space<vmem>>, vector<1x128xf32>
    %add3A_37 = vector.broadcast %get3A_36 : vector<1x128xf32> to vector<2000x128xf32>
    %add3A_38 = arith.addf %dot_general3A_33, %add3A_37 : vector<2000x128xf32>
    %add3A_39 = arith.addf %add3A_38, %get3A_1 : vector<2000x128xf32>
    %swap3A = arith.constant 0 : index
    %swap3A_40 = arith.constant 0 : index
    %swap3A_41 = vector.load %arg8[%swap3A, %swap3A_40] : memref<2000x128xf32, #tpu.memory_space<vmem>>, vector<2000x128xf32>
    tpu.vector_store %arg8[%swap3A, %swap3A_40], %add3A_39 {strides = array<i32>} : memref<2000x128xf32, #tpu.memory_space<vmem>>, vector<2000x128xf32>,
    return
  }
  func.func @transform_0(%arg0: i32) -> (i32, i32) {
    %c0_i32 = arith.constant 0 : i32
    %c0_i32_0 = arith.constant 0 : i32
    return %arg0, %c0_i32 : i32, i32
  }
  func.func @transform_1(%arg0: i32) -> (i32, i32) {
    %c0_i32 = arith.constant 0 : i32
    %c0_i32_0 = arith.constant 0 : i32
    return %arg0, %c0_i32 : i32, i32
  }
  func.func @transform_2(%arg0: i32) -> (i32, i32) {
    %add3A = arith.constant 96 : i32
    %add3A_0 = arith.addi %arg0, %add3A : i32
    %c0_i32 = arith.constant 0 : i32
    %c0_i32_1 = arith.constant 0 : i32
    return %add3A_0, %c0_i32 : i32, i32
  }
  func.func @transform_3(%arg0: i32) -> (i32, i32) {
    %c0_i32 = arith.constant 0 : i32
    %c0_i32_0 = arith.constant 0 : i32
    %c0_i32_1 = arith.constant 0 : i32
    return %c0_i32, %c0_i32_0 : i32, i32
  }
  func.func @transform_4(%arg0: i32) -> (i32, i32) {
    %c0_i32 = arith.constant 0 : i32
    %c0_i32_0 = arith.constant 0 : i32
    %c0_i32_1 = arith.constant 0 : i32
    return %c0_i32, %c0_i32_0 : i32, i32
  }
  func.func @transform_5(%arg0: i32) -> (i32, i32) {
    %c0_i32 = arith.constant 0 : i32
    %c0_i32_0 = arith.constant 0 : i32
    %c0_i32_1 = arith.constant 0 : i32
    return %c0_i32, %c0_i32_0 : i32, i32
  }
  func.func @transform_7(%arg0: i32) -> (i32, i32) {
    %add3A = arith.constant 96 : i32
    %add3A_0 = arith.addi %arg0, %add3A : i32
    %c0_i32 = arith.constant 0 : i32
    %c0_i32_1 = arith.constant 0 : i32
    return %add3A_0, %c0_i32 : i32, i32
  }
}

module attributes {stable_mosaic.version = 14 : i64} {
  func.func @_edge_body_acc(%arg0: i32, %arg1: memref<2000x64xi32, #tpu.memory_space<vmem>>, %arg2: memref<2000x64xi32, #tpu.memory_space<vmem>>, %arg3: memref<2000x128xf32, #tpu.memory_space<vmem>>, %arg4: memref<128x128xf32, #tpu.memory_space<vmem>>, %arg5: memref<128x128xf32, #tpu.memory_space<vmem>>, %arg6: memref<1x128xf32, #tpu.memory_space<vmem>>, %arg7: memref<320000x128xf32, #tpu.memory_space<any>>, %arg8: memref<2000x128xf32, #tpu.memory_space<vmem>>) attributes {dimension_semantics = [#tpu.dimension_semantics<arbitrary>], iteration_bounds = array<i64: 32>, scalar_prefetch = 0 : i64, scratch_operands = 0 : i64, tpu.core_type = #tpu.core_type<tc>, window_params = [{transform_indices = @transform_0, window_bounds = array<i64: 2000, 64>}, {transform_indices = @transform_1, window_bounds = array<i64: 2000, 64>}, {transform_indices = @transform_2, window_bounds = array<i64: 2000, 128>}, {pipeline_mode = #tpu.pipeline_mode<synchronous>, transform_indices = @transform_3, window_bounds = array<i64: 128, 128>}, {pipeline_mode = #tpu.pipeline_mode<synchronous>, transform_indices = @transform_4, window_bounds = array<i64: 128, 128>}, {pipeline_mode = #tpu.pipeline_mode<synchronous>, transform_indices = @transform_5, window_bounds = array<i64: 1, 128>}, {}, {transform_indices = @transform_7, window_bounds = array<i64: 2000, 128>}]} {
    %get3A = arith.constant 0 : index
    %get3A_0 = arith.constant 0 : index
    %get3A_1 = vector.load %arg3[%get3A, %get3A_0] : memref<2000x128xf32, #tpu.memory_space<vmem>>, vector<2000x128xf32>
    %get3A_2 = arith.constant 0 : index
    %get3A_3 = arith.constant 0 : index
    %get3A_4 = vector.load %arg1[%get3A_2, %get3A_3] : memref<2000x64xi32, #tpu.memory_space<vmem>>, vector<2000x64xi32>
    %shift_left3A = arith.constant 16 : i32
    %shift_left3A_5 = vector.broadcast %shift_left3A : i32 to vector<2000x64xi32>
    %shift_left3A_6 = arith.shli %get3A_4, %shift_left3A_5 : vector<2000x64xi32>
    %bitcast_convert_type3A = tpu.bitcast %shift_left3A_6 : vector<2000x64xi32> -> vector<2000x64xf32>
    %and3A = arith.constant -65536 : i32
    %and3A_7 = vector.broadcast %and3A : i32 to vector<2000x64xi32>
    %and3A_8 = arith.andi %get3A_4, %and3A_7 : vector<2000x64xi32>
    %bitcast_convert_type3A_9 = tpu.bitcast %and3A_8 : vector<2000x64xi32> -> vector<2000x64xf32>
    %concatenate3A = tpu.concatenate %bitcast_convert_type3A, %bitcast_convert_type3A_9 in 1 : vector<2000x64xf32>, vector<2000x64xf32> -> vector<2000x128xf32>
    %get3A_10 = arith.constant 0 : index
    %get3A_11 = arith.constant 0 : index
    %get3A_12 = vector.load %arg2[%get3A_10, %get3A_11] : memref<2000x64xi32, #tpu.memory_space<vmem>>, vector<2000x64xi32>
    %shift_left3A_13 = arith.constant 16 : i32
    %shift_left3A_14 = vector.broadcast %shift_left3A_13 : i32 to vector<2000x64xi32>
    %shift_left3A_15 = arith.shli %get3A_12, %shift_left3A_14 : vector<2000x64xi32>
    %bitcast_convert_type3A_16 = tpu.bitcast %shift_left3A_15 : vector<2000x64xi32> -> vector<2000x64xf32>
    %and3A_17 = arith.constant -65536 : i32
    %and3A_18 = vector.broadcast %and3A_17 : i32 to vector<2000x64xi32>
    %and3A_19 = arith.andi %get3A_12, %and3A_18 : vector<2000x64xi32>
    %bitcast_convert_type3A_20 = tpu.bitcast %and3A_19 : vector<2000x64xi32> -> vector<2000x64xf32>
    %concatenate3A_21 = tpu.concatenate %bitcast_convert_type3A_16, %bitcast_convert_type3A_20 in 1 : vector<2000x64xf32>, vector<2000x64xf32> -> vector<2000x128xf32>
    %add3A = arith.addf %concatenate3A, %concatenate3A_21 : vector<2000x128xf32>
    %get3A_22 = arith.constant 0 : index
    %get3A_23 = arith.constant 0 : index
    %get3A_24 = vector.load %arg4[%get3A_22, %get3A_23] : memref<128x128xf32, #tpu.memory_space<vmem>>, vector<128x128xf32>
    %dot_general3A = arith.constant dense<0.000000e+00> : vector<2000x128xf32>
    %dot_general3A_25 = tpu.matmul %get3A_1, %get3A_24, %dot_general3A {dimension_numbers = #tpu.dot_dimension_numbers<[1], [0], [0], [1], [0, 0, 1, 1], [], []>, transpose_lhs_hint = false} : vector<2000x128xf32>, vector<128x128xf32>, vector<2000x128xf32> -> vector<2000x128xf32>
    %add3A_26 = arith.addf %add3A, %dot_general3A_25 : vector<2000x128xf32>
    %max3A = arith.constant 0.000000e+00 : f32
    %max3A_27 = vector.broadcast %max3A : f32 to vector<2000x128xf32>
    %max3A_28 = arith.maximumf %add3A_26, %max3A_27 : vector<2000x128xf32>
    %get3A_29 = arith.constant 0 : index
    %get3A_30 = arith.constant 0 : index
    %get3A_31 = vector.load %arg5[%get3A_29, %get3A_30] : memref<128x128xf32, #tpu.memory_space<vmem>>, vector<128x128xf32>
    %dot_general3A_32 = arith.constant dense<0.000000e+00> : vector<2000x128xf32>
    %dot_general3A_33 = tpu.matmul %max3A_28, %get3A_31, %dot_general3A_32 {dimension_numbers = #tpu.dot_dimension_numbers<[1], [0], [0], [1], [0, 0, 1, 1], [], []>, transpose_lhs_hint = false} : vector<2000x128xf32>, vector<128x128xf32>, vector<2000x128xf32> -> vector<2000x128xf32>
    %get3A_34 = arith.constant 0 : index
    %get3A_35 = arith.constant 0 : index
    %get3A_36 = vector.load %arg6[%get3A_34, %get3A_35] : memref<1x128xf32, #tpu.memory_space<vmem>>, vector<1x128xf32>
    %add3A_37 = vector.broadcast %get3A_36 : vector<1x128xf32> to vector<2000x128xf32>
    %add3A_38 = arith.addf %dot_general3A_33, %add3A_37 : vector<2000x128xf32>
    %add3A_39 = arith.addf %add3A_38, %get3A_1 : vector<2000x128xf32>
    %swap3A = arith.constant 0 : index
    %swap3A_40 = arith.constant 0 : index
    %swap3A_41 = vector.load %arg8[%swap3A, %swap3A_40] : memref<2000x128xf32, #tpu.memory_space<vmem>>, vector<2000x128xf32>
    tpu.vector_store %arg8[%swap3A, %swap3A_40], %add3A_39 {strides = array<i32>} : memref<2000x128xf32, #tpu.memory_space<vmem>>, vector<2000x128xf32>,
    return
  }
  func.func @transform_0(%arg0: i32) -> (i32, i32) {
    %c0_i32 = arith.constant 0 : i32
    %c0_i32_0 = arith.constant 0 : i32
    return %arg0, %c0_i32 : i32, i32
  }
  func.func @transform_1(%arg0: i32) -> (i32, i32) {
    %c0_i32 = arith.constant 0 : i32
    %c0_i32_0 = arith.constant 0 : i32
    return %arg0, %c0_i32 : i32, i32
  }
  func.func @transform_2(%arg0: i32) -> (i32, i32) {
    %add3A = arith.constant 128 : i32
    %add3A_0 = arith.addi %arg0, %add3A : i32
    %c0_i32 = arith.constant 0 : i32
    %c0_i32_1 = arith.constant 0 : i32
    return %add3A_0, %c0_i32 : i32, i32
  }
  func.func @transform_3(%arg0: i32) -> (i32, i32) {
    %c0_i32 = arith.constant 0 : i32
    %c0_i32_0 = arith.constant 0 : i32
    %c0_i32_1 = arith.constant 0 : i32
    return %c0_i32, %c0_i32_0 : i32, i32
  }
  func.func @transform_4(%arg0: i32) -> (i32, i32) {
    %c0_i32 = arith.constant 0 : i32
    %c0_i32_0 = arith.constant 0 : i32
    %c0_i32_1 = arith.constant 0 : i32
    return %c0_i32, %c0_i32_0 : i32, i32
  }
  func.func @transform_5(%arg0: i32) -> (i32, i32) {
    %c0_i32 = arith.constant 0 : i32
    %c0_i32_0 = arith.constant 0 : i32
    %c0_i32_1 = arith.constant 0 : i32
    return %c0_i32, %c0_i32_0 : i32, i32
  }
  func.func @transform_7(%arg0: i32) -> (i32, i32) {
    %add3A = arith.constant 128 : i32
    %add3A_0 = arith.addi %arg0, %add3A : i32
    %c0_i32 = arith.constant 0 : i32
    %c0_i32_1 = arith.constant 0 : i32
    return %add3A_0, %c0_i32 : i32, i32
  }
}

</mosaic_0001>

<sc_bundles>
// kernel: kernel.14.cloned.1.call-start
scs
__scs_entry_jumppad:
0x0: {  	(pc) =	sbr.rel $0x88, $3  }
0x1: {  	(tag) =	ssettag $0x0;
	lr =	simm.s32 $0x1  }
0x2: {  	[smem:$0x3F96] =	sst lr;
	_ =	strace $0xD0000000  }
0x3: {  	_ = 	snop  }
0x4: {  	_ = 	snop  }
0x5: {  	_ = 	snop  }
0x6: {  	_ = 	snop  }
0x7: {  	_ = 	snop  }
__scs_overlays_trampoline_lowered:
0x8: {  	[smem:$0x3FA5] =	sst s0  }
0x9: {  	[smem:$0x3FA6] =	sst s1  }
0xa: {  	[smem:$0x3FA7] =	sst s2  }
0xb: {  	[smem:$0x3FA8] =	sst s3  }
0xc: {  	[smem:$0x3FA9] =	sst s4  }
0xd: {  	[smem:$0x3FAA] =	sst s5  }
0xe: {  	[smem:$0x3FAB] =	sst s6  }
0xf: {  	[smem:$0x3FAC] =	sst s7  }
0x10: {  	[smem:$0x3FAD] =	sst s8  }
0x11: {  	[smem:$0x3FAE] =	sst s9;
	s0 =	simm.s32 @!p0 $0x0  }
0x12: {  	s1 =	sld [smem:$0x3F94];
	s0 =	simm.s32 @p0 $0x1  }
0x13: {  	[smem:$0x3FAF] =	sst s0;
	s0 =	simm.s32 @!p1 $0x0  }
0x14: {  	s2 =	sld [smem:$0x3F93];
	s0 =	simm.s32 @p1 $0x1  }
0x15: {  	[smem:$0x3FB0] =	sst s0;
	s0 =	simm.s32 @!p2 $0x0  }
0x16: {  	s3 =	sld [smem:$0x3FDB];
	s0 =	simm.s32 @p2 $0x1  }
0x17: {  	s4 =	simm.s32 $0x1BF5;
	[smem:$0x3FB2] =	sst s0  }
0x18: {  	s0 =	sld [smem:$0x3F95];
	_ =	swait.ge [sflag:s4], $0x0  }
0x19: {  	s7 =	sld [smem:$0x3F96]  }
0x1a: {  	s8 =	sadd.s32 $0xFFFFE003, lr  }
0x1b: {  	s9 =	sadd.s32 $0xFFFFFEF7, lr;
	s5 =	simm.s32 $0xFFFFFFFF;
	p2 =	slt.u32 s8, $0xFFFFF086  }
0x1c: {  	p1 =	slt.u32 s9, $0xF7A;
	s5 =	simm.s32 @!p2 $0x0  }
0x1d: {  	s5 =	simm.s32 @p1 $0x1;
	p0 =	seq.s32 s7, s2  }
0x1e: {  	s7 =	smul.u32 @!p0 $0xF7A, s2;
	p2 =	seq.s32 @!p0 s5, $0x0  }
0x1f: {  	s9 =	smul.u32 $0xF7A, s1;
	s8 =	simm.s32 @!p0 $0x1BF5;
	p2 =	por !p2, p0  }
0x20: {  	[sflag:s8] =	ssyncset.s32 @!p0 $0xFFFFF086;
	s6 =	sadd.s32 @!p0 s3, s7;
	s7 =	simm.s32 @!p0 $0x108  }
0x21: {  	s3 =	sadd.s32 s3, s9;
	s6 =	sadd.s32 @!p0 $0x88, s6;
	s7 =	simm.s32 @p2 $0x1082  }
0x22: {  	[simem:s7], [sflag:s8] =	dma.local @!p0 [hbm:s6], $0xF7A  }
0x23: {  	s9 =	sor.u32 $0xD0000000, s2;
	s6 =	simm.s32 $0x108;
	_ =	swait.ge @!p0 [sflag:s8], $0x0  }
0x24: {  	s3 =	sadd.s32 $0x88, s3;
	s6 =	simm.s32 @!p1 $0x1082;
	[sflag:s4] =	ssyncset.s32 $0xFFFFF086  }
0x25: {  	[simem:s6], [sflag:s4] =	dma.local [hbm:s3], $0xF7A  }
0x26: {  	[smem:$0x3F96] =	sst s1;
	(tag) =	ssettag s2;
	_ =	strace s9  }
0x27: {  	s1 =	sld [smem:$0x3FA6]  }
0x28: {  	s2 =	sld [smem:$0x3FA7]  }
0x29: {  	s4 =	sld [smem:$0x3FA9]  }
0x2a: {  	p0 =	seq.s32 s5, $0x0;
	s5 =	sld [smem:$0x3FAA]  }
0x2b: {  	s6 =	sld [smem:$0x3FAB]  }
0x2c: {  	s7 =	sld [smem:$0x3FAC]  }
0x2d: {  	s3 =	simm.s32 $0x108;
	s8 =	sld [smem:$0x3FAD]  }
0x2e: {  	s3 =	simm.s32 @!p0 $0x1082;
	s9 =	sld [smem:$0x3FAE]  }
0x2f: {  	lr =	sadd.s32 s0, s3;
	s0 =	sld [smem:$0x3FA5]  }
0x30: {  	s3 =	sld [smem:$0x3FA8]  }
0x31: {  	[smem:$0x3FB1] =	sst s10  }
0x32: {  	s10 =	sld [smem:$0x3FAF];
	_ =	sdelay $0x3  }
0x33: {  	p0 =	seq.s32 s10, $0x1;
	s10 =	sld [smem:$0x3FB1];
	_ =	sdelay $0x3  }
0x34: {  	[smem:$0x3FB1] =	sst s10  }
0x35: {  	s10 =	sld [smem:$0x3FB0];
	_ =	sdelay $0x3  }
0x36: {  	p1 =	seq.s32 s10, $0x1;
	s10 =	sld [smem:$0x3FB1];
	_ =	sdelay $0x3  }
0x37: {  	[smem:$0x3FB1] =	sst s10  }
0x38: {  	s10 =	sld [smem:$0x3FB2]  }
0x39: {  	_ = 	snop;
	(pc) =	sbr.ind lr, $3  }
0x3a: {  	_ = 	snop  }
0x3b: {  	_ = 	snop  }
0x3c: {  	p2 =	seq.s32 s10, $0x1;
	s10 =	sld [smem:$0x3FB1]  }
0x3d: {  	_ =	shalt  }
0x3e: {  	_ =	shalt  }
0x3f: {  	_ =	shalt  }
0x40: {  	_ =	shalt  }
0x41: {  	_ =	shalt  }
0x42: {  	_ =	shalt  }
0x43: {  	_ =	shalt  }
0x44: {  	_ =	shalt  }
0x45: {  	_ =	shalt  }
0x46: {  	_ =	shalt  }
0x47: {  	_ =	shalt  }
0x48: {  	_ =	shalt  }
0x49: {  	_ =	shalt  }
0x4a: {  	_ =	shalt  }
0x4b: {  	_ =	shalt  }
0x4c: {  	_ =	shalt  }
0x4d: {  	_ =	shalt  }
0x4e: {  	_ =	shalt  }
0x4f: {  	_ =	shalt  }
0x50: {  	_ =	shalt  }
0x51: {  	_ =	shalt  }
0x52: {  	_ =	shalt  }
0x53: {  	_ =	shalt  }
0x54: {  	_ =	shalt  }
0x55: {  	_ =	shalt  }
0x56: {  	_ =	shalt  }
0x57: {  	_ =	shalt  }
0x58: {  	_ =	shalt  }
0x59: {  	_ =	shalt  }
0x5a: {  	_ =	shalt  }
0x5b: {  	_ =	shalt  }
0x5c: {  	_ =	shalt  }
0x5d: {  	_ =	shalt  }
0x5e: {  	_ =	shalt  }
0x5f: {  	_ =	shalt  }
0x60: {  	_ =	shalt  }
0x61: {  	_ =	shalt  }
0x62: {  	_ =	shalt  }
0x63: {  	_ =	shalt  }
0x64: {  	_ =	shalt  }
0x65: {  	_ =	shalt  }
0x66: {  	_ =	shalt  }
0x67: {  	_ =	shalt  }
0x68: {  	_ =	shalt  }
0x69: {  	_ =	shalt  }
0x6a: {  	_ =	shalt  }
0x6b: {  	_ =	shalt  }
0x6c: {  	_ =	shalt  }
0x6d: {  	_ =	shalt  }
0x6e: {  	_ =	shalt  }
0x6f: {  	_ =	shalt  }
0x70: {  	_ =	shalt  }
0x71: {  	_ =	shalt  }
0x72: {  	_ =	shalt  }
0x73: {  	_ =	shalt  }
0x74: {  	_ =	shalt  }
0x75: {  	_ =	shalt  }
0x76: {  	_ =	shalt  }
0x77: {  	_ =	shalt  }
0x78: {  	_ =	shalt  }
0x79: {  	_ =	shalt  }
0x7a: {  	_ =	shalt  }
0x7b: {  	_ =	shalt  }
0x7c: {  	_ =	shalt  }
0x7d: {  	_ =	shalt  }
0x7e: {  	_ =	shalt  }
0x7f: {  	_ =	shalt  }
0x80: {  	_ =	shalt  }
0x81: {  	_ =	shalt  }
0x82: {  	_ =	shalt  }
0x83: {  	_ =	shalt  }
0x84: {  	_ =	shalt  }
0x85: {  	_ =	shalt  }
0x86: {  	_ =	shalt  }
0x87: {  	_ =	shalt  }
.Lfunc_end0:
.L_simem_size_0:
called_computation_lowered:
.L_overlay_start_0:
0x88: {  	s2 =	sld [smem:$0x3FD9]  }
0x89: {  	s3 =	sld [smem:$0x3FFE];
	_ =	sdelay $0x1  }
0x8a: {  	s1 =	srdreg.scid  }
0x8b: {  	s0 =	sand.u32 $0x1, s1  }
0x8c: {  	s14 =	sshll.u32 s0, $0xA;
	s2 =	sadd.s32 s3, s2  }
0x8d: {  	s2 =	sadd.s32 s2, s14  }
0x8e: {  	[smem:$0x3FBD] =	sst s2  }
0x8f: {  	_ = 	snop  }
0x90: {  	s2 =	sld [smem:$0x3FD0];
	_ =	sdelay $0x2  }
0x91: {  	s4 =	simm.s32 $0xE;
	s5 =	simm.s32 $0x10;
	s15 =	sld [smem:$0x3FC7]  }
0x92: {  	[smem:s5], [sflag:s4] =	dma.local [hbm:s2], $0x1  }
0x93: {  	_ =	swait.eq [sflag:s4], $0x1  }
0x94: {  	[sflag:s4] =	ssyncset.done $0x0  }
0x95: {  	s16 =	sld [smem:$0x10];
	[sflag:s4] =	ssyncadd.s32 $0xFFFFFFFF  }
0x96: {  	s17 =	sld [smem:$0x11];
	(tm) =	ssettm $0x1  }
0x97: {  	s18 =	sld [smem:$0x3FFB];
	_ =	sdelay $0x3  }
0x98: {  	_ =	strace s18  }
0x99: {  	s5 =	sld [smem:$0x3FFC];
	_ =	sdelay $0x3  }
0x9a: {  	_ =	strace s5  }
0x9b: {  	s5 =	sld [smem:$0x3FFD];
	_ =	sdelay $0x3  }
0x9c: {  	_ =	strace s5  }
0x9d: {  	_ =	strace $0x8FFFFFFF  }
0x9e: {  	s19 =	sld [smem:$0x3FDB];
	_ =	sdelay $0x1  }
0x9f: {  	s6 =	simm.s32 $_scs_section_size  }
0xa0: {  	s7 =	simm.s32 $_size__tile_overlayer_lowered;
	s8 =	simm.s32 $_tile_overlayer_lowered  }
0xa1: {  	s22 =	simm.s32 $0x1BFF;
	s21 =	sshll.u32 s8, $0x1;
	s5 =	sadd.s32 s6, s19  }
0xa2: {  	s9 =	simm.s32 $0x0;
	s20 =	sshll.u32 s7, $0x1;
	s7 =	sadd.s32 s21, s5  }
0xa3: {  	[timem:s9], [sflag:s22] =	dma.local [hbm:s7], s20  }
0xa4: {  	_ =	swait.ge [sflag:s22], s20  }
0xa5: {  	s6 =	ssub.s32 $0x0, s20;
	[sflag:s22] =	ssyncset.done $0x0  }
0xa6: {  	[sflag:s22] =	ssyncadd.s32 s6;
	_ =	sdelay $0x1  }
0xa7: {  	s23 =	simm.s32 $0x1B8B  }
0xa8: {  	_ =	swait.ge [sflag:s23], $0x1  }
0xa9: {  	[sflag:s23] =	ssyncset.done $0x0  }
0xaa: {  	s25 =	simm.s32 $0x1B8E;
	s24 =	sld [smem:$0x3FFE];
	[sflag:s23] =	ssyncadd.s32 $0xFFFFFFFF  }
0xab: {  	s26 =	simm.s32 $execute0_lowered;
	[smem:$0x3FD2] =	sst s25  }
0xac: {  	s7 =	sshll.u32 s26, $0x1;
	_ =	strace $0x80000046;
	[dreg:$0x1] =	wrdreg $0xFFFFFFFF  }
0xad: {  	s28 =	simm.s32 $_size_execute0_lowered;
	s5 =	sadd.s32 s5, s7;
	[dreg:$0x0] =	wrdreg $0x0  }
0xae: {  	s7 =	sshll.u32 s28, $0x1;
	[dreg:$0x2] =	wrdreg s5  }
0xaf: {  	[dreg:$0x3] =	wrdreg s7  }
0xb0: {  	[dreg:$0x4] =	wrdreg $0xC0  }
0xb1: {  	_ =	task [dreg:s9], $0x5FFFF  }
0xb2: {  	[dreg:$0x1] =	wrdreg $0xFFFFFFFF  }
0xb3: {  	[dreg:$0x0] =	wrdreg $0x60  }
0xb4: {  	[dreg:$0x2] =	wrdreg s15  }
0xb5: {  	[dreg:$0x3] =	wrdreg s24  }
0xb6: {  	[dreg:$0x4] =	wrdreg s16  }
0xb7: {  	[dreg:$0x5] =	wrdreg s17  }
0xb8: {  	[dreg:$0x6] =	wrdreg $0x90000  }
0xb9: {  	[dreg:$0x7] =	wrdreg $0x9  }
0xba: {  	_ =	task.clear_ibuf [dreg:s9], $0x8FFFF;
	_ =	strace $0x90000046  }
0xbb: {  	s29 =	simm.s32 $0x9;
	_ =	strace $0x80000048  }
0xbc: {  	_ =	swait.ge [sflag:s29], $0x1  }
0xbd: {  	[sflag:s29] =	ssyncadd.s32 $0xFFFFFFFF  }
0xbe: {  	_ =	strace $0x90000048  }
0xbf: {  	_ =	sfence  }
0xc0: {  	s30 =	sld [smem:$0x0];
	_ =	sdelay $0x2  }
0xc1: {  	s31 =	sshll.u32 s1, $0xD;
	s1 =	sshrl.u32 s1, $0x2  }
0xc2: {  	s3 =	sand.u32 $0x4000, s31;
	s1 =	sadd.s32 s1, s30  }
0xc3: {  	s0 =	sor.u32 s3, s0;
	s1 =	sshll.u32 s1, $0x11  }
0xc4: {  	s0 =	sor.u32 s1, s0  }
0xc5: {  	s0 =	sadd.s32 $0x8F2B, s0  }
0xc6: {  	[sflag:s0] =	ssyncadd.remote.s32 $0x1  }
0xc7: {  	_ =	sfence.sel $0xFFFF  }
0xc8: {  	[dreg:$0x0] =	wrdreg $0xFFFFFFFF;
	(pc) =	sbr.abs _section_cstart, $3  }
0xc9: {  	[dreg:$0x1] =	wrdreg $0xFFFFFFFF  }
0xca: {  	_ =	task.clear_ibuf [dreg:s9], $0x2FFFF;
	_ =	strace $0x9FFFFFFF  }
0xcb: {  	(tm) =	ssettm $0x7FFFFFFF  }
tec
execute0_lowered:
.L_overlay_start_1:
0x0: {  	(tag) =	ssettag $0x1  }
0x1: {  	s9 =	rddreg [dreg:$0x0]  }
0x2: {  	s4 =	rddreg [dreg:$0x1]  }
0x3: {  	s6 =	rddreg [dreg:$0x2]  }
0x4: {  	s10 =	rddreg [dreg:$0x3]  }
0x5: {  	s2 =	rddreg [dreg:$0x4]  }
0x6: {  	s0 =	rddreg [dreg:$0x5]  }
0x7: {  	s3 =	simm.s32 $0x0;
	s1 =	stileid.u32;
	s5 =	srdreg.scid  }
0x8: {  	s18 =	simm.s32 $0x50;
	s19 =	simm.s32 $0x3E00;
	s20 =	simm.s32 $0x4  }
0x9: {  	s21 =	simm.s32 $0x0;
	[smem:$0x7FF] =	sst s3;
	s25 =	smul.u32 $0x4E000, s1  }
0xa: {  	s11 =	sand.u32 $0x1, s5;
	s7 =	sshll.u32 s1, $0xB;
	s13 =	smul.u32 $0x13800, s1  }
0xb: {  	s28 =	sshll.u32 s1, $0x6;
	s15 =	sadd.s32 $0x138000, s2;
	s17 =	smul.u32 $0x27100, s1  }
0xc: {  	p0 =	sne.s32 s1, $0xF;
	_ =	strace $0x80000047;
	s8 =	ssub.s32 $0x2, s11  }
0xd: {  	s7 =	sadd.s32 s7, s4;
	s29 =	sshll.u32 s11, $0x4;
	s30 =	smul.u32 $0x138800, s11  }
0xe: {  	s16 =	sshll.u32 s11, $0xF;
	s11 =	smul.u32 $0x271000, s11;
	s15 =	sshrl.u32 @!p0 s15, $0x3  }
0xf: {  	s12 =	sshrl.u32 s8, $0x1;
	s5 =	sshrl.u32 s25, $0x2;
	s26 =	sshrl.u32 s13, $0x3  }
0x10: {  	s7 =	sadd.s32 s16, s7;
	s12 =	ssub.s32 s8, s12;
	s14 =	sadd.s32 s5, s2  }
0x11: {  	s4 =	sadd.s32 s6, s26;
	s5 =	sor.u32 $0x1C03, s28;
	s8 =	sor.u32 s1, s29  }
0x12: {  	s6 =	sadd.s32 $0x27000, s6;
	s7 =	sadd.s32 $0x17800, s7;
	s13 =	sadd.s32 s13, s30  }
0x13: {  	s16 =	sshrl.u32 s30, $0x3;
	s11 =	sadd.s32 s11, s9;
	s8 =	smul.u32 $0x27100, s8  }
0x14: {  	s13 =	sshrl.u32 s13, $0x3;
	s16 =	sadd.s32 s10, s16;
	s31 =	sadd.s32 s17, s11  }
0x15: {  	s11 =	smax.u32 s12, $0x1;
	s17 =	simm.s32 $0x1;
	s12 =	sadd.s32 $0x500, s31  }
0x16: {  	s8 =	sadd.s32 s9, s8;
	s9 =	sadd.s32 s10, s13;
	s10 =	sadd.s32 $0x27000, s16  }
0x17: {  	s13 =	sshrl.u32 s14, $0x3;
	s14 =	simm.s32 $0x3;
	s16 =	simm.s32 $0x4000  }
.LBB2_1:
0x18: {  	[spmem:s13], [sflag:s5] =	dma.local [hbm:s4], $0x2700  }
0x19: {  	_ =	swait.ge [sflag:s14], $0x2700  }
0x1a: {  	[sflag:s14] =	ssyncset.done $0x0  }
0x1b: {  	s22 =	simm.s32 @!p0 $0x3;
	[sflag:s14] =	ssyncadd.s32 $0xFFFFD900  }
0x1c: {  	[spmem:s15], [sflag:s5] =	dma.local @!p0 [hbm:s6], $0x100  }
0x1d: {  	_ =	swait.ge @!p0 [sflag:s22], $0x100  }
0x1e: {  	[sflag:s22] =	ssyncset.done @!p0 $0x0  }
0x1f: {  	[sflag:s22] =	ssyncadd.s32 @!p0 $0xFFFFFF00  }
0x20: {  	[tilespmem:s3], [sflag:$0x3] =	stream.linear.gather [hbm4b:s7+s3], $0x3E80, $0x38;
	[tilespmem:$0x1C880] =	vst v63  }
0x21: {  	_ =	swait.ge [sflag:s14], $0x3E80  }
0x22: {  	[sflag:s14] =	ssyncset.done $0x0  }
0x23: {  	s30 =	sand.u32 $0x1, s3;
	[sflag:s14] =	ssyncadd.s32 $0xFFFFC180  }
0x24: {  	p1 =	seq.s32 s30, $0x0;
	[bflag:$0x0] =	sbarrier.arrive $0xFFFF  }
0x25: {  	[tilespmem:s16], [sflag:$0x1] =	stream.linear.gather [hbm4b:s8+s3], $0x2800, $0x38;
	[tilespmem:$0x1C880] =	vst v63  }
0x26: {  	s23 =	simm.s32 @p1 $0x6800;
	s24 =	simm.s32 @p1 $0x1;
	s22 =	simm.s32 @p1 $0x0  }
0x27: {  	[tilespmem:s23], [sflag:$0x2] =	stream.linear.gather @p1 [hbm4b:s12+s22], $0x2800, $0x38;
	[tilespmem:$0x1C880] =	vst v63  }
0x28: {  	_ =	swait.ge @p1 [sflag:s24], $0x2800  }
0x29: {  	[sflag:s24] =	ssyncset.done @p1 $0x0  }
0x2a: {  	s22 =	simm.s32 @p1 $0x50;
	s23 =	simm.s32 @p1 $0x4000;
	[sflag:s24] =	ssyncadd.s32 @p1 $0xFFFFD800  }
0x2b: {  	[spmem:s2] =	stream.indirect.scatter.add.f32 @p1 [tilespmem:s23], [sflag:$0x4], $0x80, s3, s22, $0xb8;
	[tilespmem:$0x1C880] =	vst v63  }
0x2c: {  	s26 =	simm.s32 @!p1 $0x2;
	s22 =	simm.s32 @!p1 $0x0;
	s23 =	simm.s32 @!p1 $0x4000  }
0x2d: {  	[tilespmem:s23], [sflag:$0x1] =	stream.linear.gather @!p1 [hbm4b:s12+s22], $0x2800, $0x38;
	[tilespmem:$0x1C880] =	vst v63  }
0x2e: {  	s25 =	simm.s32 @!p1 $0x3;
	_ =	swait.ge @!p1 [sflag:s26], $0x2800  }
0x2f: {  	s31 =	simm.s32 $0x1;
	s25 =	simm.s32 @p1 $0x4;
	[sflag:s26] =	ssyncset.done @!p1 $0x0  }
0x30: {  	s23 =	simm.s32 @!p1 $0x6800;
	[sflag:s26] =	ssyncadd.s32 @!p1 $0xFFFFD800;
	s26 =	simm.s32 @!p1 $0x50  }
0x31: {  	[spmem:s2] =	stream.indirect.scatter.add.f32 @!p1 [tilespmem:s23], [sflag:$0x3], $0x80, s3, s26, $0xb8;
	[tilespmem:$0x1C880] =	vst v63  }
0x32: {  	s24 =	simm.s32 $0x2;
	s22 =	sand.u32 $0x1, s31;
	s23 =	sadd.s32 $0x500, s12  }
0x33: {  	p1 =	seq.s32 s22, $0x0;
	s22 =	simm.s32 $0x80;
	_ =	swait.ge [sflag:s25], $0x2800  }
.LBB2_2:
0x34: {  	s26 =	simm.s32 @p1 $0x0;
	s28 =	simm.s32 @p1 $0x6800  }
0x35: {  	[sflag:s25] =	ssyncset.done $0x0;
	s29 =	smov.u32 s24;
	s30 =	smov.u32 s23  }
0x36: {  	s24 =	sadd.s32 $0x1, s24;
	s31 =	simm.s32 @p1 $0x1;
	[sflag:s25] =	ssyncadd.s32 $0xFFFFD800  }
0x37: {  	[tilespmem:s28], [sflag:$0x2] =	stream.linear.gather @p1 [hbm4b:s23+s26], $0x2800, $0x38;
	[tilespmem:$0x1C880] =	vst v63  }
0x38: {  	p2 =	sne.s32 s24, $0x7C;
	_ =	swait.ge @p1 [sflag:s31], $0x2800  }
0x39: {  	s23 =	sadd.s32 $0x500, s23;
	[sflag:s31] =	ssyncset.done @p1 $0x0  }
0x3a: {  	s25 =	simm.s32 @p1 $0x50;
	s26 =	simm.s32 @p1 $0x4000;
	[sflag:s31] =	ssyncadd.s32 @p1 $0xFFFFD800  }
0x3b: {  	[spmem:s2] =	stream.indirect.scatter.add.f32 @p1 [tilespmem:s26], [sflag:$0x4], $0x80, s22, s25, $0xb8;
	[tilespmem:$0x1C880] =	vst v63  }
0x3c: {  	s28 =	simm.s32 @!p1 $0x2;
	s25 =	simm.s32 @!p1 $0x0;
	s26 =	simm.s32 @!p1 $0x4000  }
0x3d: {  	[tilespmem:s26], [sflag:$0x1] =	stream.linear.gather @!p1 [hbm4b:s30+s25], $0x2800, $0x38;
	[tilespmem:$0x1C880] =	vst v63  }
.Ltmp0:
0x3e: {  	s26 =	sand.u32 $0x1, s29;
	_ =	swait.ge @!p1 [sflag:s28], $0x2800;
	(pc) =	sbr.rel @p2 .LBB2_2-.Ltmp0, $4  }
0x3f: {  	s29 =	simm.s32 @!p1 $0x6800;
	s25 =	simm.s32 @!p1 $0x3;
	[sflag:s28] =	ssyncset.done @!p1 $0x0  }
0x40: {  	s25 =	simm.s32 @p1 $0x4;
	[sflag:s28] =	ssyncadd.s32 @!p1 $0xFFFFD800;
	s28 =	simm.s32 @!p1 $0x50  }
0x41: {  	[spmem:s2] =	stream.indirect.scatter.add.f32 @!p1 [tilespmem:s29], [sflag:$0x3], $0x80, s22, s28, $0xb8;
	[tilespmem:$0x1C880] =	vst v63  }
0x42: {  	p1 =	seq.s32 s26, $0x0;
	s22 =	sadd.s32 $0x80, s22;
	_ =	swait.ge [sflag:s25], $0x2800  }
0x43: {  	s24 =	simm.s32 @p1 $0x0;
	[sflag:s25] =	ssyncset.done $0x0  }
0x44: {  	s26 =	simm.s32 @p1 $0x6800;
	s28 =	simm.s32 @p1 $0x1;
	[sflag:s25] =	ssyncadd.s32 $0xFFFFD800  }
0x45: {  	[tilespmem:s26], [sflag:$0x2] =	stream.linear.gather @p1 [hbm4b:s23+s24], $0x2800, $0x38;
	[tilespmem:$0x1C880] =	vst v63  }
0x46: {  	_ =	swait.ge @p1 [sflag:s28], $0x2800  }
0x47: {  	[sflag:s28] =	ssyncset.done @p1 $0x0  }
0x48: {  	s25 =	simm.s32 @p1 $0x4000;
	s24 =	simm.s32 @p1 $0x50;
	[sflag:s28] =	ssyncadd.s32 @p1 $0xFFFFD800  }
0x49: {  	[spmem:s2] =	stream.indirect.scatter.add.f32 @p1 [tilespmem:s25], [sflag:$0x4], $0x80, s22, s24, $0xb8;
	[tilespmem:$0x1C880] =	vst v63  }
0x4a: {  	s26 =	simm.s32 @!p1 $0x2;
	s24 =	simm.s32 @!p1 $0x0;
	s25 =	simm.s32 @!p1 $0x4000  }
0x4b: {  	[tilespmem:s25], [sflag:$0x1] =	stream.linear.gather @!p1 [hbm4b:s23+s24], $0x2800, $0x38;
	[tilespmem:$0x1C880] =	vst v63  }
0x4c: {  	_ =	swait.ge @!p1 [sflag:s26], $0x2800  }
0x4d: {  	s23 =	simm.s32 @!p1 $0x6800;
	s24 =	simm.s32 @!p1 $0x3;
	[sflag:s26] =	ssyncset.done @!p1 $0x0  }
0x4e: {  	s25 =	simm.s32 @!p1 $0x50;
	s24 =	simm.s32 @p1 $0x4;
	[sflag:s26] =	ssyncadd.s32 @!p1 $0xFFFFD800  }
0x4f: {  	[spmem:s2] =	stream.indirect.scatter.add.f32 @!p1 [tilespmem:s23], [sflag:$0x3], $0x80, s22, s25, $0xb8;
	[tilespmem:$0x1C880] =	vst v63  }
0x50: {  	_ =	swait.ge [sflag:s24], $0x2800  }
0x51: {  	[sflag:s24] =	ssyncset.done $0x0  }
0x52: {  	[sflag:s24] =	ssyncadd.s32 $0xFFFFD800  }
0x53: {  	_ =	swait.ge [sflag:s17], $0x2800  }
0x54: {  	[sflag:s17] =	ssyncset.done $0x0  }
0x55: {  	[sflag:s17] =	ssyncadd.s32 $0xFFFFD800  }
0x56: {  	[spmem:s2] =	stream.indirect.scatter.add.f32 [tilespmem:s16], [sflag:$0x4], $0x80, s19, s18, $0xb8;
	[tilespmem:$0x1C880] =	vst v63  }
0x57: {  	_ =	swait.ge [sflag:s20], $0x2800  }
0x58: {  	[sflag:s20] =	ssyncset.done $0x0  }
0x59: {  	[sflag:s20] =	ssyncadd.s32 $0xFFFFD800  }
0x5a: {  	[bflag:$0x0] =	sbarrier.arrive $0xFFFF  }
0x5b: {  	[hbm:s9], [sflag:s5] =	dma.local [spmem:s13], $0x2700  }
0x5c: {  	s21 =	sadd.s32 $0x1, s21;
	_ =	swait.ge [sflag:s14], $0x2700  }
0x5d: {  	p1 =	sne.s32 s21, s11;
	[sflag:s14] =	ssyncset.done $0x0  }
.Ltmp1:
0x5e: {  	s22 =	simm.s32 @!p0 $0x3;
	[sflag:s14] =	ssyncadd.s32 $0xFFFFD900;
	(pc) =	sbr.rel @p1 .LBB2_1-.Ltmp1, $4  }
0x5f: {  	[hbm:s10], [sflag:s5] =	dma.local @!p0 [spmem:s15], $0x100  }
0x60: {  	_ =	swait.ge @!p0 [sflag:s22], $0x100  }
0x61: {  	[sflag:s22] =	ssyncset.done @!p0 $0x0  }
0x62: {  	[sflag:s22] =	ssyncadd.s32 @!p0 $0xFFFFFF00  }
0x63: {  	_ =	sfence.sel $0x180000  }
0x64: {  	[bflag:$0x0] =	sbarrier.arrive $0xFFFF  }
0x65: {  	p0 =	sne.s32 s1, $0x0;
	_ =	strace $0x90000047  }
0x66: {  	s0 =	sadd.s32 @!p0 $0x100000, s0;
	[bflag:$0x2] =	sbarrier.arrive $0xFFFF  }
0x67: {  	[sflag:s0] =	ssyncadd.tile.s32 @!p0 $0x1;
	_ =	shalt  }
.Lfunc_end2:
_tile_overlayer_lowered:
.L_overlay_start_2:
0x68: {  	(tag) =	ssettag $0x2  }
0x69: {  	s0 =	rddreg [dreg:$0x0];
	s2 =	stileid.u32  }
0x6a: {  	s1 =	rddreg [dreg:$0x1];
	p0 =	sne.s32 s2, $0x0  }
0x6b: {  	s3 =	rddreg [dreg:$0x2];
	[bflag:$0x3] =	sbarrier.arrive $0xFFFF;
	s2 =	simm.s32 @!p0 $0x1C03  }
0x6c: {  	[timem:s3], [sflag:s2] =	dma.local @!p0 [hbm:s0], s1  }
0x6d: {  	s0 =	simm.s32 @!p0 $0x3  }
0x6e: {  	_ =	swait.ge @!p0 [sflag:s0], s1  }
0x6f: {  	s1 =	ssub.s32 @!p0 $0x0, s1;
	[sflag:s0] =	ssyncset.done @!p0 $0x0  }
0x70: {  	[sflag:s0] =	ssyncadd.s32 @!p0 s1  }
0x71: {  	[bflag:$0x3] =	sbarrier.arrive $0xFFFF  }
0x72: {  	_ =	shalt  }

// kernel: kernel.17.cloned.1.call-start
scs
__scs_entry_jumppad:
0x0: {  	(pc) =	sbr.rel $0x88, $3  }
0x1: {  	(tag) =	ssettag $0x0;
	lr =	simm.s32 $0x1  }
0x2: {  	[smem:$0x3F96] =	sst lr;
	_ =	strace $0xD0000000  }
0x3: {  	_ = 	snop  }
0x4: {  	_ = 	snop  }
0x5: {  	_ = 	snop  }
0x6: {  	_ = 	snop  }
0x7: {  	_ = 	snop  }
__scs_overlays_trampoline_lowered:
0x8: {  	[smem:$0x3FA5] =	sst s0  }
0x9: {  	[smem:$0x3FA6] =	sst s1  }
0xa: {  	[smem:$0x3FA7] =	sst s2  }
0xb: {  	[smem:$0x3FA8] =	sst s3  }
0xc: {  	[smem:$0x3FA9] =	sst s4  }
0xd: {  	[smem:$0x3FAA] =	sst s5  }
0xe: {  	[smem:$0x3FAB] =	sst s6  }
0xf: {  	[smem:$0x3FAC] =	sst s7  }
0x10: {  	[smem:$0x3FAD] =	sst s8  }
0x11: {  	[smem:$0x3FAE] =	sst s9;
	s0 =	simm.s32 @!p0 $0x0  }
0x12: {  	s1 =	sld [smem:$0x3F94];
	s0 =	simm.s32 @p0 $0x1  }
0x13: {  	[smem:$0x3FAF] =	sst s0;
	s0 =	simm.s32 @!p1 $0x0  }
0x14: {  	s2 =	sld [smem:$0x3F93];
	s0 =	simm.s32 @p1 $0x1  }
0x15: {  	[smem:$0x3FB0] =	sst s0;
	s0 =	simm.s32 @!p2 $0x0  }
0x16: {  	s3 =	sld [smem:$0x3FDB];
	s0 =	simm.s32 @p2 $0x1  }
0x17: {  	s4 =	simm.s32 $0x1BF5;
	[smem:$0x3FB2] =	sst s0  }
0x18: {  	s0 =	sld [smem:$0x3F95];
	_ =	swait.ge [sflag:s4], $0x0  }
0x19: {  	s7 =	sld [smem:$0x3F96]  }
0x1a: {  	s8 =	sadd.s32 $0xFFFFE003, lr  }
0x1b: {  	s9 =	sadd.s32 $0xFFFFFEF7, lr;
	s5 =	simm.s32 $0xFFFFFFFF;
	p2 =	slt.u32 s8, $0xFFFFF086  }
0x1c: {  	p1 =	slt.u32 s9, $0xF7A;
	s5 =	simm.s32 @!p2 $0x0  }
0x1d: {  	s5 =	simm.s32 @p1 $0x1;
	p0 =	seq.s32 s7, s2  }
0x1e: {  	s7 =	smul.u32 @!p0 $0xF7A, s2;
	p2 =	seq.s32 @!p0 s5, $0x0  }
0x1f: {  	s9 =	smul.u32 $0xF7A, s1;
	s8 =	simm.s32 @!p0 $0x1BF5;
	p2 =	por !p2, p0  }
0x20: {  	[sflag:s8] =	ssyncset.s32 @!p0 $0xFFFFF086;
	s6 =	sadd.s32 @!p0 s3, s7;
	s7 =	simm.s32 @!p0 $0x108  }
0x21: {  	s3 =	sadd.s32 s3, s9;
	s6 =	sadd.s32 @!p0 $0x88, s6;
	s7 =	simm.s32 @p2 $0x1082  }
0x22: {  	[simem:s7], [sflag:s8] =	dma.local @!p0 [hbm:s6], $0xF7A  }
0x23: {  	s9 =	sor.u32 $0xD0000000, s2;
	s6 =	simm.s32 $0x108;
	_ =	swait.ge @!p0 [sflag:s8], $0x0  }
0x24: {  	s3 =	sadd.s32 $0x88, s3;
	s6 =	simm.s32 @!p1 $0x1082;
	[sflag:s4] =	ssyncset.s32 $0xFFFFF086  }
0x25: {  	[simem:s6], [sflag:s4] =	dma.local [hbm:s3], $0xF7A  }
0x26: {  	[smem:$0x3F96] =	sst s1;
	(tag) =	ssettag s2;
	_ =	strace s9  }
0x27: {  	s1 =	sld [smem:$0x3FA6]  }
0x28: {  	s2 =	sld [smem:$0x3FA7]  }
0x29: {  	s4 =	sld [smem:$0x3FA9]  }
0x2a: {  	p0 =	seq.s32 s5, $0x0;
	s5 =	sld [smem:$0x3FAA]  }
0x2b: {  	s6 =	sld [smem:$0x3FAB]  }
0x2c: {  	s7 =	sld [smem:$0x3FAC]  }
0x2d: {  	s3 =	simm.s32 $0x108;
	s8 =	sld [smem:$0x3FAD]  }
0x2e: {  	s3 =	simm.s32 @!p0 $0x1082;
	s9 =	sld [smem:$0x3FAE]  }
0x2f: {  	lr =	sadd.s32 s0, s3;
	s0 =	sld [smem:$0x3FA5]  }
0x30: {  	s3 =	sld [smem:$0x3FA8]  }
0x31: {  	[smem:$0x3FB1] =	sst s10  }
0x32: {  	s10 =	sld [smem:$0x3FAF];
	_ =	sdelay $0x3  }
0x33: {  	p0 =	seq.s32 s10, $0x1;
	s10 =	sld [smem:$0x3FB1];
	_ =	sdelay $0x3  }
0x34: {  	[smem:$0x3FB1] =	sst s10  }
0x35: {  	s10 =	sld [smem:$0x3FB0];
	_ =	sdelay $0x3  }
0x36: {  	p1 =	seq.s32 s10, $0x1;
	s10 =	sld [smem:$0x3FB1];
	_ =	sdelay $0x3  }
0x37: {  	[smem:$0x3FB1] =	sst s10  }
0x38: {  	s10 =	sld [smem:$0x3FB2]  }
0x39: {  	_ = 	snop;
	(pc) =	sbr.ind lr, $3  }
0x3a: {  	_ = 	snop  }
0x3b: {  	_ = 	snop  }
0x3c: {  	p2 =	seq.s32 s10, $0x1;
	s10 =	sld [smem:$0x3FB1]  }
0x3d: {  	_ =	shalt  }
0x3e: {  	_ =	shalt  }
0x3f: {  	_ =	shalt  }
0x40: {  	_ =	shalt  }
0x41: {  	_ =	shalt  }
0x42: {  	_ =	shalt  }
0x43: {  	_ =	shalt  }
0x44: {  	_ =	shalt  }
0x45: {  	_ =	shalt  }
0x46: {  	_ =	shalt  }
0x47: {  	_ =	shalt  }
0x48: {  	_ =	shalt  }
0x49: {  	_ =	shalt  }
0x4a: {  	_ =	shalt  }
0x4b: {  	_ =	shalt  }
0x4c: {  	_ =	shalt  }
0x4d: {  	_ =	shalt  }
0x4e: {  	_ =	shalt  }
0x4f: {  	_ =	shalt  }
0x50: {  	_ =	shalt  }
0x51: {  	_ =	shalt  }
0x52: {  	_ =	shalt  }
0x53: {  	_ =	shalt  }
0x54: {  	_ =	shalt  }
0x55: {  	_ =	shalt  }
0x56: {  	_ =	shalt  }
0x57: {  	_ =	shalt  }
0x58: {  	_ =	shalt  }
0x59: {  	_ =	shalt  }
0x5a: {  	_ =	shalt  }
0x5b: {  	_ =	shalt  }
0x5c: {  	_ =	shalt  }
0x5d: {  	_ =	shalt  }
0x5e: {  	_ =	shalt  }
0x5f: {  	_ =	shalt  }
0x60: {  	_ =	shalt  }
0x61: {  	_ =	shalt  }
0x62: {  	_ =	shalt  }
0x63: {  	_ =	shalt  }
0x64: {  	_ =	shalt  }
0x65: {  	_ =	shalt  }
0x66: {  	_ =	shalt  }
0x67: {  	_ =	shalt  }
0x68: {  	_ =	shalt  }
0x69: {  	_ =	shalt  }
0x6a: {  	_ =	shalt  }
0x6b: {  	_ =	shalt  }
0x6c: {  	_ =	shalt  }
0x6d: {  	_ =	shalt  }
0x6e: {  	_ =	shalt  }
0x6f: {  	_ =	shalt  }
0x70: {  	_ =	shalt  }
0x71: {  	_ =	shalt  }
0x72: {  	_ =	shalt  }
0x73: {  	_ =	shalt  }
0x74: {  	_ =	shalt  }
0x75: {  	_ =	shalt  }
0x76: {  	_ =	shalt  }
0x77: {  	_ =	shalt  }
0x78: {  	_ =	shalt  }
0x79: {  	_ =	shalt  }
0x7a: {  	_ =	shalt  }
0x7b: {  	_ =	shalt  }
0x7c: {  	_ =	shalt  }
0x7d: {  	_ =	shalt  }
0x7e: {  	_ =	shalt  }
0x7f: {  	_ =	shalt  }
0x80: {  	_ =	shalt  }
0x81: {  	_ =	shalt  }
0x82: {  	_ =	shalt  }
0x83: {  	_ =	shalt  }
0x84: {  	_ =	shalt  }
0x85: {  	_ =	shalt  }
0x86: {  	_ =	shalt  }
0x87: {  	_ =	shalt  }
.Lfunc_end0:
.L_simem_size_0:
called_computation.1_lowered:
.L_overlay_start_0:
0x88: {  	s2 =	sld [smem:$0x3FD9]  }
0x89: {  	s3 =	sld [smem:$0x3FFE];
	_ =	sdelay $0x1  }
0x8a: {  	s1 =	srdreg.scid  }
0x8b: {  	s0 =	sand.u32 $0x1, s1  }
0x8c: {  	s16 =	sshll.u32 s0, $0xA;
	s2 =	sadd.s32 s3, s2  }
0x8d: {  	s2 =	sadd.s32 s2, s16  }
0x8e: {  	[smem:$0x3FBD] =	sst s2  }
0x8f: {  	_ = 	snop  }
0x90: {  	(tm) =	ssettm $0x1  }
0x91: {  	s17 =	sld [smem:$0x3FFB];
	_ =	sdelay $0x3  }
0x92: {  	_ =	strace s17  }
0x93: {  	s2 =	sld [smem:$0x3FFC];
	_ =	sdelay $0x3  }
0x94: {  	_ =	strace s2  }
0x95: {  	s2 =	sld [smem:$0x3FFD];
	_ =	sdelay $0x3  }
0x96: {  	_ =	strace s2  }
0x97: {  	_ =	strace $0x8FFFFFFF  }
0x98: {  	s18 =	sld [smem:$0x3FDB];
	_ =	sdelay $0x1  }
0x99: {  	s19 =	simm.s32 $_scs_section_size  }
0x9a: {  	s4 =	simm.s32 $_size__tile_overlayer_lowered;
	s5 =	simm.s32 $_tile_overlayer_lowered  }
0x9b: {  	s22 =	simm.s32 $0x1BFF;
	s21 =	sshll.u32 s5, $0x1;
	s2 =	sadd.s32 s19, s18  }
0x9c: {  	s6 =	simm.s32 $0x0;
	s20 =	sshll.u32 s4, $0x1;
	s4 =	sadd.s32 s21, s2  }
0x9d: {  	[timem:s6], [sflag:s22] =	dma.local [hbm:s4], s20  }
0x9e: {  	_ =	swait.ge [sflag:s22], s20  }
0x9f: {  	s3 =	ssub.s32 $0x0, s20;
	[sflag:s22] =	ssyncset.done $0x0  }
0xa0: {  	[sflag:s22] =	ssyncadd.s32 s3;
	_ =	sdelay $0x1  }
0xa1: {  	s23 =	simm.s32 $0x1B8B  }
0xa2: {  	_ =	swait.ge [sflag:s23], $0x1  }
0xa3: {  	[sflag:s23] =	ssyncset.done $0x0  }
0xa4: {  	s25 =	simm.s32 $0x1B8E;
	s24 =	sld [smem:$0x3FFE];
	[sflag:s23] =	ssyncadd.s32 $0xFFFFFFFF  }
0xa5: {  	s26 =	simm.s32 $execute0_lowered;
	[smem:$0x3FD2] =	sst s25  }
0xa6: {  	s4 =	sshll.u32 s26, $0x1;
	_ =	strace $0x80000049;
	[dreg:$0x1] =	wrdreg $0xFFFFFFFF  }
0xa7: {  	s28 =	simm.s32 $_size_execute0_lowered;
	s2 =	sadd.s32 s2, s4;
	[dreg:$0x0] =	wrdreg $0x0  }
0xa8: {  	s4 =	sshll.u32 s28, $0x1;
	[dreg:$0x2] =	wrdreg s2  }
0xa9: {  	[dreg:$0x3] =	wrdreg s4  }
0xaa: {  	[dreg:$0x4] =	wrdreg $0xC0  }
0xab: {  	_ =	task [dreg:s6], $0x5FFFF  }
0xac: {  	[dreg:$0x1] =	wrdreg $0xFFFFFFFF  }
0xad: {  	[dreg:$0x0] =	wrdreg $0x60  }
0xae: {  	[dreg:$0x2] =	wrdreg s24  }
0xaf: {  	[dreg:$0x3] =	wrdreg $0x6C000  }
0xb0: {  	[dreg:$0x4] =	wrdreg $0x9  }
0xb1: {  	_ =	task.clear_ibuf [dreg:s6], $0x5FFFF;
	_ =	strace $0x90000049  }
0xb2: {  	s29 =	simm.s32 $0x9;
	_ =	strace $0x8000004B  }
0xb3: {  	_ =	swait.ge [sflag:s29], $0x1  }
0xb4: {  	[sflag:s29] =	ssyncadd.s32 $0xFFFFFFFF  }
0xb5: {  	_ =	strace $0x9000004B  }
0xb6: {  	_ =	sfence  }
0xb7: {  	s30 =	sld [smem:$0x0];
	_ =	sdelay $0x2  }
0xb8: {  	s31 =	sshll.u32 s1, $0xD;
	s1 =	sshrl.u32 s1, $0x2  }
0xb9: {  	s3 =	sand.u32 $0x4000, s31;
	s1 =	sadd.s32 s1, s30  }
0xba: {  	s0 =	sor.u32 s3, s0;
	s1 =	sshll.u32 s1, $0x11  }
0xbb: {  	s0 =	sor.u32 s1, s0  }
0xbc: {  	s0 =	sadd.s32 $0x8F2B, s0  }
0xbd: {  	[sflag:s0] =	ssyncadd.remote.s32 $0x1  }
0xbe: {  	_ =	sfence.sel $0xFFFF  }
0xbf: {  	[dreg:$0x0] =	wrdreg $0xFFFFFFFF;
	(pc) =	sbr.abs _section_cstart, $3  }
0xc0: {  	[dreg:$0x1] =	wrdreg $0xFFFFFFFF  }
0xc1: {  	_ =	task.clear_ibuf [dreg:s6], $0x2FFFF;
	_ =	strace $0x9FFFFFFF  }
0xc2: {  	(tm) =	ssettm $0x7FFFFFFF  }
0xc3: {  	_ =	shalt  }
tec
execute0_lowered:
.L_overlay_start_1:
0x0: {  	(tag) =	ssettag $0x1  }
0x1: {  	s0 =	rddreg [dreg:$0x0]  }
0x2: {  	s2 =	rddreg [dreg:$0x1]  }
0x3: {  	s1 =	simm.s32 $0x0;
	s4 =	stileid.u32;
	s3 =	srdreg.scid  }
0x4: {  	s20 =	simm.s32 $0x3;
	s22 =	simm.s32 $0x50;
	s23 =	simm.s32 $0x1C00  }
0x5: {  	s24 =	simm.s32 $0x2;
	[smem:$0x7FF] =	sst s1;
	s25 =	smul.u32 $0x380, s4  }
0x6: {  	s5 =	sadd.s32 $0x2E800, s0;
	s11 =	sadd.s32 $0x55A00, s0;
	s9 =	smul.u32 $0x4E000, s4  }
0x7: {  	s6 =	sand.u32 $0x1, s3;
	s7 =	sadd.s32 $0x7CC00, s0;
	s12 =	smul.u32 $0x2700, s4  }
0x8: {  	s8 =	sadd.s32 $0x176C00, s0;
	s30 =	sadd.s32 $0x138000, s2;
	s17 =	sshll.u32 s4, $0x6  }
0x9: {  	p1 =	seq.s32 s4, $0xF;
	p2 =	sne.s32 s4, $0xF;
	_ =	strace $0x8000004A  }
0xa: {  	s3 =	ssub.s32 $0x2, s6;
	p0 =	seq.s32 s6, $0x0;
	[dreg:$0x4] =	wrdreg s11  }
0xb: {  	[dreg:$0x3] =	wrdreg s5;
	s15 =	smov.u32 s8;
	s18 =	sor.u32 $0x1C03, s17  }
0xc: {  	s21 =	sshrl.u32 s30, $0x3;
	s1 =	sadd.s32 s25, s0;
	s10 =	sshrl.u32 s3, $0x1  }
0xd: {  	s28 =	sshrl.u32 s9, $0x2;
	s29 =	sadd.s32 s11, s12;
	s11 =	smul.u32 $0xFA00, s4  }
0xe: {  	s5 =	sadd.s32 s5, s12;
	s15 =	smov.u32 @p0 s7;
	p0 =	sne.s32 s6, $0x0  }
0xf: {  	s25 =	simm.s32 $0x4400;
	s26 =	ssub.s32 s3, s10;
	[dreg:$0x5] =	wrdreg s29  }
0x10: {  	s3 =	sadd.s32 s28, s2;
	s31 =	sadd.s32 $0x2B000, s1;
	[dreg:$0x7] =	wrdreg s5  }
0x11: {  	s13 =	sadd.s32 $0x27800, s1;
	[dreg:$0x6] =	wrdreg s31;
	s14 =	smax.u32 s26, $0x1  }
0x12: {  	s16 =	sadd.s32 $0xF500, s11;
	s19 =	sshrl.u32 s3, $0x3;
	s26 =	simm.s32 $0x0  }
.LBB2_1:
.Ltmp0:
0x13: {  	(pc) =	sbr.rel @p0 .LBB2_3-.Ltmp0, $1  }
0x14: {  	_ =	sdelay $0x3  }
0x15: {  	s0 =	rddreg [dreg:$0x7]  }
0x16: {  	[spmem:s19], [sflag:s18] =	dma.local [hbm:s0], $0x2700  }
.Ltmp1:
0x17: {  	_ = 	snop;
	(pc) =	sbr.rel @p1 .LBB2_4-.Ltmp1, $4  }
.Ltmp2:
0x18: {  	_ = 	snop;
	(pc) =	sbr.rel @!p1 .LBB2_5-.Ltmp2, $4  }
0x19: {  	_ =	swait.ge [sflag:s20], $0x2700  }
0x1a: {  	s1 =	smov.u32 s13;
	[sflag:s20] =	ssyncset.done $0x0  }
0x1b: {  	s0 =	smov.u32 s18;
	s3 =	rddreg [dreg:$0x3];
	[sflag:s20] =	ssyncadd.s32 $0xFFFFD900  }
0x1c: {  	_ = 	snop  }
.LBB2_3:
.Ltmp3:
0x1d: {  	s0 =	sor.u32 $0x1C03, s17;
	s1 =	rddreg [dreg:$0x5];
	(pc) =	sbr.rel @p2 .LBB2_5-.Ltmp3, $4  }
0x1e: {  	[spmem:s19], [sflag:s0] =	dma.local [hbm:s1], $0x2700  }
0x1f: {  	_ =	swait.ge [sflag:s20], $0x2700  }
0x20: {  	[sflag:s20] =	ssyncset.done $0x0;
	s3 =	rddreg [dreg:$0x4]  }
0x21: {  	s1 =	rddreg [dreg:$0x6];
	[sflag:s20] =	ssyncadd.s32 $0xFFFFD900  }
.LBB2_4:
0x22: {  	s3 =	sadd.s32 $0x27000, s3  }
0x23: {  	[spmem:s21], [sflag:s0] =	dma.local [hbm:s3], $0x100  }
0x24: {  	_ =	swait.ge [sflag:s20], $0x100  }
0x25: {  	[sflag:s20] =	ssyncset.done $0x0  }
0x26: {  	[sflag:s20] =	ssyncadd.s32 $0xFFFFFF00  }
.LBB2_5:
0x27: {  	s0 =	simm.s32 $0x0  }
0x28: {  	[tilespmem:s0], [sflag:$0x3] =	stream.linear.gather [hbm4b:s1+s0], $0x1900, $0x38;
	[tilespmem:$0x10840] =	vst v63  }
0x29: {  	_ =	swait.ge [sflag:s20], $0x1900  }
0x2a: {  	[sflag:s20] =	ssyncset.done $0x0  }
0x2b: {  	[sflag:s20] =	ssyncadd.s32 $0xFFFFE700  }
0x2c: {  	[bflag:$0x0] =	sbarrier.arrive $0xFFFF  }
0x2d: {  	[tilespmem:s23], [sflag:$0x1] =	stream.indirect.gather [spmem:s2], $0x40, s0, s22, $0xb8;
	[tilespmem:$0x10840] =	vst v63  }
0x2e: {  	s9 =	simm.s32 $0x1;
	s0 =	sand.u32 $0x1, s0  }
0x2f: {  	s30 =	simm.s32 $0x2;
	s1 =	simm.s32 $0x80;
	p4 =	seq.s32 s0, $0x1  }
0x30: {  	p3 =	sne.s32 @p4 s6, $0x0;
	s3 =	simm.s32 @p4 $0x1C00;
	s28 =	simm.s32 @p4 $0x50  }
0x31: {  	[tilespmem:s3], [sflag:$0x1] =	stream.indirect.gather @p4 [spmem:s2], $0x40, s1, s28, $0xb8;
	[tilespmem:$0x10840] =	vst v63  }
0x32: {  	s0 =	simm.s32 @p4 $0x0;
	s29 =	simm.s32 @p4 $0x2;
	p3 =	por !p3, !p4  }
0x33: {  	s3 =	smov.u32 s8;
	s28 =	simm.s32 @p4 $0x3;
	_ =	swait.ge @p4 [sflag:s29], $0x1400  }
0x34: {  	s3 =	smov.u32 @p3 s7;
	s28 =	simm.s32 @p3 $0x4;
	[sflag:s29] =	ssyncset.done @p4 $0x0  }
0x35: {  	s3 =	sadd.s32 @p4 s11, s3;
	[sflag:s29] =	ssyncadd.s32 @p4 $0xFFFFEC00;
	s29 =	simm.s32 @p4 $0x4400  }
0x36: {  	[hbm4b:s3+s0] =	stream.linear.scatter @p4 [tilespmem:s29], [sflag:s28], $0x2800, $0x38;
	[tilespmem:$0x10840] =	vst v63  }
0x37: {  	s9 =	sand.u32 $0x1, s9;
	p3 =	por p4, p4;
	_ =	swait.ge @p4 [sflag:s28], $0x2800  }
0x38: {  	s31 =	sadd.s32 @!p4 s11, s15;
	s3 =	simm.s32 @!p3 $0x1;
	[sflag:s28] =	ssyncset.done @p3 $0x0  }
0x39: {  	s29 =	simm.s32 @!p3 $0x4400;
	[sflag:s28] =	ssyncadd.s32 @p3 $0xFFFFD800;
	s28 =	simm.s32 @!p3 $0x50  }
0x3a: {  	[tilespmem:s29], [sflag:$0x2] =	stream.indirect.gather @!p3 [spmem:s2], $0x40, s1, s28, $0xb8;
	[tilespmem:$0x10840] =	vst v63  }
0x3b: {  	s0 =	simm.s32 @!p4 $0x0;
	s1 =	simm.s32 @!p4 $0x1C00;
	_ =	swait.ge @!p3 [sflag:s3], $0x1400  }
0x3c: {  	s28 =	simm.s32 $0x100;
	s29 =	sadd.s32 $0x500, s11;
	[sflag:s3] =	ssyncset.done @!p3 $0x0  }
.LBB2_6:
0x3d: {  	p4 =	seq.s32 s9, $0x1;
	s9 =	simm.s32 @!p3 $0x4  }
0x3e: {  	s4 =	smov.u32 s30;
	s30 =	sadd.s32 $0x1, s30;
	p5 =	sne.s32 @p4 s6, $0x0  }
0x3f: {  	s5 =	simm.s32 @p4 $0x0;
	[sflag:s3] =	ssyncadd.s32 @!p3 $0xFFFFEC00;
	s3 =	smov.u32 s8  }
0x40: {  	[hbm4b:s31+s0] =	stream.linear.scatter @!p3 [tilespmem:s1], [sflag:$0x4], $0x2800, $0x38;
	[tilespmem:$0x10840] =	vst v63  }
0x41: {  	s0 =	simm.s32 @p4 $0x1C00;
	p5 =	por !p5, !p4;
	_ =	swait.ge @!p3 [sflag:s9], $0x2800  }
0x42: {  	s1 =	simm.s32 @p4 $0x50;
	s3 =	smov.u32 @p5 s7;
	[sflag:s9] =	ssyncset.done @!p3 $0x0  }
0x43: {  	s12 =	simm.s32 @p4 $0x2;
	s10 =	simm.s32 @p4 $0x3;
	[sflag:s9] =	ssyncadd.s32 @!p3 $0xFFFFD800  }
0x44: {  	[tilespmem:s0], [sflag:$0x1] =	stream.indirect.gather @p4 [spmem:s2], $0x40, s28, s1, $0xb8;
	[tilespmem:$0x10840] =	vst v63  }
0x45: {  	s10 =	simm.s32 @p5 $0x4;
	s3 =	sadd.s32 @p4 s29, s3;
	_ =	swait.ge @p4 [sflag:s12], $0x1400  }
0x46: {  	s31 =	sadd.s32 @!p4 s29, s15;
	s0 =	simm.s32 @!p4 $0x0;
	[sflag:s12] =	ssyncset.done @p4 $0x0  }
0x47: {  	s9 =	simm.s32 @p4 $0x4400;
	s1 =	simm.s32 @!p4 $0x1C00;
	[sflag:s12] =	ssyncadd.s32 @p4 $0xFFFFEC00  }
0x48: {  	[hbm4b:s3+s5] =	stream.linear.scatter @p4 [tilespmem:s9], [sflag:s10], $0x2800, $0x38;
	[tilespmem:$0x10840] =	vst v63  }
0x49: {  	p5 =	sne.s32 s30, $0x31;
	p3 =	por p4, p4;
	_ =	swait.ge @p4 [sflag:s10], $0x2800  }
.Ltmp4:
0x4a: {  	s3 =	simm.s32 @!p3 $0x1;
	[sflag:s10] =	ssyncset.done @p3 $0x0;
	(pc) =	sbr.rel @p5 .LBB2_6-.Ltmp4, $4  }
0x4b: {  	s5 =	simm.s32 @!p3 $0x50;
	s9 =	simm.s32 @!p3 $0x4400;
	[sflag:s10] =	ssyncadd.s32 @p3 $0xFFFFD800  }
0x4c: {  	[tilespmem:s9], [sflag:$0x2] =	stream.indirect.gather @!p3 [spmem:s2], $0x40, s28, s5, $0xb8;
	[tilespmem:$0x10840] =	vst v63  }
0x4d: {  	s28 =	sadd.s32 $0x80, s28;
	_ =	swait.ge @!p3 [sflag:s3], $0x1400  }
0x4e: {  	s29 =	sadd.s32 $0x500, s29;
	s9 =	sand.u32 $0x1, s4;
	[sflag:s3] =	ssyncset.done @!p3 $0x0  }
0x4f: {  	p4 =	seq.s32 s9, $0x1;
	s4 =	simm.s32 @!p3 $0x4;
	[sflag:s3] =	ssyncadd.s32 @!p3 $0xFFFFEC00  }
0x50: {  	[hbm4b:s31+s0] =	stream.linear.scatter @!p3 [tilespmem:s1], [sflag:$0x4], $0x2800, $0x38;
	[tilespmem:$0x10840] =	vst v63  }
0x51: {  	p5 =	sne.s32 @p4 s6, $0x0;
	s0 =	simm.s32 @p4 $0x0;
	_ =	swait.ge @!p3 [sflag:s4], $0x2800  }
0x52: {  	s1 =	simm.s32 @p4 $0x1C00;
	s3 =	simm.s32 @p4 $0x50;
	[sflag:s4] =	ssyncset.done @!p3 $0x0  }
0x53: {  	s5 =	simm.s32 @p4 $0x2;
	[sflag:s4] =	ssyncadd.s32 @!p3 $0xFFFFD800;
	p3 =	por !p5, !p4  }
0x54: {  	[tilespmem:s1], [sflag:$0x1] =	stream.indirect.gather @p4 [spmem:s2], $0x40, s28, s3, $0xb8;
	[tilespmem:$0x10840] =	vst v63  }
0x55: {  	s4 =	simm.s32 @p4 $0x4400;
	s1 =	smov.u32 s8;
	_ =	swait.ge @p4 [sflag:s5], $0x1400  }
0x56: {  	s3 =	simm.s32 @p4 $0x3;
	s1 =	smov.u32 @p3 s7;
	[sflag:s5] =	ssyncset.done @p4 $0x0  }
0x57: {  	s3 =	simm.s32 @p3 $0x4;
	s1 =	sadd.s32 @p4 s29, s1;
	[sflag:s5] =	ssyncadd.s32 @p4 $0xFFFFEC00  }
0x58: {  	[hbm4b:s1+s0] =	stream.linear.scatter @p4 [tilespmem:s4], [sflag:s3], $0x2800, $0x38;
	[tilespmem:$0x10840] =	vst v63  }
0x59: {  	p3 =	por p4, p4;
	_ =	swait.ge @p4 [sflag:s3], $0x2800  }
0x5a: {  	s0 =	simm.s32 @!p3 $0x1;
	[sflag:s3] =	ssyncset.done @p3 $0x0  }
0x5b: {  	s1 =	simm.s32 @!p3 $0x50;
	[sflag:s3] =	ssyncadd.s32 @p3 $0xFFFFD800;
	s3 =	simm.s32 @!p3 $0x4400  }
0x5c: {  	[tilespmem:s3], [sflag:$0x2] =	stream.indirect.gather @!p3 [spmem:s2], $0x40, s28, s1, $0xb8;
	[tilespmem:$0x10840] =	vst v63  }
0x5d: {  	_ =	swait.ge @!p3 [sflag:s0], $0x1400  }
0x5e: {  	s5 =	simm.s32 @!p3 $0x4;
	s4 =	simm.s32 @!p4 $0x1C00;
	[sflag:s0] =	ssyncset.done @!p3 $0x0  }
0x5f: {  	s1 =	sadd.s32 @!p4 s29, s15;
	s3 =	simm.s32 @!p4 $0x0;
	[sflag:s0] =	ssyncadd.s32 @!p3 $0xFFFFEC00  }
0x60: {  	[hbm4b:s1+s3] =	stream.linear.scatter @!p3 [tilespmem:s4], [sflag:$0x4], $0x2800, $0x38;
	[tilespmem:$0x10840] =	vst v63  }
0x61: {  	_ =	swait.ge @!p3 [sflag:s5], $0x2800  }
0x62: {  	s26 =	sadd.s32 $0x1, s26;
	[sflag:s5] =	ssyncset.done @!p3 $0x0  }
0x63: {  	s31 =	simm.s32 $0x0;
	s0 =	smov.u32 s7;
	[sflag:s5] =	ssyncadd.s32 @!p3 $0xFFFFD800  }
0x64: {  	s1 =	simm.s32 @!p0 $0x4;
	s0 =	smov.u32 @p0 s8;
	_ =	swait.ge [sflag:s24], $0x1400  }
0x65: {  	s1 =	simm.s32 @p0 $0x3;
	p3 =	sne.s32 s26, s14;
	[sflag:s24] =	ssyncset.done $0x0  }
.Ltmp5:
0x66: {  	s0 =	sadd.s32 s0, s16;
	[sflag:s24] =	ssyncadd.s32 $0xFFFFEC00;
	(pc) =	sbr.rel @p3 .LBB2_1-.Ltmp5, $4  }
0x67: {  	[hbm4b:s0+s31] =	stream.linear.scatter [tilespmem:s25], [sflag:s1], $0x2800, $0x38;
	[tilespmem:$0x10840] =	vst v63  }
0x68: {  	_ =	swait.ge [sflag:s1], $0x2800  }
0x69: {  	[sflag:s1] =	ssyncset.done $0x0  }
0x6a: {  	[sflag:s1] =	ssyncadd.s32 $0xFFFFD800  }
0x6b: {  	_ =	sfence.sel $0x180000  }
0x6c: {  	[bflag:$0x0] =	sbarrier.arrive $0xFFFF  }
0x6d: {  	_ =	strace $0x9000004A  }
0x6e: {  	s0 =	stileid.u32;
	[bflag:$0x2] =	sbarrier.arrive $0xFFFF  }
0x6f: {  	p0 =	sne.s32 s0, $0x0;
	s0 =	rddreg [dreg:$0x2]  }
0x70: {  	s0 =	sadd.s32 @!p0 $0x100000, s0  }
0x71: {  	[sflag:s0] =	ssyncadd.tile.s32 @!p0 $0x1;
	_ =	shalt  }
.Lfunc_end2:
_tile_overlayer_lowered:
.L_overlay_start_2:
0x72: {  	(tag) =	ssettag $0x2  }
0x73: {  	s0 =	rddreg [dreg:$0x0];
	s2 =	stileid.u32  }
0x74: {  	s1 =	rddreg [dreg:$0x1];
	p0 =	sne.s32 s2, $0x0  }
0x75: {  	s3 =	rddreg [dreg:$0x2];
	[bflag:$0x3] =	sbarrier.arrive $0xFFFF;
	s2 =	simm.s32 @!p0 $0x1C03  }
0x76: {  	[timem:s3], [sflag:s2] =	dma.local @!p0 [hbm:s0], s1  }
0x77: {  	s0 =	simm.s32 @!p0 $0x3  }
0x78: {  	_ =	swait.ge @!p0 [sflag:s0], s1  }
0x79: {  	s1 =	ssub.s32 @!p0 $0x0, s1;
	[sflag:s0] =	ssyncset.done @!p0 $0x0  }
0x7a: {  	[sflag:s0] =	ssyncadd.s32 @!p0 s1  }
0x7b: {  	[bflag:$0x3] =	sbarrier.arrive $0xFFFF  }
0x7c: {  	_ =	shalt  }

// kernel: kernel.20.cloned.1.call-start
scs
__scs_entry_jumppad:
0x0: {  	(pc) =	sbr.rel $0x88, $3  }
0x1: {  	(tag) =	ssettag $0x0;
	lr =	simm.s32 $0x1  }
0x2: {  	[smem:$0x3F96] =	sst lr;
	_ =	strace $0xD0000000  }
0x3: {  	_ = 	snop  }
0x4: {  	_ = 	snop  }
0x5: {  	_ = 	snop  }
0x6: {  	_ = 	snop  }
0x7: {  	_ = 	snop  }
__scs_overlays_trampoline_lowered:
0x8: {  	[smem:$0x3FA5] =	sst s0  }
0x9: {  	[smem:$0x3FA6] =	sst s1  }
0xa: {  	[smem:$0x3FA7] =	sst s2  }
0xb: {  	[smem:$0x3FA8] =	sst s3  }
0xc: {  	[smem:$0x3FA9] =	sst s4  }
0xd: {  	[smem:$0x3FAA] =	sst s5  }
0xe: {  	[smem:$0x3FAB] =	sst s6  }
0xf: {  	[smem:$0x3FAC] =	sst s7  }
0x10: {  	[smem:$0x3FAD] =	sst s8  }
0x11: {  	[smem:$0x3FAE] =	sst s9;
	s0 =	simm.s32 @!p0 $0x0  }
0x12: {  	s1 =	sld [smem:$0x3F94];
	s0 =	simm.s32 @p0 $0x1  }
0x13: {  	[smem:$0x3FAF] =	sst s0;
	s0 =	simm.s32 @!p1 $0x0  }
0x14: {  	s2 =	sld [smem:$0x3F93];
	s0 =	simm.s32 @p1 $0x1  }
0x15: {  	[smem:$0x3FB0] =	sst s0;
	s0 =	simm.s32 @!p2 $0x0  }
0x16: {  	s3 =	sld [smem:$0x3FDB];
	s0 =	simm.s32 @p2 $0x1  }
0x17: {  	s4 =	simm.s32 $0x1BF5;
	[smem:$0x3FB2] =	sst s0  }
0x18: {  	s0 =	sld [smem:$0x3F95];
	_ =	swait.ge [sflag:s4], $0x0  }
0x19: {  	s7 =	sld [smem:$0x3F96]  }
0x1a: {  	s8 =	sadd.s32 $0xFFFFE003, lr  }
0x1b: {  	s9 =	sadd.s32 $0xFFFFFEF7, lr;
	s5 =	simm.s32 $0xFFFFFFFF;
	p2 =	slt.u32 s8, $0xFFFFF086  }
0x1c: {  	p1 =	slt.u32 s9, $0xF7A;
	s5 =	simm.s32 @!p2 $0x0  }
0x1d: {  	s5 =	simm.s32 @p1 $0x1;
	p0 =	seq.s32 s7, s2  }
0x1e: {  	s7 =	smul.u32 @!p0 $0xF7A, s2;
	p2 =	seq.s32 @!p0 s5, $0x0  }
0x1f: {  	s9 =	smul.u32 $0xF7A, s1;
	s8 =	simm.s32 @!p0 $0x1BF5;
	p2 =	por !p2, p0  }
0x20: {  	[sflag:s8] =	ssyncset.s32 @!p0 $0xFFFFF086;
	s6 =	sadd.s32 @!p0 s3, s7;
	s7 =	simm.s32 @!p0 $0x108  }
0x21: {  	s3 =	sadd.s32 s3, s9;
	s6 =	sadd.s32 @!p0 $0x88, s6;
	s7 =	simm.s32 @p2 $0x1082  }
0x22: {  	[simem:s7], [sflag:s8] =	dma.local @!p0 [hbm:s6], $0xF7A  }
0x23: {  	s9 =	sor.u32 $0xD0000000, s2;
	s6 =	simm.s32 $0x108;
	_ =	swait.ge @!p0 [sflag:s8], $0x0  }
0x24: {  	s3 =	sadd.s32 $0x88, s3;
	s6 =	simm.s32 @!p1 $0x1082;
	[sflag:s4] =	ssyncset.s32 $0xFFFFF086  }
0x25: {  	[simem:s6], [sflag:s4] =	dma.local [hbm:s3], $0xF7A  }
0x26: {  	[smem:$0x3F96] =	sst s1;
	(tag) =	ssettag s2;
	_ =	strace s9  }
0x27: {  	s1 =	sld [smem:$0x3FA6]  }
0x28: {  	s2 =	sld [smem:$0x3FA7]  }
0x29: {  	s4 =	sld [smem:$0x3FA9]  }
0x2a: {  	p0 =	seq.s32 s5, $0x0;
	s5 =	sld [smem:$0x3FAA]  }
0x2b: {  	s6 =	sld [smem:$0x3FAB]  }
0x2c: {  	s7 =	sld [smem:$0x3FAC]  }
0x2d: {  	s3 =	simm.s32 $0x108;
	s8 =	sld [smem:$0x3FAD]  }
0x2e: {  	s3 =	simm.s32 @!p0 $0x1082;
	s9 =	sld [smem:$0x3FAE]  }
0x2f: {  	lr =	sadd.s32 s0, s3;
	s0 =	sld [smem:$0x3FA5]  }
0x30: {  	s3 =	sld [smem:$0x3FA8]  }
0x31: {  	[smem:$0x3FB1] =	sst s10  }
0x32: {  	s10 =	sld [smem:$0x3FAF];
	_ =	sdelay $0x3  }
0x33: {  	p0 =	seq.s32 s10, $0x1;
	s10 =	sld [smem:$0x3FB1];
	_ =	sdelay $0x3  }
0x34: {  	[smem:$0x3FB1] =	sst s10  }
0x35: {  	s10 =	sld [smem:$0x3FB0];
	_ =	sdelay $0x3  }
0x36: {  	p1 =	seq.s32 s10, $0x1;
	s10 =	sld [smem:$0x3FB1];
	_ =	sdelay $0x3  }
0x37: {  	[smem:$0x3FB1] =	sst s10  }
0x38: {  	s10 =	sld [smem:$0x3FB2]  }
0x39: {  	_ = 	snop;
	(pc) =	sbr.ind lr, $3  }
0x3a: {  	_ = 	snop  }
0x3b: {  	_ = 	snop  }
0x3c: {  	p2 =	seq.s32 s10, $0x1;
	s10 =	sld [smem:$0x3FB1]  }
0x3d: {  	_ =	shalt  }
0x3e: {  	_ =	shalt  }
0x3f: {  	_ =	shalt  }
0x40: {  	_ =	shalt  }
0x41: {  	_ =	shalt  }
0x42: {  	_ =	shalt  }
0x43: {  	_ =	shalt  }
0x44: {  	_ =	shalt  }
0x45: {  	_ =	shalt  }
0x46: {  	_ =	shalt  }
0x47: {  	_ =	shalt  }
0x48: {  	_ =	shalt  }
0x49: {  	_ =	shalt  }
0x4a: {  	_ =	shalt  }
0x4b: {  	_ =	shalt  }
0x4c: {  	_ =	shalt  }
0x4d: {  	_ =	shalt  }
0x4e: {  	_ =	shalt  }
0x4f: {  	_ =	shalt  }
0x50: {  	_ =	shalt  }
0x51: {  	_ =	shalt  }
0x52: {  	_ =	shalt  }
0x53: {  	_ =	shalt  }
0x54: {  	_ =	shalt  }
0x55: {  	_ =	shalt  }
0x56: {  	_ =	shalt  }
0x57: {  	_ =	shalt  }
0x58: {  	_ =	shalt  }
0x59: {  	_ =	shalt  }
0x5a: {  	_ =	shalt  }
0x5b: {  	_ =	shalt  }
0x5c: {  	_ =	shalt  }
0x5d: {  	_ =	shalt  }
0x5e: {  	_ =	shalt  }
0x5f: {  	_ =	shalt  }
0x60: {  	_ =	shalt  }
0x61: {  	_ =	shalt  }
0x62: {  	_ =	shalt  }
0x63: {  	_ =	shalt  }
0x64: {  	_ =	shalt  }
0x65: {  	_ =	shalt  }
0x66: {  	_ =	shalt  }
0x67: {  	_ =	shalt  }
0x68: {  	_ =	shalt  }
0x69: {  	_ =	shalt  }
0x6a: {  	_ =	shalt  }
0x6b: {  	_ =	shalt  }
0x6c: {  	_ =	shalt  }
0x6d: {  	_ =	shalt  }
0x6e: {  	_ =	shalt  }
0x6f: {  	_ =	shalt  }
0x70: {  	_ =	shalt  }
0x71: {  	_ =	shalt  }
0x72: {  	_ =	shalt  }
0x73: {  	_ =	shalt  }
0x74: {  	_ =	shalt  }
0x75: {  	_ =	shalt  }
0x76: {  	_ =	shalt  }
0x77: {  	_ =	shalt  }
0x78: {  	_ =	shalt  }
0x79: {  	_ =	shalt  }
0x7a: {  	_ =	shalt  }
0x7b: {  	_ =	shalt  }
0x7c: {  	_ =	shalt  }
0x7d: {  	_ =	shalt  }
0x7e: {  	_ =	shalt  }
0x7f: {  	_ =	shalt  }
0x80: {  	_ =	shalt  }
0x81: {  	_ =	shalt  }
0x82: {  	_ =	shalt  }
0x83: {  	_ =	shalt  }
0x84: {  	_ =	shalt  }
0x85: {  	_ =	shalt  }
0x86: {  	_ =	shalt  }
0x87: {  	_ =	shalt  }
.Lfunc_end0:
.L_simem_size_0:
called_computation.2_lowered:
.L_overlay_start_0:
0x88: {  	s2 =	sld [smem:$0x3FD9]  }
0x89: {  	s3 =	sld [smem:$0x3FFE];
	_ =	sdelay $0x1  }
0x8a: {  	s1 =	srdreg.scid  }
0x8b: {  	s0 =	sand.u32 $0x1, s1  }
0x8c: {  	s17 =	sshll.u32 s0, $0xA;
	s2 =	sadd.s32 s3, s2  }
0x8d: {  	s2 =	sadd.s32 s2, s17  }
0x8e: {  	[smem:$0x3FBD] =	sst s2  }
0x8f: {  	_ = 	snop  }
0x90: {  	(tm) =	ssettm $0x1  }
0x91: {  	s18 =	sld [smem:$0x3FFB];
	_ =	sdelay $0x3  }
0x92: {  	_ =	strace s18  }
0x93: {  	s2 =	sld [smem:$0x3FFC];
	_ =	sdelay $0x3  }
0x94: {  	_ =	strace s2  }
0x95: {  	s2 =	sld [smem:$0x3FFD];
	_ =	sdelay $0x3  }
0x96: {  	_ =	strace s2  }
0x97: {  	_ =	strace $0x8FFFFFFF  }
0x98: {  	s19 =	sld [smem:$0x3FDB];
	_ =	sdelay $0x1  }
0x99: {  	s20 =	simm.s32 $_scs_section_size  }
0x9a: {  	s4 =	simm.s32 $_size__tile_overlayer_lowered;
	s5 =	simm.s32 $_tile_overlayer_lowered  }
0x9b: {  	s6 =	simm.s32 $0x1BFF;
	s21 =	sshll.u32 s5, $0x1;
	s3 =	sadd.s32 s20, s19  }
0x9c: {  	s22 =	simm.s32 $0x0;
	s4 =	sshll.u32 s4, $0x1;
	s5 =	sadd.s32 s21, s3  }
0x9d: {  	[timem:s22], [sflag:s6] =	dma.local [hbm:s5], s4  }
0x9e: {  	_ =	swait.ge [sflag:s6], s4  }
0x9f: {  	s4 =	ssub.s32 $0x0, s4;
	[sflag:s6] =	ssyncset.done $0x0  }
0xa0: {  	[sflag:s6] =	ssyncadd.s32 s4;
	_ =	sdelay $0x1  }
0xa1: {  	s23 =	simm.s32 $0x1B8B  }
0xa2: {  	_ =	swait.ge [sflag:s23], $0x1  }
0xa3: {  	[sflag:s23] =	ssyncset.done $0x0  }
0xa4: {  	[sflag:s23] =	ssyncadd.s32 $0xFFFFFFFF  }
0xa5: {  	s4 =	sld [smem:$0x0]  }
0xa6: {  	s5 =	sand.u32 $0xFFFFFFFE, s1  }
0xa7: {  	p0 =	sne.s32 s1, s5  }
0xa8: {  	s5 =	sshll.u32 @p0 s5, $0xE  }
0xa9: {  	s5 =	sadd.s32 @p0 $0x11B8D, s5;
	s6 =	sshll.u32 @p0 s4, $0x11  }
0xaa: {  	s5 =	sor.u32 @p0 s6, s5  }
0xab: {  	[sflag:s5] =	ssyncadd.remote.s32 @p0 $0x1;
	_ =	sdelay $0x1  }
0xac: {  	s5 =	simm.s32 @p0 $0x1B8D  }
0xad: {  	_ =	swait.eq @p0 [sflag:s5], $0x1  }
0xae: {  	[sflag:s5] =	ssyncadd.s32 @p0 $0xFFFFFFFF  }
0xaf: {  	s6 =	sshll.u32 @!p0 s1, $0xE  }
0xb0: {  	s6 =	sor.u32 @!p0 $0x4000, s6;
	s5 =	simm.s32 @!p0 $0x1B8D  }
0xb1: {  	s4 =	sshll.u32 @!p0 s4, $0x11;
	s6 =	sadd.s32 @!p0 $0x11B8D, s6;
	_ =	swait.eq @!p0 [sflag:s5], $0x1  }
0xb2: {  	s4 =	sor.u32 @!p0 s4, s6;
	[sflag:s5] =	ssyncadd.s32 @!p0 $0xFFFFFFFF  }
0xb3: {  	s25 =	simm.s32 $0x1B8E;
	s24 =	sld [smem:$0x3FFE];
	[sflag:s4] =	ssyncadd.remote.s32 @!p0 $0x1  }
0xb4: {  	s26 =	simm.s32 $execute0_lowered;
	[smem:$0x3FD2] =	sst s25  }
0xb5: {  	s5 =	sshll.u32 s26, $0x1;
	_ =	strace $0x8000004C;
	[dreg:$0x1] =	wrdreg $0xFFFFFFFF  }
0xb6: {  	s28 =	simm.s32 $_size_execute0_lowered;
	s3 =	sadd.s32 s3, s5;
	[dreg:$0x0] =	wrdreg $0x0  }
0xb7: {  	s5 =	sshll.u32 s28, $0x1;
	[dreg:$0x2] =	wrdreg s3  }
0xb8: {  	[dreg:$0x3] =	wrdreg s5  }
0xb9: {  	[dreg:$0x4] =	wrdreg $0xC0  }
0xba: {  	_ =	task [dreg:s22], $0x5FFFF  }
0xbb: {  	[dreg:$0x1] =	wrdreg $0xFFFFFFFF  }
0xbc: {  	[dreg:$0x0] =	wrdreg $0x60  }
0xbd: {  	[dreg:$0x2] =	wrdreg s24  }
0xbe: {  	[dreg:$0x3] =	wrdreg $0x6C000  }
0xbf: {  	[dreg:$0x4] =	wrdreg $0xA  }
0xc0: {  	_ =	task.clear_ibuf [dreg:s22], $0x5FFFF;
	_ =	strace $0x9000004C  }
0xc1: {  	s29 =	simm.s32 $0xA;
	_ =	strace $0x8000004E  }
0xc2: {  	_ =	swait.ge [sflag:s29], $0x1  }
0xc3: {  	[sflag:s29] =	ssyncadd.s32 $0xFFFFFFFF  }
0xc4: {  	_ =	strace $0x9000004E  }
0xc5: {  	_ =	sfence  }
0xc6: {  	s30 =	sld [smem:$0x0];
	_ =	sdelay $0x2  }
0xc7: {  	s31 =	sshll.u32 s1, $0xD;
	s1 =	sshrl.u32 s1, $0x2  }
0xc8: {  	s4 =	sand.u32 $0x4000, s31;
	s1 =	sadd.s32 s1, s30  }
0xc9: {  	s0 =	sor.u32 s4, s0;
	s1 =	sshll.u32 s1, $0x11  }
0xca: {  	s0 =	sor.u32 s1, s0  }
0xcb: {  	s0 =	sadd.s32 $0x8F2B, s0  }
0xcc: {  	[sflag:s0] =	ssyncadd.remote.s32 $0x1  }
0xcd: {  	_ =	sfence.sel $0xFFFF  }
0xce: {  	[dreg:$0x0] =	wrdreg $0xFFFFFFFF;
	(pc) =	sbr.abs _section_cstart, $3  }
0xcf: {  	[dreg:$0x1] =	wrdreg $0xFFFFFFFF  }
0xd0: {  	_ =	task.clear_ibuf [dreg:s22], $0x2FFFF;
	_ =	strace $0x9FFFFFFF  }
0xd1: {  	(tm) =	ssettm $0x7FFFFFFF  }
tec
execute0_lowered:
.L_overlay_start_1:
0x0: {  	(tag) =	ssettag $0x1  }
0x1: {  	s0 =	rddreg [dreg:$0x0]  }
0x2: {  	s2 =	rddreg [dreg:$0x1]  }
0x3: {  	s1 =	simm.s32 $0x0;
	s4 =	stileid.u32;
	s3 =	srdreg.scid  }
0x4: {  	s20 =	simm.s32 $0x3;
	s22 =	simm.s32 $0x50;
	s23 =	simm.s32 $0x1C00  }
0x5: {  	s24 =	simm.s32 $0x2;
	[smem:$0x7FF] =	sst s1;
	s25 =	smul.u32 $0x380, s4  }
0x6: {  	s5 =	sadd.s32 $0x2E800, s0;
	s11 =	sadd.s32 $0x55A00, s0;
	s9 =	smul.u32 $0x4E000, s4  }
0x7: {  	s6 =	sand.u32 $0x1, s3;
	s7 =	sadd.s32 $0x270C00, s0;
	s12 =	smul.u32 $0x2700, s4  }
0x8: {  	s8 =	sadd.s32 $0x36AC00, s0;
	s30 =	sadd.s32 $0x138000, s2;
	s17 =	sshll.u32 s4, $0x6  }
0x9: {  	p1 =	seq.s32 s4, $0xF;
	p2 =	sne.s32 s4, $0xF;
	_ =	strace $0x8000004D  }
0xa: {  	s3 =	ssub.s32 $0x2, s6;
	p0 =	seq.s32 s6, $0x0;
	[dreg:$0x4] =	wrdreg s11  }
0xb: {  	[dreg:$0x3] =	wrdreg s5;
	s15 =	smov.u32 s8;
	s18 =	sor.u32 $0x1C03, s17  }
0xc: {  	s21 =	sshrl.u32 s30, $0x3;
	s1 =	sadd.s32 s25, s0;
	s10 =	sshrl.u32 s3, $0x1  }
0xd: {  	s28 =	sshrl.u32 s9, $0x2;
	s29 =	sadd.s32 s11, s12;
	s11 =	smul.u32 $0xFA00, s4  }
0xe: {  	s5 =	sadd.s32 s5, s12;
	s15 =	smov.u32 @p0 s7;
	p0 =	sne.s32 s6, $0x0  }
0xf: {  	s25 =	simm.s32 $0x4400;
	s26 =	ssub.s32 s3, s10;
	[dreg:$0x5] =	wrdreg s29  }
0x10: {  	s3 =	sadd.s32 s28, s2;
	s31 =	sadd.s32 $0x3C00, s1;
	[dreg:$0x7] =	wrdreg s5  }
0x11: {  	s13 =	sadd.s32 $0x7400, s1;
	[dreg:$0x6] =	wrdreg s31;
	s14 =	smax.u32 s26, $0x1  }
0x12: {  	s16 =	sadd.s32 $0xF500, s11;
	s19 =	sshrl.u32 s3, $0x3;
	s26 =	simm.s32 $0x0  }
.LBB2_1:
.Ltmp0:
0x13: {  	(pc) =	sbr.rel @p0 .LBB2_3-.Ltmp0, $1  }
0x14: {  	_ =	sdelay $0x3  }
0x15: {  	s0 =	rddreg [dreg:$0x7]  }
0x16: {  	[spmem:s19], [sflag:s18] =	dma.local [hbm:s0], $0x2700  }
.Ltmp1:
0x17: {  	_ = 	snop;
	(pc) =	sbr.rel @p1 .LBB2_4-.Ltmp1, $4  }
.Ltmp2:
0x18: {  	_ = 	snop;
	(pc) =	sbr.rel @!p1 .LBB2_5-.Ltmp2, $4  }
0x19: {  	_ =	swait.ge [sflag:s20], $0x2700  }
0x1a: {  	s1 =	smov.u32 s13;
	[sflag:s20] =	ssyncset.done $0x0  }
0x1b: {  	s0 =	smov.u32 s18;
	s3 =	rddreg [dreg:$0x3];
	[sflag:s20] =	ssyncadd.s32 $0xFFFFD900  }
0x1c: {  	_ = 	snop  }
.LBB2_3:
.Ltmp3:
0x1d: {  	s0 =	sor.u32 $0x1C03, s17;
	s1 =	rddreg [dreg:$0x5];
	(pc) =	sbr.rel @p2 .LBB2_5-.Ltmp3, $4  }
0x1e: {  	[spmem:s19], [sflag:s0] =	dma.local [hbm:s1], $0x2700  }
0x1f: {  	_ =	swait.ge [sflag:s20], $0x2700  }
0x20: {  	[sflag:s20] =	ssyncset.done $0x0;
	s3 =	rddreg [dreg:$0x4]  }
0x21: {  	s1 =	rddreg [dreg:$0x6];
	[sflag:s20] =	ssyncadd.s32 $0xFFFFD900  }
.LBB2_4:
0x22: {  	s3 =	sadd.s32 $0x27000, s3  }
0x23: {  	[spmem:s21], [sflag:s0] =	dma.local [hbm:s3], $0x100  }
0x24: {  	_ =	swait.ge [sflag:s20], $0x100  }
0x25: {  	[sflag:s20] =	ssyncset.done $0x0  }
0x26: {  	[sflag:s20] =	ssyncadd.s32 $0xFFFFFF00  }
.LBB2_5:
0x27: {  	s0 =	simm.s32 $0x0  }
0x28: {  	[tilespmem:s0], [sflag:$0x3] =	stream.linear.gather [hbm4b:s1+s0], $0x1900, $0x38;
	[tilespmem:$0x10840] =	vst v63  }
0x29: {  	_ =	swait.ge [sflag:s20], $0x1900  }
0x2a: {  	[sflag:s20] =	ssyncset.done $0x0  }
0x2b: {  	[sflag:s20] =	ssyncadd.s32 $0xFFFFE700  }
0x2c: {  	[bflag:$0x0] =	sbarrier.arrive $0xFFFF  }
0x2d: {  	[tilespmem:s23], [sflag:$0x1] =	stream.indirect.gather [spmem:s2], $0x40, s0, s22, $0xb8;
	[tilespmem:$0x10840] =	vst v63  }
0x2e: {  	s9 =	simm.s32 $0x1;
	s0 =	sand.u32 $0x1, s0  }
0x2f: {  	s30 =	simm.s32 $0x2;
	s1 =	simm.s32 $0x80;
	p4 =	seq.s32 s0, $0x1  }
0x30: {  	p3 =	sne.s32 @p4 s6, $0x0;
	s3 =	simm.s32 @p4 $0x1C00;
	s28 =	simm.s32 @p4 $0x50  }
0x31: {  	[tilespmem:s3], [sflag:$0x1] =	stream.indirect.gather @p4 [spmem:s2], $0x40, s1, s28, $0xb8;
	[tilespmem:$0x10840] =	vst v63  }
0x32: {  	s0 =	simm.s32 @p4 $0x0;
	s29 =	simm.s32 @p4 $0x2;
	p3 =	por !p3, !p4  }
0x33: {  	s3 =	smov.u32 s8;
	s28 =	simm.s32 @p4 $0x3;
	_ =	swait.ge @p4 [sflag:s29], $0x1400  }
0x34: {  	s3 =	smov.u32 @p3 s7;
	s28 =	simm.s32 @p3 $0x4;
	[sflag:s29] =	ssyncset.done @p4 $0x0  }
0x35: {  	s3 =	sadd.s32 @p4 s11, s3;
	[sflag:s29] =	ssyncadd.s32 @p4 $0xFFFFEC00;
	s29 =	simm.s32 @p4 $0x4400  }
0x36: {  	[hbm4b:s3+s0] =	stream.linear.scatter @p4 [tilespmem:s29], [sflag:s28], $0x2800, $0x38;
	[tilespmem:$0x10840] =	vst v63  }
0x37: {  	s9 =	sand.u32 $0x1, s9;
	p3 =	por p4, p4;
	_ =	swait.ge @p4 [sflag:s28], $0x2800  }
0x38: {  	s31 =	sadd.s32 @!p4 s11, s15;
	s3 =	simm.s32 @!p3 $0x1;
	[sflag:s28] =	ssyncset.done @p3 $0x0  }
0x39: {  	s29 =	simm.s32 @!p3 $0x4400;
	[sflag:s28] =	ssyncadd.s32 @p3 $0xFFFFD800;
	s28 =	simm.s32 @!p3 $0x50  }
0x3a: {  	[tilespmem:s29], [sflag:$0x2] =	stream.indirect.gather @!p3 [spmem:s2], $0x40, s1, s28, $0xb8;
	[tilespmem:$0x10840] =	vst v63  }
0x3b: {  	s0 =	simm.s32 @!p4 $0x0;
	s1 =	simm.s32 @!p4 $0x1C00;
	_ =	swait.ge @!p3 [sflag:s3], $0x1400  }
0x3c: {  	s28 =	simm.s32 $0x100;
	s29 =	sadd.s32 $0x500, s11;
	[sflag:s3] =	ssyncset.done @!p3 $0x0  }
.LBB2_6:
0x3d: {  	p4 =	seq.s32 s9, $0x1;
	s9 =	simm.s32 @!p3 $0x4  }
0x3e: {  	s4 =	smov.u32 s30;
	s30 =	sadd.s32 $0x1, s30;
	p5 =	sne.s32 @p4 s6, $0x0  }
0x3f: {  	s5 =	simm.s32 @p4 $0x0;
	[sflag:s3] =	ssyncadd.s32 @!p3 $0xFFFFEC00;
	s3 =	smov.u32 s8  }
0x40: {  	[hbm4b:s31+s0] =	stream.linear.scatter @!p3 [tilespmem:s1], [sflag:$0x4], $0x2800, $0x38;
	[tilespmem:$0x10840] =	vst v63  }
0x41: {  	s0 =	simm.s32 @p4 $0x1C00;
	p5 =	por !p5, !p4;
	_ =	swait.ge @!p3 [sflag:s9], $0x2800  }
0x42: {  	s1 =	simm.s32 @p4 $0x50;
	s3 =	smov.u32 @p5 s7;
	[sflag:s9] =	ssyncset.done @!p3 $0x0  }
0x43: {  	s12 =	simm.s32 @p4 $0x2;
	s10 =	simm.s32 @p4 $0x3;
	[sflag:s9] =	ssyncadd.s32 @!p3 $0xFFFFD800  }
0x44: {  	[tilespmem:s0], [sflag:$0x1] =	stream.indirect.gather @p4 [spmem:s2], $0x40, s28, s1, $0xb8;
	[tilespmem:$0x10840] =	vst v63  }
0x45: {  	s10 =	simm.s32 @p5 $0x4;
	s3 =	sadd.s32 @p4 s29, s3;
	_ =	swait.ge @p4 [sflag:s12], $0x1400  }
0x46: {  	s31 =	sadd.s32 @!p4 s29, s15;
	s0 =	simm.s32 @!p4 $0x0;
	[sflag:s12] =	ssyncset.done @p4 $0x0  }
0x47: {  	s9 =	simm.s32 @p4 $0x4400;
	s1 =	simm.s32 @!p4 $0x1C00;
	[sflag:s12] =	ssyncadd.s32 @p4 $0xFFFFEC00  }
0x48: {  	[hbm4b:s3+s5] =	stream.linear.scatter @p4 [tilespmem:s9], [sflag:s10], $0x2800, $0x38;
	[tilespmem:$0x10840] =	vst v63  }
0x49: {  	p5 =	sne.s32 s30, $0x31;
	p3 =	por p4, p4;
	_ =	swait.ge @p4 [sflag:s10], $0x2800  }
.Ltmp4:
0x4a: {  	s3 =	simm.s32 @!p3 $0x1;
	[sflag:s10] =	ssyncset.done @p3 $0x0;
	(pc) =	sbr.rel @p5 .LBB2_6-.Ltmp4, $4  }
0x4b: {  	s5 =	simm.s32 @!p3 $0x50;
	s9 =	simm.s32 @!p3 $0x4400;
	[sflag:s10] =	ssyncadd.s32 @p3 $0xFFFFD800  }
0x4c: {  	[tilespmem:s9], [sflag:$0x2] =	stream.indirect.gather @!p3 [spmem:s2], $0x40, s28, s5, $0xb8;
	[tilespmem:$0x10840] =	vst v63  }
0x4d: {  	s28 =	sadd.s32 $0x80, s28;
	_ =	swait.ge @!p3 [sflag:s3], $0x1400  }
0x4e: {  	s29 =	sadd.s32 $0x500, s29;
	s9 =	sand.u32 $0x1, s4;
	[sflag:s3] =	ssyncset.done @!p3 $0x0  }
0x4f: {  	p4 =	seq.s32 s9, $0x1;
	s4 =	simm.s32 @!p3 $0x4;
	[sflag:s3] =	ssyncadd.s32 @!p3 $0xFFFFEC00  }
0x50: {  	[hbm4b:s31+s0] =	stream.linear.scatter @!p3 [tilespmem:s1], [sflag:$0x4], $0x2800, $0x38;
	[tilespmem:$0x10840] =	vst v63  }
0x51: {  	p5 =	sne.s32 @p4 s6, $0x0;
	s0 =	simm.s32 @p4 $0x0;
	_ =	swait.ge @!p3 [sflag:s4], $0x2800  }
0x52: {  	s1 =	simm.s32 @p4 $0x1C00;
	s3 =	simm.s32 @p4 $0x50;
	[sflag:s4] =	ssyncset.done @!p3 $0x0  }
0x53: {  	s5 =	simm.s32 @p4 $0x2;
	[sflag:s4] =	ssyncadd.s32 @!p3 $0xFFFFD800;
	p3 =	por !p5, !p4  }
0x54: {  	[tilespmem:s1], [sflag:$0x1] =	stream.indirect.gather @p4 [spmem:s2], $0x40, s28, s3, $0xb8;
	[tilespmem:$0x10840] =	vst v63  }
0x55: {  	s4 =	simm.s32 @p4 $0x4400;
	s1 =	smov.u32 s8;
	_ =	swait.ge @p4 [sflag:s5], $0x1400  }
0x56: {  	s3 =	simm.s32 @p4 $0x3;
	s1 =	smov.u32 @p3 s7;
	[sflag:s5] =	ssyncset.done @p4 $0x0  }
0x57: {  	s3 =	simm.s32 @p3 $0x4;
	s1 =	sadd.s32 @p4 s29, s1;
	[sflag:s5] =	ssyncadd.s32 @p4 $0xFFFFEC00  }
0x58: {  	[hbm4b:s1+s0] =	stream.linear.scatter @p4 [tilespmem:s4], [sflag:s3], $0x2800, $0x38;
	[tilespmem:$0x10840] =	vst v63  }
0x59: {  	p3 =	por p4, p4;
	_ =	swait.ge @p4 [sflag:s3], $0x2800  }
0x5a: {  	s0 =	simm.s32 @!p3 $0x1;
	[sflag:s3] =	ssyncset.done @p3 $0x0  }
0x5b: {  	s1 =	simm.s32 @!p3 $0x50;
	[sflag:s3] =	ssyncadd.s32 @p3 $0xFFFFD800;
	s3 =	simm.s32 @!p3 $0x4400  }
0x5c: {  	[tilespmem:s3], [sflag:$0x2] =	stream.indirect.gather @!p3 [spmem:s2], $0x40, s28, s1, $0xb8;
	[tilespmem:$0x10840] =	vst v63  }
0x5d: {  	_ =	swait.ge @!p3 [sflag:s0], $0x1400  }
0x5e: {  	s5 =	simm.s32 @!p3 $0x4;
	s4 =	simm.s32 @!p4 $0x1C00;
	[sflag:s0] =	ssyncset.done @!p3 $0x0  }
0x5f: {  	s1 =	sadd.s32 @!p4 s29, s15;
	s3 =	simm.s32 @!p4 $0x0;
	[sflag:s0] =	ssyncadd.s32 @!p3 $0xFFFFEC00  }
0x60: {  	[hbm4b:s1+s3] =	stream.linear.scatter @!p3 [tilespmem:s4], [sflag:$0x4], $0x2800, $0x38;
	[tilespmem:$0x10840] =	vst v63  }
0x61: {  	_ =	swait.ge @!p3 [sflag:s5], $0x2800  }
0x62: {  	s26 =	sadd.s32 $0x1, s26;
	[sflag:s5] =	ssyncset.done @!p3 $0x0  }
0x63: {  	s31 =	simm.s32 $0x0;
	s0 =	smov.u32 s7;
	[sflag:s5] =	ssyncadd.s32 @!p3 $0xFFFFD800  }
0x64: {  	s1 =	simm.s32 @!p0 $0x4;
	s0 =	smov.u32 @p0 s8;
	_ =	swait.ge [sflag:s24], $0x1400  }
0x65: {  	s1 =	simm.s32 @p0 $0x3;
	p3 =	sne.s32 s26, s14;
	[sflag:s24] =	ssyncset.done $0x0  }
.Ltmp5:
0x66: {  	s0 =	sadd.s32 s0, s16;
	[sflag:s24] =	ssyncadd.s32 $0xFFFFEC00;
	(pc) =	sbr.rel @p3 .LBB2_1-.Ltmp5, $4  }
0x67: {  	[hbm4b:s0+s31] =	stream.linear.scatter [tilespmem:s25], [sflag:s1], $0x2800, $0x38;
	[tilespmem:$0x10840] =	vst v63  }
0x68: {  	_ =	swait.ge [sflag:s1], $0x2800  }
0x69: {  	[sflag:s1] =	ssyncset.done $0x0  }
0x6a: {  	[sflag:s1] =	ssyncadd.s32 $0xFFFFD800  }
0x6b: {  	_ =	sfence.sel $0x180000  }
0x6c: {  	[bflag:$0x0] =	sbarrier.arrive $0xFFFF  }
0x6d: {  	_ =	strace $0x9000004D  }
0x6e: {  	s0 =	stileid.u32;
	[bflag:$0x2] =	sbarrier.arrive $0xFFFF  }
0x6f: {  	p0 =	sne.s32 s0, $0x0;
	s0 =	rddreg [dreg:$0x2]  }
0x70: {  	s0 =	sadd.s32 @!p0 $0x100000, s0  }
0x71: {  	[sflag:s0] =	ssyncadd.tile.s32 @!p0 $0x1;
	_ =	shalt  }
.Lfunc_end2:
_tile_overlayer_lowered:
.L_overlay_start_2:
0x72: {  	(tag) =	ssettag $0x2  }
0x73: {  	s0 =	rddreg [dreg:$0x0];
	s2 =	stileid.u32  }
0x74: {  	s1 =	rddreg [dreg:$0x1];
	p0 =	sne.s32 s2, $0x0  }
0x75: {  	s3 =	rddreg [dreg:$0x2];
	[bflag:$0x3] =	sbarrier.arrive $0xFFFF;
	s2 =	simm.s32 @!p0 $0x1C03  }
0x76: {  	[timem:s3], [sflag:s2] =	dma.local @!p0 [hbm:s0], s1  }
0x77: {  	s0 =	simm.s32 @!p0 $0x3  }
0x78: {  	_ =	swait.ge @!p0 [sflag:s0], s1  }
0x79: {  	s1 =	ssub.s32 @!p0 $0x0, s1;
	[sflag:s0] =	ssyncset.done @!p0 $0x0  }
0x7a: {  	[sflag:s0] =	ssyncadd.s32 @!p0 s1  }
0x7b: {  	[bflag:$0x3] =	sbarrier.arrive $0xFFFF  }
0x7c: {  	_ =	shalt  }

// kernel: kernel.23.cloned.1.call-start
scs
__scs_entry_jumppad:
0x0: {  	(pc) =	sbr.rel $0x88, $3  }
0x1: {  	(tag) =	ssettag $0x0;
	lr =	simm.s32 $0x1  }
0x2: {  	[smem:$0x3F96] =	sst lr;
	_ =	strace $0xD0000000  }
0x3: {  	_ = 	snop  }
0x4: {  	_ = 	snop  }
0x5: {  	_ = 	snop  }
0x6: {  	_ = 	snop  }
0x7: {  	_ = 	snop  }
__scs_overlays_trampoline_lowered:
0x8: {  	[smem:$0x3FA5] =	sst s0  }
0x9: {  	[smem:$0x3FA6] =	sst s1  }
0xa: {  	[smem:$0x3FA7] =	sst s2  }
0xb: {  	[smem:$0x3FA8] =	sst s3  }
0xc: {  	[smem:$0x3FA9] =	sst s4  }
0xd: {  	[smem:$0x3FAA] =	sst s5  }
0xe: {  	[smem:$0x3FAB] =	sst s6  }
0xf: {  	[smem:$0x3FAC] =	sst s7  }
0x10: {  	[smem:$0x3FAD] =	sst s8  }
0x11: {  	[smem:$0x3FAE] =	sst s9;
	s0 =	simm.s32 @!p0 $0x0  }
0x12: {  	s1 =	sld [smem:$0x3F94];
	s0 =	simm.s32 @p0 $0x1  }
0x13: {  	[smem:$0x3FAF] =	sst s0;
	s0 =	simm.s32 @!p1 $0x0  }
0x14: {  	s2 =	sld [smem:$0x3F93];
	s0 =	simm.s32 @p1 $0x1  }
0x15: {  	[smem:$0x3FB0] =	sst s0;
	s0 =	simm.s32 @!p2 $0x0  }
0x16: {  	s3 =	sld [smem:$0x3FDB];
	s0 =	simm.s32 @p2 $0x1  }
0x17: {  	s4 =	simm.s32 $0x1BF5;
	[smem:$0x3FB2] =	sst s0  }
0x18: {  	s0 =	sld [smem:$0x3F95];
	_ =	swait.ge [sflag:s4], $0x0  }
0x19: {  	s7 =	sld [smem:$0x3F96]  }
0x1a: {  	s8 =	sadd.s32 $0xFFFFE003, lr  }
0x1b: {  	s9 =	sadd.s32 $0xFFFFFEF7, lr;
	s5 =	simm.s32 $0xFFFFFFFF;
	p2 =	slt.u32 s8, $0xFFFFF086  }
0x1c: {  	p1 =	slt.u32 s9, $0xF7A;
	s5 =	simm.s32 @!p2 $0x0  }
0x1d: {  	s5 =	simm.s32 @p1 $0x1;
	p0 =	seq.s32 s7, s2  }
0x1e: {  	s7 =	smul.u32 @!p0 $0xF7A, s2;
	p2 =	seq.s32 @!p0 s5, $0x0  }
0x1f: {  	s9 =	smul.u32 $0xF7A, s1;
	s8 =	simm.s32 @!p0 $0x1BF5;
	p2 =	por !p2, p0  }
0x20: {  	[sflag:s8] =	ssyncset.s32 @!p0 $0xFFFFF086;
	s6 =	sadd.s32 @!p0 s3, s7;
	s7 =	simm.s32 @!p0 $0x108  }
0x21: {  	s3 =	sadd.s32 s3, s9;
	s6 =	sadd.s32 @!p0 $0x88, s6;
	s7 =	simm.s32 @p2 $0x1082  }
0x22: {  	[simem:s7], [sflag:s8] =	dma.local @!p0 [hbm:s6], $0xF7A  }
0x23: {  	s9 =	sor.u32 $0xD0000000, s2;
	s6 =	simm.s32 $0x108;
	_ =	swait.ge @!p0 [sflag:s8], $0x0  }
0x24: {  	s3 =	sadd.s32 $0x88, s3;
	s6 =	simm.s32 @!p1 $0x1082;
	[sflag:s4] =	ssyncset.s32 $0xFFFFF086  }
0x25: {  	[simem:s6], [sflag:s4] =	dma.local [hbm:s3], $0xF7A  }
0x26: {  	[smem:$0x3F96] =	sst s1;
	(tag) =	ssettag s2;
	_ =	strace s9  }
0x27: {  	s1 =	sld [smem:$0x3FA6]  }
0x28: {  	s2 =	sld [smem:$0x3FA7]  }
0x29: {  	s4 =	sld [smem:$0x3FA9]  }
0x2a: {  	p0 =	seq.s32 s5, $0x0;
	s5 =	sld [smem:$0x3FAA]  }
0x2b: {  	s6 =	sld [smem:$0x3FAB]  }
0x2c: {  	s7 =	sld [smem:$0x3FAC]  }
0x2d: {  	s3 =	simm.s32 $0x108;
	s8 =	sld [smem:$0x3FAD]  }
0x2e: {  	s3 =	simm.s32 @!p0 $0x1082;
	s9 =	sld [smem:$0x3FAE]  }
0x2f: {  	lr =	sadd.s32 s0, s3;
	s0 =	sld [smem:$0x3FA5]  }
0x30: {  	s3 =	sld [smem:$0x3FA8]  }
0x31: {  	[smem:$0x3FB1] =	sst s10  }
0x32: {  	s10 =	sld [smem:$0x3FAF];
	_ =	sdelay $0x3  }
0x33: {  	p0 =	seq.s32 s10, $0x1;
	s10 =	sld [smem:$0x3FB1];
	_ =	sdelay $0x3  }
0x34: {  	[smem:$0x3FB1] =	sst s10  }
0x35: {  	s10 =	sld [smem:$0x3FB0];
	_ =	sdelay $0x3  }
0x36: {  	p1 =	seq.s32 s10, $0x1;
	s10 =	sld [smem:$0x3FB1];
	_ =	sdelay $0x3  }
0x37: {  	[smem:$0x3FB1] =	sst s10  }
0x38: {  	s10 =	sld [smem:$0x3FB2]  }
0x39: {  	_ = 	snop;
	(pc) =	sbr.ind lr, $3  }
0x3a: {  	_ = 	snop  }
0x3b: {  	_ = 	snop  }
0x3c: {  	p2 =	seq.s32 s10, $0x1;
	s10 =	sld [smem:$0x3FB1]  }
0x3d: {  	_ =	shalt  }
0x3e: {  	_ =	shalt  }
0x3f: {  	_ =	shalt  }
0x40: {  	_ =	shalt  }
0x41: {  	_ =	shalt  }
0x42: {  	_ =	shalt  }
0x43: {  	_ =	shalt  }
0x44: {  	_ =	shalt  }
0x45: {  	_ =	shalt  }
0x46: {  	_ =	shalt  }
0x47: {  	_ =	shalt  }
0x48: {  	_ =	shalt  }
0x49: {  	_ =	shalt  }
0x4a: {  	_ =	shalt  }
0x4b: {  	_ =	shalt  }
0x4c: {  	_ =	shalt  }
0x4d: {  	_ =	shalt  }
0x4e: {  	_ =	shalt  }
0x4f: {  	_ =	shalt  }
0x50: {  	_ =	shalt  }
0x51: {  	_ =	shalt  }
0x52: {  	_ =	shalt  }
0x53: {  	_ =	shalt  }
0x54: {  	_ =	shalt  }
0x55: {  	_ =	shalt  }
0x56: {  	_ =	shalt  }
0x57: {  	_ =	shalt  }
0x58: {  	_ =	shalt  }
0x59: {  	_ =	shalt  }
0x5a: {  	_ =	shalt  }
0x5b: {  	_ =	shalt  }
0x5c: {  	_ =	shalt  }
0x5d: {  	_ =	shalt  }
0x5e: {  	_ =	shalt  }
0x5f: {  	_ =	shalt  }
0x60: {  	_ =	shalt  }
0x61: {  	_ =	shalt  }
0x62: {  	_ =	shalt  }
0x63: {  	_ =	shalt  }
0x64: {  	_ =	shalt  }
0x65: {  	_ =	shalt  }
0x66: {  	_ =	shalt  }
0x67: {  	_ =	shalt  }
0x68: {  	_ =	shalt  }
0x69: {  	_ =	shalt  }
0x6a: {  	_ =	shalt  }
0x6b: {  	_ =	shalt  }
0x6c: {  	_ =	shalt  }
0x6d: {  	_ =	shalt  }
0x6e: {  	_ =	shalt  }
0x6f: {  	_ =	shalt  }
0x70: {  	_ =	shalt  }
0x71: {  	_ =	shalt  }
0x72: {  	_ =	shalt  }
0x73: {  	_ =	shalt  }
0x74: {  	_ =	shalt  }
0x75: {  	_ =	shalt  }
0x76: {  	_ =	shalt  }
0x77: {  	_ =	shalt  }
0x78: {  	_ =	shalt  }
0x79: {  	_ =	shalt  }
0x7a: {  	_ =	shalt  }
0x7b: {  	_ =	shalt  }
0x7c: {  	_ =	shalt  }
0x7d: {  	_ =	shalt  }
0x7e: {  	_ =	shalt  }
0x7f: {  	_ =	shalt  }
0x80: {  	_ =	shalt  }
0x81: {  	_ =	shalt  }
0x82: {  	_ =	shalt  }
0x83: {  	_ =	shalt  }
0x84: {  	_ =	shalt  }
0x85: {  	_ =	shalt  }
0x86: {  	_ =	shalt  }
0x87: {  	_ =	shalt  }
.Lfunc_end0:
.L_simem_size_0:
called_computation.3_lowered:
.L_overlay_start_0:
0x88: {  	s2 =	sld [smem:$0x3FD9]  }
0x89: {  	s3 =	sld [smem:$0x3FFE];
	_ =	sdelay $0x1  }
0x8a: {  	s1 =	srdreg.scid  }
0x8b: {  	s0 =	sand.u32 $0x1, s1  }
0x8c: {  	s17 =	sshll.u32 s0, $0xA;
	s2 =	sadd.s32 s3, s2  }
0x8d: {  	s2 =	sadd.s32 s2, s17  }
0x8e: {  	[smem:$0x3FBD] =	sst s2  }
0x8f: {  	_ = 	snop  }
0x90: {  	(tm) =	ssettm $0x1  }
0x91: {  	s18 =	sld [smem:$0x3FFB];
	_ =	sdelay $0x3  }
0x92: {  	_ =	strace s18  }
0x93: {  	s2 =	sld [smem:$0x3FFC];
	_ =	sdelay $0x3  }
0x94: {  	_ =	strace s2  }
0x95: {  	s2 =	sld [smem:$0x3FFD];
	_ =	sdelay $0x3  }
0x96: {  	_ =	strace s2  }
0x97: {  	_ =	strace $0x8FFFFFFF  }
0x98: {  	s19 =	sld [smem:$0x3FDB];
	_ =	sdelay $0x1  }
0x99: {  	s20 =	simm.s32 $_scs_section_size  }
0x9a: {  	s4 =	simm.s32 $_size__tile_overlayer_lowered;
	s5 =	simm.s32 $_tile_overlayer_lowered  }
0x9b: {  	s6 =	simm.s32 $0x1BFF;
	s21 =	sshll.u32 s5, $0x1;
	s3 =	sadd.s32 s20, s19  }
0x9c: {  	s22 =	simm.s32 $0x0;
	s4 =	sshll.u32 s4, $0x1;
	s5 =	sadd.s32 s21, s3  }
0x9d: {  	[timem:s22], [sflag:s6] =	dma.local [hbm:s5], s4  }
0x9e: {  	_ =	swait.ge [sflag:s6], s4  }
0x9f: {  	s4 =	ssub.s32 $0x0, s4;
	[sflag:s6] =	ssyncset.done $0x0  }
0xa0: {  	[sflag:s6] =	ssyncadd.s32 s4;
	_ =	sdelay $0x1  }
0xa1: {  	s23 =	simm.s32 $0x1B8B  }
0xa2: {  	_ =	swait.ge [sflag:s23], $0x1  }
0xa3: {  	[sflag:s23] =	ssyncset.done $0x0  }
0xa4: {  	[sflag:s23] =	ssyncadd.s32 $0xFFFFFFFF  }
0xa5: {  	s4 =	sld [smem:$0x0]  }
0xa6: {  	s5 =	sand.u32 $0xFFFFFFFE, s1  }
0xa7: {  	p0 =	sne.s32 s1, s5  }
0xa8: {  	s5 =	sshll.u32 @p0 s5, $0xE  }
0xa9: {  	s5 =	sadd.s32 @p0 $0x11B8D, s5;
	s6 =	sshll.u32 @p0 s4, $0x11  }
0xaa: {  	s5 =	sor.u32 @p0 s6, s5  }
0xab: {  	[sflag:s5] =	ssyncadd.remote.s32 @p0 $0x1;
	_ =	sdelay $0x1  }
0xac: {  	s5 =	simm.s32 @p0 $0x1B8D  }
0xad: {  	_ =	swait.eq @p0 [sflag:s5], $0x1  }
0xae: {  	[sflag:s5] =	ssyncadd.s32 @p0 $0xFFFFFFFF  }
0xaf: {  	s6 =	sshll.u32 @!p0 s1, $0xE  }
0xb0: {  	s6 =	sor.u32 @!p0 $0x4000, s6;
	s5 =	simm.s32 @!p0 $0x1B8D  }
0xb1: {  	s4 =	sshll.u32 @!p0 s4, $0x11;
	s6 =	sadd.s32 @!p0 $0x11B8D, s6;
	_ =	swait.eq @!p0 [sflag:s5], $0x1  }
0xb2: {  	s4 =	sor.u32 @!p0 s4, s6;
	[sflag:s5] =	ssyncadd.s32 @!p0 $0xFFFFFFFF  }
0xb3: {  	s25 =	simm.s32 $0x1B8E;
	s24 =	sld [smem:$0x3FFE];
	[sflag:s4] =	ssyncadd.remote.s32 @!p0 $0x1  }
0xb4: {  	s26 =	simm.s32 $execute0_lowered;
	[smem:$0x3FD2] =	sst s25  }
0xb5: {  	s5 =	sshll.u32 s26, $0x1;
	_ =	strace $0x8000004F;
	[dreg:$0x1] =	wrdreg $0xFFFFFFFF  }
0xb6: {  	s28 =	simm.s32 $_size_execute0_lowered;
	s3 =	sadd.s32 s3, s5;
	[dreg:$0x0] =	wrdreg $0x0  }
0xb7: {  	s5 =	sshll.u32 s28, $0x1;
	[dreg:$0x2] =	wrdreg s3  }
0xb8: {  	[dreg:$0x3] =	wrdreg s5  }
0xb9: {  	[dreg:$0x4] =	wrdreg $0xC0  }
0xba: {  	_ =	task [dreg:s22], $0x5FFFF  }
0xbb: {  	[dreg:$0x1] =	wrdreg $0xFFFFFFFF  }
0xbc: {  	[dreg:$0x0] =	wrdreg $0x60  }
0xbd: {  	[dreg:$0x2] =	wrdreg s24  }
0xbe: {  	[dreg:$0x3] =	wrdreg $0x6C000  }
0xbf: {  	[dreg:$0x4] =	wrdreg $0xB  }
0xc0: {  	_ =	task.clear_ibuf [dreg:s22], $0x5FFFF;
	_ =	strace $0x9000004F  }
0xc1: {  	s29 =	simm.s32 $0xB;
	_ =	strace $0x80000051  }
0xc2: {  	_ =	swait.ge [sflag:s29], $0x1  }
0xc3: {  	[sflag:s29] =	ssyncadd.s32 $0xFFFFFFFF  }
0xc4: {  	_ =	strace $0x90000051  }
0xc5: {  	_ =	sfence  }
0xc6: {  	s30 =	sld [smem:$0x0];
	_ =	sdelay $0x2  }
0xc7: {  	s31 =	sshll.u32 s1, $0xD;
	s1 =	sshrl.u32 s1, $0x2  }
0xc8: {  	s4 =	sand.u32 $0x4000, s31;
	s1 =	sadd.s32 s1, s30  }
0xc9: {  	s0 =	sor.u32 s4, s0;
	s1 =	sshll.u32 s1, $0x11  }
0xca: {  	s0 =	sor.u32 s1, s0  }
0xcb: {  	s0 =	sadd.s32 $0x8F2B, s0  }
0xcc: {  	[sflag:s0] =	ssyncadd.remote.s32 $0x1  }
0xcd: {  	_ =	sfence.sel $0xFFFF  }
0xce: {  	[dreg:$0x0] =	wrdreg $0xFFFFFFFF;
	(pc) =	sbr.abs _section_cstart, $3  }
0xcf: {  	[dreg:$0x1] =	wrdreg $0xFFFFFFFF  }
0xd0: {  	_ =	task.clear_ibuf [dreg:s22], $0x2FFFF;
	_ =	strace $0x9FFFFFFF  }
0xd1: {  	(tm) =	ssettm $0x7FFFFFFF  }
tec
execute0_lowered:
.L_overlay_start_1:
0x0: {  	(tag) =	ssettag $0x1  }
0x1: {  	s0 =	rddreg [dreg:$0x0]  }
0x2: {  	s2 =	rddreg [dreg:$0x1]  }
0x3: {  	s1 =	simm.s32 $0x0;
	s4 =	stileid.u32;
	s3 =	srdreg.scid  }
0x4: {  	s20 =	simm.s32 $0x3;
	s22 =	simm.s32 $0x50;
	s23 =	simm.s32 $0x1C00  }
0x5: {  	s24 =	simm.s32 $0x2;
	[smem:$0x7FF] =	sst s1;
	s25 =	smul.u32 $0x380, s4  }
0x6: {  	s5 =	sadd.s32 $0x2E800, s0;
	s11 =	sadd.s32 $0x55A00, s0;
	s9 =	smul.u32 $0x4E000, s4  }
0x7: {  	s6 =	sand.u32 $0x1, s3;
	s7 =	sadd.s32 $0x464C00, s0;
	s12 =	smul.u32 $0x2700, s4  }
0x8: {  	s8 =	sadd.s32 $0x55EC00, s0;
	s30 =	sadd.s32 $0x138000, s2;
	s17 =	sshll.u32 s4, $0x6  }
0x9: {  	p1 =	seq.s32 s4, $0xF;
	p2 =	sne.s32 s4, $0xF;
	_ =	strace $0x80000050  }
0xa: {  	s3 =	ssub.s32 $0x2, s6;
	p0 =	seq.s32 s6, $0x0;
	[dreg:$0x4] =	wrdreg s11  }
0xb: {  	[dreg:$0x3] =	wrdreg s5;
	s15 =	smov.u32 s8;
	s18 =	sor.u32 $0x1C03, s17  }
0xc: {  	s21 =	sshrl.u32 s30, $0x3;
	s1 =	sadd.s32 s25, s0;
	s10 =	sshrl.u32 s3, $0x1  }
0xd: {  	s28 =	sshrl.u32 s9, $0x2;
	s29 =	sadd.s32 s11, s12;
	s11 =	smul.u32 $0xFA00, s4  }
0xe: {  	s5 =	sadd.s32 s5, s12;
	s15 =	smov.u32 @p0 s7;
	p0 =	sne.s32 s6, $0x0  }
0xf: {  	s25 =	simm.s32 $0x4400;
	s26 =	ssub.s32 s3, s10;
	[dreg:$0x5] =	wrdreg s29  }
0x10: {  	s3 =	sadd.s32 s28, s2;
	s31 =	sadd.s32 $0xAC00, s1;
	[dreg:$0x7] =	wrdreg s5  }
0x11: {  	s13 =	sadd.s32 $0xE400, s1;
	[dreg:$0x6] =	wrdreg s31;
	s14 =	smax.u32 s26, $0x1  }
0x12: {  	s16 =	sadd.s32 $0xF500, s11;
	s19 =	sshrl.u32 s3, $0x3;
	s26 =	simm.s32 $0x0  }
.LBB2_1:
.Ltmp0:
0x13: {  	(pc) =	sbr.rel @p0 .LBB2_3-.Ltmp0, $1  }
0x14: {  	_ =	sdelay $0x3  }
0x15: {  	s0 =	rddreg [dreg:$0x7]  }
0x16: {  	[spmem:s19], [sflag:s18] =	dma.local [hbm:s0], $0x2700  }
.Ltmp1:
0x17: {  	_ = 	snop;
	(pc) =	sbr.rel @p1 .LBB2_4-.Ltmp1, $4  }
.Ltmp2:
0x18: {  	_ = 	snop;
	(pc) =	sbr.rel @!p1 .LBB2_5-.Ltmp2, $4  }
0x19: {  	_ =	swait.ge [sflag:s20], $0x2700  }
0x1a: {  	s1 =	smov.u32 s13;
	[sflag:s20] =	ssyncset.done $0x0  }
0x1b: {  	s0 =	smov.u32 s18;
	s3 =	rddreg [dreg:$0x3];
	[sflag:s20] =	ssyncadd.s32 $0xFFFFD900  }
0x1c: {  	_ = 	snop  }
.LBB2_3:
.Ltmp3:
0x1d: {  	s0 =	sor.u32 $0x1C03, s17;
	s1 =	rddreg [dreg:$0x5];
	(pc) =	sbr.rel @p2 .LBB2_5-.Ltmp3, $4  }
0x1e: {  	[spmem:s19], [sflag:s0] =	dma.local [hbm:s1], $0x2700  }
0x1f: {  	_ =	swait.ge [sflag:s20], $0x2700  }
0x20: {  	[sflag:s20] =	ssyncset.done $0x0;
	s3 =	rddreg [dreg:$0x4]  }
0x21: {  	s1 =	rddreg [dreg:$0x6];
	[sflag:s20] =	ssyncadd.s32 $0xFFFFD900  }
.LBB2_4:
0x22: {  	s3 =	sadd.s32 $0x27000, s3  }
0x23: {  	[spmem:s21], [sflag:s0] =	dma.local [hbm:s3], $0x100  }
0x24: {  	_ =	swait.ge [sflag:s20], $0x100  }
0x25: {  	[sflag:s20] =	ssyncset.done $0x0  }
0x26: {  	[sflag:s20] =	ssyncadd.s32 $0xFFFFFF00  }
.LBB2_5:
0x27: {  	s0 =	simm.s32 $0x0  }
0x28: {  	[tilespmem:s0], [sflag:$0x3] =	stream.linear.gather [hbm4b:s1+s0], $0x1900, $0x38;
	[tilespmem:$0x10840] =	vst v63  }
0x29: {  	_ =	swait.ge [sflag:s20], $0x1900  }
0x2a: {  	[sflag:s20] =	ssyncset.done $0x0  }
0x2b: {  	[sflag:s20] =	ssyncadd.s32 $0xFFFFE700  }
0x2c: {  	[bflag:$0x0] =	sbarrier.arrive $0xFFFF  }
0x2d: {  	[tilespmem:s23], [sflag:$0x1] =	stream.indirect.gather [spmem:s2], $0x40, s0, s22, $0xb8;
	[tilespmem:$0x10840] =	vst v63  }
0x2e: {  	s9 =	simm.s32 $0x1;
	s0 =	sand.u32 $0x1, s0  }
0x2f: {  	s30 =	simm.s32 $0x2;
	s1 =	simm.s32 $0x80;
	p4 =	seq.s32 s0, $0x1  }
0x30: {  	p3 =	sne.s32 @p4 s6, $0x0;
	s3 =	simm.s32 @p4 $0x1C00;
	s28 =	simm.s32 @p4 $0x50  }
0x31: {  	[tilespmem:s3], [sflag:$0x1] =	stream.indirect.gather @p4 [spmem:s2], $0x40, s1, s28, $0xb8;
	[tilespmem:$0x10840] =	vst v63  }
0x32: {  	s0 =	simm.s32 @p4 $0x0;
	s29 =	simm.s32 @p4 $0x2;
	p3 =	por !p3, !p4  }
0x33: {  	s3 =	smov.u32 s8;
	s28 =	simm.s32 @p4 $0x3;
	_ =	swait.ge @p4 [sflag:s29], $0x1400  }
0x34: {  	s3 =	smov.u32 @p3 s7;
	s28 =	simm.s32 @p3 $0x4;
	[sflag:s29] =	ssyncset.done @p4 $0x0  }
0x35: {  	s3 =	sadd.s32 @p4 s11, s3;
	[sflag:s29] =	ssyncadd.s32 @p4 $0xFFFFEC00;
	s29 =	simm.s32 @p4 $0x4400  }
0x36: {  	[hbm4b:s3+s0] =	stream.linear.scatter @p4 [tilespmem:s29], [sflag:s28], $0x2800, $0x38;
	[tilespmem:$0x10840] =	vst v63  }
0x37: {  	s9 =	sand.u32 $0x1, s9;
	p3 =	por p4, p4;
	_ =	swait.ge @p4 [sflag:s28], $0x2800  }
0x38: {  	s31 =	sadd.s32 @!p4 s11, s15;
	s3 =	simm.s32 @!p3 $0x1;
	[sflag:s28] =	ssyncset.done @p3 $0x0  }
0x39: {  	s29 =	simm.s32 @!p3 $0x4400;
	[sflag:s28] =	ssyncadd.s32 @p3 $0xFFFFD800;
	s28 =	simm.s32 @!p3 $0x50  }
0x3a: {  	[tilespmem:s29], [sflag:$0x2] =	stream.indirect.gather @!p3 [spmem:s2], $0x40, s1, s28, $0xb8;
	[tilespmem:$0x10840] =	vst v63  }
0x3b: {  	s0 =	simm.s32 @!p4 $0x0;
	s1 =	simm.s32 @!p4 $0x1C00;
	_ =	swait.ge @!p3 [sflag:s3], $0x1400  }
0x3c: {  	s28 =	simm.s32 $0x100;
	s29 =	sadd.s32 $0x500, s11;
	[sflag:s3] =	ssyncset.done @!p3 $0x0  }
.LBB2_6:
0x3d: {  	p4 =	seq.s32 s9, $0x1;
	s9 =	simm.s32 @!p3 $0x4  }
0x3e: {  	s4 =	smov.u32 s30;
	s30 =	sadd.s32 $0x1, s30;
	p5 =	sne.s32 @p4 s6, $0x0  }
0x3f: {  	s5 =	simm.s32 @p4 $0x0;
	[sflag:s3] =	ssyncadd.s32 @!p3 $0xFFFFEC00;
	s3 =	smov.u32 s8  }
0x40: {  	[hbm4b:s31+s0] =	stream.linear.scatter @!p3 [tilespmem:s1], [sflag:$0x4], $0x2800, $0x38;
	[tilespmem:$0x10840] =	vst v63  }
0x41: {  	s0 =	simm.s32 @p4 $0x1C00;
	p5 =	por !p5, !p4;
	_ =	swait.ge @!p3 [sflag:s9], $0x2800  }
0x42: {  	s1 =	simm.s32 @p4 $0x50;
	s3 =	smov.u32 @p5 s7;
	[sflag:s9] =	ssyncset.done @!p3 $0x0  }
0x43: {  	s12 =	simm.s32 @p4 $0x2;
	s10 =	simm.s32 @p4 $0x3;
	[sflag:s9] =	ssyncadd.s32 @!p3 $0xFFFFD800  }
0x44: {  	[tilespmem:s0], [sflag:$0x1] =	stream.indirect.gather @p4 [spmem:s2], $0x40, s28, s1, $0xb8;
	[tilespmem:$0x10840] =	vst v63  }
0x45: {  	s10 =	simm.s32 @p5 $0x4;
	s3 =	sadd.s32 @p4 s29, s3;
	_ =	swait.ge @p4 [sflag:s12], $0x1400  }
0x46: {  	s31 =	sadd.s32 @!p4 s29, s15;
	s0 =	simm.s32 @!p4 $0x0;
	[sflag:s12] =	ssyncset.done @p4 $0x0  }
0x47: {  	s9 =	simm.s32 @p4 $0x4400;
	s1 =	simm.s32 @!p4 $0x1C00;
	[sflag:s12] =	ssyncadd.s32 @p4 $0xFFFFEC00  }
0x48: {  	[hbm4b:s3+s5] =	stream.linear.scatter @p4 [tilespmem:s9], [sflag:s10], $0x2800, $0x38;
	[tilespmem:$0x10840] =	vst v63  }
0x49: {  	p5 =	sne.s32 s30, $0x31;
	p3 =	por p4, p4;
	_ =	swait.ge @p4 [sflag:s10], $0x2800  }
.Ltmp4:
0x4a: {  	s3 =	simm.s32 @!p3 $0x1;
	[sflag:s10] =	ssyncset.done @p3 $0x0;
	(pc) =	sbr.rel @p5 .LBB2_6-.Ltmp4, $4  }
0x4b: {  	s5 =	simm.s32 @!p3 $0x50;
	s9 =	simm.s32 @!p3 $0x4400;
	[sflag:s10] =	ssyncadd.s32 @p3 $0xFFFFD800  }
0x4c: {  	[tilespmem:s9], [sflag:$0x2] =	stream.indirect.gather @!p3 [spmem:s2], $0x40, s28, s5, $0xb8;
	[tilespmem:$0x10840] =	vst v63  }
0x4d: {  	s28 =	sadd.s32 $0x80, s28;
	_ =	swait.ge @!p3 [sflag:s3], $0x1400  }
0x4e: {  	s29 =	sadd.s32 $0x500, s29;
	s9 =	sand.u32 $0x1, s4;
	[sflag:s3] =	ssyncset.done @!p3 $0x0  }
0x4f: {  	p4 =	seq.s32 s9, $0x1;
	s4 =	simm.s32 @!p3 $0x4;
	[sflag:s3] =	ssyncadd.s32 @!p3 $0xFFFFEC00  }
0x50: {  	[hbm4b:s31+s0] =	stream.linear.scatter @!p3 [tilespmem:s1], [sflag:$0x4], $0x2800, $0x38;
	[tilespmem:$0x10840] =	vst v63  }
0x51: {  	p5 =	sne.s32 @p4 s6, $0x0;
	s0 =	simm.s32 @p4 $0x0;
	_ =	swait.ge @!p3 [sflag:s4], $0x2800  }
0x52: {  	s1 =	simm.s32 @p4 $0x1C00;
	s3 =	simm.s32 @p4 $0x50;
	[sflag:s4] =	ssyncset.done @!p3 $0x0  }
0x53: {  	s5 =	simm.s32 @p4 $0x2;
	[sflag:s4] =	ssyncadd.s32 @!p3 $0xFFFFD800;
	p3 =	por !p5, !p4  }
0x54: {  	[tilespmem:s1], [sflag:$0x1] =	stream.indirect.gather @p4 [spmem:s2], $0x40, s28, s3, $0xb8;
	[tilespmem:$0x10840] =	vst v63  }
0x55: {  	s4 =	simm.s32 @p4 $0x4400;
	s1 =	smov.u32 s8;
	_ =	swait.ge @p4 [sflag:s5], $0x1400  }
0x56: {  	s3 =	simm.s32 @p4 $0x3;
	s1 =	smov.u32 @p3 s7;
	[sflag:s5] =	ssyncset.done @p4 $0x0  }
0x57: {  	s3 =	simm.s32 @p3 $0x4;
	s1 =	sadd.s32 @p4 s29, s1;
	[sflag:s5] =	ssyncadd.s32 @p4 $0xFFFFEC00  }
0x58: {  	[hbm4b:s1+s0] =	stream.linear.scatter @p4 [tilespmem:s4], [sflag:s3], $0x2800, $0x38;
	[tilespmem:$0x10840] =	vst v63  }
0x59: {  	p3 =	por p4, p4;
	_ =	swait.ge @p4 [sflag:s3], $0x2800  }
0x5a: {  	s0 =	simm.s32 @!p3 $0x1;
	[sflag:s3] =	ssyncset.done @p3 $0x0  }
0x5b: {  	s1 =	simm.s32 @!p3 $0x50;
	[sflag:s3] =	ssyncadd.s32 @p3 $0xFFFFD800;
	s3 =	simm.s32 @!p3 $0x4400  }
0x5c: {  	[tilespmem:s3], [sflag:$0x2] =	stream.indirect.gather @!p3 [spmem:s2], $0x40, s28, s1, $0xb8;
	[tilespmem:$0x10840] =	vst v63  }
0x5d: {  	_ =	swait.ge @!p3 [sflag:s0], $0x1400  }
0x5e: {  	s5 =	simm.s32 @!p3 $0x4;
	s4 =	simm.s32 @!p4 $0x1C00;
	[sflag:s0] =	ssyncset.done @!p3 $0x0  }
0x5f: {  	s1 =	sadd.s32 @!p4 s29, s15;
	s3 =	simm.s32 @!p4 $0x0;
	[sflag:s0] =	ssyncadd.s32 @!p3 $0xFFFFEC00  }
0x60: {  	[hbm4b:s1+s3] =	stream.linear.scatter @!p3 [tilespmem:s4], [sflag:$0x4], $0x2800, $0x38;
	[tilespmem:$0x10840] =	vst v63  }
0x61: {  	_ =	swait.ge @!p3 [sflag:s5], $0x2800  }
0x62: {  	s26 =	sadd.s32 $0x1, s26;
	[sflag:s5] =	ssyncset.done @!p3 $0x0  }
0x63: {  	s31 =	simm.s32 $0x0;
	s0 =	smov.u32 s7;
	[sflag:s5] =	ssyncadd.s32 @!p3 $0xFFFFD800  }
0x64: {  	s1 =	simm.s32 @!p0 $0x4;
	s0 =	smov.u32 @p0 s8;
	_ =	swait.ge [sflag:s24], $0x1400  }
0x65: {  	s1 =	simm.s32 @p0 $0x3;
	p3 =	sne.s32 s26, s14;
	[sflag:s24] =	ssyncset.done $0x0  }
.Ltmp5:
0x66: {  	s0 =	sadd.s32 s0, s16;
	[sflag:s24] =	ssyncadd.s32 $0xFFFFEC00;
	(pc) =	sbr.rel @p3 .LBB2_1-.Ltmp5, $4  }
0x67: {  	[hbm4b:s0+s31] =	stream.linear.scatter [tilespmem:s25], [sflag:s1], $0x2800, $0x38;
	[tilespmem:$0x10840] =	vst v63  }
0x68: {  	_ =	swait.ge [sflag:s1], $0x2800  }
0x69: {  	[sflag:s1] =	ssyncset.done $0x0  }
0x6a: {  	[sflag:s1] =	ssyncadd.s32 $0xFFFFD800  }
0x6b: {  	_ =	sfence.sel $0x180000  }
0x6c: {  	[bflag:$0x0] =	sbarrier.arrive $0xFFFF  }
0x6d: {  	_ =	strace $0x90000050  }
0x6e: {  	s0 =	stileid.u32;
	[bflag:$0x2] =	sbarrier.arrive $0xFFFF  }
0x6f: {  	p0 =	sne.s32 s0, $0x0;
	s0 =	rddreg [dreg:$0x2]  }
0x70: {  	s0 =	sadd.s32 @!p0 $0x100000, s0  }
0x71: {  	[sflag:s0] =	ssyncadd.tile.s32 @!p0 $0x1;
	_ =	shalt  }
.Lfunc_end2:
_tile_overlayer_lowered:
.L_overlay_start_2:
0x72: {  	(tag) =	ssettag $0x2  }
0x73: {  	s0 =	rddreg [dreg:$0x0];
	s2 =	stileid.u32  }
0x74: {  	s1 =	rddreg [dreg:$0x1];
	p0 =	sne.s32 s2, $0x0  }
0x75: {  	s3 =	rddreg [dreg:$0x2];
	[bflag:$0x3] =	sbarrier.arrive $0xFFFF;
	s2 =	simm.s32 @!p0 $0x1C03  }
0x76: {  	[timem:s3], [sflag:s2] =	dma.local @!p0 [hbm:s0], s1  }
0x77: {  	s0 =	simm.s32 @!p0 $0x3  }
0x78: {  	_ =	swait.ge @!p0 [sflag:s0], s1  }
0x79: {  	s1 =	ssub.s32 @!p0 $0x0, s1;
	[sflag:s0] =	ssyncset.done @!p0 $0x0  }
0x7a: {  	[sflag:s0] =	ssyncadd.s32 @!p0 s1  }
0x7b: {  	[bflag:$0x3] =	sbarrier.arrive $0xFFFF  }
0x7c: {  	_ =	shalt  }

// kernel: kernel.26.cloned.1.call-start
scs
__scs_entry_jumppad:
0x0: {  	(pc) =	sbr.rel $0x88, $3  }
0x1: {  	(tag) =	ssettag $0x0;
	lr =	simm.s32 $0x1  }
0x2: {  	[smem:$0x3F96] =	sst lr;
	_ =	strace $0xD0000000  }
0x3: {  	_ = 	snop  }
0x4: {  	_ = 	snop  }
0x5: {  	_ = 	snop  }
0x6: {  	_ = 	snop  }
0x7: {  	_ = 	snop  }
__scs_overlays_trampoline_lowered:
0x8: {  	[smem:$0x3FA5] =	sst s0  }
0x9: {  	[smem:$0x3FA6] =	sst s1  }
0xa: {  	[smem:$0x3FA7] =	sst s2  }
0xb: {  	[smem:$0x3FA8] =	sst s3  }
0xc: {  	[smem:$0x3FA9] =	sst s4  }
0xd: {  	[smem:$0x3FAA] =	sst s5  }
0xe: {  	[smem:$0x3FAB] =	sst s6  }
0xf: {  	[smem:$0x3FAC] =	sst s7  }
0x10: {  	[smem:$0x3FAD] =	sst s8  }
0x11: {  	[smem:$0x3FAE] =	sst s9;
	s0 =	simm.s32 @!p0 $0x0  }
0x12: {  	s1 =	sld [smem:$0x3F94];
	s0 =	simm.s32 @p0 $0x1  }
0x13: {  	[smem:$0x3FAF] =	sst s0;
	s0 =	simm.s32 @!p1 $0x0  }
0x14: {  	s2 =	sld [smem:$0x3F93];
	s0 =	simm.s32 @p1 $0x1  }
0x15: {  	[smem:$0x3FB0] =	sst s0;
	s0 =	simm.s32 @!p2 $0x0  }
0x16: {  	s3 =	sld [smem:$0x3FDB];
	s0 =	simm.s32 @p2 $0x1  }
0x17: {  	s4 =	simm.s32 $0x1BF5;
	[smem:$0x3FB2] =	sst s0  }
0x18: {  	s0 =	sld [smem:$0x3F95];
	_ =	swait.ge [sflag:s4], $0x0  }
0x19: {  	s7 =	sld [smem:$0x3F96]  }
0x1a: {  	s8 =	sadd.s32 $0xFFFFE003, lr  }
0x1b: {  	s9 =	sadd.s32 $0xFFFFFEF7, lr;
	s5 =	simm.s32 $0xFFFFFFFF;
	p2 =	slt.u32 s8, $0xFFFFF086  }
0x1c: {  	p1 =	slt.u32 s9, $0xF7A;
	s5 =	simm.s32 @!p2 $0x0  }
0x1d: {  	s5 =	simm.s32 @p1 $0x1;
	p0 =	seq.s32 s7, s2  }
0x1e: {  	s7 =	smul.u32 @!p0 $0xF7A, s2;
	p2 =	seq.s32 @!p0 s5, $0x0  }
0x1f: {  	s9 =	smul.u32 $0xF7A, s1;
	s8 =	simm.s32 @!p0 $0x1BF5;
	p2 =	por !p2, p0  }
0x20: {  	[sflag:s8] =	ssyncset.s32 @!p0 $0xFFFFF086;
	s6 =	sadd.s32 @!p0 s3, s7;
	s7 =	simm.s32 @!p0 $0x108  }
0x21: {  	s3 =	sadd.s32 s3, s9;
	s6 =	sadd.s32 @!p0 $0x88, s6;
	s7 =	simm.s32 @p2 $0x1082  }
0x22: {  	[simem:s7], [sflag:s8] =	dma.local @!p0 [hbm:s6], $0xF7A  }
0x23: {  	s9 =	sor.u32 $0xD0000000, s2;
	s6 =	simm.s32 $0x108;
	_ =	swait.ge @!p0 [sflag:s8], $0x0  }
0x24: {  	s3 =	sadd.s32 $0x88, s3;
	s6 =	simm.s32 @!p1 $0x1082;
	[sflag:s4] =	ssyncset.s32 $0xFFFFF086  }
0x25: {  	[simem:s6], [sflag:s4] =	dma.local [hbm:s3], $0xF7A  }
0x26: {  	[smem:$0x3F96] =	sst s1;
	(tag) =	ssettag s2;
	_ =	strace s9  }
0x27: {  	s1 =	sld [smem:$0x3FA6]  }
0x28: {  	s2 =	sld [smem:$0x3FA7]  }
0x29: {  	s4 =	sld [smem:$0x3FA9]  }
0x2a: {  	p0 =	seq.s32 s5, $0x0;
	s5 =	sld [smem:$0x3FAA]  }
0x2b: {  	s6 =	sld [smem:$0x3FAB]  }
0x2c: {  	s7 =	sld [smem:$0x3FAC]  }
0x2d: {  	s3 =	simm.s32 $0x108;
	s8 =	sld [smem:$0x3FAD]  }
0x2e: {  	s3 =	simm.s32 @!p0 $0x1082;
	s9 =	sld [smem:$0x3FAE]  }
0x2f: {  	lr =	sadd.s32 s0, s3;
	s0 =	sld [smem:$0x3FA5]  }
0x30: {  	s3 =	sld [smem:$0x3FA8]  }
0x31: {  	[smem:$0x3FB1] =	sst s10  }
0x32: {  	s10 =	sld [smem:$0x3FAF];
	_ =	sdelay $0x3  }
0x33: {  	p0 =	seq.s32 s10, $0x1;
	s10 =	sld [smem:$0x3FB1];
	_ =	sdelay $0x3  }
0x34: {  	[smem:$0x3FB1] =	sst s10  }
0x35: {  	s10 =	sld [smem:$0x3FB0];
	_ =	sdelay $0x3  }
0x36: {  	p1 =	seq.s32 s10, $0x1;
	s10 =	sld [smem:$0x3FB1];
	_ =	sdelay $0x3  }
0x37: {  	[smem:$0x3FB1] =	sst s10  }
0x38: {  	s10 =	sld [smem:$0x3FB2]  }
0x39: {  	_ = 	snop;
	(pc) =	sbr.ind lr, $3  }
0x3a: {  	_ = 	snop  }
0x3b: {  	_ = 	snop  }
0x3c: {  	p2 =	seq.s32 s10, $0x1;
	s10 =	sld [smem:$0x3FB1]  }
0x3d: {  	_ =	shalt  }
0x3e: {  	_ =	shalt  }
0x3f: {  	_ =	shalt  }
0x40: {  	_ =	shalt  }
0x41: {  	_ =	shalt  }
0x42: {  	_ =	shalt  }
0x43: {  	_ =	shalt  }
0x44: {  	_ =	shalt  }
0x45: {  	_ =	shalt  }
0x46: {  	_ =	shalt  }
0x47: {  	_ =	shalt  }
0x48: {  	_ =	shalt  }
0x49: {  	_ =	shalt  }
0x4a: {  	_ =	shalt  }
0x4b: {  	_ =	shalt  }
0x4c: {  	_ =	shalt  }
0x4d: {  	_ =	shalt  }
0x4e: {  	_ =	shalt  }
0x4f: {  	_ =	shalt  }
0x50: {  	_ =	shalt  }
0x51: {  	_ =	shalt  }
0x52: {  	_ =	shalt  }
0x53: {  	_ =	shalt  }
0x54: {  	_ =	shalt  }
0x55: {  	_ =	shalt  }
0x56: {  	_ =	shalt  }
0x57: {  	_ =	shalt  }
0x58: {  	_ =	shalt  }
0x59: {  	_ =	shalt  }
0x5a: {  	_ =	shalt  }
0x5b: {  	_ =	shalt  }
0x5c: {  	_ =	shalt  }
0x5d: {  	_ =	shalt  }
0x5e: {  	_ =	shalt  }
0x5f: {  	_ =	shalt  }
0x60: {  	_ =	shalt  }
0x61: {  	_ =	shalt  }
0x62: {  	_ =	shalt  }
0x63: {  	_ =	shalt  }
0x64: {  	_ =	shalt  }
0x65: {  	_ =	shalt  }
0x66: {  	_ =	shalt  }
0x67: {  	_ =	shalt  }
0x68: {  	_ =	shalt  }
0x69: {  	_ =	shalt  }
0x6a: {  	_ =	shalt  }
0x6b: {  	_ =	shalt  }
0x6c: {  	_ =	shalt  }
0x6d: {  	_ =	shalt  }
0x6e: {  	_ =	shalt  }
0x6f: {  	_ =	shalt  }
0x70: {  	_ =	shalt  }
0x71: {  	_ =	shalt  }
0x72: {  	_ =	shalt  }
0x73: {  	_ =	shalt  }
0x74: {  	_ =	shalt  }
0x75: {  	_ =	shalt  }
0x76: {  	_ =	shalt  }
0x77: {  	_ =	shalt  }
0x78: {  	_ =	shalt  }
0x79: {  	_ =	shalt  }
0x7a: {  	_ =	shalt  }
0x7b: {  	_ =	shalt  }
0x7c: {  	_ =	shalt  }
0x7d: {  	_ =	shalt  }
0x7e: {  	_ =	shalt  }
0x7f: {  	_ =	shalt  }
0x80: {  	_ =	shalt  }
0x81: {  	_ =	shalt  }
0x82: {  	_ =	shalt  }
0x83: {  	_ =	shalt  }
0x84: {  	_ =	shalt  }
0x85: {  	_ =	shalt  }
0x86: {  	_ =	shalt  }
0x87: {  	_ =	shalt  }
.Lfunc_end0:
.L_simem_size_0:
called_computation.4_lowered:
.L_overlay_start_0:
0x88: {  	s2 =	sld [smem:$0x3FD9]  }
0x89: {  	s3 =	sld [smem:$0x3FFE];
	_ =	sdelay $0x1  }
0x8a: {  	s1 =	srdreg.scid  }
0x8b: {  	s0 =	sand.u32 $0x1, s1  }
0x8c: {  	s17 =	sshll.u32 s0, $0xA;
	s2 =	sadd.s32 s3, s2  }
0x8d: {  	s2 =	sadd.s32 s2, s17  }
0x8e: {  	[smem:$0x3FBD] =	sst s2  }
0x8f: {  	_ = 	snop  }
0x90: {  	(tm) =	ssettm $0x1  }
0x91: {  	s18 =	sld [smem:$0x3FFB];
	_ =	sdelay $0x3  }
0x92: {  	_ =	strace s18  }
0x93: {  	s2 =	sld [smem:$0x3FFC];
	_ =	sdelay $0x3  }
0x94: {  	_ =	strace s2  }
0x95: {  	s2 =	sld [smem:$0x3FFD];
	_ =	sdelay $0x3  }
0x96: {  	_ =	strace s2  }
0x97: {  	_ =	strace $0x8FFFFFFF  }
0x98: {  	s19 =	sld [smem:$0x3FDB];
	_ =	sdelay $0x1  }
0x99: {  	s20 =	simm.s32 $_scs_section_size  }
0x9a: {  	s4 =	simm.s32 $_size__tile_overlayer_lowered;
	s5 =	simm.s32 $_tile_overlayer_lowered  }
0x9b: {  	s6 =	simm.s32 $0x1BFF;
	s21 =	sshll.u32 s5, $0x1;
	s3 =	sadd.s32 s20, s19  }
0x9c: {  	s22 =	simm.s32 $0x0;
	s4 =	sshll.u32 s4, $0x1;
	s5 =	sadd.s32 s21, s3  }
0x9d: {  	[timem:s22], [sflag:s6] =	dma.local [hbm:s5], s4  }
0x9e: {  	_ =	swait.ge [sflag:s6], s4  }
0x9f: {  	s4 =	ssub.s32 $0x0, s4;
	[sflag:s6] =	ssyncset.done $0x0  }
0xa0: {  	[sflag:s6] =	ssyncadd.s32 s4;
	_ =	sdelay $0x1  }
0xa1: {  	s23 =	simm.s32 $0x1B8B  }
0xa2: {  	_ =	swait.ge [sflag:s23], $0x1  }
0xa3: {  	[sflag:s23] =	ssyncset.done $0x0  }
0xa4: {  	[sflag:s23] =	ssyncadd.s32 $0xFFFFFFFF  }
0xa5: {  	s4 =	sld [smem:$0x0]  }
0xa6: {  	s5 =	sand.u32 $0xFFFFFFFE, s1  }
0xa7: {  	p0 =	sne.s32 s1, s5  }
0xa8: {  	s5 =	sshll.u32 @p0 s5, $0xE  }
0xa9: {  	s5 =	sadd.s32 @p0 $0x11B8D, s5;
	s6 =	sshll.u32 @p0 s4, $0x11  }
0xaa: {  	s5 =	sor.u32 @p0 s6, s5  }
0xab: {  	[sflag:s5] =	ssyncadd.remote.s32 @p0 $0x1;
	_ =	sdelay $0x1  }
0xac: {  	s5 =	simm.s32 @p0 $0x1B8D  }
0xad: {  	_ =	swait.eq @p0 [sflag:s5], $0x1  }
0xae: {  	[sflag:s5] =	ssyncadd.s32 @p0 $0xFFFFFFFF  }
0xaf: {  	s6 =	sshll.u32 @!p0 s1, $0xE  }
0xb0: {  	s6 =	sor.u32 @!p0 $0x4000, s6;
	s5 =	simm.s32 @!p0 $0x1B8D  }
0xb1: {  	s4 =	sshll.u32 @!p0 s4, $0x11;
	s6 =	sadd.s32 @!p0 $0x11B8D, s6;
	_ =	swait.eq @!p0 [sflag:s5], $0x1  }
0xb2: {  	s4 =	sor.u32 @!p0 s4, s6;
	[sflag:s5] =	ssyncadd.s32 @!p0 $0xFFFFFFFF  }
0xb3: {  	s25 =	simm.s32 $0x1B8E;
	s24 =	sld [smem:$0x3FFE];
	[sflag:s4] =	ssyncadd.remote.s32 @!p0 $0x1  }
0xb4: {  	s26 =	simm.s32 $execute0_lowered;
	[smem:$0x3FD2] =	sst s25  }
0xb5: {  	s5 =	sshll.u32 s26, $0x1;
	_ =	strace $0x80000052;
	[dreg:$0x1] =	wrdreg $0xFFFFFFFF  }
0xb6: {  	s28 =	simm.s32 $_size_execute0_lowered;
	s3 =	sadd.s32 s3, s5;
	[dreg:$0x0] =	wrdreg $0x0  }
0xb7: {  	s5 =	sshll.u32 s28, $0x1;
	[dreg:$0x2] =	wrdreg s3  }
0xb8: {  	[dreg:$0x3] =	wrdreg s5  }
0xb9: {  	[dreg:$0x4] =	wrdreg $0xC0  }
0xba: {  	_ =	task [dreg:s22], $0x5FFFF  }
0xbb: {  	[dreg:$0x1] =	wrdreg $0xFFFFFFFF  }
0xbc: {  	[dreg:$0x0] =	wrdreg $0x60  }
0xbd: {  	[dreg:$0x2] =	wrdreg s24  }
0xbe: {  	[dreg:$0x3] =	wrdreg $0x6C000  }
0xbf: {  	[dreg:$0x4] =	wrdreg $0xC  }
0xc0: {  	_ =	task.clear_ibuf [dreg:s22], $0x5FFFF;
	_ =	strace $0x90000052  }
0xc1: {  	s29 =	simm.s32 $0xC;
	_ =	strace $0x80000054  }
0xc2: {  	_ =	swait.ge [sflag:s29], $0x1  }
0xc3: {  	[sflag:s29] =	ssyncadd.s32 $0xFFFFFFFF  }
0xc4: {  	_ =	strace $0x90000054  }
0xc5: {  	_ =	sfence  }
0xc6: {  	s30 =	sld [smem:$0x0];
	_ =	sdelay $0x2  }
0xc7: {  	s31 =	sshll.u32 s1, $0xD;
	s1 =	sshrl.u32 s1, $0x2  }
0xc8: {  	s4 =	sand.u32 $0x4000, s31;
	s1 =	sadd.s32 s1, s30  }
0xc9: {  	s0 =	sor.u32 s4, s0;
	s1 =	sshll.u32 s1, $0x11  }
0xca: {  	s0 =	sor.u32 s1, s0  }
0xcb: {  	s0 =	sadd.s32 $0x8F2B, s0  }
0xcc: {  	[sflag:s0] =	ssyncadd.remote.s32 $0x1  }
0xcd: {  	_ =	sfence.sel $0xFFFF  }
0xce: {  	[dreg:$0x0] =	wrdreg $0xFFFFFFFF;
	(pc) =	sbr.abs _section_cstart, $3  }
0xcf: {  	[dreg:$0x1] =	wrdreg $0xFFFFFFFF  }
0xd0: {  	_ =	task.clear_ibuf [dreg:s22], $0x2FFFF;
	_ =	strace $0x9FFFFFFF  }
0xd1: {  	(tm) =	ssettm $0x7FFFFFFF  }
tec
execute0_lowered:
.L_overlay_start_1:
0x0: {  	(tag) =	ssettag $0x1  }
0x1: {  	s0 =	rddreg [dreg:$0x0]  }
0x2: {  	s2 =	rddreg [dreg:$0x1]  }
0x3: {  	s1 =	simm.s32 $0x0;
	s4 =	stileid.u32;
	s3 =	srdreg.scid  }
0x4: {  	s20 =	simm.s32 $0x3;
	s22 =	simm.s32 $0x50;
	s23 =	simm.s32 $0x1C00  }
0x5: {  	s24 =	simm.s32 $0x2;
	[smem:$0x7FF] =	sst s1;
	s25 =	smul.u32 $0x380, s4  }
0x6: {  	s5 =	sadd.s32 $0x2E800, s0;
	s11 =	sadd.s32 $0x55A00, s0;
	s9 =	smul.u32 $0x4E000, s4  }
0x7: {  	s6 =	sand.u32 $0x1, s3;
	s7 =	sadd.s32 $0x658C00, s0;
	s12 =	smul.u32 $0x2700, s4  }
0x8: {  	s8 =	sadd.s32 $0x752C00, s0;
	s30 =	sadd.s32 $0x138000, s2;
	s17 =	sshll.u32 s4, $0x6  }
0x9: {  	p1 =	seq.s32 s4, $0xF;
	p2 =	sne.s32 s4, $0xF;
	_ =	strace $0x80000053  }
0xa: {  	s3 =	ssub.s32 $0x2, s6;
	p0 =	seq.s32 s6, $0x0;
	[dreg:$0x4] =	wrdreg s11  }
0xb: {  	[dreg:$0x3] =	wrdreg s5;
	s15 =	smov.u32 s8;
	s18 =	sor.u32 $0x1C03, s17  }
0xc: {  	s21 =	sshrl.u32 s30, $0x3;
	s1 =	sadd.s32 s25, s0;
	s10 =	sshrl.u32 s3, $0x1  }
0xd: {  	s28 =	sshrl.u32 s9, $0x2;
	s29 =	sadd.s32 s11, s12;
	s11 =	smul.u32 $0xFA00, s4  }
0xe: {  	s5 =	sadd.s32 s5, s12;
	s15 =	smov.u32 @p0 s7;
	p0 =	sne.s32 s6, $0x0  }
0xf: {  	s25 =	simm.s32 $0x4400;
	s26 =	ssub.s32 s3, s10;
	[dreg:$0x5] =	wrdreg s29  }
0x10: {  	s3 =	sadd.s32 s28, s2;
	s31 =	sadd.s32 $0x11C00, s1;
	[dreg:$0x7] =	wrdreg s5  }
0x11: {  	s13 =	sadd.s32 $0x15400, s1;
	[dreg:$0x6] =	wrdreg s31;
	s14 =	smax.u32 s26, $0x1  }
0x12: {  	s16 =	sadd.s32 $0xF500, s11;
	s19 =	sshrl.u32 s3, $0x3;
	s26 =	simm.s32 $0x0  }
.LBB2_1:
.Ltmp0:
0x13: {  	(pc) =	sbr.rel @p0 .LBB2_3-.Ltmp0, $1  }
0x14: {  	_ =	sdelay $0x3  }
0x15: {  	s0 =	rddreg [dreg:$0x7]  }
0x16: {  	[spmem:s19], [sflag:s18] =	dma.local [hbm:s0], $0x2700  }
.Ltmp1:
0x17: {  	_ = 	snop;
	(pc) =	sbr.rel @p1 .LBB2_4-.Ltmp1, $4  }
.Ltmp2:
0x18: {  	_ = 	snop;
	(pc) =	sbr.rel @!p1 .LBB2_5-.Ltmp2, $4  }
0x19: {  	_ =	swait.ge [sflag:s20], $0x2700  }
0x1a: {  	s1 =	smov.u32 s13;
	[sflag:s20] =	ssyncset.done $0x0  }
0x1b: {  	s0 =	smov.u32 s18;
	s3 =	rddreg [dreg:$0x3];
	[sflag:s20] =	ssyncadd.s32 $0xFFFFD900  }
0x1c: {  	_ = 	snop  }
.LBB2_3:
.Ltmp3:
0x1d: {  	s0 =	sor.u32 $0x1C03, s17;
	s1 =	rddreg [dreg:$0x5];
	(pc) =	sbr.rel @p2 .LBB2_5-.Ltmp3, $4  }
0x1e: {  	[spmem:s19], [sflag:s0] =	dma.local [hbm:s1], $0x2700  }
0x1f: {  	_ =	swait.ge [sflag:s20], $0x2700  }
0x20: {  	[sflag:s20] =	ssyncset.done $0x0;
	s3 =	rddreg [dreg:$0x4]  }
0x21: {  	s1 =	rddreg [dreg:$0x6];
	[sflag:s20] =	ssyncadd.s32 $0xFFFFD900  }
.LBB2_4:
0x22: {  	s3 =	sadd.s32 $0x27000, s3  }
0x23: {  	[spmem:s21], [sflag:s0] =	dma.local [hbm:s3], $0x100  }
0x24: {  	_ =	swait.ge [sflag:s20], $0x100  }
0x25: {  	[sflag:s20] =	ssyncset.done $0x0  }
0x26: {  	[sflag:s20] =	ssyncadd.s32 $0xFFFFFF00  }
.LBB2_5:
0x27: {  	s0 =	simm.s32 $0x0  }
0x28: {  	[tilespmem:s0], [sflag:$0x3] =	stream.linear.gather [hbm4b:s1+s0], $0x1900, $0x38;
	[tilespmem:$0x10840] =	vst v63  }
0x29: {  	_ =	swait.ge [sflag:s20], $0x1900  }
0x2a: {  	[sflag:s20] =	ssyncset.done $0x0  }
0x2b: {  	[sflag:s20] =	ssyncadd.s32 $0xFFFFE700  }
0x2c: {  	[bflag:$0x0] =	sbarrier.arrive $0xFFFF  }
0x2d: {  	[tilespmem:s23], [sflag:$0x1] =	stream.indirect.gather [spmem:s2], $0x40, s0, s22, $0xb8;
	[tilespmem:$0x10840] =	vst v63  }
0x2e: {  	s9 =	simm.s32 $0x1;
	s0 =	sand.u32 $0x1, s0  }
0x2f: {  	s30 =	simm.s32 $0x2;
	s1 =	simm.s32 $0x80;
	p4 =	seq.s32 s0, $0x1  }
0x30: {  	p3 =	sne.s32 @p4 s6, $0x0;
	s3 =	simm.s32 @p4 $0x1C00;
	s28 =	simm.s32 @p4 $0x50  }
0x31: {  	[tilespmem:s3], [sflag:$0x1] =	stream.indirect.gather @p4 [spmem:s2], $0x40, s1, s28, $0xb8;
	[tilespmem:$0x10840] =	vst v63  }
0x32: {  	s0 =	simm.s32 @p4 $0x0;
	s29 =	simm.s32 @p4 $0x2;
	p3 =	por !p3, !p4  }
0x33: {  	s3 =	smov.u32 s8;
	s28 =	simm.s32 @p4 $0x3;
	_ =	swait.ge @p4 [sflag:s29], $0x1400  }
0x34: {  	s3 =	smov.u32 @p3 s7;
	s28 =	simm.s32 @p3 $0x4;
	[sflag:s29] =	ssyncset.done @p4 $0x0  }
0x35: {  	s3 =	sadd.s32 @p4 s11, s3;
	[sflag:s29] =	ssyncadd.s32 @p4 $0xFFFFEC00;
	s29 =	simm.s32 @p4 $0x4400  }
0x36: {  	[hbm4b:s3+s0] =	stream.linear.scatter @p4 [tilespmem:s29], [sflag:s28], $0x2800, $0x38;
	[tilespmem:$0x10840] =	vst v63  }
0x37: {  	s9 =	sand.u32 $0x1, s9;
	p3 =	por p4, p4;
	_ =	swait.ge @p4 [sflag:s28], $0x2800  }
0x38: {  	s31 =	sadd.s32 @!p4 s11, s15;
	s3 =	simm.s32 @!p3 $0x1;
	[sflag:s28] =	ssyncset.done @p3 $0x0  }
0x39: {  	s29 =	simm.s32 @!p3 $0x4400;
	[sflag:s28] =	ssyncadd.s32 @p3 $0xFFFFD800;
	s28 =	simm.s32 @!p3 $0x50  }
0x3a: {  	[tilespmem:s29], [sflag:$0x2] =	stream.indirect.gather @!p3 [spmem:s2], $0x40, s1, s28, $0xb8;
	[tilespmem:$0x10840] =	vst v63  }
0x3b: {  	s0 =	simm.s32 @!p4 $0x0;
	s1 =	simm.s32 @!p4 $0x1C00;
	_ =	swait.ge @!p3 [sflag:s3], $0x1400  }
0x3c: {  	s28 =	simm.s32 $0x100;
	s29 =	sadd.s32 $0x500, s11;
	[sflag:s3] =	ssyncset.done @!p3 $0x0  }
.LBB2_6:
0x3d: {  	p4 =	seq.s32 s9, $0x1;
	s9 =	simm.s32 @!p3 $0x4  }
0x3e: {  	s4 =	smov.u32 s30;
	s30 =	sadd.s32 $0x1, s30;
	p5 =	sne.s32 @p4 s6, $0x0  }
0x3f: {  	s5 =	simm.s32 @p4 $0x0;
	[sflag:s3] =	ssyncadd.s32 @!p3 $0xFFFFEC00;
	s3 =	smov.u32 s8  }
0x40: {  	[hbm4b:s31+s0] =	stream.linear.scatter @!p3 [tilespmem:s1], [sflag:$0x4], $0x2800, $0x38;
	[tilespmem:$0x10840] =	vst v63  }
0x41: {  	s0 =	simm.s32 @p4 $0x1C00;
	p5 =	por !p5, !p4;
	_ =	swait.ge @!p3 [sflag:s9], $0x2800  }
0x42: {  	s1 =	simm.s32 @p4 $0x50;
	s3 =	smov.u32 @p5 s7;
	[sflag:s9] =	ssyncset.done @!p3 $0x0  }
0x43: {  	s12 =	simm.s32 @p4 $0x2;
	s10 =	simm.s32 @p4 $0x3;
	[sflag:s9] =	ssyncadd.s32 @!p3 $0xFFFFD800  }
0x44: {  	[tilespmem:s0], [sflag:$0x1] =	stream.indirect.gather @p4 [spmem:s2], $0x40, s28, s1, $0xb8;
	[tilespmem:$0x10840] =	vst v63  }
0x45: {  	s10 =	simm.s32 @p5 $0x4;
	s3 =	sadd.s32 @p4 s29, s3;
	_ =	swait.ge @p4 [sflag:s12], $0x1400  }
0x46: {  	s31 =	sadd.s32 @!p4 s29, s15;
	s0 =	simm.s32 @!p4 $0x0;
	[sflag:s12] =	ssyncset.done @p4 $0x0  }
0x47: {  	s9 =	simm.s32 @p4 $0x4400;
	s1 =	simm.s32 @!p4 $0x1C00;
	[sflag:s12] =	ssyncadd.s32 @p4 $0xFFFFEC00  }
0x48: {  	[hbm4b:s3+s5] =	stream.linear.scatter @p4 [tilespmem:s9], [sflag:s10], $0x2800, $0x38;
	[tilespmem:$0x10840] =	vst v63  }
0x49: {  	p5 =	sne.s32 s30, $0x31;
	p3 =	por p4, p4;
	_ =	swait.ge @p4 [sflag:s10], $0x2800  }
.Ltmp4:
0x4a: {  	s3 =	simm.s32 @!p3 $0x1;
	[sflag:s10] =	ssyncset.done @p3 $0x0;
	(pc) =	sbr.rel @p5 .LBB2_6-.Ltmp4, $4  }
0x4b: {  	s5 =	simm.s32 @!p3 $0x50;
	s9 =	simm.s32 @!p3 $0x4400;
	[sflag:s10] =	ssyncadd.s32 @p3 $0xFFFFD800  }
0x4c: {  	[tilespmem:s9], [sflag:$0x2] =	stream.indirect.gather @!p3 [spmem:s2], $0x40, s28, s5, $0xb8;
	[tilespmem:$0x10840] =	vst v63  }
0x4d: {  	s28 =	sadd.s32 $0x80, s28;
	_ =	swait.ge @!p3 [sflag:s3], $0x1400  }
0x4e: {  	s29 =	sadd.s32 $0x500, s29;
	s9 =	sand.u32 $0x1, s4;
	[sflag:s3] =	ssyncset.done @!p3 $0x0  }
0x4f: {  	p4 =	seq.s32 s9, $0x1;
	s4 =	simm.s32 @!p3 $0x4;
	[sflag:s3] =	ssyncadd.s32 @!p3 $0xFFFFEC00  }
0x50: {  	[hbm4b:s31+s0] =	stream.linear.scatter @!p3 [tilespmem:s1], [sflag:$0x4], $0x2800, $0x38;
	[tilespmem:$0x10840] =	vst v63  }
0x51: {  	p5 =	sne.s32 @p4 s6, $0x0;
	s0 =	simm.s32 @p4 $0x0;
	_ =	swait.ge @!p3 [sflag:s4], $0x2800  }
0x52: {  	s1 =	simm.s32 @p4 $0x1C00;
	s3 =	simm.s32 @p4 $0x50;
	[sflag:s4] =	ssyncset.done @!p3 $0x0  }
0x53: {  	s5 =	simm.s32 @p4 $0x2;
	[sflag:s4] =	ssyncadd.s32 @!p3 $0xFFFFD800;
	p3 =	por !p5, !p4  }
0x54: {  	[tilespmem:s1], [sflag:$0x1] =	stream.indirect.gather @p4 [spmem:s2], $0x40, s28, s3, $0xb8;
	[tilespmem:$0x10840] =	vst v63  }
0x55: {  	s4 =	simm.s32 @p4 $0x4400;
	s1 =	smov.u32 s8;
	_ =	swait.ge @p4 [sflag:s5], $0x1400  }
0x56: {  	s3 =	simm.s32 @p4 $0x3;
	s1 =	smov.u32 @p3 s7;
	[sflag:s5] =	ssyncset.done @p4 $0x0  }
0x57: {  	s3 =	simm.s32 @p3 $0x4;
	s1 =	sadd.s32 @p4 s29, s1;
	[sflag:s5] =	ssyncadd.s32 @p4 $0xFFFFEC00  }
0x58: {  	[hbm4b:s1+s0] =	stream.linear.scatter @p4 [tilespmem:s4], [sflag:s3], $0x2800, $0x38;
	[tilespmem:$0x10840] =	vst v63  }
0x59: {  	p3 =	por p4, p4;
	_ =	swait.ge @p4 [sflag:s3], $0x2800  }
0x5a: {  	s0 =	simm.s32 @!p3 $0x1;
	[sflag:s3] =	ssyncset.done @p3 $0x0  }
0x5b: {  	s1 =	simm.s32 @!p3 $0x50;
	[sflag:s3] =	ssyncadd.s32 @p3 $0xFFFFD800;
	s3 =	simm.s32 @!p3 $0x4400  }
0x5c: {  	[tilespmem:s3], [sflag:$0x2] =	stream.indirect.gather @!p3 [spmem:s2], $0x40, s28, s1, $0xb8;
	[tilespmem:$0x10840] =	vst v63  }
0x5d: {  	_ =	swait.ge @!p3 [sflag:s0], $0x1400  }
0x5e: {  	s5 =	simm.s32 @!p3 $0x4;
	s4 =	simm.s32 @!p4 $0x1C00;
	[sflag:s0] =	ssyncset.done @!p3 $0x0  }
0x5f: {  	s1 =	sadd.s32 @!p4 s29, s15;
	s3 =	simm.s32 @!p4 $0x0;
	[sflag:s0] =	ssyncadd.s32 @!p3 $0xFFFFEC00  }
0x60: {  	[hbm4b:s1+s3] =	stream.linear.scatter @!p3 [tilespmem:s4], [sflag:$0x4], $0x2800, $0x38;
	[tilespmem:$0x10840] =	vst v63  }
0x61: {  	_ =	swait.ge @!p3 [sflag:s5], $0x2800  }
0x62: {  	s26 =	sadd.s32 $0x1, s26;
	[sflag:s5] =	ssyncset.done @!p3 $0x0  }
0x63: {  	s31 =	simm.s32 $0x0;
	s0 =	smov.u32 s7;
	[sflag:s5] =	ssyncadd.s32 @!p3 $0xFFFFD800  }
0x64: {  	s1 =	simm.s32 @!p0 $0x4;
	s0 =	smov.u32 @p0 s8;
	_ =	swait.ge [sflag:s24], $0x1400  }
0x65: {  	s1 =	simm.s32 @p0 $0x3;
	p3 =	sne.s32 s26, s14;
	[sflag:s24] =	ssyncset.done $0x0  }
.Ltmp5:
0x66: {  	s0 =	sadd.s32 s0, s16;
	[sflag:s24] =	ssyncadd.s32 $0xFFFFEC00;
	(pc) =	sbr.rel @p3 .LBB2_1-.Ltmp5, $4  }
0x67: {  	[hbm4b:s0+s31] =	stream.linear.scatter [tilespmem:s25], [sflag:s1], $0x2800, $0x38;
	[tilespmem:$0x10840] =	vst v63  }
0x68: {  	_ =	swait.ge [sflag:s1], $0x2800  }
0x69: {  	[sflag:s1] =	ssyncset.done $0x0  }
0x6a: {  	[sflag:s1] =	ssyncadd.s32 $0xFFFFD800  }
0x6b: {  	_ =	sfence.sel $0x180000  }
0x6c: {  	[bflag:$0x0] =	sbarrier.arrive $0xFFFF  }
0x6d: {  	_ =	strace $0x90000053  }
0x6e: {  	s0 =	stileid.u32;
	[bflag:$0x2] =	sbarrier.arrive $0xFFFF  }
0x6f: {  	p0 =	sne.s32 s0, $0x0;
	s0 =	rddreg [dreg:$0x2]  }
0x70: {  	s0 =	sadd.s32 @!p0 $0x100000, s0  }
0x71: {  	[sflag:s0] =	ssyncadd.tile.s32 @!p0 $0x1;
	_ =	shalt  }
.Lfunc_end2:
_tile_overlayer_lowered:
.L_overlay_start_2:
0x72: {  	(tag) =	ssettag $0x2  }
0x73: {  	s0 =	rddreg [dreg:$0x0];
	s2 =	stileid.u32  }
0x74: {  	s1 =	rddreg [dreg:$0x1];
	p0 =	sne.s32 s2, $0x0  }
0x75: {  	s3 =	rddreg [dreg:$0x2];
	[bflag:$0x3] =	sbarrier.arrive $0xFFFF;
	s2 =	simm.s32 @!p0 $0x1C03  }
0x76: {  	[timem:s3], [sflag:s2] =	dma.local @!p0 [hbm:s0], s1  }
0x77: {  	s0 =	simm.s32 @!p0 $0x3  }
0x78: {  	_ =	swait.ge @!p0 [sflag:s0], s1  }
0x79: {  	s1 =	ssub.s32 @!p0 $0x0, s1;
	[sflag:s0] =	ssyncset.done @!p0 $0x0  }
0x7a: {  	[sflag:s0] =	ssyncadd.s32 @!p0 s1  }
0x7b: {  	[bflag:$0x3] =	sbarrier.arrive $0xFFFF  }
0x7c: {  	_ =	shalt  }

// kernel: kernel.29.cloned.1.call-start
scs
__scs_entry_jumppad:
0x0: {  	(pc) =	sbr.rel $0x88, $3  }
0x1: {  	(tag) =	ssettag $0x0;
	lr =	simm.s32 $0x1  }
0x2: {  	[smem:$0x3F96] =	sst lr;
	_ =	strace $0xD0000000  }
0x3: {  	_ = 	snop  }
0x4: {  	_ = 	snop  }
0x5: {  	_ = 	snop  }
0x6: {  	_ = 	snop  }
0x7: {  	_ = 	snop  }
__scs_overlays_trampoline_lowered:
0x8: {  	[smem:$0x3FA5] =	sst s0  }
0x9: {  	[smem:$0x3FA6] =	sst s1  }
0xa: {  	[smem:$0x3FA7] =	sst s2  }
0xb: {  	[smem:$0x3FA8] =	sst s3  }
0xc: {  	[smem:$0x3FA9] =	sst s4  }
0xd: {  	[smem:$0x3FAA] =	sst s5  }
0xe: {  	[smem:$0x3FAB] =	sst s6  }
0xf: {  	[smem:$0x3FAC] =	sst s7  }
0x10: {  	[smem:$0x3FAD] =	sst s8  }
0x11: {  	[smem:$0x3FAE] =	sst s9;
	s0 =	simm.s32 @!p0 $0x0  }
0x12: {  	s1 =	sld [smem:$0x3F94];
	s0 =	simm.s32 @p0 $0x1  }
0x13: {  	[smem:$0x3FAF] =	sst s0;
	s0 =	simm.s32 @!p1 $0x0  }
0x14: {  	s2 =	sld [smem:$0x3F93];
	s0 =	simm.s32 @p1 $0x1  }
0x15: {  	[smem:$0x3FB0] =	sst s0;
	s0 =	simm.s32 @!p2 $0x0  }
0x16: {  	s3 =	sld [smem:$0x3FDB];
	s0 =	simm.s32 @p2 $0x1  }
0x17: {  	s4 =	simm.s32 $0x1BF5;
	[smem:$0x3FB2] =	sst s0  }
0x18: {  	s0 =	sld [smem:$0x3F95];
	_ =	swait.ge [sflag:s4], $0x0  }
0x19: {  	s7 =	sld [smem:$0x3F96]  }
0x1a: {  	s8 =	sadd.s32 $0xFFFFE003, lr  }
0x1b: {  	s9 =	sadd.s32 $0xFFFFFEF7, lr;
	s5 =	simm.s32 $0xFFFFFFFF;
	p2 =	slt.u32 s8, $0xFFFFF086  }
0x1c: {  	p1 =	slt.u32 s9, $0xF7A;
	s5 =	simm.s32 @!p2 $0x0  }
0x1d: {  	s5 =	simm.s32 @p1 $0x1;
	p0 =	seq.s32 s7, s2  }
0x1e: {  	s7 =	smul.u32 @!p0 $0xF7A, s2;
	p2 =	seq.s32 @!p0 s5, $0x0  }
0x1f: {  	s9 =	smul.u32 $0xF7A, s1;
	s8 =	simm.s32 @!p0 $0x1BF5;
	p2 =	por !p2, p0  }
0x20: {  	[sflag:s8] =	ssyncset.s32 @!p0 $0xFFFFF086;
	s6 =	sadd.s32 @!p0 s3, s7;
	s7 =	simm.s32 @!p0 $0x108  }
0x21: {  	s3 =	sadd.s32 s3, s9;
	s6 =	sadd.s32 @!p0 $0x88, s6;
	s7 =	simm.s32 @p2 $0x1082  }
0x22: {  	[simem:s7], [sflag:s8] =	dma.local @!p0 [hbm:s6], $0xF7A  }
0x23: {  	s9 =	sor.u32 $0xD0000000, s2;
	s6 =	simm.s32 $0x108;
	_ =	swait.ge @!p0 [sflag:s8], $0x0  }
0x24: {  	s3 =	sadd.s32 $0x88, s3;
	s6 =	simm.s32 @!p1 $0x1082;
	[sflag:s4] =	ssyncset.s32 $0xFFFFF086  }
0x25: {  	[simem:s6], [sflag:s4] =	dma.local [hbm:s3], $0xF7A  }
0x26: {  	[smem:$0x3F96] =	sst s1;
	(tag) =	ssettag s2;
	_ =	strace s9  }
0x27: {  	s1 =	sld [smem:$0x3FA6]  }
0x28: {  	s2 =	sld [smem:$0x3FA7]  }
0x29: {  	s4 =	sld [smem:$0x3FA9]  }
0x2a: {  	p0 =	seq.s32 s5, $0x0;
	s5 =	sld [smem:$0x3FAA]  }
0x2b: {  	s6 =	sld [smem:$0x3FAB]  }
0x2c: {  	s7 =	sld [smem:$0x3FAC]  }
0x2d: {  	s3 =	simm.s32 $0x108;
	s8 =	sld [smem:$0x3FAD]  }
0x2e: {  	s3 =	simm.s32 @!p0 $0x1082;
	s9 =	sld [smem:$0x3FAE]  }
0x2f: {  	lr =	sadd.s32 s0, s3;
	s0 =	sld [smem:$0x3FA5]  }
0x30: {  	s3 =	sld [smem:$0x3FA8]  }
0x31: {  	[smem:$0x3FB1] =	sst s10  }
0x32: {  	s10 =	sld [smem:$0x3FAF];
	_ =	sdelay $0x3  }
0x33: {  	p0 =	seq.s32 s10, $0x1;
	s10 =	sld [smem:$0x3FB1];
	_ =	sdelay $0x3  }
0x34: {  	[smem:$0x3FB1] =	sst s10  }
0x35: {  	s10 =	sld [smem:$0x3FB0];
	_ =	sdelay $0x3  }
0x36: {  	p1 =	seq.s32 s10, $0x1;
	s10 =	sld [smem:$0x3FB1];
	_ =	sdelay $0x3  }
0x37: {  	[smem:$0x3FB1] =	sst s10  }
0x38: {  	s10 =	sld [smem:$0x3FB2]  }
0x39: {  	_ = 	snop;
	(pc) =	sbr.ind lr, $3  }
0x3a: {  	_ = 	snop  }
0x3b: {  	_ = 	snop  }
0x3c: {  	p2 =	seq.s32 s10, $0x1;
	s10 =	sld [smem:$0x3FB1]  }
0x3d: {  	_ =	shalt  }
0x3e: {  	_ =	shalt  }
0x3f: {  	_ =	shalt  }
0x40: {  	_ =	shalt  }
0x41: {  	_ =	shalt  }
0x42: {  	_ =	shalt  }
0x43: {  	_ =	shalt  }
0x44: {  	_ =	shalt  }
0x45: {  	_ =	shalt  }
0x46: {  	_ =	shalt  }
0x47: {  	_ =	shalt  }
0x48: {  	_ =	shalt  }
0x49: {  	_ =	shalt  }
0x4a: {  	_ =	shalt  }
0x4b: {  	_ =	shalt  }
0x4c: {  	_ =	shalt  }
0x4d: {  	_ =	shalt  }
0x4e: {  	_ =	shalt  }
0x4f: {  	_ =	shalt  }
0x50: {  	_ =	shalt  }
0x51: {  	_ =	shalt  }
0x52: {  	_ =	shalt  }
0x53: {  	_ =	shalt  }
0x54: {  	_ =	shalt  }
0x55: {  	_ =	shalt  }
0x56: {  	_ =	shalt  }
0x57: {  	_ =	shalt  }
0x58: {  	_ =	shalt  }
0x59: {  	_ =	shalt  }
0x5a: {  	_ =	shalt  }
0x5b: {  	_ =	shalt  }
0x5c: {  	_ =	shalt  }
0x5d: {  	_ =	shalt  }
0x5e: {  	_ =	shalt  }
0x5f: {  	_ =	shalt  }
0x60: {  	_ =	shalt  }
0x61: {  	_ =	shalt  }
0x62: {  	_ =	shalt  }
0x63: {  	_ =	shalt  }
0x64: {  	_ =	shalt  }
0x65: {  	_ =	shalt  }
0x66: {  	_ =	shalt  }
0x67: {  	_ =	shalt  }
0x68: {  	_ =	shalt  }
0x69: {  	_ =	shalt  }
0x6a: {  	_ =	shalt  }
0x6b: {  	_ =	shalt  }
0x6c: {  	_ =	shalt  }
0x6d: {  	_ =	shalt  }
0x6e: {  	_ =	shalt  }
0x6f: {  	_ =	shalt  }
0x70: {  	_ =	shalt  }
0x71: {  	_ =	shalt  }
0x72: {  	_ =	shalt  }
0x73: {  	_ =	shalt  }
0x74: {  	_ =	shalt  }
0x75: {  	_ =	shalt  }
0x76: {  	_ =	shalt  }
0x77: {  	_ =	shalt  }
0x78: {  	_ =	shalt  }
0x79: {  	_ =	shalt  }
0x7a: {  	_ =	shalt  }
0x7b: {  	_ =	shalt  }
0x7c: {  	_ =	shalt  }
0x7d: {  	_ =	shalt  }
0x7e: {  	_ =	shalt  }
0x7f: {  	_ =	shalt  }
0x80: {  	_ =	shalt  }
0x81: {  	_ =	shalt  }
0x82: {  	_ =	shalt  }
0x83: {  	_ =	shalt  }
0x84: {  	_ =	shalt  }
0x85: {  	_ =	shalt  }
0x86: {  	_ =	shalt  }
0x87: {  	_ =	shalt  }
.Lfunc_end0:
.L_simem_size_0:
called_computation.5_lowered:
.L_overlay_start_0:
0x88: {  	s2 =	sld [smem:$0x3FD9]  }
0x89: {  	s3 =	sld [smem:$0x3FFE];
	_ =	sdelay $0x1  }
0x8a: {  	s1 =	srdreg.scid  }
0x8b: {  	s0 =	sand.u32 $0x1, s1  }
0x8c: {  	s17 =	sshll.u32 s0, $0xA;
	s2 =	sadd.s32 s3, s2  }
0x8d: {  	s2 =	sadd.s32 s2, s17  }
0x8e: {  	[smem:$0x3FBD] =	sst s2  }
0x8f: {  	_ = 	snop  }
0x90: {  	(tm) =	ssettm $0x1  }
0x91: {  	s18 =	sld [smem:$0x3FFB];
	_ =	sdelay $0x3  }
0x92: {  	_ =	strace s18  }
0x93: {  	s2 =	sld [smem:$0x3FFC];
	_ =	sdelay $0x3  }
0x94: {  	_ =	strace s2  }
0x95: {  	s2 =	sld [smem:$0x3FFD];
	_ =	sdelay $0x3  }
0x96: {  	_ =	strace s2  }
0x97: {  	_ =	strace $0x8FFFFFFF  }
0x98: {  	s19 =	sld [smem:$0x3FDB];
	_ =	sdelay $0x1  }
0x99: {  	s20 =	simm.s32 $_scs_section_size  }
0x9a: {  	s4 =	simm.s32 $_size__tile_overlayer_lowered;
	s5 =	simm.s32 $_tile_overlayer_lowered  }
0x9b: {  	s6 =	simm.s32 $0x1BFF;
	s21 =	sshll.u32 s5, $0x1;
	s3 =	sadd.s32 s20, s19  }
0x9c: {  	s22 =	simm.s32 $0x0;
	s4 =	sshll.u32 s4, $0x1;
	s5 =	sadd.s32 s21, s3  }
0x9d: {  	[timem:s22], [sflag:s6] =	dma.local [hbm:s5], s4  }
0x9e: {  	_ =	swait.ge [sflag:s6], s4  }
0x9f: {  	s4 =	ssub.s32 $0x0, s4;
	[sflag:s6] =	ssyncset.done $0x0  }
0xa0: {  	[sflag:s6] =	ssyncadd.s32 s4;
	_ =	sdelay $0x1  }
0xa1: {  	s23 =	simm.s32 $0x1B8B  }
0xa2: {  	_ =	swait.ge [sflag:s23], $0x1  }
0xa3: {  	[sflag:s23] =	ssyncset.done $0x0  }
0xa4: {  	[sflag:s23] =	ssyncadd.s32 $0xFFFFFFFF  }
0xa5: {  	s4 =	sld [smem:$0x0]  }
0xa6: {  	s5 =	sand.u32 $0xFFFFFFFE, s1  }
0xa7: {  	p0 =	sne.s32 s1, s5  }
0xa8: {  	s5 =	sshll.u32 @p0 s5, $0xE  }
0xa9: {  	s5 =	sadd.s32 @p0 $0x11B8D, s5;
	s6 =	sshll.u32 @p0 s4, $0x11  }
0xaa: {  	s5 =	sor.u32 @p0 s6, s5  }
0xab: {  	[sflag:s5] =	ssyncadd.remote.s32 @p0 $0x1;
	_ =	sdelay $0x1  }
0xac: {  	s5 =	simm.s32 @p0 $0x1B8D  }
0xad: {  	_ =	swait.eq @p0 [sflag:s5], $0x1  }
0xae: {  	[sflag:s5] =	ssyncadd.s32 @p0 $0xFFFFFFFF  }
0xaf: {  	s6 =	sshll.u32 @!p0 s1, $0xE  }
0xb0: {  	s6 =	sor.u32 @!p0 $0x4000, s6;
	s5 =	simm.s32 @!p0 $0x1B8D  }
0xb1: {  	s4 =	sshll.u32 @!p0 s4, $0x11;
	s6 =	sadd.s32 @!p0 $0x11B8D, s6;
	_ =	swait.eq @!p0 [sflag:s5], $0x1  }
0xb2: {  	s4 =	sor.u32 @!p0 s4, s6;
	[sflag:s5] =	ssyncadd.s32 @!p0 $0xFFFFFFFF  }
0xb3: {  	s25 =	simm.s32 $0x1B8E;
	s24 =	sld [smem:$0x3FFE];
	[sflag:s4] =	ssyncadd.remote.s32 @!p0 $0x1  }
0xb4: {  	s26 =	simm.s32 $execute0_lowered;
	[smem:$0x3FD2] =	sst s25  }
0xb5: {  	s5 =	sshll.u32 s26, $0x1;
	_ =	strace $0x80000055;
	[dreg:$0x1] =	wrdreg $0xFFFFFFFF  }
0xb6: {  	s28 =	simm.s32 $_size_execute0_lowered;
	s3 =	sadd.s32 s3, s5;
	[dreg:$0x0] =	wrdreg $0x0  }
0xb7: {  	s5 =	sshll.u32 s28, $0x1;
	[dreg:$0x2] =	wrdreg s3  }
0xb8: {  	[dreg:$0x3] =	wrdreg s5  }
0xb9: {  	[dreg:$0x4] =	wrdreg $0xC0  }
0xba: {  	_ =	task [dreg:s22], $0x5FFFF  }
0xbb: {  	[dreg:$0x1] =	wrdreg $0xFFFFFFFF  }
0xbc: {  	[dreg:$0x0] =	wrdreg $0x60  }
0xbd: {  	[dreg:$0x2] =	wrdreg s24  }
0xbe: {  	[dreg:$0x3] =	wrdreg $0x6C000  }
0xbf: {  	[dreg:$0x4] =	wrdreg $0xD  }
0xc0: {  	_ =	task.clear_ibuf [dreg:s22], $0x5FFFF;
	_ =	strace $0x90000055  }
0xc1: {  	s29 =	simm.s32 $0xD;
	_ =	strace $0x80000057  }
0xc2: {  	_ =	swait.ge [sflag:s29], $0x1  }
0xc3: {  	[sflag:s29] =	ssyncadd.s32 $0xFFFFFFFF  }
0xc4: {  	_ =	strace $0x90000057  }
0xc5: {  	_ =	sfence  }
0xc6: {  	s30 =	sld [smem:$0x0];
	_ =	sdelay $0x2  }
0xc7: {  	s31 =	sshll.u32 s1, $0xD;
	s1 =	sshrl.u32 s1, $0x2  }
0xc8: {  	s4 =	sand.u32 $0x4000, s31;
	s1 =	sadd.s32 s1, s30  }
0xc9: {  	s0 =	sor.u32 s4, s0;
	s1 =	sshll.u32 s1, $0x11  }
0xca: {  	s0 =	sor.u32 s1, s0  }
0xcb: {  	s0 =	sadd.s32 $0x8F2B, s0  }
0xcc: {  	[sflag:s0] =	ssyncadd.remote.s32 $0x1  }
0xcd: {  	_ =	sfence.sel $0xFFFF  }
0xce: {  	[dreg:$0x0] =	wrdreg $0xFFFFFFFF;
	(pc) =	sbr.abs _section_cstart, $3  }
0xcf: {  	[dreg:$0x1] =	wrdreg $0xFFFFFFFF  }
0xd0: {  	_ =	task.clear_ibuf [dreg:s22], $0x2FFFF;
	_ =	strace $0x9FFFFFFF  }
0xd1: {  	(tm) =	ssettm $0x7FFFFFFF  }
tec
execute0_lowered:
.L_overlay_start_1:
0x0: {  	(tag) =	ssettag $0x1  }
0x1: {  	s0 =	rddreg [dreg:$0x0]  }
0x2: {  	s2 =	rddreg [dreg:$0x1]  }
0x3: {  	s1 =	simm.s32 $0x0;
	s4 =	stileid.u32;
	s3 =	srdreg.scid  }
0x4: {  	s20 =	simm.s32 $0x3;
	s22 =	simm.s32 $0x50;
	s23 =	simm.s32 $0x1C00  }
0x5: {  	s24 =	simm.s32 $0x2;
	[smem:$0x7FF] =	sst s1;
	s25 =	smul.u32 $0x380, s4  }
0x6: {  	s5 =	sadd.s32 $0x2E800, s0;
	s11 =	sadd.s32 $0x55A00, s0;
	s9 =	smul.u32 $0x4E000, s4  }
0x7: {  	s6 =	sand.u32 $0x1, s3;
	s7 =	sadd.s32 $0x84CC00, s0;
	s12 =	smul.u32 $0x2700, s4  }
0x8: {  	s8 =	sadd.s32 $0x946C00, s0;
	s30 =	sadd.s32 $0x138000, s2;
	s17 =	sshll.u32 s4, $0x6  }
0x9: {  	p1 =	seq.s32 s4, $0xF;
	p2 =	sne.s32 s4, $0xF;
	_ =	strace $0x80000056  }
0xa: {  	s3 =	ssub.s32 $0x2, s6;
	p0 =	seq.s32 s6, $0x0;
	[dreg:$0x4] =	wrdreg s11  }
0xb: {  	[dreg:$0x3] =	wrdreg s5;
	s15 =	smov.u32 s8;
	s18 =	sor.u32 $0x1C03, s17  }
0xc: {  	s21 =	sshrl.u32 s30, $0x3;
	s1 =	sadd.s32 s25, s0;
	s10 =	sshrl.u32 s3, $0x1  }
0xd: {  	s28 =	sshrl.u32 s9, $0x2;
	s29 =	sadd.s32 s11, s12;
	s11 =	smul.u32 $0xFA00, s4  }
0xe: {  	s5 =	sadd.s32 s5, s12;
	s15 =	smov.u32 @p0 s7;
	p0 =	sne.s32 s6, $0x0  }
0xf: {  	s25 =	simm.s32 $0x4400;
	s26 =	ssub.s32 s3, s10;
	[dreg:$0x5] =	wrdreg s29  }
0x10: {  	s3 =	sadd.s32 s28, s2;
	s31 =	sadd.s32 $0x18C00, s1;
	[dreg:$0x7] =	wrdreg s5  }
0x11: {  	s13 =	sadd.s32 $0x1C400, s1;
	[dreg:$0x6] =	wrdreg s31;
	s14 =	smax.u32 s26, $0x1  }
0x12: {  	s16 =	sadd.s32 $0xF500, s11;
	s19 =	sshrl.u32 s3, $0x3;
	s26 =	simm.s32 $0x0  }
.LBB2_1:
.Ltmp0:
0x13: {  	(pc) =	sbr.rel @p0 .LBB2_3-.Ltmp0, $1  }
0x14: {  	_ =	sdelay $0x3  }
0x15: {  	s0 =	rddreg [dreg:$0x7]  }
0x16: {  	[spmem:s19], [sflag:s18] =	dma.local [hbm:s0], $0x2700  }
.Ltmp1:
0x17: {  	_ = 	snop;
	(pc) =	sbr.rel @p1 .LBB2_4-.Ltmp1, $4  }
.Ltmp2:
0x18: {  	_ = 	snop;
	(pc) =	sbr.rel @!p1 .LBB2_5-.Ltmp2, $4  }
0x19: {  	_ =	swait.ge [sflag:s20], $0x2700  }
0x1a: {  	s1 =	smov.u32 s13;
	[sflag:s20] =	ssyncset.done $0x0  }
0x1b: {  	s0 =	smov.u32 s18;
	s3 =	rddreg [dreg:$0x3];
	[sflag:s20] =	ssyncadd.s32 $0xFFFFD900  }
0x1c: {  	_ = 	snop  }
.LBB2_3:
.Ltmp3:
0x1d: {  	s0 =	sor.u32 $0x1C03, s17;
	s1 =	rddreg [dreg:$0x5];
	(pc) =	sbr.rel @p2 .LBB2_5-.Ltmp3, $4  }
0x1e: {  	[spmem:s19], [sflag:s0] =	dma.local [hbm:s1], $0x2700  }
0x1f: {  	_ =	swait.ge [sflag:s20], $0x2700  }
0x20: {  	[sflag:s20] =	ssyncset.done $0x0;
	s3 =	rddreg [dreg:$0x4]  }
0x21: {  	s1 =	rddreg [dreg:$0x6];
	[sflag:s20] =	ssyncadd.s32 $0xFFFFD900  }
.LBB2_4:
0x22: {  	s3 =	sadd.s32 $0x27000, s3  }
0x23: {  	[spmem:s21], [sflag:s0] =	dma.local [hbm:s3], $0x100  }
0x24: {  	_ =	swait.ge [sflag:s20], $0x100  }
0x25: {  	[sflag:s20] =	ssyncset.done $0x0  }
0x26: {  	[sflag:s20] =	ssyncadd.s32 $0xFFFFFF00  }
.LBB2_5:
0x27: {  	s0 =	simm.s32 $0x0  }
0x28: {  	[tilespmem:s0], [sflag:$0x3] =	stream.linear.gather [hbm4b:s1+s0], $0x1900, $0x38;
	[tilespmem:$0x10840] =	vst v63  }
0x29: {  	_ =	swait.ge [sflag:s20], $0x1900  }
0x2a: {  	[sflag:s20] =	ssyncset.done $0x0  }
0x2b: {  	[sflag:s20] =	ssyncadd.s32 $0xFFFFE700  }
0x2c: {  	[bflag:$0x0] =	sbarrier.arrive $0xFFFF  }
0x2d: {  	[tilespmem:s23], [sflag:$0x1] =	stream.indirect.gather [spmem:s2], $0x40, s0, s22, $0xb8;
	[tilespmem:$0x10840] =	vst v63  }
0x2e: {  	s9 =	simm.s32 $0x1;
	s0 =	sand.u32 $0x1, s0  }
0x2f: {  	s30 =	simm.s32 $0x2;
	s1 =	simm.s32 $0x80;
	p4 =	seq.s32 s0, $0x1  }
0x30: {  	p3 =	sne.s32 @p4 s6, $0x0;
	s3 =	simm.s32 @p4 $0x1C00;
	s28 =	simm.s32 @p4 $0x50  }
0x31: {  	[tilespmem:s3], [sflag:$0x1] =	stream.indirect.gather @p4 [spmem:s2], $0x40, s1, s28, $0xb8;
	[tilespmem:$0x10840] =	vst v63  }
0x32: {  	s0 =	simm.s32 @p4 $0x0;
	s29 =	simm.s32 @p4 $0x2;
	p3 =	por !p3, !p4  }
0x33: {  	s3 =	smov.u32 s8;
	s28 =	simm.s32 @p4 $0x3;
	_ =	swait.ge @p4 [sflag:s29], $0x1400  }
0x34: {  	s3 =	smov.u32 @p3 s7;
	s28 =	simm.s32 @p3 $0x4;
	[sflag:s29] =	ssyncset.done @p4 $0x0  }
0x35: {  	s3 =	sadd.s32 @p4 s11, s3;
	[sflag:s29] =	ssyncadd.s32 @p4 $0xFFFFEC00;
	s29 =	simm.s32 @p4 $0x4400  }
0x36: {  	[hbm4b:s3+s0] =	stream.linear.scatter @p4 [tilespmem:s29], [sflag:s28], $0x2800, $0x38;
	[tilespmem:$0x10840] =	vst v63  }
0x37: {  	s9 =	sand.u32 $0x1, s9;
	p3 =	por p4, p4;
	_ =	swait.ge @p4 [sflag:s28], $0x2800  }
0x38: {  	s31 =	sadd.s32 @!p4 s11, s15;
	s3 =	simm.s32 @!p3 $0x1;
	[sflag:s28] =	ssyncset.done @p3 $0x0  }
0x39: {  	s29 =	simm.s32 @!p3 $0x4400;
	[sflag:s28] =	ssyncadd.s32 @p3 $0xFFFFD800;
	s28 =	simm.s32 @!p3 $0x50  }
0x3a: {  	[tilespmem:s29], [sflag:$0x2] =	stream.indirect.gather @!p3 [spmem:s2], $0x40, s1, s28, $0xb8;
	[tilespmem:$0x10840] =	vst v63  }
0x3b: {  	s0 =	simm.s32 @!p4 $0x0;
	s1 =	simm.s32 @!p4 $0x1C00;
	_ =	swait.ge @!p3 [sflag:s3], $0x1400  }
0x3c: {  	s28 =	simm.s32 $0x100;
	s29 =	sadd.s32 $0x500, s11;
	[sflag:s3] =	ssyncset.done @!p3 $0x0  }
.LBB2_6:
0x3d: {  	p4 =	seq.s32 s9, $0x1;
	s9 =	simm.s32 @!p3 $0x4  }
0x3e: {  	s4 =	smov.u32 s30;
	s30 =	sadd.s32 $0x1, s30;
	p5 =	sne.s32 @p4 s6, $0x0  }
0x3f: {  	s5 =	simm.s32 @p4 $0x0;
	[sflag:s3] =	ssyncadd.s32 @!p3 $0xFFFFEC00;
	s3 =	smov.u32 s8  }
0x40: {  	[hbm4b:s31+s0] =	stream.linear.scatter @!p3 [tilespmem:s1], [sflag:$0x4], $0x2800, $0x38;
	[tilespmem:$0x10840] =	vst v63  }
0x41: {  	s0 =	simm.s32 @p4 $0x1C00;
	p5 =	por !p5, !p4;
	_ =	swait.ge @!p3 [sflag:s9], $0x2800  }
0x42: {  	s1 =	simm.s32 @p4 $0x50;
	s3 =	smov.u32 @p5 s7;
	[sflag:s9] =	ssyncset.done @!p3 $0x0  }
0x43: {  	s12 =	simm.s32 @p4 $0x2;
	s10 =	simm.s32 @p4 $0x3;
	[sflag:s9] =	ssyncadd.s32 @!p3 $0xFFFFD800  }
0x44: {  	[tilespmem:s0], [sflag:$0x1] =	stream.indirect.gather @p4 [spmem:s2], $0x40, s28, s1, $0xb8;
	[tilespmem:$0x10840] =	vst v63  }
0x45: {  	s10 =	simm.s32 @p5 $0x4;
	s3 =	sadd.s32 @p4 s29, s3;
	_ =	swait.ge @p4 [sflag:s12], $0x1400  }
0x46: {  	s31 =	sadd.s32 @!p4 s29, s15;
	s0 =	simm.s32 @!p4 $0x0;
	[sflag:s12] =	ssyncset.done @p4 $0x0  }
0x47: {  	s9 =	simm.s32 @p4 $0x4400;
	s1 =	simm.s32 @!p4 $0x1C00;
	[sflag:s12] =	ssyncadd.s32 @p4 $0xFFFFEC00  }
0x48: {  	[hbm4b:s3+s5] =	stream.linear.scatter @p4 [tilespmem:s9], [sflag:s10], $0x2800, $0x38;
	[tilespmem:$0x10840] =	vst v63  }
0x49: {  	p5 =	sne.s32 s30, $0x31;
	p3 =	por p4, p4;
	_ =	swait.ge @p4 [sflag:s10], $0x2800  }
.Ltmp4:
0x4a: {  	s3 =	simm.s32 @!p3 $0x1;
	[sflag:s10] =	ssyncset.done @p3 $0x0;
	(pc) =	sbr.rel @p5 .LBB2_6-.Ltmp4, $4  }
0x4b: {  	s5 =	simm.s32 @!p3 $0x50;
	s9 =	simm.s32 @!p3 $0x4400;
	[sflag:s10] =	ssyncadd.s32 @p3 $0xFFFFD800  }
0x4c: {  	[tilespmem:s9], [sflag:$0x2] =	stream.indirect.gather @!p3 [spmem:s2], $0x40, s28, s5, $0xb8;
	[tilespmem:$0x10840] =	vst v63  }
0x4d: {  	s28 =	sadd.s32 $0x80, s28;
	_ =	swait.ge @!p3 [sflag:s3], $0x1400  }
0x4e: {  	s29 =	sadd.s32 $0x500, s29;
	s9 =	sand.u32 $0x1, s4;
	[sflag:s3] =	ssyncset.done @!p3 $0x0  }
0x4f: {  	p4 =	seq.s32 s9, $0x1;
	s4 =	simm.s32 @!p3 $0x4;
	[sflag:s3] =	ssyncadd.s32 @!p3 $0xFFFFEC00  }
0x50: {  	[hbm4b:s31+s0] =	stream.linear.scatter @!p3 [tilespmem:s1], [sflag:$0x4], $0x2800, $0x38;
	[tilespmem:$0x10840] =	vst v63  }
0x51: {  	p5 =	sne.s32 @p4 s6, $0x0;
	s0 =	simm.s32 @p4 $0x0;
	_ =	swait.ge @!p3 [sflag:s4], $0x2800  }
0x52: {  	s1 =	simm.s32 @p4 $0x1C00;
	s3 =	simm.s32 @p4 $0x50;
	[sflag:s4] =	ssyncset.done @!p3 $0x0  }
0x53: {  	s5 =	simm.s32 @p4 $0x2;
	[sflag:s4] =	ssyncadd.s32 @!p3 $0xFFFFD800;
	p3 =	por !p5, !p4  }
0x54: {  	[tilespmem:s1], [sflag:$0x1] =	stream.indirect.gather @p4 [spmem:s2], $0x40, s28, s3, $0xb8;
	[tilespmem:$0x10840] =	vst v63  }
0x55: {  	s4 =	simm.s32 @p4 $0x4400;
	s1 =	smov.u32 s8;
	_ =	swait.ge @p4 [sflag:s5], $0x1400  }
0x56: {  	s3 =	simm.s32 @p4 $0x3;
	s1 =	smov.u32 @p3 s7;
	[sflag:s5] =	ssyncset.done @p4 $0x0  }
0x57: {  	s3 =	simm.s32 @p3 $0x4;
	s1 =	sadd.s32 @p4 s29, s1;
	[sflag:s5] =	ssyncadd.s32 @p4 $0xFFFFEC00  }
0x58: {  	[hbm4b:s1+s0] =	stream.linear.scatter @p4 [tilespmem:s4], [sflag:s3], $0x2800, $0x38;
	[tilespmem:$0x10840] =	vst v63  }
0x59: {  	p3 =	por p4, p4;
	_ =	swait.ge @p4 [sflag:s3], $0x2800  }
0x5a: {  	s0 =	simm.s32 @!p3 $0x1;
	[sflag:s3] =	ssyncset.done @p3 $0x0  }
0x5b: {  	s1 =	simm.s32 @!p3 $0x50;
	[sflag:s3] =	ssyncadd.s32 @p3 $0xFFFFD800;
	s3 =	simm.s32 @!p3 $0x4400  }
0x5c: {  	[tilespmem:s3], [sflag:$0x2] =	stream.indirect.gather @!p3 [spmem:s2], $0x40, s28, s1, $0xb8;
	[tilespmem:$0x10840] =	vst v63  }
0x5d: {  	_ =	swait.ge @!p3 [sflag:s0], $0x1400  }
0x5e: {  	s5 =	simm.s32 @!p3 $0x4;
	s4 =	simm.s32 @!p4 $0x1C00;
	[sflag:s0] =	ssyncset.done @!p3 $0x0  }
0x5f: {  	s1 =	sadd.s32 @!p4 s29, s15;
	s3 =	simm.s32 @!p4 $0x0;
	[sflag:s0] =	ssyncadd.s32 @!p3 $0xFFFFEC00  }
0x60: {  	[hbm4b:s1+s3] =	stream.linear.scatter @!p3 [tilespmem:s4], [sflag:$0x4], $0x2800, $0x38;
	[tilespmem:$0x10840] =	vst v63  }
0x61: {  	_ =	swait.ge @!p3 [sflag:s5], $0x2800  }
0x62: {  	s26 =	sadd.s32 $0x1, s26;
	[sflag:s5] =	ssyncset.done @!p3 $0x0  }
0x63: {  	s31 =	simm.s32 $0x0;
	s0 =	smov.u32 s7;
	[sflag:s5] =	ssyncadd.s32 @!p3 $0xFFFFD800  }
0x64: {  	s1 =	simm.s32 @!p0 $0x4;
	s0 =	smov.u32 @p0 s8;
	_ =	swait.ge [sflag:s24], $0x1400  }
0x65: {  	s1 =	simm.s32 @p0 $0x3;
	p3 =	sne.s32 s26, s14;
	[sflag:s24] =	ssyncset.done $0x0  }
.Ltmp5:
0x66: {  	s0 =	sadd.s32 s0, s16;
	[sflag:s24] =	ssyncadd.s32 $0xFFFFEC00;
	(pc) =	sbr.rel @p3 .LBB2_1-.Ltmp5, $4  }
0x67: {  	[hbm4b:s0+s31] =	stream.linear.scatter [tilespmem:s25], [sflag:s1], $0x2800, $0x38;
	[tilespmem:$0x10840] =	vst v63  }
0x68: {  	_ =	swait.ge [sflag:s1], $0x2800  }
0x69: {  	[sflag:s1] =	ssyncset.done $0x0  }
0x6a: {  	[sflag:s1] =	ssyncadd.s32 $0xFFFFD800  }
0x6b: {  	_ =	sfence.sel $0x180000  }
0x6c: {  	[bflag:$0x0] =	sbarrier.arrive $0xFFFF  }
0x6d: {  	_ =	strace $0x90000056  }
0x6e: {  	s0 =	stileid.u32;
	[bflag:$0x2] =	sbarrier.arrive $0xFFFF  }
0x6f: {  	p0 =	sne.s32 s0, $0x0;
	s0 =	rddreg [dreg:$0x2]  }
0x70: {  	s0 =	sadd.s32 @!p0 $0x100000, s0  }
0x71: {  	[sflag:s0] =	ssyncadd.tile.s32 @!p0 $0x1;
	_ =	shalt  }
.Lfunc_end2:
_tile_overlayer_lowered:
.L_overlay_start_2:
0x72: {  	(tag) =	ssettag $0x2  }
0x73: {  	s0 =	rddreg [dreg:$0x0];
	s2 =	stileid.u32  }
0x74: {  	s1 =	rddreg [dreg:$0x1];
	p0 =	sne.s32 s2, $0x0  }
0x75: {  	s3 =	rddreg [dreg:$0x2];
	[bflag:$0x3] =	sbarrier.arrive $0xFFFF;
	s2 =	simm.s32 @!p0 $0x1C03  }
0x76: {  	[timem:s3], [sflag:s2] =	dma.local @!p0 [hbm:s0], s1  }
0x77: {  	s0 =	simm.s32 @!p0 $0x3  }
0x78: {  	_ =	swait.ge @!p0 [sflag:s0], s1  }
0x79: {  	s1 =	ssub.s32 @!p0 $0x0, s1;
	[sflag:s0] =	ssyncset.done @!p0 $0x0  }
0x7a: {  	[sflag:s0] =	ssyncadd.s32 @!p0 s1  }
0x7b: {  	[bflag:$0x3] =	sbarrier.arrive $0xFFFF  }
0x7c: {  	_ =	shalt  }

</sc_bundles>
